<compile_context>
chip_gen: v7x
topology: tpu7x:2x2x1
jax: 0.10.2.dev20260603
libtpu: 0.0.44.dev20260713+nightly
codegen_flags: <defaults>
</compile_context>

<pallas_src>
import functools

import jax
import jax.numpy as jnp
from jax import lax
from jax.experimental import pallas as pl
from jax.experimental.pallas import tpu as pltpu
from jax.experimental.pallas import tpu_sc as plsc

N = 10000
E = 320000
DIN = 128
HID = 128
HEADS = 4
DH = HID // HEADS
DOUT = 64

NC = 2
NS = 16
EPC = E // NC
EPT = EPC // NS
CH = 80
NCHUNK = EPT // CH
RPT = 624
TAIL0 = RPT * NS
TAILN = N - TAIL0

ROWB = 2000
GRID = N // ROWB

_mesh = plsc.VectorSubcoreMesh(core_axis_name="c", subcore_axis_name="s")
_f32 = jnp.float32


def _lane_perm(vec, idxvec):
    dnums = lax.GatherDimensionNumbers(
        offset_dims=(), collapsed_slice_dims=(0,), start_index_map=(0,))
    return lax.gather(vec, idxvec.reshape(16, 1), dnums, slice_sizes=(1,),
                      mode=lax.GatherScatterMode.PROMISE_IN_BOUNDS)


def _zero_rows(buf, ncol_vecs):
    z16 = jnp.zeros((16,), _f32)

    @pl.loop(0, CH)
    def _(r):
        for j in range(ncol_vecs):
            buf[r, pl.ds(16 * j, 16)] = z16


def _fill_range(src_buf, acc, row0, s):
    nfull = RPT // CH
    rem = RPT - nfull * CH
    for b in range(nfull):
        pltpu.sync_copy(src_buf, acc.at[pl.ds(row0 + b * CH, CH)])
    if rem:
        pltpu.sync_copy(src_buf.at[pl.ds(0, rem)],
                        acc.at[pl.ds(row0 + nfull * CH, rem)])

    @pl.when(s == NS - 1)
    def _():
        pltpu.sync_copy(src_buf.at[pl.ds(0, TAILN)],
                        acc.at[pl.ds(TAIL0, TAILN)])


def _dump_range(acc, out_hbm, c, s, row0):
    pltpu.sync_copy(acc.at[pl.ds(row0, RPT)],
                    out_hbm.at[c, pl.ds(row0, RPT)])

    @pl.when(s == NS - 1)
    def _():
        pltpu.sync_copy(acc.at[pl.ds(TAIL0, TAILN)],
                        out_hbm.at[c, pl.ds(TAIL0, TAILN)])


def _build_deg():
    @functools.partial(
        pl.kernel,
        out_type=jax.ShapeDtypeStruct((NC, N, 16), _f32),
        mesh=_mesh,
        scratch_types=[
            pltpu.VMEM((CH,), jnp.int32),
            pltpu.VMEM((CH, 16), _f32),
            pltpu.MemorySpace.VMEM_SHARED((N, 16), _f32),
        ],
    )
    def deg(d_hbm, out_hbm, didx, obuf, acc):
        c = lax.axis_index("c")
        s = lax.axis_index("s")
        row0 = s * RPT
        _zero_rows(obuf, 1)
        _fill_range(obuf, acc, row0, s)
        onerow = jnp.where(lax.iota(jnp.int32, 16) == 0,
                           jnp.float32(1.0), jnp.float32(0.0))

        @pl.loop(0, CH)
        def _(r):
            obuf[r] = onerow

        plsc.subcore_barrier()

        @pl.loop(0, NCHUNK)
        def _(i):
            base = c * EPC + s * EPT + i * CH
            pltpu.sync_copy(d_hbm.at[pl.ds(base, CH)], didx)
            pltpu.sync_copy(obuf, acc.at[didx], add=True)

        plsc.subcore_barrier()
        _dump_range(acc, out_hbm, c, s, row0)

    return deg


def _build_gcn():
    @functools.partial(
        pl.kernel,
        out_type=jax.ShapeDtypeStruct((NC, N, HID), _f32),
        mesh=_mesh,
        scratch_types=[
            pltpu.VMEM((CH,), jnp.int32),
            pltpu.VMEM((CH,), jnp.int32),
            pltpu.VMEM((CH, HID), _f32),
            pltpu.MemorySpace.VMEM_SHARED((N, HID), _f32),
            pltpu.SemaphoreType.DMA,
        ],
    )
    def gcn(tab_hbm, s_hbm, d_hbm, out_hbm, sidx, didx, rows, acc, sem):
        c = lax.axis_index("c")
        s = lax.axis_index("s")
        row0 = s * RPT
        _zero_rows(rows, HID // 16)
        _fill_range(rows, acc, row0, s)
        plsc.subcore_barrier()

        @pl.loop(0, NCHUNK)
        def _(i):
            base = c * EPC + s * EPT + i * CH
            pltpu.sync_copy(s_hbm.at[pl.ds(base, CH)], sidx)
            pltpu.sync_copy(d_hbm.at[pl.ds(base, CH)], didx)
            pltpu.async_copy(tab_hbm.at[sidx], rows, sem).wait()
            pltpu.sync_copy(rows, acc.at[didx], add=True)

        plsc.subcore_barrier()
        _dump_range(acc, out_hbm, c, s, row0)

    return gcn


def _build_den():
    @functools.partial(
        pl.kernel,
        out_type=[
            jax.ShapeDtypeStruct((NC, N, 16), _f32),
            jax.ShapeDtypeStruct((E, 16), _f32),
        ],
        mesh=_mesh,
        scratch_types=[
            pltpu.VMEM((CH,), jnp.int32),
            pltpu.VMEM((CH,), jnp.int32),
            pltpu.VMEM((CH, HID), _f32),
            pltpu.VMEM((CH, HID), _f32),
            pltpu.VMEM((CH, 16), _f32),
            pltpu.VMEM((128,), _f32),
            pltpu.MemorySpace.VMEM_SHARED((N, 16), _f32),
            pltpu.SemaphoreType.DMA,
        ],
    )
    def den(aux_hbm, m_hbm, s_hbm, d_hbm,
            den_hbm, ex_hbm,
            sidx, didx, auxs, auxd, exv, mv, acc, sem):
        c = lax.axis_index("c")
        s = lax.axis_index("s")
        row0 = s * RPT
        _zero_rows(exv, 1)
        _fill_range(exv, acc, row0, s)
        pltpu.sync_copy(m_hbm, mv)
        plsc.subcore_barrier()
        mreg = mv[pl.ds(0, 16)]
        lane = lax.iota(jnp.int32, 16)
        perm = jnp.where(lane < 4, lane + 4, 8)

        @pl.loop(0, NCHUNK)
        def _(i):
            base = c * EPC + s * EPT + i * CH
            pltpu.sync_copy(s_hbm.at[pl.ds(base, CH)], sidx)
            pltpu.sync_copy(d_hbm.at[pl.ds(base, CH)], didx)
            ca = pltpu.async_copy(aux_hbm.at[sidx], auxs, sem)
            cb = pltpu.async_copy(aux_hbm.at[didx], auxd, sem)
            ca.wait()
            cb.wait()

            @pl.loop(0, CH)
            def _(k):
                e = auxs[k, pl.ds(0, 16)] + _lane_perm(auxd[k, pl.ds(0, 16)],
                                                       perm)
                e = jnp.maximum(e, 0.2 * e)
                exv[k] = jnp.exp(e - mreg)

            pltpu.sync_copy(exv, acc.at[didx], add=True)
            pltpu.sync_copy(exv, ex_hbm.at[pl.ds(base, CH)])

        plsc.subcore_barrier()
        _dump_range(acc, den_hbm, c, s, row0)

    return den


def _build_gatw():
    @functools.partial(
        pl.kernel,
        out_type=jax.ShapeDtypeStruct((NC, N, HID), _f32),
        mesh=_mesh,
        scratch_types=[
            pltpu.VMEM((CH,), jnp.int32),
            pltpu.VMEM((CH,), jnp.int32),
            pltpu.VMEM((CH, HID), _f32),
            pltpu.VMEM((CH, 16), _f32),
            pltpu.MemorySpace.VMEM_SHARED((N, HID), _f32),
            pltpu.SemaphoreType.DMA,
        ],
    )
    def gatw(g_hbm, ex_hbm, s_hbm, d_hbm, out_hbm,
             sidx, didx, rows, exv, acc, sem):
        c = lax.axis_index("c")
        s = lax.axis_index("s")
        row0 = s * RPT
        _zero_rows(rows, HID // 16)
        _fill_range(rows, acc, row0, s)
        plsc.subcore_barrier()
        lane = lax.iota(jnp.int32, 16)
        zero = lane * 0

        @pl.loop(0, NCHUNK)
        def _(i):
            base = c * EPC + s * EPT + i * CH
            pltpu.sync_copy(s_hbm.at[pl.ds(base, CH)], sidx)
            pltpu.sync_copy(d_hbm.at[pl.ds(base, CH)], didx)
            cg = pltpu.async_copy(g_hbm.at[sidx], rows, sem)
            pltpu.sync_copy(ex_hbm.at[pl.ds(base, CH)], exv)
            cg.wait()

            @pl.loop(0, CH)
            def _(k):
                ex = exv[k]
                for j in range(HID // 16):
                    al = _lane_perm(ex, zero + (j // 2))
                    rows[k, pl.ds(16 * j, 16)] = rows[k, pl.ds(16 * j, 16)] * al

            pltpu.sync_copy(rows, acc.at[didx], add=True)

        plsc.subcore_barrier()
        _dump_range(acc, out_hbm, c, s, row0)

    return gatw


_deg_call = _build_deg()
_gcn_call = _build_gcn()
_den_call = _build_den()
_gatw_call = _build_gatw()


def _rowspec():
    return pl.BlockSpec((ROWB, 128), lambda i: (i, 0))


def _wspec():
    return pl.BlockSpec((128, 128), lambda i: (0, 0))


def _bspec():
    return pl.BlockSpec((1, 128), lambda i: (0, 0))


def _prep1(x, disb, W1):
    def body(x_ref, db_ref, w_ref, o_ref):
        o_ref[...] = jnp.dot(db_ref[...] * x_ref[...], w_ref[...],
                             preferred_element_type=_f32)

    return pl.pallas_call(
        body,
        grid=(GRID,),
        in_specs=[_rowspec(), _rowspec(), _wspec()],
        out_specs=_rowspec(),
        out_shape=jax.ShapeDtypeStruct((N, 128), _f32),
    )(x, disb, W1)


def _mid(p0, p1, h1p, disb, b1, Wg, P):
    def body(p0_ref, p1_ref, h_ref, db_ref, b1_ref, wg_ref, p_ref,
             g_o, aux_o, m_o):
        a = p0_ref[...] + p1_ref[...] + h_ref[...]
        z = db_ref[...] * a + b1_ref[...]
        h = 0.5 * z * (1.0 + lax.erf(z * jnp.float32(0.7071067811865476)))
        g = jnp.dot(h, wg_ref[...], preferred_element_type=_f32)
        g_o[...] = g
        aux = jnp.dot(g, p_ref[...], preferred_element_type=_f32)
        aux_o[...] = aux
        cur = jnp.broadcast_to(jnp.max(aux, axis=0, keepdims=True), (8, 128))
        i = pl.program_id(0)

        @pl.when(i == 0)
        def _():
            m_o[...] = cur

        @pl.when(i > 0)
        def _():
            m_o[...] = jnp.maximum(m_o[...], cur)

    return pl.pallas_call(
        body,
        grid=(GRID,),
        in_specs=[_rowspec(), _rowspec(), _rowspec(), _rowspec(), _bspec(),
                  _wspec(), _wspec()],
        out_specs=[_rowspec(), _rowspec(),
                   pl.BlockSpec((8, 128), lambda i: (0, 0))],
        out_shape=[jax.ShapeDtypeStruct((N, 128), _f32),
                   jax.ShapeDtypeStruct((N, 128), _f32),
                   jax.ShapeDtypeStruct((8, 128), _f32)],
    )(p0, p1, h1p, disb, b1, Wg, P)


def _finprep(o0, o1, exsrep, g, denrep, bg, Wcat, disb):
    def body(o0_ref, o1_ref, ex_ref, g_ref, dn_ref, bg_ref, w_ref, db_ref,
             out_ref):
        num = o0_ref[...] + o1_ref[...] + ex_ref[...] * g_ref[...]
        h2 = jnp.maximum(num / dn_ref[...] + bg_ref[...], 0.0)
        out_ref[...] = jnp.dot(h2, w_ref[...],
                               preferred_element_type=_f32) * db_ref[...]

    return pl.pallas_call(
        body,
        grid=(GRID,),
        in_specs=[_rowspec()] * 5 + [_bspec(), _wspec(), _rowspec()],
        out_specs=_rowspec(),
        out_shape=jax.ShapeDtypeStruct((N, 128), _f32),
    )(o0, o1, exsrep, g, denrep, bg, Wcat, disb)


def _fin(r0, r1, hcp, disb, bcat):
    def body(r0_ref, r1_ref, h_ref, db_ref, b_ref, out_ref):
        out_ref[...] = (db_ref[...] * (r0_ref[...] + r1_ref[...] + h_ref[...])
                        + b_ref[...])

    return pl.pallas_call(
        body,
        grid=(GRID,),
        in_specs=[_rowspec()] * 4 + [_bspec()],
        out_specs=_rowspec(),
        out_shape=jax.ShapeDtypeStruct((N, 128), _f32),
    )(r0, r1, hcp, disb, bcat)


def kernel(x, edge_index, W1, b1, Wg, a_src, a_dst, bg, Wmu, bmu, Wls, bls):
    s = edge_index[0]
    d = edge_index[1]

    degp = _deg_call(d)
    deg = degp[0, :, 0] + degp[1, :, 0] + 1.0
    dis = lax.rsqrt(deg)
    disb = jnp.broadcast_to(dis[:, None], (N, 128))

    h1p = _prep1(x, disb, W1)
    p = _gcn_call(h1p, s, d)

    eye = jnp.eye(HEADS, 128, dtype=_f32)
    Asp = (a_src[:, :, None] * eye[:, None, :]).reshape(HID, 128)
    Adp = (a_dst[:, :, None] * eye[:, None, :]).reshape(HID, 128)
    P = Asp + jnp.roll(Adp, HEADS, axis=1)

    g, aux, mout = _mid(p[0], p[1], h1p, disb, b1[None, :], Wg, P)

    m4 = jnp.maximum(mout[0, :HEADS] + mout[0, HEADS:2 * HEADS], 0.0)
    mvec = jnp.concatenate([m4, jnp.full((124,), 1e30, _f32)])

    asn = aux[:, :HEADS]
    adn = aux[:, HEADS:2 * HEADS]
    es = asn + adn
    es = jnp.maximum(es, 0.2 * es)
    exs = jnp.exp(es - m4[None, :])
    exsrep = jnp.repeat(exs, DH, axis=1)

    denp, exe = _den_call(aux, mvec, s, d)
    outp = _gatw_call(g, exe, s, d)

    den = denp[0, :, :HEADS] + denp[1, :, :HEADS] + exs
    denrep = jnp.repeat(den, DH, axis=1)

    Wcat = jnp.concatenate([Wmu, Wls], axis=1)
    hcp = _finprep(outp[0], outp[1], exsrep, g, denrep, bg[None, :],
                   Wcat, disb)

    r = _gcn_call(hcp, s, d)
    bcat = jnp.concatenate([bmu, bls])[None, :]
    out = _fin(r[0], r[1], hcp, disb, bcat)
    return out[:, :DOUT], out[:, DOUT:]

# --- scband reference (transcript-rebuilt; emitter-appended) ---
"""Pipeline reference for scband-variational-gcnencoder-7765300871249 (READ-ONLY COPY).

The authoritative reference and input builder live on the scoring server;
editing this copy changes nothing except your own understanding.
"""

import jax, jax.numpy as jnp
import numpy as np

N = 10000
E = 320000
D_IN = 128
HIDDEN = 128
HEADS = 4
D_HEAD = HIDDEN // HEADS
D_OUT = 64


def setup_inputs(seed: int = 0) -> dict:
    key = jax.random.key(seed)
    ks = jax.random.split(key, 12)
    x = jax.random.normal(ks[0], (N, D_IN), dtype=jnp.float32)
    edge_index = jax.random.randint(ks[1], (2, E), 0, N, dtype=jnp.int32)
    W1 = jax.random.normal(ks[2], (D_IN, HIDDEN), dtype=jnp.float32) * (1.0 / np.sqrt(D_IN))
    b1 = jnp.zeros((HIDDEN,), dtype=jnp.float32)
    Wg = jax.random.normal(ks[3], (HIDDEN, HEADS * D_HEAD), dtype=jnp.float32) * (1.0 / np.sqrt(HIDDEN))
    a_src = jax.random.normal(ks[4], (HEADS, D_HEAD), dtype=jnp.float32) * 0.1
    a_dst = jax.random.normal(ks[5], (HEADS, D_HEAD), dtype=jnp.float32) * 0.1
    bg = jnp.zeros((HEADS * D_HEAD,), dtype=jnp.float32)
    Wmu = jax.random.normal(ks[6], (HIDDEN, D_OUT), dtype=jnp.float32) * (1.0 / np.sqrt(HIDDEN))
    bmu = jnp.zeros((D_OUT,), dtype=jnp.float32)
    Wls = jax.random.normal(ks[7], (HIDDEN, D_OUT), dtype=jnp.float32) * (1.0 / np.sqrt(HIDDEN))
    bls = jnp.zeros((D_OUT,), dtype=jnp.float32)
    return {"x": x, "edge_index": edge_index, "W1": W1, "b1": b1, "Wg": Wg,
            "a_src": a_src, "a_dst": a_dst, "bg": bg, "Wmu": Wmu, "bmu": bmu,
            "Wls": Wls, "bls": bls}


def _gcn_conv(x, edge_index, W, b):
    n = x.shape[0]
    src, dst = edge_index[0], edge_index[1]
    loop = jnp.arange(n, dtype=src.dtype)
    s = jnp.concatenate([src, loop])
    d = jnp.concatenate([dst, loop])
    deg = jax.ops.segment_sum(jnp.ones(s.shape[0], dtype=jnp.float32), d, num_segments=n)
    deg_inv_sqrt = jnp.where(deg > 0, jax.lax.rsqrt(jnp.maximum(deg, 1e-12)), 0.0)
    norm = deg_inv_sqrt[s] * deg_inv_sqrt[d]
    h = x @ W
    out = jax.ops.segment_sum(h[s] * norm[:, None], d, num_segments=n)
    return out + b


def _gat_conv(x, edge_index, W, a_src, a_dst, b):
    n = x.shape[0]
    src, dst = edge_index[0], edge_index[1]
    loop = jnp.arange(n, dtype=src.dtype)
    s = jnp.concatenate([src, loop])
    d = jnp.concatenate([dst, loop])
    h = (x @ W).reshape(n, HEADS, D_HEAD)
    alpha_src = (h * a_src[None, :, :]).sum(-1)  # [n, H]
    alpha_dst = (h * a_dst[None, :, :]).sum(-1)  # [n, H]
    e = alpha_src[s] + alpha_dst[d]              # [E+, H]
    e = jax.nn.leaky_relu(e, negative_slope=0.2)
    m = jax.ops.segment_max(e, d, num_segments=n)
    m = jnp.where(jnp.isfinite(m), m, 0.0)
    ex = jnp.exp(e - m[d])
    denom = jax.ops.segment_sum(ex, d, num_segments=n)
    alpha = ex / (denom[d] + 1e-16)              # softmax over incoming edges per dst
    out = jax.ops.segment_sum(h[s] * alpha[:, :, None], d, num_segments=n)
    return out.reshape(n, HEADS * D_HEAD) + b


def reference(x, edge_index, W1, b1, Wg, a_src, a_dst, bg, Wmu, bmu, Wls, bls):
    h = _gcn_conv(x, edge_index, W1, b1)
    h = jax.nn.gelu(h, approximate=False)
    # dropout p=0.0 (eval / identity)
    h = _gat_conv(h, edge_index, Wg, a_src, a_dst, bg)
    h = jax.nn.relu(h)
    mu = _gcn_conv(h, edge_index, Wmu, bmu)
    logstd = _gcn_conv(h, edge_index, Wls, bls)
    return mu, logstd

if __name__ == "__main__":
    import jax
    _d = setup_inputs()
    print(jax.jit(kernel)(*tuple(_d.values())))

</pallas_src>

<mosaic_0001>
#map = affine_map<(d0, d1) -> (0)>
#map1 = affine_map<(d0, d1) -> (0, 0, 0)>
module attributes {stable_mosaic.version = 14 : i64} {
  func.func @deg(%arg0: i32, %arg1: i32, %arg2: memref<320000xi32, #tpu.memory_space<hbm>>, %arg3: memref<2x10000x16xf32, #tpu.memory_space<hbm>>, %arg4: memref<80xi32, #tpu.memory_space<vmem>>, %arg5: memref<80x16xf32, #tpu.memory_space<vmem>>, %arg6: memref<10000x16xf32, #tpu.memory_space<vmem_shared>>) attributes {dimension_semantics = [#tpu.dimension_semantics<core_parallel>, #tpu.dimension_semantics<subcore_parallel>], iteration_bounds = array<i64: 2, 16>, scalar_prefetch = 0 : i64, scratch_operands = 3 : i64, tpu.core_type = #tpu.core_type<sc_vector_subcore>, window_params = [{transform_indices = #map}, {transform_indices = #map1}]} {
    %mul3A = arith.constant 624 : i32
    %mul3A_0 = arith.muli %arg1, %mul3A : i32
    %broadcast_in_dim3A = arith.constant 0.000000e+00 : f32
    %broadcast_in_dim3A_1 = vector.broadcast %broadcast_in_dim3A : f32 to vector<16xf32>
    %scan3A = arith.constant 0 : i32
    %scan3A_2 = arith.constant 80 : i32
    %scan3A_3 = arith.addi %scan3A, %scan3A_2 : i32
    %scan3A_4 = arith.constant 1 : i32
    scf.for %scan3A_45 = %scan3A to %scan3A_3 step %scan3A_4  : i32 {
      %mul3A_46 = arith.constant 1 : i32
      %mul3A_47 = arith.muli %scan3A_45, %mul3A_46 : i32
      %add3A_48 = arith.constant 0 : i32
      %add3A_49 = arith.addi %add3A_48, %mul3A_47 : i32
      %swap3A = arith.index_cast %add3A_49 : i32 to index
      %swap3A_50 = arith.constant 0 : index
      %swap3A_51 = tpu.vector_load %arg5[%swap3A, %swap3A_50] {strides = array<i32>} : memref<80x16xf32, #tpu.memory_space<vmem>>, vector<1x16xf32>,
      %swap3A_52 = vector.shape_cast %swap3A_51 : vector<1x16xf32> to vector<16xf32>
      %swap3A_53 = vector.shape_cast %broadcast_in_dim3A_1 : vector<16xf32> to vector<1x16xf32>
      tpu.vector_store %arg5[%swap3A, %swap3A_50], %swap3A_53 {strides = array<i32>} : memref<80x16xf32, #tpu.memory_space<vmem>>, vector<1x16xf32>,
    }
    %scan3A_5 = arith.constant 80 : i32
    %add3A = arith.constant 0 : i32
    %add3A_6 = arith.addi %mul3A_0, %add3A : i32
    "tpu.region"() ({
      %run_scoped3A = tpu.sem_alloc : memref<!tpu.dma_semaphore, #tpu.memory_space<semaphore_mem>>
      %dma_start3A = arith.constant 0 : i32
      %dma_start3A_45 = tpu.memref_slice %arg6[%add3A_6, %dma_start3A] : memref<10000x16xf32, #tpu.memory_space<vmem_shared>> -> memref<80x16xf32, #tpu.memory_space<vmem_shared>>
      %dma_start3A_46 = arith.constant 0 : i32
      %dma_start3A_47 = tpu.memref_slice %arg6[%add3A_6, %dma_start3A_46] : memref<10000x16xf32, #tpu.memory_space<vmem_shared>> -> memref<80x16xf32, #tpu.memory_space<vmem_shared>>
      tpu.enqueue_dma source(%arg5 : memref<80x16xf32, #tpu.memory_space<vmem>>) target(%dma_start3A_47 : memref<80x16xf32, #tpu.memory_space<vmem_shared>>) target_semaphore(%run_scoped3A : memref<!tpu.dma_semaphore, #tpu.memory_space<semaphore_mem>>)
      %dma_wait3A = arith.constant 0 : i32
      %dma_wait3A_48 = tpu.memref_slice %arg6[%add3A_6, %dma_wait3A] : memref<10000x16xf32, #tpu.memory_space<vmem_shared>> -> memref<80x16xf32, #tpu.memory_space<vmem_shared>>
      %dma_wait3A_49 = arith.constant 0 : i32
      %dma_wait3A_50 = tpu.memref_slice %arg6[%add3A_6, %dma_wait3A_49] : memref<10000x16xf32, #tpu.memory_space<vmem_shared>> -> memref<80x16xf32, #tpu.memory_space<vmem_shared>>
      tpu.wait_dma2 semaphore(%run_scoped3A : memref<!tpu.dma_semaphore, #tpu.memory_space<semaphore_mem>>) src(%arg5 : memref<80x16xf32, #tpu.memory_space<vmem>>) dst(%dma_wait3A_50 : memref<80x16xf32, #tpu.memory_space<vmem_shared>>)
      tpu.yield
    }) : () -> ()
    %add3A_7 = arith.constant 80 : i32
    %add3A_8 = arith.addi %mul3A_0, %add3A_7 : i32
    "tpu.region"() ({
      %run_scoped3A = tpu.sem_alloc : memref<!tpu.dma_semaphore, #tpu.memory_space<semaphore_mem>>
      %dma_start3A = arith.constant 0 : i32
      %dma_start3A_45 = tpu.memref_slice %arg6[%add3A_8, %dma_start3A] : memref<10000x16xf32, #tpu.memory_space<vmem_shared>> -> memref<80x16xf32, #tpu.memory_space<vmem_shared>>
      %dma_start3A_46 = arith.constant 0 : i32
      %dma_start3A_47 = tpu.memref_slice %arg6[%add3A_8, %dma_start3A_46] : memref<10000x16xf32, #tpu.memory_space<vmem_shared>> -> memref<80x16xf32, #tpu.memory_space<vmem_shared>>
      tpu.enqueue_dma source(%arg5 : memref<80x16xf32, #tpu.memory_space<vmem>>) target(%dma_start3A_47 : memref<80x16xf32, #tpu.memory_space<vmem_shared>>) target_semaphore(%run_scoped3A : memref<!tpu.dma_semaphore, #tpu.memory_space<semaphore_mem>>)
      %dma_wait3A = arith.constant 0 : i32
      %dma_wait3A_48 = tpu.memref_slice %arg6[%add3A_8, %dma_wait3A] : memref<10000x16xf32, #tpu.memory_space<vmem_shared>> -> memref<80x16xf32, #tpu.memory_space<vmem_shared>>
      %dma_wait3A_49 = arith.constant 0 : i32
      %dma_wait3A_50 = tpu.memref_slice %arg6[%add3A_8, %dma_wait3A_49] : memref<10000x16xf32, #tpu.memory_space<vmem_shared>> -> memref<80x16xf32, #tpu.memory_space<vmem_shared>>
      tpu.wait_dma2 semaphore(%run_scoped3A : memref<!tpu.dma_semaphore, #tpu.memory_space<semaphore_mem>>) src(%arg5 : memref<80x16xf32, #tpu.memory_space<vmem>>) dst(%dma_wait3A_50 : memref<80x16xf32, #tpu.memory_space<vmem_shared>>)
      tpu.yield
    }) : () -> ()
    %add3A_9 = arith.constant 160 : i32
    %add3A_10 = arith.addi %mul3A_0, %add3A_9 : i32
    "tpu.region"() ({
      %run_scoped3A = tpu.sem_alloc : memref<!tpu.dma_semaphore, #tpu.memory_space<semaphore_mem>>
      %dma_start3A = arith.constant 0 : i32
      %dma_start3A_45 = tpu.memref_slice %arg6[%add3A_10, %dma_start3A] : memref<10000x16xf32, #tpu.memory_space<vmem_shared>> -> memref<80x16xf32, #tpu.memory_space<vmem_shared>>
      %dma_start3A_46 = arith.constant 0 : i32
      %dma_start3A_47 = tpu.memref_slice %arg6[%add3A_10, %dma_start3A_46] : memref<10000x16xf32, #tpu.memory_space<vmem_shared>> -> memref<80x16xf32, #tpu.memory_space<vmem_shared>>
      tpu.enqueue_dma source(%arg5 : memref<80x16xf32, #tpu.memory_space<vmem>>) target(%dma_start3A_47 : memref<80x16xf32, #tpu.memory_space<vmem_shared>>) target_semaphore(%run_scoped3A : memref<!tpu.dma_semaphore, #tpu.memory_space<semaphore_mem>>)
      %dma_wait3A = arith.constant 0 : i32
      %dma_wait3A_48 = tpu.memref_slice %arg6[%add3A_10, %dma_wait3A] : memref<10000x16xf32, #tpu.memory_space<vmem_shared>> -> memref<80x16xf32, #tpu.memory_space<vmem_shared>>
      %dma_wait3A_49 = arith.constant 0 : i32
      %dma_wait3A_50 = tpu.memref_slice %arg6[%add3A_10, %dma_wait3A_49] : memref<10000x16xf32, #tpu.memory_space<vmem_shared>> -> memref<80x16xf32, #tpu.memory_space<vmem_shared>>
      tpu.wait_dma2 semaphore(%run_scoped3A : memref<!tpu.dma_semaphore, #tpu.memory_space<semaphore_mem>>) src(%arg5 : memref<80x16xf32, #tpu.memory_space<vmem>>) dst(%dma_wait3A_50 : memref<80x16xf32, #tpu.memory_space<vmem_shared>>)
      tpu.yield
    }) : () -> ()
    %add3A_11 = arith.constant 240 : i32
    %add3A_12 = arith.addi %mul3A_0, %add3A_11 : i32
    "tpu.region"() ({
      %run_scoped3A = tpu.sem_alloc : memref<!tpu.dma_semaphore, #tpu.memory_space<semaphore_mem>>
      %dma_start3A = arith.constant 0 : i32
      %dma_start3A_45 = tpu.memref_slice %arg6[%add3A_12, %dma_start3A] : memref<10000x16xf32, #tpu.memory_space<vmem_shared>> -> memref<80x16xf32, #tpu.memory_space<vmem_shared>>
      %dma_start3A_46 = arith.constant 0 : i32
      %dma_start3A_47 = tpu.memref_slice %arg6[%add3A_12, %dma_start3A_46] : memref<10000x16xf32, #tpu.memory_space<vmem_shared>> -> memref<80x16xf32, #tpu.memory_space<vmem_shared>>
      tpu.enqueue_dma source(%arg5 : memref<80x16xf32, #tpu.memory_space<vmem>>) target(%dma_start3A_47 : memref<80x16xf32, #tpu.memory_space<vmem_shared>>) target_semaphore(%run_scoped3A : memref<!tpu.dma_semaphore, #tpu.memory_space<semaphore_mem>>)
      %dma_wait3A = arith.constant 0 : i32
      %dma_wait3A_48 = tpu.memref_slice %arg6[%add3A_12, %dma_wait3A] : memref<10000x16xf32, #tpu.memory_space<vmem_shared>> -> memref<80x16xf32, #tpu.memory_space<vmem_shared>>
      %dma_wait3A_49 = arith.constant 0 : i32
      %dma_wait3A_50 = tpu.memref_slice %arg6[%add3A_12, %dma_wait3A_49] : memref<10000x16xf32, #tpu.memory_space<vmem_shared>> -> memref<80x16xf32, #tpu.memory_space<vmem_shared>>
      tpu.wait_dma2 semaphore(%run_scoped3A : memref<!tpu.dma_semaphore, #tpu.memory_space<semaphore_mem>>) src(%arg5 : memref<80x16xf32, #tpu.memory_space<vmem>>) dst(%dma_wait3A_50 : memref<80x16xf32, #tpu.memory_space<vmem_shared>>)
      tpu.yield
    }) : () -> ()
    %add3A_13 = arith.constant 320 : i32
    %add3A_14 = arith.addi %mul3A_0, %add3A_13 : i32
    "tpu.region"() ({
      %run_scoped3A = tpu.sem_alloc : memref<!tpu.dma_semaphore, #tpu.memory_space<semaphore_mem>>
      %dma_start3A = arith.constant 0 : i32
      %dma_start3A_45 = tpu.memref_slice %arg6[%add3A_14, %dma_start3A] : memref<10000x16xf32, #tpu.memory_space<vmem_shared>> -> memref<80x16xf32, #tpu.memory_space<vmem_shared>>
      %dma_start3A_46 = arith.constant 0 : i32
      %dma_start3A_47 = tpu.memref_slice %arg6[%add3A_14, %dma_start3A_46] : memref<10000x16xf32, #tpu.memory_space<vmem_shared>> -> memref<80x16xf32, #tpu.memory_space<vmem_shared>>
      tpu.enqueue_dma source(%arg5 : memref<80x16xf32, #tpu.memory_space<vmem>>) target(%dma_start3A_47 : memref<80x16xf32, #tpu.memory_space<vmem_shared>>) target_semaphore(%run_scoped3A : memref<!tpu.dma_semaphore, #tpu.memory_space<semaphore_mem>>)
      %dma_wait3A = arith.constant 0 : i32
      %dma_wait3A_48 = tpu.memref_slice %arg6[%add3A_14, %dma_wait3A] : memref<10000x16xf32, #tpu.memory_space<vmem_shared>> -> memref<80x16xf32, #tpu.memory_space<vmem_shared>>
      %dma_wait3A_49 = arith.constant 0 : i32
      %dma_wait3A_50 = tpu.memref_slice %arg6[%add3A_14, %dma_wait3A_49] : memref<10000x16xf32, #tpu.memory_space<vmem_shared>> -> memref<80x16xf32, #tpu.memory_space<vmem_shared>>
      tpu.wait_dma2 semaphore(%run_scoped3A : memref<!tpu.dma_semaphore, #tpu.memory_space<semaphore_mem>>) src(%arg5 : memref<80x16xf32, #tpu.memory_space<vmem>>) dst(%dma_wait3A_50 : memref<80x16xf32, #tpu.memory_space<vmem_shared>>)
      tpu.yield
    }) : () -> ()
    %add3A_15 = arith.constant 400 : i32
    %add3A_16 = arith.addi %mul3A_0, %add3A_15 : i32
    "tpu.region"() ({
      %run_scoped3A = tpu.sem_alloc : memref<!tpu.dma_semaphore, #tpu.memory_space<semaphore_mem>>
      %dma_start3A = arith.constant 0 : i32
      %dma_start3A_45 = tpu.memref_slice %arg6[%add3A_16, %dma_start3A] : memref<10000x16xf32, #tpu.memory_space<vmem_shared>> -> memref<80x16xf32, #tpu.memory_space<vmem_shared>>
      %dma_start3A_46 = arith.constant 0 : i32
      %dma_start3A_47 = tpu.memref_slice %arg6[%add3A_16, %dma_start3A_46] : memref<10000x16xf32, #tpu.memory_space<vmem_shared>> -> memref<80x16xf32, #tpu.memory_space<vmem_shared>>
      tpu.enqueue_dma source(%arg5 : memref<80x16xf32, #tpu.memory_space<vmem>>) target(%dma_start3A_47 : memref<80x16xf32, #tpu.memory_space<vmem_shared>>) target_semaphore(%run_scoped3A : memref<!tpu.dma_semaphore, #tpu.memory_space<semaphore_mem>>)
      %dma_wait3A = arith.constant 0 : i32
      %dma_wait3A_48 = tpu.memref_slice %arg6[%add3A_16, %dma_wait3A] : memref<10000x16xf32, #tpu.memory_space<vmem_shared>> -> memref<80x16xf32, #tpu.memory_space<vmem_shared>>
      %dma_wait3A_49 = arith.constant 0 : i32
      %dma_wait3A_50 = tpu.memref_slice %arg6[%add3A_16, %dma_wait3A_49] : memref<10000x16xf32, #tpu.memory_space<vmem_shared>> -> memref<80x16xf32, #tpu.memory_space<vmem_shared>>
      tpu.wait_dma2 semaphore(%run_scoped3A : memref<!tpu.dma_semaphore, #tpu.memory_space<semaphore_mem>>) src(%arg5 : memref<80x16xf32, #tpu.memory_space<vmem>>) dst(%dma_wait3A_50 : memref<80x16xf32, #tpu.memory_space<vmem_shared>>)
      tpu.yield
    }) : () -> ()
    %add3A_17 = arith.constant 480 : i32
    %add3A_18 = arith.addi %mul3A_0, %add3A_17 : i32
    "tpu.region"() ({
      %run_scoped3A = tpu.sem_alloc : memref<!tpu.dma_semaphore, #tpu.memory_space<semaphore_mem>>
      %dma_start3A = arith.constant 0 : i32
      %dma_start3A_45 = tpu.memref_slice %arg6[%add3A_18, %dma_start3A] : memref<10000x16xf32, #tpu.memory_space<vmem_shared>> -> memref<80x16xf32, #tpu.memory_space<vmem_shared>>
      %dma_start3A_46 = arith.constant 0 : i32
      %dma_start3A_47 = tpu.memref_slice %arg6[%add3A_18, %dma_start3A_46] : memref<10000x16xf32, #tpu.memory_space<vmem_shared>> -> memref<80x16xf32, #tpu.memory_space<vmem_shared>>
      tpu.enqueue_dma source(%arg5 : memref<80x16xf32, #tpu.memory_space<vmem>>) target(%dma_start3A_47 : memref<80x16xf32, #tpu.memory_space<vmem_shared>>) target_semaphore(%run_scoped3A : memref<!tpu.dma_semaphore, #tpu.memory_space<semaphore_mem>>)
      %dma_wait3A = arith.constant 0 : i32
      %dma_wait3A_48 = tpu.memref_slice %arg6[%add3A_18, %dma_wait3A] : memref<10000x16xf32, #tpu.memory_space<vmem_shared>> -> memref<80x16xf32, #tpu.memory_space<vmem_shared>>
      %dma_wait3A_49 = arith.constant 0 : i32
      %dma_wait3A_50 = tpu.memref_slice %arg6[%add3A_18, %dma_wait3A_49] : memref<10000x16xf32, #tpu.memory_space<vmem_shared>> -> memref<80x16xf32, #tpu.memory_space<vmem_shared>>
      tpu.wait_dma2 semaphore(%run_scoped3A : memref<!tpu.dma_semaphore, #tpu.memory_space<semaphore_mem>>) src(%arg5 : memref<80x16xf32, #tpu.memory_space<vmem>>) dst(%dma_wait3A_50 : memref<80x16xf32, #tpu.memory_space<vmem_shared>>)
      tpu.yield
    }) : () -> ()
    %add3A_19 = arith.constant 560 : i32
    %add3A_20 = arith.addi %mul3A_0, %add3A_19 : i32
    "tpu.region"() ({
      %run_scoped3A = tpu.sem_alloc : memref<!tpu.dma_semaphore, #tpu.memory_space<semaphore_mem>>
      %dma_start3A = arith.constant 0 : i32
      %dma_start3A_45 = arith.constant 0 : i32
      %dma_start3A_46 = tpu.memref_slice %arg5[%dma_start3A, %dma_start3A_45] : memref<80x16xf32, #tpu.memory_space<vmem>> -> memref<64x16xf32, #tpu.memory_space<vmem>>
      %dma_start3A_47 = arith.constant 0 : i32
      %dma_start3A_48 = tpu.memref_slice %arg6[%add3A_20, %dma_start3A_47] : memref<10000x16xf32, #tpu.memory_space<vmem_shared>> -> memref<64x16xf32, #tpu.memory_space<vmem_shared>>
      %dma_start3A_49 = arith.constant 0 : i32
      %dma_start3A_50 = tpu.memref_slice %arg6[%add3A_20, %dma_start3A_49] : memref<10000x16xf32, #tpu.memory_space<vmem_shared>> -> memref<64x16xf32, #tpu.memory_space<vmem_shared>>
      %dma_start3A_51 = arith.constant 0 : i32
      %dma_start3A_52 = arith.constant 0 : i32
      %dma_start3A_53 = tpu.memref_slice %arg5[%dma_start3A_51, %dma_start3A_52] : memref<80x16xf32, #tpu.memory_space<vmem>> -> memref<64x16xf32, #tpu.memory_space<vmem>>
      tpu.enqueue_dma source(%dma_start3A_53 : memref<64x16xf32, #tpu.memory_space<vmem>>) target(%dma_start3A_50 : memref<64x16xf32, #tpu.memory_space<vmem_shared>>) target_semaphore(%run_scoped3A : memref<!tpu.dma_semaphore, #tpu.memory_space<semaphore_mem>>)
      %dma_wait3A = arith.constant 0 : i32
      %dma_wait3A_54 = arith.constant 0 : i32
      %dma_wait3A_55 = tpu.memref_slice %arg5[%dma_wait3A, %dma_wait3A_54] : memref<80x16xf32, #tpu.memory_space<vmem>> -> memref<64x16xf32, #tpu.memory_space<vmem>>
      %dma_wait3A_56 = arith.constant 0 : i32
      %dma_wait3A_57 = tpu.memref_slice %arg6[%add3A_20, %dma_wait3A_56] : memref<10000x16xf32, #tpu.memory_space<vmem_shared>> -> memref<64x16xf32, #tpu.memory_space<vmem_shared>>
      %dma_wait3A_58 = arith.constant 0 : i32
      %dma_wait3A_59 = tpu.memref_slice %arg6[%add3A_20, %dma_wait3A_58] : memref<10000x16xf32, #tpu.memory_space<vmem_shared>> -> memref<64x16xf32, #tpu.memory_space<vmem_shared>>
      %dma_wait3A_60 = arith.constant 0 : i32
      %dma_wait3A_61 = arith.constant 0 : i32
      %dma_wait3A_62 = tpu.memref_slice %arg5[%dma_wait3A_60, %dma_wait3A_61] : memref<80x16xf32, #tpu.memory_space<vmem>> -> memref<64x16xf32, #tpu.memory_space<vmem>>
      tpu.wait_dma2 semaphore(%run_scoped3A : memref<!tpu.dma_semaphore, #tpu.memory_space<semaphore_mem>>) src(%dma_wait3A_62 : memref<64x16xf32, #tpu.memory_space<vmem>>) dst(%dma_wait3A_59 : memref<64x16xf32, #tpu.memory_space<vmem_shared>>)
      tpu.yield
    }) : () -> ()
    %eq3A = arith.constant 15 : i32
    %eq3A_21 = arith.cmpi eq, %arg1, %eq3A : i32
    %convert_element_type3A = arith.extui %eq3A_21 : i1 to i32
    %cond3A = arith.constant 0 : i32
    %cond3A_22 = arith.cmpi ne, %convert_element_type3A, %cond3A : i32
    scf.if %cond3A_22 {
      "tpu.region"() ({
        %run_scoped3A = tpu.sem_alloc : memref<!tpu.dma_semaphore, #tpu.memory_space<semaphore_mem>>
        %dma_start3A = arith.constant 0 : i32
        %dma_start3A_45 = arith.constant 0 : i32
        %dma_start3A_46 = tpu.memref_slice %arg5[%dma_start3A, %dma_start3A_45] : memref<80x16xf32, #tpu.memory_space<vmem>> -> memref<16x16xf32, #tpu.memory_space<vmem>>
        %dma_start3A_47 = arith.constant 9984 : i32
        %dma_start3A_48 = arith.constant 0 : i32
        %dma_start3A_49 = tpu.memref_slice %arg6[%dma_start3A_47, %dma_start3A_48] : memref<10000x16xf32, #tpu.memory_space<vmem_shared>> -> memref<16x16xf32, #tpu.memory_space<vmem_shared>>
        %dma_start3A_50 = arith.constant 9984 : i32
        %dma_start3A_51 = arith.constant 0 : i32
        %dma_start3A_52 = tpu.memref_slice %arg6[%dma_start3A_50, %dma_start3A_51] : memref<10000x16xf32, #tpu.memory_space<vmem_shared>> -> memref<16x16xf32, #tpu.memory_space<vmem_shared>>
        %dma_start3A_53 = arith.constant 0 : i32
        %dma_start3A_54 = arith.constant 0 : i32
        %dma_start3A_55 = tpu.memref_slice %arg5[%dma_start3A_53, %dma_start3A_54] : memref<80x16xf32, #tpu.memory_space<vmem>> -> memref<16x16xf32, #tpu.memory_space<vmem>>
        tpu.enqueue_dma source(%dma_start3A_55 : memref<16x16xf32, #tpu.memory_space<vmem>>) target(%dma_start3A_52 : memref<16x16xf32, #tpu.memory_space<vmem_shared>>) target_semaphore(%run_scoped3A : memref<!tpu.dma_semaphore, #tpu.memory_space<semaphore_mem>>)
        %dma_wait3A = arith.constant 0 : i32
        %dma_wait3A_56 = arith.constant 0 : i32
        %dma_wait3A_57 = tpu.memref_slice %arg5[%dma_wait3A, %dma_wait3A_56] : memref<80x16xf32, #tpu.memory_space<vmem>> -> memref<16x16xf32, #tpu.memory_space<vmem>>
        %dma_wait3A_58 = arith.constant 9984 : i32
        %dma_wait3A_59 = arith.constant 0 : i32
        %dma_wait3A_60 = tpu.memref_slice %arg6[%dma_wait3A_58, %dma_wait3A_59] : memref<10000x16xf32, #tpu.memory_space<vmem_shared>> -> memref<16x16xf32, #tpu.memory_space<vmem_shared>>
        %dma_wait3A_61 = arith.constant 9984 : i32
        %dma_wait3A_62 = arith.constant 0 : i32
        %dma_wait3A_63 = tpu.memref_slice %arg6[%dma_wait3A_61, %dma_wait3A_62] : memref<10000x16xf32, #tpu.memory_space<vmem_shared>> -> memref<16x16xf32, #tpu.memory_space<vmem_shared>>
        %dma_wait3A_64 = arith.constant 0 : i32
        %dma_wait3A_65 = arith.constant 0 : i32
        %dma_wait3A_66 = tpu.memref_slice %arg5[%dma_wait3A_64, %dma_wait3A_65] : memref<80x16xf32, #tpu.memory_space<vmem>> -> memref<16x16xf32, #tpu.memory_space<vmem>>
        tpu.wait_dma2 semaphore(%run_scoped3A : memref<!tpu.dma_semaphore, #tpu.memory_space<semaphore_mem>>) src(%dma_wait3A_66 : memref<16x16xf32, #tpu.memory_space<vmem>>) dst(%dma_wait3A_63 : memref<16x16xf32, #tpu.memory_space<vmem_shared>>)
        tpu.yield
      }) : () -> ()
    } else {
    }
    %iota3A = tpu.iota {dimensions = array<i32: 0>} : vector<16xi32>
    %eq3A_23 = arith.constant 0 : i32
    %eq3A_24 = vector.broadcast %eq3A_23 : i32 to vector<16xi32>
    %eq3A_25 = arith.cmpi eq, %iota3A, %eq3A_24 : vector<16xi32>
    %jit3A = arith.constant 1.000000e+00 : f32
    %jit3A_26 = arith.constant 0.000000e+00 : f32
    %broadcast_in_dim3A_27 = vector.broadcast %jit3A : f32 to vector<16xf32>
    %broadcast_in_dim3A_28 = vector.broadcast %jit3A_26 : f32 to vector<16xf32>
    %select_n3A = arith.select %eq3A_25, %broadcast_in_dim3A_27, %broadcast_in_dim3A_28 : vector<16xi1>, vector<16xf32>
    %scan3A_29 = arith.constant 0 : i32
    %scan3A_30 = arith.constant 80 : i32
    %scan3A_31 = arith.addi %scan3A_29, %scan3A_30 : i32
    %scan3A_32 = arith.constant 1 : i32
    scf.for %scan3A_45 = %scan3A_29 to %scan3A_31 step %scan3A_32  : i32 {
      %mul3A_46 = arith.constant 1 : i32
      %mul3A_47 = arith.muli %scan3A_45, %mul3A_46 : i32
      %add3A_48 = arith.constant 0 : i32
      %add3A_49 = arith.addi %add3A_48, %mul3A_47 : i32
      %swap3A = arith.index_cast %add3A_49 : i32 to index
      %swap3A_50 = arith.constant 0 : index
      %swap3A_51 = tpu.vector_load %arg5[%swap3A, %swap3A_50] {strides = array<i32>} : memref<80x16xf32, #tpu.memory_space<vmem>>, vector<1x16xf32>,
      %swap3A_52 = vector.shape_cast %swap3A_51 : vector<1x16xf32> to vector<16xf32>
      %swap3A_53 = vector.shape_cast %select_n3A : vector<16xf32> to vector<1x16xf32>
      tpu.vector_store %arg5[%swap3A, %swap3A_50], %swap3A_53 {strides = array<i32>} : memref<80x16xf32, #tpu.memory_space<vmem>>, vector<1x16xf32>,
    }
    %scan3A_33 = arith.constant 80 : i32
    %barrier3A = arith.constant 0 : index
    tpu.barrier barrier_id(%barrier3A)
    %scan3A_34 = arith.constant 0 : i32
    %scan3A_35 = arith.constant 125 : i32
    %scan3A_36 = arith.addi %scan3A_34, %scan3A_35 : i32
    %scan3A_37 = arith.constant 1 : i32
    scf.for %scan3A_45 = %scan3A_34 to %scan3A_36 step %scan3A_37  : i32 {
      %mul3A_46 = arith.constant 1 : i32
      %mul3A_47 = arith.muli %scan3A_45, %mul3A_46 : i32
      %add3A_48 = arith.constant 0 : i32
      %add3A_49 = arith.addi %add3A_48, %mul3A_47 : i32
      %mul3A_50 = arith.constant 160000 : i32
      %mul3A_51 = arith.muli %arg0, %mul3A_50 : i32
      %mul3A_52 = arith.constant 10000 : i32
      %mul3A_53 = arith.muli %arg1, %mul3A_52 : i32
      %add3A_54 = arith.addi %mul3A_51, %mul3A_53 : i32
      %mul3A_55 = arith.constant 80 : i32
      %mul3A_56 = arith.muli %add3A_49, %mul3A_55 : i32
      %add3A_57 = arith.addi %add3A_54, %mul3A_56 : i32
      "tpu.region"() ({
        %run_scoped3A = tpu.sem_alloc : memref<!tpu.dma_semaphore, #tpu.memory_space<semaphore_mem>>
        %dma_start3A = tpu.memref_slice %arg2[%add3A_57] : memref<320000xi32, #tpu.memory_space<hbm>> -> memref<80xi32, #tpu.memory_space<hbm>>
        %dma_start3A_58 = tpu.memref_slice %arg2[%add3A_57] : memref<320000xi32, #tpu.memory_space<hbm>> -> memref<80xi32, #tpu.memory_space<hbm>>
        tpu.enqueue_dma source(%dma_start3A_58 : memref<80xi32, #tpu.memory_space<hbm>>) target(%arg4 : memref<80xi32, #tpu.memory_space<vmem>>) target_semaphore(%run_scoped3A : memref<!tpu.dma_semaphore, #tpu.memory_space<semaphore_mem>>)
        %dma_wait3A = tpu.memref_slice %arg2[%add3A_57] : memref<320000xi32, #tpu.memory_space<hbm>> -> memref<80xi32, #tpu.memory_space<hbm>>
        %dma_wait3A_59 = tpu.memref_slice %arg2[%add3A_57] : memref<320000xi32, #tpu.memory_space<hbm>> -> memref<80xi32, #tpu.memory_space<hbm>>
        tpu.wait_dma2 semaphore(%run_scoped3A : memref<!tpu.dma_semaphore, #tpu.memory_space<semaphore_mem>>) src(%dma_wait3A_59 : memref<80xi32, #tpu.memory_space<hbm>>) dst(%arg4 : memref<80xi32, #tpu.memory_space<vmem>>)
        tpu.yield
      }) : () -> ()
      "tpu.region"() ({
        %run_scoped3A = tpu.sem_alloc : memref<!tpu.dma_semaphore, #tpu.memory_space<semaphore_mem>>
        %dma_start3A = arith.constant 0 : i32
        %dma_start3A_58 = arith.constant 0 : i32
        %dma_start3A_59 = tpu.memref_slice %arg6[%dma_start3A, %dma_start3A_58] : memref<10000x16xf32, #tpu.memory_space<vmem_shared>> -> memref<10000x16xf32, #tpu.memory_space<vmem_shared>>
        tpu.enqueue_indirect_dma source(%arg5 : memref<80x16xf32, #tpu.memory_space<vmem>>) target(%dma_start3A_59 : memref<10000x16xf32, #tpu.memory_space<vmem_shared>>) offsets(%arg4 : memref<80xi32, #tpu.memory_space<vmem>>) semaphore(%run_scoped3A : memref<!tpu.dma_semaphore, #tpu.memory_space<semaphore_mem>>) {add = true}
        %dma_wait3A = arith.constant 0 : i32
        %dma_wait3A_60 = arith.constant 0 : i32
        %dma_wait3A_61 = tpu.memref_slice %arg6[%dma_wait3A, %dma_wait3A_60] : memref<10000x16xf32, #tpu.memory_space<vmem_shared>> -> memref<10000x16xf32, #tpu.memory_space<vmem_shared>>
        tpu.wait_indirect_dma semaphore(%run_scoped3A : memref<!tpu.dma_semaphore, #tpu.memory_space<semaphore_mem>>) src(%arg5 : memref<80x16xf32, #tpu.memory_space<vmem>>) dst(%dma_wait3A_61 : memref<10000x16xf32, #tpu.memory_space<vmem_shared>>)
        tpu.yield
      }) : () -> ()
    }
    %scan3A_38 = arith.constant 125 : i32
    %barrier3A_39 = arith.constant 0 : index
    tpu.barrier barrier_id(%barrier3A_39)
    "tpu.region"() ({
      %run_scoped3A = tpu.sem_alloc : memref<!tpu.dma_semaphore, #tpu.memory_space<semaphore_mem>>
      %dma_start3A = arith.constant 0 : i32
      %dma_start3A_45 = tpu.memref_slice %arg3[%arg0, %mul3A_0, %dma_start3A] : memref<2x10000x16xf32, #tpu.memory_space<hbm>> -> memref<1x624x16xf32, #tpu.memory_space<hbm>>
      %dma_start3A_46 = tpu.memref_squeeze %dma_start3A_45 : memref<1x624x16xf32, #tpu.memory_space<hbm>> -> memref<624x16xf32, #tpu.memory_space<hbm>>
      %dma_start3A_47 = arith.constant 0 : i32
      %dma_start3A_48 = tpu.memref_slice %arg6[%mul3A_0, %dma_start3A_47] : memref<10000x16xf32, #tpu.memory_space<vmem_shared>> -> memref<624x16xf32, #tpu.memory_space<vmem_shared>>
      tpu.enqueue_dma source(%dma_start3A_48 : memref<624x16xf32, #tpu.memory_space<vmem_shared>>) target(%dma_start3A_46 : memref<624x16xf32, #tpu.memory_space<hbm>>) target_semaphore(%run_scoped3A : memref<!tpu.dma_semaphore, #tpu.memory_space<semaphore_mem>>)
      %dma_wait3A = arith.constant 0 : i32
      %dma_wait3A_49 = tpu.memref_slice %arg3[%arg0, %mul3A_0, %dma_wait3A] : memref<2x10000x16xf32, #tpu.memory_space<hbm>> -> memref<1x624x16xf32, #tpu.memory_space<hbm>>
      %dma_wait3A_50 = tpu.memref_squeeze %dma_wait3A_49 : memref<1x624x16xf32, #tpu.memory_space<hbm>> -> memref<624x16xf32, #tpu.memory_space<hbm>>
      %dma_wait3A_51 = arith.constant 0 : i32
      %dma_wait3A_52 = tpu.memref_slice %arg6[%mul3A_0, %dma_wait3A_51] : memref<10000x16xf32, #tpu.memory_space<vmem_shared>> -> memref<624x16xf32, #tpu.memory_space<vmem_shared>>
      tpu.wait_dma2 semaphore(%run_scoped3A : memref<!tpu.dma_semaphore, #tpu.memory_space<semaphore_mem>>) src(%dma_wait3A_52 : memref<624x16xf32, #tpu.memory_space<vmem_shared>>) dst(%dma_wait3A_50 : memref<624x16xf32, #tpu.memory_space<hbm>>)
      tpu.yield
    }) : () -> ()
    %eq3A_40 = arith.constant 15 : i32
    %eq3A_41 = arith.cmpi eq, %arg1, %eq3A_40 : i32
    %convert_element_type3A_42 = arith.extui %eq3A_41 : i1 to i32
    %cond3A_43 = arith.constant 0 : i32
    %cond3A_44 = arith.cmpi ne, %convert_element_type3A_42, %cond3A_43 : i32
    scf.if %cond3A_44 {
      "tpu.region"() ({
        %run_scoped3A = tpu.sem_alloc : memref<!tpu.dma_semaphore, #tpu.memory_space<semaphore_mem>>
        %dma_start3A = arith.constant 9984 : i32
        %dma_start3A_45 = arith.constant 0 : i32
        %dma_start3A_46 = tpu.memref_slice %arg3[%arg0, %dma_start3A, %dma_start3A_45] : memref<2x10000x16xf32, #tpu.memory_space<hbm>> -> memref<1x16x16xf32, #tpu.memory_space<hbm>>
        %dma_start3A_47 = tpu.memref_squeeze %dma_start3A_46 : memref<1x16x16xf32, #tpu.memory_space<hbm>> -> memref<16x16xf32, #tpu.memory_space<hbm>>
        %dma_start3A_48 = arith.constant 9984 : i32
        %dma_start3A_49 = arith.constant 0 : i32
        %dma_start3A_50 = tpu.memref_slice %arg6[%dma_start3A_48, %dma_start3A_49] : memref<10000x16xf32, #tpu.memory_space<vmem_shared>> -> memref<16x16xf32, #tpu.memory_space<vmem_shared>>
        tpu.enqueue_dma source(%dma_start3A_50 : memref<16x16xf32, #tpu.memory_space<vmem_shared>>) target(%dma_start3A_47 : memref<16x16xf32, #tpu.memory_space<hbm>>) target_semaphore(%run_scoped3A : memref<!tpu.dma_semaphore, #tpu.memory_space<semaphore_mem>>)
        %dma_wait3A = arith.constant 9984 : i32
        %dma_wait3A_51 = arith.constant 0 : i32
        %dma_wait3A_52 = tpu.memref_slice %arg3[%arg0, %dma_wait3A, %dma_wait3A_51] : memref<2x10000x16xf32, #tpu.memory_space<hbm>> -> memref<1x16x16xf32, #tpu.memory_space<hbm>>
        %dma_wait3A_53 = tpu.memref_squeeze %dma_wait3A_52 : memref<1x16x16xf32, #tpu.memory_space<hbm>> -> memref<16x16xf32, #tpu.memory_space<hbm>>
        %dma_wait3A_54 = arith.constant 9984 : i32
        %dma_wait3A_55 = arith.constant 0 : i32
        %dma_wait3A_56 = tpu.memref_slice %arg6[%dma_wait3A_54, %dma_wait3A_55] : memref<10000x16xf32, #tpu.memory_space<vmem_shared>> -> memref<16x16xf32, #tpu.memory_space<vmem_shared>>
        tpu.wait_dma2 semaphore(%run_scoped3A : memref<!tpu.dma_semaphore, #tpu.memory_space<semaphore_mem>>) src(%dma_wait3A_56 : memref<16x16xf32, #tpu.memory_space<vmem_shared>>) dst(%dma_wait3A_53 : memref<16x16xf32, #tpu.memory_space<hbm>>)
        tpu.yield
      }) : () -> ()
    } else {
    }
    return
  }
}

#map = affine_map<(d0, d1) -> (0, 0)>
#map1 = affine_map<(d0, d1) -> (0)>
#map2 = affine_map<(d0, d1) -> (0, 0, 0)>
module attributes {stable_mosaic.version = 14 : i64} {
  func.func @den(%arg0: i32, %arg1: i32, %arg2: memref<10000x128xf32, #tpu.memory_space<hbm>>, %arg3: memref<128xf32, #tpu.memory_space<hbm>>, %arg4: memref<320000xi32, #tpu.memory_space<hbm>>, %arg5: memref<320000xi32, #tpu.memory_space<hbm>>, %arg6: memref<2x10000x16xf32, #tpu.memory_space<hbm>>, %arg7: memref<320000x16xf32, #tpu.memory_space<hbm>>, %arg8: memref<80xi32, #tpu.memory_space<vmem>>, %arg9: memref<80xi32, #tpu.memory_space<vmem>>, %arg10: memref<80x128xf32, #tpu.memory_space<vmem>>, %arg11: memref<80x128xf32, #tpu.memory_space<vmem>>, %arg12: memref<80x16xf32, #tpu.memory_space<vmem>>, %arg13: memref<128xf32, #tpu.memory_space<vmem>>, %arg14: memref<10000x16xf32, #tpu.memory_space<vmem_shared>>, %arg15: memref<!tpu.dma_semaphore, #tpu.memory_space<semaphore_mem>>) attributes {dimension_semantics = [#tpu.dimension_semantics<core_parallel>, #tpu.dimension_semantics<subcore_parallel>], iteration_bounds = array<i64: 2, 16>, scalar_prefetch = 0 : i64, scratch_operands = 8 : i64, tpu.core_type = #tpu.core_type<sc_vector_subcore>, window_params = [{transform_indices = #map}, {transform_indices = #map1}, {transform_indices = #map1}, {transform_indices = #map1}, {transform_indices = #map2}, {transform_indices = #map}]} {
    %mul3A = arith.constant 624 : i32
    %mul3A_0 = arith.muli %arg1, %mul3A : i32
    %broadcast_in_dim3A = arith.constant 0.000000e+00 : f32
    %broadcast_in_dim3A_1 = vector.broadcast %broadcast_in_dim3A : f32 to vector<16xf32>
    %scan3A = arith.constant 0 : i32
    %scan3A_2 = arith.constant 80 : i32
    %scan3A_3 = arith.addi %scan3A, %scan3A_2 : i32
    %scan3A_4 = arith.constant 1 : i32
    scf.for %scan3A_42 = %scan3A to %scan3A_3 step %scan3A_4  : i32 {
      %mul3A_43 = arith.constant 1 : i32
      %mul3A_44 = arith.muli %scan3A_42, %mul3A_43 : i32
      %add3A_45 = arith.constant 0 : i32
      %add3A_46 = arith.addi %add3A_45, %mul3A_44 : i32
      %swap3A = arith.index_cast %add3A_46 : i32 to index
      %swap3A_47 = arith.constant 0 : index
      %swap3A_48 = tpu.vector_load %arg12[%swap3A, %swap3A_47] {strides = array<i32>} : memref<80x16xf32, #tpu.memory_space<vmem>>, vector<1x16xf32>,
      %swap3A_49 = vector.shape_cast %swap3A_48 : vector<1x16xf32> to vector<16xf32>
      %swap3A_50 = vector.shape_cast %broadcast_in_dim3A_1 : vector<16xf32> to vector<1x16xf32>
      tpu.vector_store %arg12[%swap3A, %swap3A_47], %swap3A_50 {strides = array<i32>} : memref<80x16xf32, #tpu.memory_space<vmem>>, vector<1x16xf32>,
    }
    %scan3A_5 = arith.constant 80 : i32
    %add3A = arith.constant 0 : i32
    %add3A_6 = arith.addi %mul3A_0, %add3A : i32
    "tpu.region"() ({
      %run_scoped3A = tpu.sem_alloc : memref<!tpu.dma_semaphore, #tpu.memory_space<semaphore_mem>>
      %dma_start3A = arith.constant 0 : i32
      %dma_start3A_42 = tpu.memref_slice %arg14[%add3A_6, %dma_start3A] : memref<10000x16xf32, #tpu.memory_space<vmem_shared>> -> memref<80x16xf32, #tpu.memory_space<vmem_shared>>
      %dma_start3A_43 = arith.constant 0 : i32
      %dma_start3A_44 = tpu.memref_slice %arg14[%add3A_6, %dma_start3A_43] : memref<10000x16xf32, #tpu.memory_space<vmem_shared>> -> memref<80x16xf32, #tpu.memory_space<vmem_shared>>
      tpu.enqueue_dma source(%arg12 : memref<80x16xf32, #tpu.memory_space<vmem>>) target(%dma_start3A_44 : memref<80x16xf32, #tpu.memory_space<vmem_shared>>) target_semaphore(%run_scoped3A : memref<!tpu.dma_semaphore, #tpu.memory_space<semaphore_mem>>)
      %dma_wait3A = arith.constant 0 : i32
      %dma_wait3A_45 = tpu.memref_slice %arg14[%add3A_6, %dma_wait3A] : memref<10000x16xf32, #tpu.memory_space<vmem_shared>> -> memref<80x16xf32, #tpu.memory_space<vmem_shared>>
      %dma_wait3A_46 = arith.constant 0 : i32
      %dma_wait3A_47 = tpu.memref_slice %arg14[%add3A_6, %dma_wait3A_46] : memref<10000x16xf32, #tpu.memory_space<vmem_shared>> -> memref<80x16xf32, #tpu.memory_space<vmem_shared>>
      tpu.wait_dma2 semaphore(%run_scoped3A : memref<!tpu.dma_semaphore, #tpu.memory_space<semaphore_mem>>) src(%arg12 : memref<80x16xf32, #tpu.memory_space<vmem>>) dst(%dma_wait3A_47 : memref<80x16xf32, #tpu.memory_space<vmem_shared>>)
      tpu.yield
    }) : () -> ()
    %add3A_7 = arith.constant 80 : i32
    %add3A_8 = arith.addi %mul3A_0, %add3A_7 : i32
    "tpu.region"() ({
      %run_scoped3A = tpu.sem_alloc : memref<!tpu.dma_semaphore, #tpu.memory_space<semaphore_mem>>
      %dma_start3A = arith.constant 0 : i32
      %dma_start3A_42 = tpu.memref_slice %arg14[%add3A_8, %dma_start3A] : memref<10000x16xf32, #tpu.memory_space<vmem_shared>> -> memref<80x16xf32, #tpu.memory_space<vmem_shared>>
      %dma_start3A_43 = arith.constant 0 : i32
      %dma_start3A_44 = tpu.memref_slice %arg14[%add3A_8, %dma_start3A_43] : memref<10000x16xf32, #tpu.memory_space<vmem_shared>> -> memref<80x16xf32, #tpu.memory_space<vmem_shared>>
      tpu.enqueue_dma source(%arg12 : memref<80x16xf32, #tpu.memory_space<vmem>>) target(%dma_start3A_44 : memref<80x16xf32, #tpu.memory_space<vmem_shared>>) target_semaphore(%run_scoped3A : memref<!tpu.dma_semaphore, #tpu.memory_space<semaphore_mem>>)
      %dma_wait3A = arith.constant 0 : i32
      %dma_wait3A_45 = tpu.memref_slice %arg14[%add3A_8, %dma_wait3A] : memref<10000x16xf32, #tpu.memory_space<vmem_shared>> -> memref<80x16xf32, #tpu.memory_space<vmem_shared>>
      %dma_wait3A_46 = arith.constant 0 : i32
      %dma_wait3A_47 = tpu.memref_slice %arg14[%add3A_8, %dma_wait3A_46] : memref<10000x16xf32, #tpu.memory_space<vmem_shared>> -> memref<80x16xf32, #tpu.memory_space<vmem_shared>>
      tpu.wait_dma2 semaphore(%run_scoped3A : memref<!tpu.dma_semaphore, #tpu.memory_space<semaphore_mem>>) src(%arg12 : memref<80x16xf32, #tpu.memory_space<vmem>>) dst(%dma_wait3A_47 : memref<80x16xf32, #tpu.memory_space<vmem_shared>>)
      tpu.yield
    }) : () -> ()
    %add3A_9 = arith.constant 160 : i32
    %add3A_10 = arith.addi %mul3A_0, %add3A_9 : i32
    "tpu.region"() ({
      %run_scoped3A = tpu.sem_alloc : memref<!tpu.dma_semaphore, #tpu.memory_space<semaphore_mem>>
      %dma_start3A = arith.constant 0 : i32
      %dma_start3A_42 = tpu.memref_slice %arg14[%add3A_10, %dma_start3A] : memref<10000x16xf32, #tpu.memory_space<vmem_shared>> -> memref<80x16xf32, #tpu.memory_space<vmem_shared>>
      %dma_start3A_43 = arith.constant 0 : i32
      %dma_start3A_44 = tpu.memref_slice %arg14[%add3A_10, %dma_start3A_43] : memref<10000x16xf32, #tpu.memory_space<vmem_shared>> -> memref<80x16xf32, #tpu.memory_space<vmem_shared>>
      tpu.enqueue_dma source(%arg12 : memref<80x16xf32, #tpu.memory_space<vmem>>) target(%dma_start3A_44 : memref<80x16xf32, #tpu.memory_space<vmem_shared>>) target_semaphore(%run_scoped3A : memref<!tpu.dma_semaphore, #tpu.memory_space<semaphore_mem>>)
      %dma_wait3A = arith.constant 0 : i32
      %dma_wait3A_45 = tpu.memref_slice %arg14[%add3A_10, %dma_wait3A] : memref<10000x16xf32, #tpu.memory_space<vmem_shared>> -> memref<80x16xf32, #tpu.memory_space<vmem_shared>>
      %dma_wait3A_46 = arith.constant 0 : i32
      %dma_wait3A_47 = tpu.memref_slice %arg14[%add3A_10, %dma_wait3A_46] : memref<10000x16xf32, #tpu.memory_space<vmem_shared>> -> memref<80x16xf32, #tpu.memory_space<vmem_shared>>
      tpu.wait_dma2 semaphore(%run_scoped3A : memref<!tpu.dma_semaphore, #tpu.memory_space<semaphore_mem>>) src(%arg12 : memref<80x16xf32, #tpu.memory_space<vmem>>) dst(%dma_wait3A_47 : memref<80x16xf32, #tpu.memory_space<vmem_shared>>)
      tpu.yield
    }) : () -> ()
    %add3A_11 = arith.constant 240 : i32
    %add3A_12 = arith.addi %mul3A_0, %add3A_11 : i32
    "tpu.region"() ({
      %run_scoped3A = tpu.sem_alloc : memref<!tpu.dma_semaphore, #tpu.memory_space<semaphore_mem>>
      %dma_start3A = arith.constant 0 : i32
      %dma_start3A_42 = tpu.memref_slice %arg14[%add3A_12, %dma_start3A] : memref<10000x16xf32, #tpu.memory_space<vmem_shared>> -> memref<80x16xf32, #tpu.memory_space<vmem_shared>>
      %dma_start3A_43 = arith.constant 0 : i32
      %dma_start3A_44 = tpu.memref_slice %arg14[%add3A_12, %dma_start3A_43] : memref<10000x16xf32, #tpu.memory_space<vmem_shared>> -> memref<80x16xf32, #tpu.memory_space<vmem_shared>>
      tpu.enqueue_dma source(%arg12 : memref<80x16xf32, #tpu.memory_space<vmem>>) target(%dma_start3A_44 : memref<80x16xf32, #tpu.memory_space<vmem_shared>>) target_semaphore(%run_scoped3A : memref<!tpu.dma_semaphore, #tpu.memory_space<semaphore_mem>>)
      %dma_wait3A = arith.constant 0 : i32
      %dma_wait3A_45 = tpu.memref_slice %arg14[%add3A_12, %dma_wait3A] : memref<10000x16xf32, #tpu.memory_space<vmem_shared>> -> memref<80x16xf32, #tpu.memory_space<vmem_shared>>
      %dma_wait3A_46 = arith.constant 0 : i32
      %dma_wait3A_47 = tpu.memref_slice %arg14[%add3A_12, %dma_wait3A_46] : memref<10000x16xf32, #tpu.memory_space<vmem_shared>> -> memref<80x16xf32, #tpu.memory_space<vmem_shared>>
      tpu.wait_dma2 semaphore(%run_scoped3A : memref<!tpu.dma_semaphore, #tpu.memory_space<semaphore_mem>>) src(%arg12 : memref<80x16xf32, #tpu.memory_space<vmem>>) dst(%dma_wait3A_47 : memref<80x16xf32, #tpu.memory_space<vmem_shared>>)
      tpu.yield
    }) : () -> ()
    %add3A_13 = arith.constant 320 : i32
    %add3A_14 = arith.addi %mul3A_0, %add3A_13 : i32
    "tpu.region"() ({
      %run_scoped3A = tpu.sem_alloc : memref<!tpu.dma_semaphore, #tpu.memory_space<semaphore_mem>>
      %dma_start3A = arith.constant 0 : i32
      %dma_start3A_42 = tpu.memref_slice %arg14[%add3A_14, %dma_start3A] : memref<10000x16xf32, #tpu.memory_space<vmem_shared>> -> memref<80x16xf32, #tpu.memory_space<vmem_shared>>
      %dma_start3A_43 = arith.constant 0 : i32
      %dma_start3A_44 = tpu.memref_slice %arg14[%add3A_14, %dma_start3A_43] : memref<10000x16xf32, #tpu.memory_space<vmem_shared>> -> memref<80x16xf32, #tpu.memory_space<vmem_shared>>
      tpu.enqueue_dma source(%arg12 : memref<80x16xf32, #tpu.memory_space<vmem>>) target(%dma_start3A_44 : memref<80x16xf32, #tpu.memory_space<vmem_shared>>) target_semaphore(%run_scoped3A : memref<!tpu.dma_semaphore, #tpu.memory_space<semaphore_mem>>)
      %dma_wait3A = arith.constant 0 : i32
      %dma_wait3A_45 = tpu.memref_slice %arg14[%add3A_14, %dma_wait3A] : memref<10000x16xf32, #tpu.memory_space<vmem_shared>> -> memref<80x16xf32, #tpu.memory_space<vmem_shared>>
      %dma_wait3A_46 = arith.constant 0 : i32
      %dma_wait3A_47 = tpu.memref_slice %arg14[%add3A_14, %dma_wait3A_46] : memref<10000x16xf32, #tpu.memory_space<vmem_shared>> -> memref<80x16xf32, #tpu.memory_space<vmem_shared>>
      tpu.wait_dma2 semaphore(%run_scoped3A : memref<!tpu.dma_semaphore, #tpu.memory_space<semaphore_mem>>) src(%arg12 : memref<80x16xf32, #tpu.memory_space<vmem>>) dst(%dma_wait3A_47 : memref<80x16xf32, #tpu.memory_space<vmem_shared>>)
      tpu.yield
    }) : () -> ()
    %add3A_15 = arith.constant 400 : i32
    %add3A_16 = arith.addi %mul3A_0, %add3A_15 : i32
    "tpu.region"() ({
      %run_scoped3A = tpu.sem_alloc : memref<!tpu.dma_semaphore, #tpu.memory_space<semaphore_mem>>
      %dma_start3A = arith.constant 0 : i32
      %dma_start3A_42 = tpu.memref_slice %arg14[%add3A_16, %dma_start3A] : memref<10000x16xf32, #tpu.memory_space<vmem_shared>> -> memref<80x16xf32, #tpu.memory_space<vmem_shared>>
      %dma_start3A_43 = arith.constant 0 : i32
      %dma_start3A_44 = tpu.memref_slice %arg14[%add3A_16, %dma_start3A_43] : memref<10000x16xf32, #tpu.memory_space<vmem_shared>> -> memref<80x16xf32, #tpu.memory_space<vmem_shared>>
      tpu.enqueue_dma source(%arg12 : memref<80x16xf32, #tpu.memory_space<vmem>>) target(%dma_start3A_44 : memref<80x16xf32, #tpu.memory_space<vmem_shared>>) target_semaphore(%run_scoped3A : memref<!tpu.dma_semaphore, #tpu.memory_space<semaphore_mem>>)
      %dma_wait3A = arith.constant 0 : i32
      %dma_wait3A_45 = tpu.memref_slice %arg14[%add3A_16, %dma_wait3A] : memref<10000x16xf32, #tpu.memory_space<vmem_shared>> -> memref<80x16xf32, #tpu.memory_space<vmem_shared>>
      %dma_wait3A_46 = arith.constant 0 : i32
      %dma_wait3A_47 = tpu.memref_slice %arg14[%add3A_16, %dma_wait3A_46] : memref<10000x16xf32, #tpu.memory_space<vmem_shared>> -> memref<80x16xf32, #tpu.memory_space<vmem_shared>>
      tpu.wait_dma2 semaphore(%run_scoped3A : memref<!tpu.dma_semaphore, #tpu.memory_space<semaphore_mem>>) src(%arg12 : memref<80x16xf32, #tpu.memory_space<vmem>>) dst(%dma_wait3A_47 : memref<80x16xf32, #tpu.memory_space<vmem_shared>>)
      tpu.yield
    }) : () -> ()
    %add3A_17 = arith.constant 480 : i32
    %add3A_18 = arith.addi %mul3A_0, %add3A_17 : i32
    "tpu.region"() ({
      %run_scoped3A = tpu.sem_alloc : memref<!tpu.dma_semaphore, #tpu.memory_space<semaphore_mem>>
      %dma_start3A = arith.constant 0 : i32
      %dma_start3A_42 = tpu.memref_slice %arg14[%add3A_18, %dma_start3A] : memref<10000x16xf32, #tpu.memory_space<vmem_shared>> -> memref<80x16xf32, #tpu.memory_space<vmem_shared>>
      %dma_start3A_43 = arith.constant 0 : i32
      %dma_start3A_44 = tpu.memref_slice %arg14[%add3A_18, %dma_start3A_43] : memref<10000x16xf32, #tpu.memory_space<vmem_shared>> -> memref<80x16xf32, #tpu.memory_space<vmem_shared>>
      tpu.enqueue_dma source(%arg12 : memref<80x16xf32, #tpu.memory_space<vmem>>) target(%dma_start3A_44 : memref<80x16xf32, #tpu.memory_space<vmem_shared>>) target_semaphore(%run_scoped3A : memref<!tpu.dma_semaphore, #tpu.memory_space<semaphore_mem>>)
      %dma_wait3A = arith.constant 0 : i32
      %dma_wait3A_45 = tpu.memref_slice %arg14[%add3A_18, %dma_wait3A] : memref<10000x16xf32, #tpu.memory_space<vmem_shared>> -> memref<80x16xf32, #tpu.memory_space<vmem_shared>>
      %dma_wait3A_46 = arith.constant 0 : i32
      %dma_wait3A_47 = tpu.memref_slice %arg14[%add3A_18, %dma_wait3A_46] : memref<10000x16xf32, #tpu.memory_space<vmem_shared>> -> memref<80x16xf32, #tpu.memory_space<vmem_shared>>
      tpu.wait_dma2 semaphore(%run_scoped3A : memref<!tpu.dma_semaphore, #tpu.memory_space<semaphore_mem>>) src(%arg12 : memref<80x16xf32, #tpu.memory_space<vmem>>) dst(%dma_wait3A_47 : memref<80x16xf32, #tpu.memory_space<vmem_shared>>)
      tpu.yield
    }) : () -> ()
    %add3A_19 = arith.constant 560 : i32
    %add3A_20 = arith.addi %mul3A_0, %add3A_19 : i32
    "tpu.region"() ({
      %run_scoped3A = tpu.sem_alloc : memref<!tpu.dma_semaphore, #tpu.memory_space<semaphore_mem>>
      %dma_start3A = arith.constant 0 : i32
      %dma_start3A_42 = arith.constant 0 : i32
      %dma_start3A_43 = tpu.memref_slice %arg12[%dma_start3A, %dma_start3A_42] : memref<80x16xf32, #tpu.memory_space<vmem>> -> memref<64x16xf32, #tpu.memory_space<vmem>>
      %dma_start3A_44 = arith.constant 0 : i32
      %dma_start3A_45 = tpu.memref_slice %arg14[%add3A_20, %dma_start3A_44] : memref<10000x16xf32, #tpu.memory_space<vmem_shared>> -> memref<64x16xf32, #tpu.memory_space<vmem_shared>>
      %dma_start3A_46 = arith.constant 0 : i32
      %dma_start3A_47 = tpu.memref_slice %arg14[%add3A_20, %dma_start3A_46] : memref<10000x16xf32, #tpu.memory_space<vmem_shared>> -> memref<64x16xf32, #tpu.memory_space<vmem_shared>>
      %dma_start3A_48 = arith.constant 0 : i32
      %dma_start3A_49 = arith.constant 0 : i32
      %dma_start3A_50 = tpu.memref_slice %arg12[%dma_start3A_48, %dma_start3A_49] : memref<80x16xf32, #tpu.memory_space<vmem>> -> memref<64x16xf32, #tpu.memory_space<vmem>>
      tpu.enqueue_dma source(%dma_start3A_50 : memref<64x16xf32, #tpu.memory_space<vmem>>) target(%dma_start3A_47 : memref<64x16xf32, #tpu.memory_space<vmem_shared>>) target_semaphore(%run_scoped3A : memref<!tpu.dma_semaphore, #tpu.memory_space<semaphore_mem>>)
      %dma_wait3A = arith.constant 0 : i32
      %dma_wait3A_51 = arith.constant 0 : i32
      %dma_wait3A_52 = tpu.memref_slice %arg12[%dma_wait3A, %dma_wait3A_51] : memref<80x16xf32, #tpu.memory_space<vmem>> -> memref<64x16xf32, #tpu.memory_space<vmem>>
      %dma_wait3A_53 = arith.constant 0 : i32
      %dma_wait3A_54 = tpu.memref_slice %arg14[%add3A_20, %dma_wait3A_53] : memref<10000x16xf32, #tpu.memory_space<vmem_shared>> -> memref<64x16xf32, #tpu.memory_space<vmem_shared>>
      %dma_wait3A_55 = arith.constant 0 : i32
      %dma_wait3A_56 = tpu.memref_slice %arg14[%add3A_20, %dma_wait3A_55] : memref<10000x16xf32, #tpu.memory_space<vmem_shared>> -> memref<64x16xf32, #tpu.memory_space<vmem_shared>>
      %dma_wait3A_57 = arith.constant 0 : i32
      %dma_wait3A_58 = arith.constant 0 : i32
      %dma_wait3A_59 = tpu.memref_slice %arg12[%dma_wait3A_57, %dma_wait3A_58] : memref<80x16xf32, #tpu.memory_space<vmem>> -> memref<64x16xf32, #tpu.memory_space<vmem>>
      tpu.wait_dma2 semaphore(%run_scoped3A : memref<!tpu.dma_semaphore, #tpu.memory_space<semaphore_mem>>) src(%dma_wait3A_59 : memref<64x16xf32, #tpu.memory_space<vmem>>) dst(%dma_wait3A_56 : memref<64x16xf32, #tpu.memory_space<vmem_shared>>)
      tpu.yield
    }) : () -> ()
    %eq3A = arith.constant 15 : i32
    %eq3A_21 = arith.cmpi eq, %arg1, %eq3A : i32
    %convert_element_type3A = arith.extui %eq3A_21 : i1 to i32
    %cond3A = arith.constant 0 : i32
    %cond3A_22 = arith.cmpi ne, %convert_element_type3A, %cond3A : i32
    scf.if %cond3A_22 {
      "tpu.region"() ({
        %run_scoped3A = tpu.sem_alloc : memref<!tpu.dma_semaphore, #tpu.memory_space<semaphore_mem>>
        %dma_start3A = arith.constant 0 : i32
        %dma_start3A_42 = arith.constant 0 : i32
        %dma_start3A_43 = tpu.memref_slice %arg12[%dma_start3A, %dma_start3A_42] : memref<80x16xf32, #tpu.memory_space<vmem>> -> memref<16x16xf32, #tpu.memory_space<vmem>>
        %dma_start3A_44 = arith.constant 9984 : i32
        %dma_start3A_45 = arith.constant 0 : i32
        %dma_start3A_46 = tpu.memref_slice %arg14[%dma_start3A_44, %dma_start3A_45] : memref<10000x16xf32, #tpu.memory_space<vmem_shared>> -> memref<16x16xf32, #tpu.memory_space<vmem_shared>>
        %dma_start3A_47 = arith.constant 9984 : i32
        %dma_start3A_48 = arith.constant 0 : i32
        %dma_start3A_49 = tpu.memref_slice %arg14[%dma_start3A_47, %dma_start3A_48] : memref<10000x16xf32, #tpu.memory_space<vmem_shared>> -> memref<16x16xf32, #tpu.memory_space<vmem_shared>>
        %dma_start3A_50 = arith.constant 0 : i32
        %dma_start3A_51 = arith.constant 0 : i32
        %dma_start3A_52 = tpu.memref_slice %arg12[%dma_start3A_50, %dma_start3A_51] : memref<80x16xf32, #tpu.memory_space<vmem>> -> memref<16x16xf32, #tpu.memory_space<vmem>>
        tpu.enqueue_dma source(%dma_start3A_52 : memref<16x16xf32, #tpu.memory_space<vmem>>) target(%dma_start3A_49 : memref<16x16xf32, #tpu.memory_space<vmem_shared>>) target_semaphore(%run_scoped3A : memref<!tpu.dma_semaphore, #tpu.memory_space<semaphore_mem>>)
        %dma_wait3A = arith.constant 0 : i32
        %dma_wait3A_53 = arith.constant 0 : i32
        %dma_wait3A_54 = tpu.memref_slice %arg12[%dma_wait3A, %dma_wait3A_53] : memref<80x16xf32, #tpu.memory_space<vmem>> -> memref<16x16xf32, #tpu.memory_space<vmem>>
        %dma_wait3A_55 = arith.constant 9984 : i32
        %dma_wait3A_56 = arith.constant 0 : i32
        %dma_wait3A_57 = tpu.memref_slice %arg14[%dma_wait3A_55, %dma_wait3A_56] : memref<10000x16xf32, #tpu.memory_space<vmem_shared>> -> memref<16x16xf32, #tpu.memory_space<vmem_shared>>
        %dma_wait3A_58 = arith.constant 9984 : i32
        %dma_wait3A_59 = arith.constant 0 : i32
        %dma_wait3A_60 = tpu.memref_slice %arg14[%dma_wait3A_58, %dma_wait3A_59] : memref<10000x16xf32, #tpu.memory_space<vmem_shared>> -> memref<16x16xf32, #tpu.memory_space<vmem_shared>>
        %dma_wait3A_61 = arith.constant 0 : i32
        %dma_wait3A_62 = arith.constant 0 : i32
        %dma_wait3A_63 = tpu.memref_slice %arg12[%dma_wait3A_61, %dma_wait3A_62] : memref<80x16xf32, #tpu.memory_space<vmem>> -> memref<16x16xf32, #tpu.memory_space<vmem>>
        tpu.wait_dma2 semaphore(%run_scoped3A : memref<!tpu.dma_semaphore, #tpu.memory_space<semaphore_mem>>) src(%dma_wait3A_63 : memref<16x16xf32, #tpu.memory_space<vmem>>) dst(%dma_wait3A_60 : memref<16x16xf32, #tpu.memory_space<vmem_shared>>)
        tpu.yield
      }) : () -> ()
    } else {
    }
    "tpu.region"() ({
      %run_scoped3A = tpu.sem_alloc : memref<!tpu.dma_semaphore, #tpu.memory_space<semaphore_mem>>
      tpu.enqueue_dma source(%arg3 : memref<128xf32, #tpu.memory_space<hbm>>) target(%arg13 : memref<128xf32, #tpu.memory_space<vmem>>) target_semaphore(%run_scoped3A : memref<!tpu.dma_semaphore, #tpu.memory_space<semaphore_mem>>)
      tpu.wait_dma2 semaphore(%run_scoped3A : memref<!tpu.dma_semaphore, #tpu.memory_space<semaphore_mem>>) src(%arg3 : memref<128xf32, #tpu.memory_space<hbm>>) dst(%arg13 : memref<128xf32, #tpu.memory_space<vmem>>)
      tpu.yield
    }) : () -> ()
    %barrier3A = arith.constant 0 : index
    tpu.barrier barrier_id(%barrier3A)
    %get3A = arith.constant 0 : index
    %get3A_23 = tpu.vector_load %arg13[%get3A] {strides = array<i32>} : memref<128xf32, #tpu.memory_space<vmem>>, vector<16xf32>,
    %get3A_24 = vector.shape_cast %get3A_23 : vector<16xf32> to vector<16xf32>
    %iota3A = tpu.iota {dimensions = array<i32: 0>} : vector<16xi32>
    %lt3A = arith.constant 4 : i32
    %lt3A_25 = vector.broadcast %lt3A : i32 to vector<16xi32>
    %lt3A_26 = arith.cmpi slt, %iota3A, %lt3A_25 : vector<16xi32>
    %add3A_27 = arith.constant 4 : i32
    %add3A_28 = vector.broadcast %add3A_27 : i32 to vector<16xi32>
    %add3A_29 = arith.addi %iota3A, %add3A_28 : vector<16xi32>
    %jit3A = arith.constant 8 : i32
    %broadcast_in_dim3A_30 = vector.broadcast %jit3A : i32 to vector<16xi32>
    %select_n3A = arith.select %lt3A_26, %add3A_29, %broadcast_in_dim3A_30 : vector<16xi1>, vector<16xi32>
    %scan3A_31 = arith.constant 0 : i32
    %scan3A_32 = arith.constant 125 : i32
    %scan3A_33 = arith.addi %scan3A_31, %scan3A_32 : i32
    %scan3A_34 = arith.constant 1 : i32
    scf.for %scan3A_42 = %scan3A_31 to %scan3A_33 step %scan3A_34  : i32 {
      %mul3A_43 = arith.constant 1 : i32
      %mul3A_44 = arith.muli %scan3A_42, %mul3A_43 : i32
      %add3A_45 = arith.constant 0 : i32
      %add3A_46 = arith.addi %add3A_45, %mul3A_44 : i32
      %mul3A_47 = arith.constant 160000 : i32
      %mul3A_48 = arith.muli %arg0, %mul3A_47 : i32
      %mul3A_49 = arith.constant 10000 : i32
      %mul3A_50 = arith.muli %arg1, %mul3A_49 : i32
      %add3A_51 = arith.addi %mul3A_48, %mul3A_50 : i32
      %mul3A_52 = arith.constant 80 : i32
      %mul3A_53 = arith.muli %add3A_46, %mul3A_52 : i32
      %add3A_54 = arith.addi %add3A_51, %mul3A_53 : i32
      "tpu.region"() ({
        %run_scoped3A = tpu.sem_alloc : memref<!tpu.dma_semaphore, #tpu.memory_space<semaphore_mem>>
        %dma_start3A_70 = tpu.memref_slice %arg4[%add3A_54] : memref<320000xi32, #tpu.memory_space<hbm>> -> memref<80xi32, #tpu.memory_space<hbm>>
        %dma_start3A_71 = tpu.memref_slice %arg4[%add3A_54] : memref<320000xi32, #tpu.memory_space<hbm>> -> memref<80xi32, #tpu.memory_space<hbm>>
        tpu.enqueue_dma source(%dma_start3A_71 : memref<80xi32, #tpu.memory_space<hbm>>) target(%arg8 : memref<80xi32, #tpu.memory_space<vmem>>) target_semaphore(%run_scoped3A : memref<!tpu.dma_semaphore, #tpu.memory_space<semaphore_mem>>)
        %dma_wait3A_72 = tpu.memref_slice %arg4[%add3A_54] : memref<320000xi32, #tpu.memory_space<hbm>> -> memref<80xi32, #tpu.memory_space<hbm>>
        %dma_wait3A_73 = tpu.memref_slice %arg4[%add3A_54] : memref<320000xi32, #tpu.memory_space<hbm>> -> memref<80xi32, #tpu.memory_space<hbm>>
        tpu.wait_dma2 semaphore(%run_scoped3A : memref<!tpu.dma_semaphore, #tpu.memory_space<semaphore_mem>>) src(%dma_wait3A_73 : memref<80xi32, #tpu.memory_space<hbm>>) dst(%arg8 : memref<80xi32, #tpu.memory_space<vmem>>)
        tpu.yield
      }) : () -> ()
      "tpu.region"() ({
        %run_scoped3A = tpu.sem_alloc : memref<!tpu.dma_semaphore, #tpu.memory_space<semaphore_mem>>
        %dma_start3A_70 = tpu.memref_slice %arg5[%add3A_54] : memref<320000xi32, #tpu.memory_space<hbm>> -> memref<80xi32, #tpu.memory_space<hbm>>
        %dma_start3A_71 = tpu.memref_slice %arg5[%add3A_54] : memref<320000xi32, #tpu.memory_space<hbm>> -> memref<80xi32, #tpu.memory_space<hbm>>
        tpu.enqueue_dma source(%dma_start3A_71 : memref<80xi32, #tpu.memory_space<hbm>>) target(%arg9 : memref<80xi32, #tpu.memory_space<vmem>>) target_semaphore(%run_scoped3A : memref<!tpu.dma_semaphore, #tpu.memory_space<semaphore_mem>>)
        %dma_wait3A_72 = tpu.memref_slice %arg5[%add3A_54] : memref<320000xi32, #tpu.memory_space<hbm>> -> memref<80xi32, #tpu.memory_space<hbm>>
        %dma_wait3A_73 = tpu.memref_slice %arg5[%add3A_54] : memref<320000xi32, #tpu.memory_space<hbm>> -> memref<80xi32, #tpu.memory_space<hbm>>
        tpu.wait_dma2 semaphore(%run_scoped3A : memref<!tpu.dma_semaphore, #tpu.memory_space<semaphore_mem>>) src(%dma_wait3A_73 : memref<80xi32, #tpu.memory_space<hbm>>) dst(%arg9 : memref<80xi32, #tpu.memory_space<vmem>>)
        tpu.yield
      }) : () -> ()
      %dma_start3A = arith.constant 0 : i32
      %dma_start3A_55 = arith.constant 0 : i32
      %dma_start3A_56 = tpu.memref_slice %arg2[%dma_start3A, %dma_start3A_55] : memref<10000x128xf32, #tpu.memory_space<hbm>> -> memref<10000x128xf32, #tpu.memory_space<hbm>>
      tpu.enqueue_indirect_dma source(%dma_start3A_56 : memref<10000x128xf32, #tpu.memory_space<hbm>>) target(%arg10 : memref<80x128xf32, #tpu.memory_space<vmem>>) offsets(%arg8 : memref<80xi32, #tpu.memory_space<vmem>>) semaphore(%arg15 : memref<!tpu.dma_semaphore, #tpu.memory_space<semaphore_mem>>)
      %dma_start3A_57 = arith.constant 0 : i32
      %dma_start3A_58 = arith.constant 0 : i32
      %dma_start3A_59 = tpu.memref_slice %arg2[%dma_start3A_57, %dma_start3A_58] : memref<10000x128xf32, #tpu.memory_space<hbm>> -> memref<10000x128xf32, #tpu.memory_space<hbm>>
      tpu.enqueue_indirect_dma source(%dma_start3A_59 : memref<10000x128xf32, #tpu.memory_space<hbm>>) target(%arg11 : memref<80x128xf32, #tpu.memory_space<vmem>>) offsets(%arg9 : memref<80xi32, #tpu.memory_space<vmem>>) semaphore(%arg15 : memref<!tpu.dma_semaphore, #tpu.memory_space<semaphore_mem>>)
      %dma_wait3A = arith.constant 0 : i32
      %dma_wait3A_60 = arith.constant 0 : i32
      %dma_wait3A_61 = tpu.memref_slice %arg2[%dma_wait3A, %dma_wait3A_60] : memref<10000x128xf32, #tpu.memory_space<hbm>> -> memref<10000x128xf32, #tpu.memory_space<hbm>>
      tpu.wait_indirect_dma semaphore(%arg15 : memref<!tpu.dma_semaphore, #tpu.memory_space<semaphore_mem>>) src(%dma_wait3A_61 : memref<10000x128xf32, #tpu.memory_space<hbm>>) dst(%arg10 : memref<80x128xf32, #tpu.memory_space<vmem>>)
      %dma_wait3A_62 = arith.constant 0 : i32
      %dma_wait3A_63 = arith.constant 0 : i32
      %dma_wait3A_64 = tpu.memref_slice %arg2[%dma_wait3A_62, %dma_wait3A_63] : memref<10000x128xf32, #tpu.memory_space<hbm>> -> memref<10000x128xf32, #tpu.memory_space<hbm>>
      tpu.wait_indirect_dma semaphore(%arg15 : memref<!tpu.dma_semaphore, #tpu.memory_space<semaphore_mem>>) src(%dma_wait3A_64 : memref<10000x128xf32, #tpu.memory_space<hbm>>) dst(%arg11 : memref<80x128xf32, #tpu.memory_space<vmem>>)
      %scan3A_65 = arith.constant 0 : i32
      %scan3A_66 = arith.constant 80 : i32
      %scan3A_67 = arith.addi %scan3A_65, %scan3A_66 : i32
      %scan3A_68 = arith.constant 1 : i32
      scf.for %scan3A_70 = %scan3A_65 to %scan3A_67 step %scan3A_68  : i32 {
        %mul3A_71 = arith.constant 1 : i32
        %mul3A_72 = arith.muli %scan3A_70, %mul3A_71 : i32
        %add3A_73 = arith.constant 0 : i32
        %add3A_74 = arith.addi %add3A_73, %mul3A_72 : i32
        %get3A_75 = arith.index_cast %add3A_74 : i32 to index
        %get3A_76 = arith.constant 0 : index
        %get3A_77 = tpu.vector_load %arg10[%get3A_75, %get3A_76] {strides = array<i32>} : memref<80x128xf32, #tpu.memory_space<vmem>>, vector<1x16xf32>,
        %get3A_78 = vector.shape_cast %get3A_77 : vector<1x16xf32> to vector<16xf32>
        %get3A_79 = arith.index_cast %add3A_74 : i32 to index
        %get3A_80 = arith.constant 0 : index
        %get3A_81 = tpu.vector_load %arg11[%get3A_79, %get3A_80] {strides = array<i32>} : memref<80x128xf32, #tpu.memory_space<vmem>>, vector<1x16xf32>,
        %get3A_82 = vector.shape_cast %get3A_81 : vector<1x16xf32> to vector<16xf32>
        %reshape3A = vector.shape_cast %select_n3A : vector<16xi32> to vector<16x1xi32>
        %gather3A = vector.shape_cast %reshape3A : vector<16x1xi32> to vector<16xi32>
        %gather3A_83 = tpu.dynamic_gather %get3A_82[%gather3A] in [0] : vector<16xf32>, vector<16xi32> -> vector<16xf32>
        %add3A_84 = arith.addf %get3A_78, %gather3A_83 : vector<16xf32>
        %mul3A_85 = arith.constant 2.000000e-01 : f32
        %mul3A_86 = vector.broadcast %mul3A_85 : f32 to vector<16xf32>
        %mul3A_87 = arith.mulf %mul3A_86, %add3A_84 : vector<16xf32>
        %max3A = arith.maximumf %add3A_84, %mul3A_87 : vector<16xf32>
        %sub3A = arith.subf %max3A, %get3A_24 : vector<16xf32>
        %exp3A = math.exp %sub3A : vector<16xf32>
        %swap3A = arith.index_cast %add3A_74 : i32 to index
        %swap3A_88 = arith.constant 0 : index
        %swap3A_89 = tpu.vector_load %arg12[%swap3A, %swap3A_88] {strides = array<i32>} : memref<80x16xf32, #tpu.memory_space<vmem>>, vector<1x16xf32>,
        %swap3A_90 = vector.shape_cast %swap3A_89 : vector<1x16xf32> to vector<16xf32>
        %swap3A_91 = vector.shape_cast %exp3A : vector<16xf32> to vector<1x16xf32>
        tpu.vector_store %arg12[%swap3A, %swap3A_88], %swap3A_91 {strides = array<i32>} : memref<80x16xf32, #tpu.memory_space<vmem>>, vector<1x16xf32>,
      }
      %scan3A_69 = arith.constant 80 : i32
      "tpu.region"() ({
        %run_scoped3A = tpu.sem_alloc : memref<!tpu.dma_semaphore, #tpu.memory_space<semaphore_mem>>
        %dma_start3A_70 = arith.constant 0 : i32
        %dma_start3A_71 = arith.constant 0 : i32
        %dma_start3A_72 = tpu.memref_slice %arg14[%dma_start3A_70, %dma_start3A_71] : memref<10000x16xf32, #tpu.memory_space<vmem_shared>> -> memref<10000x16xf32, #tpu.memory_space<vmem_shared>>
        tpu.enqueue_indirect_dma source(%arg12 : memref<80x16xf32, #tpu.memory_space<vmem>>) target(%dma_start3A_72 : memref<10000x16xf32, #tpu.memory_space<vmem_shared>>) offsets(%arg9 : memref<80xi32, #tpu.memory_space<vmem>>) semaphore(%run_scoped3A : memref<!tpu.dma_semaphore, #tpu.memory_space<semaphore_mem>>) {add = true}
        %dma_wait3A_73 = arith.constant 0 : i32
        %dma_wait3A_74 = arith.constant 0 : i32
        %dma_wait3A_75 = tpu.memref_slice %arg14[%dma_wait3A_73, %dma_wait3A_74] : memref<10000x16xf32, #tpu.memory_space<vmem_shared>> -> memref<10000x16xf32, #tpu.memory_space<vmem_shared>>
        tpu.wait_indirect_dma semaphore(%run_scoped3A : memref<!tpu.dma_semaphore, #tpu.memory_space<semaphore_mem>>) src(%arg12 : memref<80x16xf32, #tpu.memory_space<vmem>>) dst(%dma_wait3A_75 : memref<10000x16xf32, #tpu.memory_space<vmem_shared>>)
        tpu.yield
      }) : () -> ()
      "tpu.region"() ({
        %run_scoped3A = tpu.sem_alloc : memref<!tpu.dma_semaphore, #tpu.memory_space<semaphore_mem>>
        %dma_start3A_70 = arith.constant 0 : i32
        %dma_start3A_71 = tpu.memref_slice %arg7[%add3A_54, %dma_start3A_70] : memref<320000x16xf32, #tpu.memory_space<hbm>> -> memref<80x16xf32, #tpu.memory_space<hbm>>
        %dma_start3A_72 = arith.constant 0 : i32
        %dma_start3A_73 = tpu.memref_slice %arg7[%add3A_54, %dma_start3A_72] : memref<320000x16xf32, #tpu.memory_space<hbm>> -> memref<80x16xf32, #tpu.memory_space<hbm>>
        tpu.enqueue_dma source(%arg12 : memref<80x16xf32, #tpu.memory_space<vmem>>) target(%dma_start3A_73 : memref<80x16xf32, #tpu.memory_space<hbm>>) target_semaphore(%run_scoped3A : memref<!tpu.dma_semaphore, #tpu.memory_space<semaphore_mem>>)
        %dma_wait3A_74 = arith.constant 0 : i32
        %dma_wait3A_75 = tpu.memref_slice %arg7[%add3A_54, %dma_wait3A_74] : memref<320000x16xf32, #tpu.memory_space<hbm>> -> memref<80x16xf32, #tpu.memory_space<hbm>>
        %dma_wait3A_76 = arith.constant 0 : i32
        %dma_wait3A_77 = tpu.memref_slice %arg7[%add3A_54, %dma_wait3A_76] : memref<320000x16xf32, #tpu.memory_space<hbm>> -> memref<80x16xf32, #tpu.memory_space<hbm>>
        tpu.wait_dma2 semaphore(%run_scoped3A : memref<!tpu.dma_semaphore, #tpu.memory_space<semaphore_mem>>) src(%arg12 : memref<80x16xf32, #tpu.memory_space<vmem>>) dst(%dma_wait3A_77 : memref<80x16xf32, #tpu.memory_space<hbm>>)
        tpu.yield
      }) : () -> ()
    }
    %scan3A_35 = arith.constant 125 : i32
    %barrier3A_36 = arith.constant 0 : index
    tpu.barrier barrier_id(%barrier3A_36)
    "tpu.region"() ({
      %run_scoped3A = tpu.sem_alloc : memref<!tpu.dma_semaphore, #tpu.memory_space<semaphore_mem>>
      %dma_start3A = arith.constant 0 : i32
      %dma_start3A_42 = tpu.memref_slice %arg6[%arg0, %mul3A_0, %dma_start3A] : memref<2x10000x16xf32, #tpu.memory_space<hbm>> -> memref<1x624x16xf32, #tpu.memory_space<hbm>>
      %dma_start3A_43 = tpu.memref_squeeze %dma_start3A_42 : memref<1x624x16xf32, #tpu.memory_space<hbm>> -> memref<624x16xf32, #tpu.memory_space<hbm>>
      %dma_start3A_44 = arith.constant 0 : i32
      %dma_start3A_45 = tpu.memref_slice %arg14[%mul3A_0, %dma_start3A_44] : memref<10000x16xf32, #tpu.memory_space<vmem_shared>> -> memref<624x16xf32, #tpu.memory_space<vmem_shared>>
      tpu.enqueue_dma source(%dma_start3A_45 : memref<624x16xf32, #tpu.memory_space<vmem_shared>>) target(%dma_start3A_43 : memref<624x16xf32, #tpu.memory_space<hbm>>) target_semaphore(%run_scoped3A : memref<!tpu.dma_semaphore, #tpu.memory_space<semaphore_mem>>)
      %dma_wait3A = arith.constant 0 : i32
      %dma_wait3A_46 = tpu.memref_slice %arg6[%arg0, %mul3A_0, %dma_wait3A] : memref<2x10000x16xf32, #tpu.memory_space<hbm>> -> memref<1x624x16xf32, #tpu.memory_space<hbm>>
      %dma_wait3A_47 = tpu.memref_squeeze %dma_wait3A_46 : memref<1x624x16xf32, #tpu.memory_space<hbm>> -> memref<624x16xf32, #tpu.memory_space<hbm>>
      %dma_wait3A_48 = arith.constant 0 : i32
      %dma_wait3A_49 = tpu.memref_slice %arg14[%mul3A_0, %dma_wait3A_48] : memref<10000x16xf32, #tpu.memory_space<vmem_shared>> -> memref<624x16xf32, #tpu.memory_space<vmem_shared>>
      tpu.wait_dma2 semaphore(%run_scoped3A : memref<!tpu.dma_semaphore, #tpu.memory_space<semaphore_mem>>) src(%dma_wait3A_49 : memref<624x16xf32, #tpu.memory_space<vmem_shared>>) dst(%dma_wait3A_47 : memref<624x16xf32, #tpu.memory_space<hbm>>)
      tpu.yield
    }) : () -> ()
    %eq3A_37 = arith.constant 15 : i32
    %eq3A_38 = arith.cmpi eq, %arg1, %eq3A_37 : i32
    %convert_element_type3A_39 = arith.extui %eq3A_38 : i1 to i32
    %cond3A_40 = arith.constant 0 : i32
    %cond3A_41 = arith.cmpi ne, %convert_element_type3A_39, %cond3A_40 : i32
    scf.if %cond3A_41 {
      "tpu.region"() ({
        %run_scoped3A = tpu.sem_alloc : memref<!tpu.dma_semaphore, #tpu.memory_space<semaphore_mem>>
        %dma_start3A = arith.constant 9984 : i32
        %dma_start3A_42 = arith.constant 0 : i32
        %dma_start3A_43 = tpu.memref_slice %arg6[%arg0, %dma_start3A, %dma_start3A_42] : memref<2x10000x16xf32, #tpu.memory_space<hbm>> -> memref<1x16x16xf32, #tpu.memory_space<hbm>>
        %dma_start3A_44 = tpu.memref_squeeze %dma_start3A_43 : memref<1x16x16xf32, #tpu.memory_space<hbm>> -> memref<16x16xf32, #tpu.memory_space<hbm>>
        %dma_start3A_45 = arith.constant 9984 : i32
        %dma_start3A_46 = arith.constant 0 : i32
        %dma_start3A_47 = tpu.memref_slice %arg14[%dma_start3A_45, %dma_start3A_46] : memref<10000x16xf32, #tpu.memory_space<vmem_shared>> -> memref<16x16xf32, #tpu.memory_space<vmem_shared>>
        tpu.enqueue_dma source(%dma_start3A_47 : memref<16x16xf32, #tpu.memory_space<vmem_shared>>) target(%dma_start3A_44 : memref<16x16xf32, #tpu.memory_space<hbm>>) target_semaphore(%run_scoped3A : memref<!tpu.dma_semaphore, #tpu.memory_space<semaphore_mem>>)
        %dma_wait3A = arith.constant 9984 : i32
        %dma_wait3A_48 = arith.constant 0 : i32
        %dma_wait3A_49 = tpu.memref_slice %arg6[%arg0, %dma_wait3A, %dma_wait3A_48] : memref<2x10000x16xf32, #tpu.memory_space<hbm>> -> memref<1x16x16xf32, #tpu.memory_space<hbm>>
        %dma_wait3A_50 = tpu.memref_squeeze %dma_wait3A_49 : memref<1x16x16xf32, #tpu.memory_space<hbm>> -> memref<16x16xf32, #tpu.memory_space<hbm>>
        %dma_wait3A_51 = arith.constant 9984 : i32
        %dma_wait3A_52 = arith.constant 0 : i32
        %dma_wait3A_53 = tpu.memref_slice %arg14[%dma_wait3A_51, %dma_wait3A_52] : memref<10000x16xf32, #tpu.memory_space<vmem_shared>> -> memref<16x16xf32, #tpu.memory_space<vmem_shared>>
        tpu.wait_dma2 semaphore(%run_scoped3A : memref<!tpu.dma_semaphore, #tpu.memory_space<semaphore_mem>>) src(%dma_wait3A_53 : memref<16x16xf32, #tpu.memory_space<vmem_shared>>) dst(%dma_wait3A_50 : memref<16x16xf32, #tpu.memory_space<hbm>>)
        tpu.yield
      }) : () -> ()
    } else {
    }
    return
  }
}

#map = affine_map<(d0, d1) -> (0, 0)>
#map1 = affine_map<(d0, d1) -> (0)>
#map2 = affine_map<(d0, d1) -> (0, 0, 0)>
module attributes {stable_mosaic.version = 14 : i64} {
  func.func @gatw(%arg0: i32, %arg1: i32, %arg2: memref<10000x128xf32, #tpu.memory_space<hbm>>, %arg3: memref<320000x16xf32, #tpu.memory_space<hbm>>, %arg4: memref<320000xi32, #tpu.memory_space<hbm>>, %arg5: memref<320000xi32, #tpu.memory_space<hbm>>, %arg6: memref<2x10000x128xf32, #tpu.memory_space<hbm>>, %arg7: memref<80xi32, #tpu.memory_space<vmem>>, %arg8: memref<80xi32, #tpu.memory_space<vmem>>, %arg9: memref<80x128xf32, #tpu.memory_space<vmem>>, %arg10: memref<80x16xf32, #tpu.memory_space<vmem>>, %arg11: memref<10000x128xf32, #tpu.memory_space<vmem_shared>>, %arg12: memref<!tpu.dma_semaphore, #tpu.memory_space<semaphore_mem>>) attributes {dimension_semantics = [#tpu.dimension_semantics<core_parallel>, #tpu.dimension_semantics<subcore_parallel>], iteration_bounds = array<i64: 2, 16>, scalar_prefetch = 0 : i64, scratch_operands = 6 : i64, tpu.core_type = #tpu.core_type<sc_vector_subcore>, window_params = [{transform_indices = #map}, {transform_indices = #map}, {transform_indices = #map1}, {transform_indices = #map1}, {transform_indices = #map2}]} {
    %mul3A = arith.constant 624 : i32
    %mul3A_0 = arith.muli %arg1, %mul3A : i32
    %broadcast_in_dim3A = arith.constant 0.000000e+00 : f32
    %broadcast_in_dim3A_1 = vector.broadcast %broadcast_in_dim3A : f32 to vector<16xf32>
    %scan3A = arith.constant 0 : i32
    %scan3A_2 = arith.constant 80 : i32
    %scan3A_3 = arith.addi %scan3A, %scan3A_2 : i32
    %scan3A_4 = arith.constant 1 : i32
    scf.for %scan3A_37 = %scan3A to %scan3A_3 step %scan3A_4  : i32 {
      %mul3A_38 = arith.constant 1 : i32
      %mul3A_39 = arith.muli %scan3A_37, %mul3A_38 : i32
      %add3A_40 = arith.constant 0 : i32
      %add3A_41 = arith.addi %add3A_40, %mul3A_39 : i32
      %swap3A = arith.index_cast %add3A_41 : i32 to index
      %swap3A_42 = arith.constant 0 : index
      %swap3A_43 = tpu.vector_load %arg9[%swap3A, %swap3A_42] {strides = array<i32>} : memref<80x128xf32, #tpu.memory_space<vmem>>, vector<1x16xf32>,
      %swap3A_44 = vector.shape_cast %swap3A_43 : vector<1x16xf32> to vector<16xf32>
      %swap3A_45 = vector.shape_cast %broadcast_in_dim3A_1 : vector<16xf32> to vector<1x16xf32>
      tpu.vector_store %arg9[%swap3A, %swap3A_42], %swap3A_45 {strides = array<i32>} : memref<80x128xf32, #tpu.memory_space<vmem>>, vector<1x16xf32>,
      %swap3A_46 = arith.index_cast %add3A_41 : i32 to index
      %swap3A_47 = arith.constant 16 : index
      %swap3A_48 = tpu.vector_load %arg9[%swap3A_46, %swap3A_47] {strides = array<i32>} : memref<80x128xf32, #tpu.memory_space<vmem>>, vector<1x16xf32>,
      %swap3A_49 = vector.shape_cast %swap3A_48 : vector<1x16xf32> to vector<16xf32>
      %swap3A_50 = vector.shape_cast %broadcast_in_dim3A_1 : vector<16xf32> to vector<1x16xf32>
      tpu.vector_store %arg9[%swap3A_46, %swap3A_47], %swap3A_50 {strides = array<i32>} : memref<80x128xf32, #tpu.memory_space<vmem>>, vector<1x16xf32>,
      %swap3A_51 = arith.index_cast %add3A_41 : i32 to index
      %swap3A_52 = arith.constant 32 : index
      %swap3A_53 = tpu.vector_load %arg9[%swap3A_51, %swap3A_52] {strides = array<i32>} : memref<80x128xf32, #tpu.memory_space<vmem>>, vector<1x16xf32>,
      %swap3A_54 = vector.shape_cast %swap3A_53 : vector<1x16xf32> to vector<16xf32>
      %swap3A_55 = vector.shape_cast %broadcast_in_dim3A_1 : vector<16xf32> to vector<1x16xf32>
      tpu.vector_store %arg9[%swap3A_51, %swap3A_52], %swap3A_55 {strides = array<i32>} : memref<80x128xf32, #tpu.memory_space<vmem>>, vector<1x16xf32>,
      %swap3A_56 = arith.index_cast %add3A_41 : i32 to index
      %swap3A_57 = arith.constant 48 : index
      %swap3A_58 = tpu.vector_load %arg9[%swap3A_56, %swap3A_57] {strides = array<i32>} : memref<80x128xf32, #tpu.memory_space<vmem>>, vector<1x16xf32>,
      %swap3A_59 = vector.shape_cast %swap3A_58 : vector<1x16xf32> to vector<16xf32>
      %swap3A_60 = vector.shape_cast %broadcast_in_dim3A_1 : vector<16xf32> to vector<1x16xf32>
      tpu.vector_store %arg9[%swap3A_56, %swap3A_57], %swap3A_60 {strides = array<i32>} : memref<80x128xf32, #tpu.memory_space<vmem>>, vector<1x16xf32>,
      %swap3A_61 = arith.index_cast %add3A_41 : i32 to index
      %swap3A_62 = arith.constant 64 : index
      %swap3A_63 = tpu.vector_load %arg9[%swap3A_61, %swap3A_62] {strides = array<i32>} : memref<80x128xf32, #tpu.memory_space<vmem>>, vector<1x16xf32>,
      %swap3A_64 = vector.shape_cast %swap3A_63 : vector<1x16xf32> to vector<16xf32>
      %swap3A_65 = vector.shape_cast %broadcast_in_dim3A_1 : vector<16xf32> to vector<1x16xf32>
      tpu.vector_store %arg9[%swap3A_61, %swap3A_62], %swap3A_65 {strides = array<i32>} : memref<80x128xf32, #tpu.memory_space<vmem>>, vector<1x16xf32>,
      %swap3A_66 = arith.index_cast %add3A_41 : i32 to index
      %swap3A_67 = arith.constant 80 : index
      %swap3A_68 = tpu.vector_load %arg9[%swap3A_66, %swap3A_67] {strides = array<i32>} : memref<80x128xf32, #tpu.memory_space<vmem>>, vector<1x16xf32>,
      %swap3A_69 = vector.shape_cast %swap3A_68 : vector<1x16xf32> to vector<16xf32>
      %swap3A_70 = vector.shape_cast %broadcast_in_dim3A_1 : vector<16xf32> to vector<1x16xf32>
      tpu.vector_store %arg9[%swap3A_66, %swap3A_67], %swap3A_70 {strides = array<i32>} : memref<80x128xf32, #tpu.memory_space<vmem>>, vector<1x16xf32>,
      %swap3A_71 = arith.index_cast %add3A_41 : i32 to index
      %swap3A_72 = arith.constant 96 : index
      %swap3A_73 = tpu.vector_load %arg9[%swap3A_71, %swap3A_72] {strides = array<i32>} : memref<80x128xf32, #tpu.memory_space<vmem>>, vector<1x16xf32>,
      %swap3A_74 = vector.shape_cast %swap3A_73 : vector<1x16xf32> to vector<16xf32>
      %swap3A_75 = vector.shape_cast %broadcast_in_dim3A_1 : vector<16xf32> to vector<1x16xf32>
      tpu.vector_store %arg9[%swap3A_71, %swap3A_72], %swap3A_75 {strides = array<i32>} : memref<80x128xf32, #tpu.memory_space<vmem>>, vector<1x16xf32>,
      %swap3A_76 = arith.index_cast %add3A_41 : i32 to index
      %swap3A_77 = arith.constant 112 : index
      %swap3A_78 = tpu.vector_load %arg9[%swap3A_76, %swap3A_77] {strides = array<i32>} : memref<80x128xf32, #tpu.memory_space<vmem>>, vector<1x16xf32>,
      %swap3A_79 = vector.shape_cast %swap3A_78 : vector<1x16xf32> to vector<16xf32>
      %swap3A_80 = vector.shape_cast %broadcast_in_dim3A_1 : vector<16xf32> to vector<1x16xf32>
      tpu.vector_store %arg9[%swap3A_76, %swap3A_77], %swap3A_80 {strides = array<i32>} : memref<80x128xf32, #tpu.memory_space<vmem>>, vector<1x16xf32>,
    }
    %scan3A_5 = arith.constant 80 : i32
    %add3A = arith.constant 0 : i32
    %add3A_6 = arith.addi %mul3A_0, %add3A : i32
    "tpu.region"() ({
      %run_scoped3A = tpu.sem_alloc : memref<!tpu.dma_semaphore, #tpu.memory_space<semaphore_mem>>
      %dma_start3A = arith.constant 0 : i32
      %dma_start3A_37 = tpu.memref_slice %arg11[%add3A_6, %dma_start3A] : memref<10000x128xf32, #tpu.memory_space<vmem_shared>> -> memref<80x128xf32, #tpu.memory_space<vmem_shared>>
      %dma_start3A_38 = arith.constant 0 : i32
      %dma_start3A_39 = tpu.memref_slice %arg11[%add3A_6, %dma_start3A_38] : memref<10000x128xf32, #tpu.memory_space<vmem_shared>> -> memref<80x128xf32, #tpu.memory_space<vmem_shared>>
      tpu.enqueue_dma source(%arg9 : memref<80x128xf32, #tpu.memory_space<vmem>>) target(%dma_start3A_39 : memref<80x128xf32, #tpu.memory_space<vmem_shared>>) target_semaphore(%run_scoped3A : memref<!tpu.dma_semaphore, #tpu.memory_space<semaphore_mem>>)
      %dma_wait3A = arith.constant 0 : i32
      %dma_wait3A_40 = tpu.memref_slice %arg11[%add3A_6, %dma_wait3A] : memref<10000x128xf32, #tpu.memory_space<vmem_shared>> -> memref<80x128xf32, #tpu.memory_space<vmem_shared>>
      %dma_wait3A_41 = arith.constant 0 : i32
      %dma_wait3A_42 = tpu.memref_slice %arg11[%add3A_6, %dma_wait3A_41] : memref<10000x128xf32, #tpu.memory_space<vmem_shared>> -> memref<80x128xf32, #tpu.memory_space<vmem_shared>>
      tpu.wait_dma2 semaphore(%run_scoped3A : memref<!tpu.dma_semaphore, #tpu.memory_space<semaphore_mem>>) src(%arg9 : memref<80x128xf32, #tpu.memory_space<vmem>>) dst(%dma_wait3A_42 : memref<80x128xf32, #tpu.memory_space<vmem_shared>>)
      tpu.yield
    }) : () -> ()
    %add3A_7 = arith.constant 80 : i32
    %add3A_8 = arith.addi %mul3A_0, %add3A_7 : i32
    "tpu.region"() ({
      %run_scoped3A = tpu.sem_alloc : memref<!tpu.dma_semaphore, #tpu.memory_space<semaphore_mem>>
      %dma_start3A = arith.constant 0 : i32
      %dma_start3A_37 = tpu.memref_slice %arg11[%add3A_8, %dma_start3A] : memref<10000x128xf32, #tpu.memory_space<vmem_shared>> -> memref<80x128xf32, #tpu.memory_space<vmem_shared>>
      %dma_start3A_38 = arith.constant 0 : i32
      %dma_start3A_39 = tpu.memref_slice %arg11[%add3A_8, %dma_start3A_38] : memref<10000x128xf32, #tpu.memory_space<vmem_shared>> -> memref<80x128xf32, #tpu.memory_space<vmem_shared>>
      tpu.enqueue_dma source(%arg9 : memref<80x128xf32, #tpu.memory_space<vmem>>) target(%dma_start3A_39 : memref<80x128xf32, #tpu.memory_space<vmem_shared>>) target_semaphore(%run_scoped3A : memref<!tpu.dma_semaphore, #tpu.memory_space<semaphore_mem>>)
      %dma_wait3A = arith.constant 0 : i32
      %dma_wait3A_40 = tpu.memref_slice %arg11[%add3A_8, %dma_wait3A] : memref<10000x128xf32, #tpu.memory_space<vmem_shared>> -> memref<80x128xf32, #tpu.memory_space<vmem_shared>>
      %dma_wait3A_41 = arith.constant 0 : i32
      %dma_wait3A_42 = tpu.memref_slice %arg11[%add3A_8, %dma_wait3A_41] : memref<10000x128xf32, #tpu.memory_space<vmem_shared>> -> memref<80x128xf32, #tpu.memory_space<vmem_shared>>
      tpu.wait_dma2 semaphore(%run_scoped3A : memref<!tpu.dma_semaphore, #tpu.memory_space<semaphore_mem>>) src(%arg9 : memref<80x128xf32, #tpu.memory_space<vmem>>) dst(%dma_wait3A_42 : memref<80x128xf32, #tpu.memory_space<vmem_shared>>)
      tpu.yield
    }) : () -> ()
    %add3A_9 = arith.constant 160 : i32
    %add3A_10 = arith.addi %mul3A_0, %add3A_9 : i32
    "tpu.region"() ({
      %run_scoped3A = tpu.sem_alloc : memref<!tpu.dma_semaphore, #tpu.memory_space<semaphore_mem>>
      %dma_start3A = arith.constant 0 : i32
      %dma_start3A_37 = tpu.memref_slice %arg11[%add3A_10, %dma_start3A] : memref<10000x128xf32, #tpu.memory_space<vmem_shared>> -> memref<80x128xf32, #tpu.memory_space<vmem_shared>>
      %dma_start3A_38 = arith.constant 0 : i32
      %dma_start3A_39 = tpu.memref_slice %arg11[%add3A_10, %dma_start3A_38] : memref<10000x128xf32, #tpu.memory_space<vmem_shared>> -> memref<80x128xf32, #tpu.memory_space<vmem_shared>>
      tpu.enqueue_dma source(%arg9 : memref<80x128xf32, #tpu.memory_space<vmem>>) target(%dma_start3A_39 : memref<80x128xf32, #tpu.memory_space<vmem_shared>>) target_semaphore(%run_scoped3A : memref<!tpu.dma_semaphore, #tpu.memory_space<semaphore_mem>>)
      %dma_wait3A = arith.constant 0 : i32
      %dma_wait3A_40 = tpu.memref_slice %arg11[%add3A_10, %dma_wait3A] : memref<10000x128xf32, #tpu.memory_space<vmem_shared>> -> memref<80x128xf32, #tpu.memory_space<vmem_shared>>
      %dma_wait3A_41 = arith.constant 0 : i32
      %dma_wait3A_42 = tpu.memref_slice %arg11[%add3A_10, %dma_wait3A_41] : memref<10000x128xf32, #tpu.memory_space<vmem_shared>> -> memref<80x128xf32, #tpu.memory_space<vmem_shared>>
      tpu.wait_dma2 semaphore(%run_scoped3A : memref<!tpu.dma_semaphore, #tpu.memory_space<semaphore_mem>>) src(%arg9 : memref<80x128xf32, #tpu.memory_space<vmem>>) dst(%dma_wait3A_42 : memref<80x128xf32, #tpu.memory_space<vmem_shared>>)
      tpu.yield
    }) : () -> ()
    %add3A_11 = arith.constant 240 : i32
    %add3A_12 = arith.addi %mul3A_0, %add3A_11 : i32
    "tpu.region"() ({
      %run_scoped3A = tpu.sem_alloc : memref<!tpu.dma_semaphore, #tpu.memory_space<semaphore_mem>>
      %dma_start3A = arith.constant 0 : i32
      %dma_start3A_37 = tpu.memref_slice %arg11[%add3A_12, %dma_start3A] : memref<10000x128xf32, #tpu.memory_space<vmem_shared>> -> memref<80x128xf32, #tpu.memory_space<vmem_shared>>
      %dma_start3A_38 = arith.constant 0 : i32
      %dma_start3A_39 = tpu.memref_slice %arg11[%add3A_12, %dma_start3A_38] : memref<10000x128xf32, #tpu.memory_space<vmem_shared>> -> memref<80x128xf32, #tpu.memory_space<vmem_shared>>
      tpu.enqueue_dma source(%arg9 : memref<80x128xf32, #tpu.memory_space<vmem>>) target(%dma_start3A_39 : memref<80x128xf32, #tpu.memory_space<vmem_shared>>) target_semaphore(%run_scoped3A : memref<!tpu.dma_semaphore, #tpu.memory_space<semaphore_mem>>)
      %dma_wait3A = arith.constant 0 : i32
      %dma_wait3A_40 = tpu.memref_slice %arg11[%add3A_12, %dma_wait3A] : memref<10000x128xf32, #tpu.memory_space<vmem_shared>> -> memref<80x128xf32, #tpu.memory_space<vmem_shared>>
      %dma_wait3A_41 = arith.constant 0 : i32
      %dma_wait3A_42 = tpu.memref_slice %arg11[%add3A_12, %dma_wait3A_41] : memref<10000x128xf32, #tpu.memory_space<vmem_shared>> -> memref<80x128xf32, #tpu.memory_space<vmem_shared>>
      tpu.wait_dma2 semaphore(%run_scoped3A : memref<!tpu.dma_semaphore, #tpu.memory_space<semaphore_mem>>) src(%arg9 : memref<80x128xf32, #tpu.memory_space<vmem>>) dst(%dma_wait3A_42 : memref<80x128xf32, #tpu.memory_space<vmem_shared>>)
      tpu.yield
    }) : () -> ()
    %add3A_13 = arith.constant 320 : i32
    %add3A_14 = arith.addi %mul3A_0, %add3A_13 : i32
    "tpu.region"() ({
      %run_scoped3A = tpu.sem_alloc : memref<!tpu.dma_semaphore, #tpu.memory_space<semaphore_mem>>
      %dma_start3A = arith.constant 0 : i32
      %dma_start3A_37 = tpu.memref_slice %arg11[%add3A_14, %dma_start3A] : memref<10000x128xf32, #tpu.memory_space<vmem_shared>> -> memref<80x128xf32, #tpu.memory_space<vmem_shared>>
      %dma_start3A_38 = arith.constant 0 : i32
      %dma_start3A_39 = tpu.memref_slice %arg11[%add3A_14, %dma_start3A_38] : memref<10000x128xf32, #tpu.memory_space<vmem_shared>> -> memref<80x128xf32, #tpu.memory_space<vmem_shared>>
      tpu.enqueue_dma source(%arg9 : memref<80x128xf32, #tpu.memory_space<vmem>>) target(%dma_start3A_39 : memref<80x128xf32, #tpu.memory_space<vmem_shared>>) target_semaphore(%run_scoped3A : memref<!tpu.dma_semaphore, #tpu.memory_space<semaphore_mem>>)
      %dma_wait3A = arith.constant 0 : i32
      %dma_wait3A_40 = tpu.memref_slice %arg11[%add3A_14, %dma_wait3A] : memref<10000x128xf32, #tpu.memory_space<vmem_shared>> -> memref<80x128xf32, #tpu.memory_space<vmem_shared>>
      %dma_wait3A_41 = arith.constant 0 : i32
      %dma_wait3A_42 = tpu.memref_slice %arg11[%add3A_14, %dma_wait3A_41] : memref<10000x128xf32, #tpu.memory_space<vmem_shared>> -> memref<80x128xf32, #tpu.memory_space<vmem_shared>>
      tpu.wait_dma2 semaphore(%run_scoped3A : memref<!tpu.dma_semaphore, #tpu.memory_space<semaphore_mem>>) src(%arg9 : memref<80x128xf32, #tpu.memory_space<vmem>>) dst(%dma_wait3A_42 : memref<80x128xf32, #tpu.memory_space<vmem_shared>>)
      tpu.yield
    }) : () -> ()
    %add3A_15 = arith.constant 400 : i32
    %add3A_16 = arith.addi %mul3A_0, %add3A_15 : i32
    "tpu.region"() ({
      %run_scoped3A = tpu.sem_alloc : memref<!tpu.dma_semaphore, #tpu.memory_space<semaphore_mem>>
      %dma_start3A = arith.constant 0 : i32
      %dma_start3A_37 = tpu.memref_slice %arg11[%add3A_16, %dma_start3A] : memref<10000x128xf32, #tpu.memory_space<vmem_shared>> -> memref<80x128xf32, #tpu.memory_space<vmem_shared>>
      %dma_start3A_38 = arith.constant 0 : i32
      %dma_start3A_39 = tpu.memref_slice %arg11[%add3A_16, %dma_start3A_38] : memref<10000x128xf32, #tpu.memory_space<vmem_shared>> -> memref<80x128xf32, #tpu.memory_space<vmem_shared>>
      tpu.enqueue_dma source(%arg9 : memref<80x128xf32, #tpu.memory_space<vmem>>) target(%dma_start3A_39 : memref<80x128xf32, #tpu.memory_space<vmem_shared>>) target_semaphore(%run_scoped3A : memref<!tpu.dma_semaphore, #tpu.memory_space<semaphore_mem>>)
      %dma_wait3A = arith.constant 0 : i32
      %dma_wait3A_40 = tpu.memref_slice %arg11[%add3A_16, %dma_wait3A] : memref<10000x128xf32, #tpu.memory_space<vmem_shared>> -> memref<80x128xf32, #tpu.memory_space<vmem_shared>>
      %dma_wait3A_41 = arith.constant 0 : i32
      %dma_wait3A_42 = tpu.memref_slice %arg11[%add3A_16, %dma_wait3A_41] : memref<10000x128xf32, #tpu.memory_space<vmem_shared>> -> memref<80x128xf32, #tpu.memory_space<vmem_shared>>
      tpu.wait_dma2 semaphore(%run_scoped3A : memref<!tpu.dma_semaphore, #tpu.memory_space<semaphore_mem>>) src(%arg9 : memref<80x128xf32, #tpu.memory_space<vmem>>) dst(%dma_wait3A_42 : memref<80x128xf32, #tpu.memory_space<vmem_shared>>)
      tpu.yield
    }) : () -> ()
    %add3A_17 = arith.constant 480 : i32
    %add3A_18 = arith.addi %mul3A_0, %add3A_17 : i32
    "tpu.region"() ({
      %run_scoped3A = tpu.sem_alloc : memref<!tpu.dma_semaphore, #tpu.memory_space<semaphore_mem>>
      %dma_start3A = arith.constant 0 : i32
      %dma_start3A_37 = tpu.memref_slice %arg11[%add3A_18, %dma_start3A] : memref<10000x128xf32, #tpu.memory_space<vmem_shared>> -> memref<80x128xf32, #tpu.memory_space<vmem_shared>>
      %dma_start3A_38 = arith.constant 0 : i32
      %dma_start3A_39 = tpu.memref_slice %arg11[%add3A_18, %dma_start3A_38] : memref<10000x128xf32, #tpu.memory_space<vmem_shared>> -> memref<80x128xf32, #tpu.memory_space<vmem_shared>>
      tpu.enqueue_dma source(%arg9 : memref<80x128xf32, #tpu.memory_space<vmem>>) target(%dma_start3A_39 : memref<80x128xf32, #tpu.memory_space<vmem_shared>>) target_semaphore(%run_scoped3A : memref<!tpu.dma_semaphore, #tpu.memory_space<semaphore_mem>>)
      %dma_wait3A = arith.constant 0 : i32
      %dma_wait3A_40 = tpu.memref_slice %arg11[%add3A_18, %dma_wait3A] : memref<10000x128xf32, #tpu.memory_space<vmem_shared>> -> memref<80x128xf32, #tpu.memory_space<vmem_shared>>
      %dma_wait3A_41 = arith.constant 0 : i32
      %dma_wait3A_42 = tpu.memref_slice %arg11[%add3A_18, %dma_wait3A_41] : memref<10000x128xf32, #tpu.memory_space<vmem_shared>> -> memref<80x128xf32, #tpu.memory_space<vmem_shared>>
      tpu.wait_dma2 semaphore(%run_scoped3A : memref<!tpu.dma_semaphore, #tpu.memory_space<semaphore_mem>>) src(%arg9 : memref<80x128xf32, #tpu.memory_space<vmem>>) dst(%dma_wait3A_42 : memref<80x128xf32, #tpu.memory_space<vmem_shared>>)
      tpu.yield
    }) : () -> ()
    %add3A_19 = arith.constant 560 : i32
    %add3A_20 = arith.addi %mul3A_0, %add3A_19 : i32
    "tpu.region"() ({
      %run_scoped3A = tpu.sem_alloc : memref<!tpu.dma_semaphore, #tpu.memory_space<semaphore_mem>>
      %dma_start3A = arith.constant 0 : i32
      %dma_start3A_37 = arith.constant 0 : i32
      %dma_start3A_38 = tpu.memref_slice %arg9[%dma_start3A, %dma_start3A_37] : memref<80x128xf32, #tpu.memory_space<vmem>> -> memref<64x128xf32, #tpu.memory_space<vmem>>
      %dma_start3A_39 = arith.constant 0 : i32
      %dma_start3A_40 = tpu.memref_slice %arg11[%add3A_20, %dma_start3A_39] : memref<10000x128xf32, #tpu.memory_space<vmem_shared>> -> memref<64x128xf32, #tpu.memory_space<vmem_shared>>
      %dma_start3A_41 = arith.constant 0 : i32
      %dma_start3A_42 = tpu.memref_slice %arg11[%add3A_20, %dma_start3A_41] : memref<10000x128xf32, #tpu.memory_space<vmem_shared>> -> memref<64x128xf32, #tpu.memory_space<vmem_shared>>
      %dma_start3A_43 = arith.constant 0 : i32
      %dma_start3A_44 = arith.constant 0 : i32
      %dma_start3A_45 = tpu.memref_slice %arg9[%dma_start3A_43, %dma_start3A_44] : memref<80x128xf32, #tpu.memory_space<vmem>> -> memref<64x128xf32, #tpu.memory_space<vmem>>
      tpu.enqueue_dma source(%dma_start3A_45 : memref<64x128xf32, #tpu.memory_space<vmem>>) target(%dma_start3A_42 : memref<64x128xf32, #tpu.memory_space<vmem_shared>>) target_semaphore(%run_scoped3A : memref<!tpu.dma_semaphore, #tpu.memory_space<semaphore_mem>>)
      %dma_wait3A = arith.constant 0 : i32
      %dma_wait3A_46 = arith.constant 0 : i32
      %dma_wait3A_47 = tpu.memref_slice %arg9[%dma_wait3A, %dma_wait3A_46] : memref<80x128xf32, #tpu.memory_space<vmem>> -> memref<64x128xf32, #tpu.memory_space<vmem>>
      %dma_wait3A_48 = arith.constant 0 : i32
      %dma_wait3A_49 = tpu.memref_slice %arg11[%add3A_20, %dma_wait3A_48] : memref<10000x128xf32, #tpu.memory_space<vmem_shared>> -> memref<64x128xf32, #tpu.memory_space<vmem_shared>>
      %dma_wait3A_50 = arith.constant 0 : i32
      %dma_wait3A_51 = tpu.memref_slice %arg11[%add3A_20, %dma_wait3A_50] : memref<10000x128xf32, #tpu.memory_space<vmem_shared>> -> memref<64x128xf32, #tpu.memory_space<vmem_shared>>
      %dma_wait3A_52 = arith.constant 0 : i32
      %dma_wait3A_53 = arith.constant 0 : i32
      %dma_wait3A_54 = tpu.memref_slice %arg9[%dma_wait3A_52, %dma_wait3A_53] : memref<80x128xf32, #tpu.memory_space<vmem>> -> memref<64x128xf32, #tpu.memory_space<vmem>>
      tpu.wait_dma2 semaphore(%run_scoped3A : memref<!tpu.dma_semaphore, #tpu.memory_space<semaphore_mem>>) src(%dma_wait3A_54 : memref<64x128xf32, #tpu.memory_space<vmem>>) dst(%dma_wait3A_51 : memref<64x128xf32, #tpu.memory_space<vmem_shared>>)
      tpu.yield
    }) : () -> ()
    %eq3A = arith.constant 15 : i32
    %eq3A_21 = arith.cmpi eq, %arg1, %eq3A : i32
    %convert_element_type3A = arith.extui %eq3A_21 : i1 to i32
    %cond3A = arith.constant 0 : i32
    %cond3A_22 = arith.cmpi ne, %convert_element_type3A, %cond3A : i32
    scf.if %cond3A_22 {
      "tpu.region"() ({
        %run_scoped3A = tpu.sem_alloc : memref<!tpu.dma_semaphore, #tpu.memory_space<semaphore_mem>>
        %dma_start3A = arith.constant 0 : i32
        %dma_start3A_37 = arith.constant 0 : i32
        %dma_start3A_38 = tpu.memref_slice %arg9[%dma_start3A, %dma_start3A_37] : memref<80x128xf32, #tpu.memory_space<vmem>> -> memref<16x128xf32, #tpu.memory_space<vmem>>
        %dma_start3A_39 = arith.constant 9984 : i32
        %dma_start3A_40 = arith.constant 0 : i32
        %dma_start3A_41 = tpu.memref_slice %arg11[%dma_start3A_39, %dma_start3A_40] : memref<10000x128xf32, #tpu.memory_space<vmem_shared>> -> memref<16x128xf32, #tpu.memory_space<vmem_shared>>
        %dma_start3A_42 = arith.constant 9984 : i32
        %dma_start3A_43 = arith.constant 0 : i32
        %dma_start3A_44 = tpu.memref_slice %arg11[%dma_start3A_42, %dma_start3A_43] : memref<10000x128xf32, #tpu.memory_space<vmem_shared>> -> memref<16x128xf32, #tpu.memory_space<vmem_shared>>
        %dma_start3A_45 = arith.constant 0 : i32
        %dma_start3A_46 = arith.constant 0 : i32
        %dma_start3A_47 = tpu.memref_slice %arg9[%dma_start3A_45, %dma_start3A_46] : memref<80x128xf32, #tpu.memory_space<vmem>> -> memref<16x128xf32, #tpu.memory_space<vmem>>
        tpu.enqueue_dma source(%dma_start3A_47 : memref<16x128xf32, #tpu.memory_space<vmem>>) target(%dma_start3A_44 : memref<16x128xf32, #tpu.memory_space<vmem_shared>>) target_semaphore(%run_scoped3A : memref<!tpu.dma_semaphore, #tpu.memory_space<semaphore_mem>>)
        %dma_wait3A = arith.constant 0 : i32
        %dma_wait3A_48 = arith.constant 0 : i32
        %dma_wait3A_49 = tpu.memref_slice %arg9[%dma_wait3A, %dma_wait3A_48] : memref<80x128xf32, #tpu.memory_space<vmem>> -> memref<16x128xf32, #tpu.memory_space<vmem>>
        %dma_wait3A_50 = arith.constant 9984 : i32
        %dma_wait3A_51 = arith.constant 0 : i32
        %dma_wait3A_52 = tpu.memref_slice %arg11[%dma_wait3A_50, %dma_wait3A_51] : memref<10000x128xf32, #tpu.memory_space<vmem_shared>> -> memref<16x128xf32, #tpu.memory_space<vmem_shared>>
        %dma_wait3A_53 = arith.constant 9984 : i32
        %dma_wait3A_54 = arith.constant 0 : i32
        %dma_wait3A_55 = tpu.memref_slice %arg11[%dma_wait3A_53, %dma_wait3A_54] : memref<10000x128xf32, #tpu.memory_space<vmem_shared>> -> memref<16x128xf32, #tpu.memory_space<vmem_shared>>
        %dma_wait3A_56 = arith.constant 0 : i32
        %dma_wait3A_57 = arith.constant 0 : i32
        %dma_wait3A_58 = tpu.memref_slice %arg9[%dma_wait3A_56, %dma_wait3A_57] : memref<80x128xf32, #tpu.memory_space<vmem>> -> memref<16x128xf32, #tpu.memory_space<vmem>>
        tpu.wait_dma2 semaphore(%run_scoped3A : memref<!tpu.dma_semaphore, #tpu.memory_space<semaphore_mem>>) src(%dma_wait3A_58 : memref<16x128xf32, #tpu.memory_space<vmem>>) dst(%dma_wait3A_55 : memref<16x128xf32, #tpu.memory_space<vmem_shared>>)
        tpu.yield
      }) : () -> ()
    } else {
    }
    %barrier3A = arith.constant 0 : index
    tpu.barrier barrier_id(%barrier3A)
    %iota3A = tpu.iota {dimensions = array<i32: 0>} : vector<16xi32>
    %mul3A_23 = arith.constant 0 : i32
    %mul3A_24 = vector.broadcast %mul3A_23 : i32 to vector<16xi32>
    %mul3A_25 = arith.muli %iota3A, %mul3A_24 : vector<16xi32>
    %scan3A_26 = arith.constant 0 : i32
    %scan3A_27 = arith.constant 125 : i32
    %scan3A_28 = arith.addi %scan3A_26, %scan3A_27 : i32
    %scan3A_29 = arith.constant 1 : i32
    scf.for %scan3A_37 = %scan3A_26 to %scan3A_28 step %scan3A_29  : i32 {
      %mul3A_38 = arith.constant 1 : i32
      %mul3A_39 = arith.muli %scan3A_37, %mul3A_38 : i32
      %add3A_40 = arith.constant 0 : i32
      %add3A_41 = arith.addi %add3A_40, %mul3A_39 : i32
      %mul3A_42 = arith.constant 160000 : i32
      %mul3A_43 = arith.muli %arg0, %mul3A_42 : i32
      %mul3A_44 = arith.constant 10000 : i32
      %mul3A_45 = arith.muli %arg1, %mul3A_44 : i32
      %add3A_46 = arith.addi %mul3A_43, %mul3A_45 : i32
      %mul3A_47 = arith.constant 80 : i32
      %mul3A_48 = arith.muli %add3A_41, %mul3A_47 : i32
      %add3A_49 = arith.addi %add3A_46, %mul3A_48 : i32
      "tpu.region"() ({
        %run_scoped3A = tpu.sem_alloc : memref<!tpu.dma_semaphore, #tpu.memory_space<semaphore_mem>>
        %dma_start3A_59 = tpu.memref_slice %arg4[%add3A_49] : memref<320000xi32, #tpu.memory_space<hbm>> -> memref<80xi32, #tpu.memory_space<hbm>>
        %dma_start3A_60 = tpu.memref_slice %arg4[%add3A_49] : memref<320000xi32, #tpu.memory_space<hbm>> -> memref<80xi32, #tpu.memory_space<hbm>>
        tpu.enqueue_dma source(%dma_start3A_60 : memref<80xi32, #tpu.memory_space<hbm>>) target(%arg7 : memref<80xi32, #tpu.memory_space<vmem>>) target_semaphore(%run_scoped3A : memref<!tpu.dma_semaphore, #tpu.memory_space<semaphore_mem>>)
        %dma_wait3A_61 = tpu.memref_slice %arg4[%add3A_49] : memref<320000xi32, #tpu.memory_space<hbm>> -> memref<80xi32, #tpu.memory_space<hbm>>
        %dma_wait3A_62 = tpu.memref_slice %arg4[%add3A_49] : memref<320000xi32, #tpu.memory_space<hbm>> -> memref<80xi32, #tpu.memory_space<hbm>>
        tpu.wait_dma2 semaphore(%run_scoped3A : memref<!tpu.dma_semaphore, #tpu.memory_space<semaphore_mem>>) src(%dma_wait3A_62 : memref<80xi32, #tpu.memory_space<hbm>>) dst(%arg7 : memref<80xi32, #tpu.memory_space<vmem>>)
        tpu.yield
      }) : () -> ()
      "tpu.region"() ({
        %run_scoped3A = tpu.sem_alloc : memref<!tpu.dma_semaphore, #tpu.memory_space<semaphore_mem>>
        %dma_start3A_59 = tpu.memref_slice %arg5[%add3A_49] : memref<320000xi32, #tpu.memory_space<hbm>> -> memref<80xi32, #tpu.memory_space<hbm>>
        %dma_start3A_60 = tpu.memref_slice %arg5[%add3A_49] : memref<320000xi32, #tpu.memory_space<hbm>> -> memref<80xi32, #tpu.memory_space<hbm>>
        tpu.enqueue_dma source(%dma_start3A_60 : memref<80xi32, #tpu.memory_space<hbm>>) target(%arg8 : memref<80xi32, #tpu.memory_space<vmem>>) target_semaphore(%run_scoped3A : memref<!tpu.dma_semaphore, #tpu.memory_space<semaphore_mem>>)
        %dma_wait3A_61 = tpu.memref_slice %arg5[%add3A_49] : memref<320000xi32, #tpu.memory_space<hbm>> -> memref<80xi32, #tpu.memory_space<hbm>>
        %dma_wait3A_62 = tpu.memref_slice %arg5[%add3A_49] : memref<320000xi32, #tpu.memory_space<hbm>> -> memref<80xi32, #tpu.memory_space<hbm>>
        tpu.wait_dma2 semaphore(%run_scoped3A : memref<!tpu.dma_semaphore, #tpu.memory_space<semaphore_mem>>) src(%dma_wait3A_62 : memref<80xi32, #tpu.memory_space<hbm>>) dst(%arg8 : memref<80xi32, #tpu.memory_space<vmem>>)
        tpu.yield
      }) : () -> ()
      %dma_start3A = arith.constant 0 : i32
      %dma_start3A_50 = arith.constant 0 : i32
      %dma_start3A_51 = tpu.memref_slice %arg2[%dma_start3A, %dma_start3A_50] : memref<10000x128xf32, #tpu.memory_space<hbm>> -> memref<10000x128xf32, #tpu.memory_space<hbm>>
      tpu.enqueue_indirect_dma source(%dma_start3A_51 : memref<10000x128xf32, #tpu.memory_space<hbm>>) target(%arg9 : memref<80x128xf32, #tpu.memory_space<vmem>>) offsets(%arg7 : memref<80xi32, #tpu.memory_space<vmem>>) semaphore(%arg12 : memref<!tpu.dma_semaphore, #tpu.memory_space<semaphore_mem>>)
      "tpu.region"() ({
        %run_scoped3A = tpu.sem_alloc : memref<!tpu.dma_semaphore, #tpu.memory_space<semaphore_mem>>
        %dma_start3A_59 = arith.constant 0 : i32
        %dma_start3A_60 = tpu.memref_slice %arg3[%add3A_49, %dma_start3A_59] : memref<320000x16xf32, #tpu.memory_space<hbm>> -> memref<80x16xf32, #tpu.memory_space<hbm>>
        %dma_start3A_61 = arith.constant 0 : i32
        %dma_start3A_62 = tpu.memref_slice %arg3[%add3A_49, %dma_start3A_61] : memref<320000x16xf32, #tpu.memory_space<hbm>> -> memref<80x16xf32, #tpu.memory_space<hbm>>
        tpu.enqueue_dma source(%dma_start3A_62 : memref<80x16xf32, #tpu.memory_space<hbm>>) target(%arg10 : memref<80x16xf32, #tpu.memory_space<vmem>>) target_semaphore(%run_scoped3A : memref<!tpu.dma_semaphore, #tpu.memory_space<semaphore_mem>>)
        %dma_wait3A_63 = arith.constant 0 : i32
        %dma_wait3A_64 = tpu.memref_slice %arg3[%add3A_49, %dma_wait3A_63] : memref<320000x16xf32, #tpu.memory_space<hbm>> -> memref<80x16xf32, #tpu.memory_space<hbm>>
        %dma_wait3A_65 = arith.constant 0 : i32
        %dma_wait3A_66 = tpu.memref_slice %arg3[%add3A_49, %dma_wait3A_65] : memref<320000x16xf32, #tpu.memory_space<hbm>> -> memref<80x16xf32, #tpu.memory_space<hbm>>
        tpu.wait_dma2 semaphore(%run_scoped3A : memref<!tpu.dma_semaphore, #tpu.memory_space<semaphore_mem>>) src(%dma_wait3A_66 : memref<80x16xf32, #tpu.memory_space<hbm>>) dst(%arg10 : memref<80x16xf32, #tpu.memory_space<vmem>>)
        tpu.yield
      }) : () -> ()
      %dma_wait3A = arith.constant 0 : i32
      %dma_wait3A_52 = arith.constant 0 : i32
      %dma_wait3A_53 = tpu.memref_slice %arg2[%dma_wait3A, %dma_wait3A_52] : memref<10000x128xf32, #tpu.memory_space<hbm>> -> memref<10000x128xf32, #tpu.memory_space<hbm>>
      tpu.wait_indirect_dma semaphore(%arg12 : memref<!tpu.dma_semaphore, #tpu.memory_space<semaphore_mem>>) src(%dma_wait3A_53 : memref<10000x128xf32, #tpu.memory_space<hbm>>) dst(%arg9 : memref<80x128xf32, #tpu.memory_space<vmem>>)
      %scan3A_54 = arith.constant 0 : i32
      %scan3A_55 = arith.constant 80 : i32
      %scan3A_56 = arith.addi %scan3A_54, %scan3A_55 : i32
      %scan3A_57 = arith.constant 1 : i32
      scf.for %scan3A_59 = %scan3A_54 to %scan3A_56 step %scan3A_57  : i32 {
        %mul3A_60 = arith.constant 1 : i32
        %mul3A_61 = arith.muli %scan3A_59, %mul3A_60 : i32
        %add3A_62 = arith.constant 0 : i32
        %add3A_63 = arith.addi %add3A_62, %mul3A_61 : i32
        %get3A = arith.index_cast %add3A_63 : i32 to index
        %get3A_64 = arith.constant 0 : index
        %get3A_65 = tpu.vector_load %arg10[%get3A, %get3A_64] {strides = array<i32>} : memref<80x16xf32, #tpu.memory_space<vmem>>, vector<1x16xf32>,
        %get3A_66 = vector.shape_cast %get3A_65 : vector<1x16xf32> to vector<16xf32>
        %add3A_67 = arith.constant 0 : i32
        %add3A_68 = vector.broadcast %add3A_67 : i32 to vector<16xi32>
        %add3A_69 = arith.addi %mul3A_25, %add3A_68 : vector<16xi32>
        %reshape3A = vector.shape_cast %add3A_69 : vector<16xi32> to vector<16x1xi32>
        %gather3A = vector.shape_cast %reshape3A : vector<16x1xi32> to vector<16xi32>
        %gather3A_70 = tpu.dynamic_gather %get3A_66[%gather3A] in [0] : vector<16xf32>, vector<16xi32> -> vector<16xf32>
        %get3A_71 = arith.index_cast %add3A_63 : i32 to index
        %get3A_72 = arith.constant 0 : index
        %get3A_73 = tpu.vector_load %arg9[%get3A_71, %get3A_72] {strides = array<i32>} : memref<80x128xf32, #tpu.memory_space<vmem>>, vector<1x16xf32>,
        %get3A_74 = vector.shape_cast %get3A_73 : vector<1x16xf32> to vector<16xf32>
        %mul3A_75 = arith.mulf %get3A_74, %gather3A_70 : vector<16xf32>
        %swap3A = arith.index_cast %add3A_63 : i32 to index
        %swap3A_76 = arith.constant 0 : index
        %swap3A_77 = tpu.vector_load %arg9[%swap3A, %swap3A_76] {strides = array<i32>} : memref<80x128xf32, #tpu.memory_space<vmem>>, vector<1x16xf32>,
        %swap3A_78 = vector.shape_cast %swap3A_77 : vector<1x16xf32> to vector<16xf32>
        %swap3A_79 = vector.shape_cast %mul3A_75 : vector<16xf32> to vector<1x16xf32>
        tpu.vector_store %arg9[%swap3A, %swap3A_76], %swap3A_79 {strides = array<i32>} : memref<80x128xf32, #tpu.memory_space<vmem>>, vector<1x16xf32>,
        %add3A_80 = arith.constant 0 : i32
        %add3A_81 = vector.broadcast %add3A_80 : i32 to vector<16xi32>
        %add3A_82 = arith.addi %mul3A_25, %add3A_81 : vector<16xi32>
        %reshape3A_83 = vector.shape_cast %add3A_82 : vector<16xi32> to vector<16x1xi32>
        %gather3A_84 = vector.shape_cast %reshape3A_83 : vector<16x1xi32> to vector<16xi32>
        %gather3A_85 = tpu.dynamic_gather %get3A_66[%gather3A_84] in [0] : vector<16xf32>, vector<16xi32> -> vector<16xf32>
        %get3A_86 = arith.index_cast %add3A_63 : i32 to index
        %get3A_87 = arith.constant 16 : index
        %get3A_88 = tpu.vector_load %arg9[%get3A_86, %get3A_87] {strides = array<i32>} : memref<80x128xf32, #tpu.memory_space<vmem>>, vector<1x16xf32>,
        %get3A_89 = vector.shape_cast %get3A_88 : vector<1x16xf32> to vector<16xf32>
        %mul3A_90 = arith.mulf %get3A_89, %gather3A_85 : vector<16xf32>
        %swap3A_91 = arith.index_cast %add3A_63 : i32 to index
        %swap3A_92 = arith.constant 16 : index
        %swap3A_93 = tpu.vector_load %arg9[%swap3A_91, %swap3A_92] {strides = array<i32>} : memref<80x128xf32, #tpu.memory_space<vmem>>, vector<1x16xf32>,
        %swap3A_94 = vector.shape_cast %swap3A_93 : vector<1x16xf32> to vector<16xf32>
        %swap3A_95 = vector.shape_cast %mul3A_90 : vector<16xf32> to vector<1x16xf32>
        tpu.vector_store %arg9[%swap3A_91, %swap3A_92], %swap3A_95 {strides = array<i32>} : memref<80x128xf32, #tpu.memory_space<vmem>>, vector<1x16xf32>,
        %add3A_96 = arith.constant 1 : i32
        %add3A_97 = vector.broadcast %add3A_96 : i32 to vector<16xi32>
        %add3A_98 = arith.addi %mul3A_25, %add3A_97 : vector<16xi32>
        %reshape3A_99 = vector.shape_cast %add3A_98 : vector<16xi32> to vector<16x1xi32>
        %gather3A_100 = vector.shape_cast %reshape3A_99 : vector<16x1xi32> to vector<16xi32>
        %gather3A_101 = tpu.dynamic_gather %get3A_66[%gather3A_100] in [0] : vector<16xf32>, vector<16xi32> -> vector<16xf32>
        %get3A_102 = arith.index_cast %add3A_63 : i32 to index
        %get3A_103 = arith.constant 32 : index
        %get3A_104 = tpu.vector_load %arg9[%get3A_102, %get3A_103] {strides = array<i32>} : memref<80x128xf32, #tpu.memory_space<vmem>>, vector<1x16xf32>,
        %get3A_105 = vector.shape_cast %get3A_104 : vector<1x16xf32> to vector<16xf32>
        %mul3A_106 = arith.mulf %get3A_105, %gather3A_101 : vector<16xf32>
        %swap3A_107 = arith.index_cast %add3A_63 : i32 to index
        %swap3A_108 = arith.constant 32 : index
        %swap3A_109 = tpu.vector_load %arg9[%swap3A_107, %swap3A_108] {strides = array<i32>} : memref<80x128xf32, #tpu.memory_space<vmem>>, vector<1x16xf32>,
        %swap3A_110 = vector.shape_cast %swap3A_109 : vector<1x16xf32> to vector<16xf32>
        %swap3A_111 = vector.shape_cast %mul3A_106 : vector<16xf32> to vector<1x16xf32>
        tpu.vector_store %arg9[%swap3A_107, %swap3A_108], %swap3A_111 {strides = array<i32>} : memref<80x128xf32, #tpu.memory_space<vmem>>, vector<1x16xf32>,
        %add3A_112 = arith.constant 1 : i32
        %add3A_113 = vector.broadcast %add3A_112 : i32 to vector<16xi32>
        %add3A_114 = arith.addi %mul3A_25, %add3A_113 : vector<16xi32>
        %reshape3A_115 = vector.shape_cast %add3A_114 : vector<16xi32> to vector<16x1xi32>
        %gather3A_116 = vector.shape_cast %reshape3A_115 : vector<16x1xi32> to vector<16xi32>
        %gather3A_117 = tpu.dynamic_gather %get3A_66[%gather3A_116] in [0] : vector<16xf32>, vector<16xi32> -> vector<16xf32>
        %get3A_118 = arith.index_cast %add3A_63 : i32 to index
        %get3A_119 = arith.constant 48 : index
        %get3A_120 = tpu.vector_load %arg9[%get3A_118, %get3A_119] {strides = array<i32>} : memref<80x128xf32, #tpu.memory_space<vmem>>, vector<1x16xf32>,
        %get3A_121 = vector.shape_cast %get3A_120 : vector<1x16xf32> to vector<16xf32>
        %mul3A_122 = arith.mulf %get3A_121, %gather3A_117 : vector<16xf32>
        %swap3A_123 = arith.index_cast %add3A_63 : i32 to index
        %swap3A_124 = arith.constant 48 : index
        %swap3A_125 = tpu.vector_load %arg9[%swap3A_123, %swap3A_124] {strides = array<i32>} : memref<80x128xf32, #tpu.memory_space<vmem>>, vector<1x16xf32>,
        %swap3A_126 = vector.shape_cast %swap3A_125 : vector<1x16xf32> to vector<16xf32>
        %swap3A_127 = vector.shape_cast %mul3A_122 : vector<16xf32> to vector<1x16xf32>
        tpu.vector_store %arg9[%swap3A_123, %swap3A_124], %swap3A_127 {strides = array<i32>} : memref<80x128xf32, #tpu.memory_space<vmem>>, vector<1x16xf32>,
        %add3A_128 = arith.constant 2 : i32
        %add3A_129 = vector.broadcast %add3A_128 : i32 to vector<16xi32>
        %add3A_130 = arith.addi %mul3A_25, %add3A_129 : vector<16xi32>
        %reshape3A_131 = vector.shape_cast %add3A_130 : vector<16xi32> to vector<16x1xi32>
        %gather3A_132 = vector.shape_cast %reshape3A_131 : vector<16x1xi32> to vector<16xi32>
        %gather3A_133 = tpu.dynamic_gather %get3A_66[%gather3A_132] in [0] : vector<16xf32>, vector<16xi32> -> vector<16xf32>
        %get3A_134 = arith.index_cast %add3A_63 : i32 to index
        %get3A_135 = arith.constant 64 : index
        %get3A_136 = tpu.vector_load %arg9[%get3A_134, %get3A_135] {strides = array<i32>} : memref<80x128xf32, #tpu.memory_space<vmem>>, vector<1x16xf32>,
        %get3A_137 = vector.shape_cast %get3A_136 : vector<1x16xf32> to vector<16xf32>
        %mul3A_138 = arith.mulf %get3A_137, %gather3A_133 : vector<16xf32>
        %swap3A_139 = arith.index_cast %add3A_63 : i32 to index
        %swap3A_140 = arith.constant 64 : index
        %swap3A_141 = tpu.vector_load %arg9[%swap3A_139, %swap3A_140] {strides = array<i32>} : memref<80x128xf32, #tpu.memory_space<vmem>>, vector<1x16xf32>,
        %swap3A_142 = vector.shape_cast %swap3A_141 : vector<1x16xf32> to vector<16xf32>
        %swap3A_143 = vector.shape_cast %mul3A_138 : vector<16xf32> to vector<1x16xf32>
        tpu.vector_store %arg9[%swap3A_139, %swap3A_140], %swap3A_143 {strides = array<i32>} : memref<80x128xf32, #tpu.memory_space<vmem>>, vector<1x16xf32>,
        %add3A_144 = arith.constant 2 : i32
        %add3A_145 = vector.broadcast %add3A_144 : i32 to vector<16xi32>
        %add3A_146 = arith.addi %mul3A_25, %add3A_145 : vector<16xi32>
        %reshape3A_147 = vector.shape_cast %add3A_146 : vector<16xi32> to vector<16x1xi32>
        %gather3A_148 = vector.shape_cast %reshape3A_147 : vector<16x1xi32> to vector<16xi32>
        %gather3A_149 = tpu.dynamic_gather %get3A_66[%gather3A_148] in [0] : vector<16xf32>, vector<16xi32> -> vector<16xf32>
        %get3A_150 = arith.index_cast %add3A_63 : i32 to index
        %get3A_151 = arith.constant 80 : index
        %get3A_152 = tpu.vector_load %arg9[%get3A_150, %get3A_151] {strides = array<i32>} : memref<80x128xf32, #tpu.memory_space<vmem>>, vector<1x16xf32>,
        %get3A_153 = vector.shape_cast %get3A_152 : vector<1x16xf32> to vector<16xf32>
        %mul3A_154 = arith.mulf %get3A_153, %gather3A_149 : vector<16xf32>
        %swap3A_155 = arith.index_cast %add3A_63 : i32 to index
        %swap3A_156 = arith.constant 80 : index
        %swap3A_157 = tpu.vector_load %arg9[%swap3A_155, %swap3A_156] {strides = array<i32>} : memref<80x128xf32, #tpu.memory_space<vmem>>, vector<1x16xf32>,
        %swap3A_158 = vector.shape_cast %swap3A_157 : vector<1x16xf32> to vector<16xf32>
        %swap3A_159 = vector.shape_cast %mul3A_154 : vector<16xf32> to vector<1x16xf32>
        tpu.vector_store %arg9[%swap3A_155, %swap3A_156], %swap3A_159 {strides = array<i32>} : memref<80x128xf32, #tpu.memory_space<vmem>>, vector<1x16xf32>,
        %add3A_160 = arith.constant 3 : i32
        %add3A_161 = vector.broadcast %add3A_160 : i32 to vector<16xi32>
        %add3A_162 = arith.addi %mul3A_25, %add3A_161 : vector<16xi32>
        %reshape3A_163 = vector.shape_cast %add3A_162 : vector<16xi32> to vector<16x1xi32>
        %gather3A_164 = vector.shape_cast %reshape3A_163 : vector<16x1xi32> to vector<16xi32>
        %gather3A_165 = tpu.dynamic_gather %get3A_66[%gather3A_164] in [0] : vector<16xf32>, vector<16xi32> -> vector<16xf32>
        %get3A_166 = arith.index_cast %add3A_63 : i32 to index
        %get3A_167 = arith.constant 96 : index
        %get3A_168 = tpu.vector_load %arg9[%get3A_166, %get3A_167] {strides = array<i32>} : memref<80x128xf32, #tpu.memory_space<vmem>>, vector<1x16xf32>,
        %get3A_169 = vector.shape_cast %get3A_168 : vector<1x16xf32> to vector<16xf32>
        %mul3A_170 = arith.mulf %get3A_169, %gather3A_165 : vector<16xf32>
        %swap3A_171 = arith.index_cast %add3A_63 : i32 to index
        %swap3A_172 = arith.constant 96 : index
        %swap3A_173 = tpu.vector_load %arg9[%swap3A_171, %swap3A_172] {strides = array<i32>} : memref<80x128xf32, #tpu.memory_space<vmem>>, vector<1x16xf32>,
        %swap3A_174 = vector.shape_cast %swap3A_173 : vector<1x16xf32> to vector<16xf32>
        %swap3A_175 = vector.shape_cast %mul3A_170 : vector<16xf32> to vector<1x16xf32>
        tpu.vector_store %arg9[%swap3A_171, %swap3A_172], %swap3A_175 {strides = array<i32>} : memref<80x128xf32, #tpu.memory_space<vmem>>, vector<1x16xf32>,
        %add3A_176 = arith.constant 3 : i32
        %add3A_177 = vector.broadcast %add3A_176 : i32 to vector<16xi32>
        %add3A_178 = arith.addi %mul3A_25, %add3A_177 : vector<16xi32>
        %reshape3A_179 = vector.shape_cast %add3A_178 : vector<16xi32> to vector<16x1xi32>
        %gather3A_180 = vector.shape_cast %reshape3A_179 : vector<16x1xi32> to vector<16xi32>
        %gather3A_181 = tpu.dynamic_gather %get3A_66[%gather3A_180] in [0] : vector<16xf32>, vector<16xi32> -> vector<16xf32>
        %get3A_182 = arith.index_cast %add3A_63 : i32 to index
        %get3A_183 = arith.constant 112 : index
        %get3A_184 = tpu.vector_load %arg9[%get3A_182, %get3A_183] {strides = array<i32>} : memref<80x128xf32, #tpu.memory_space<vmem>>, vector<1x16xf32>,
        %get3A_185 = vector.shape_cast %get3A_184 : vector<1x16xf32> to vector<16xf32>
        %mul3A_186 = arith.mulf %get3A_185, %gather3A_181 : vector<16xf32>
        %swap3A_187 = arith.index_cast %add3A_63 : i32 to index
        %swap3A_188 = arith.constant 112 : index
        %swap3A_189 = tpu.vector_load %arg9[%swap3A_187, %swap3A_188] {strides = array<i32>} : memref<80x128xf32, #tpu.memory_space<vmem>>, vector<1x16xf32>,
        %swap3A_190 = vector.shape_cast %swap3A_189 : vector<1x16xf32> to vector<16xf32>
        %swap3A_191 = vector.shape_cast %mul3A_186 : vector<16xf32> to vector<1x16xf32>
        tpu.vector_store %arg9[%swap3A_187, %swap3A_188], %swap3A_191 {strides = array<i32>} : memref<80x128xf32, #tpu.memory_space<vmem>>, vector<1x16xf32>,
      }
      %scan3A_58 = arith.constant 80 : i32
      "tpu.region"() ({
        %run_scoped3A = tpu.sem_alloc : memref<!tpu.dma_semaphore, #tpu.memory_space<semaphore_mem>>
        %dma_start3A_59 = arith.constant 0 : i32
        %dma_start3A_60 = arith.constant 0 : i32
        %dma_start3A_61 = tpu.memref_slice %arg11[%dma_start3A_59, %dma_start3A_60] : memref<10000x128xf32, #tpu.memory_space<vmem_shared>> -> memref<10000x128xf32, #tpu.memory_space<vmem_shared>>
        tpu.enqueue_indirect_dma source(%arg9 : memref<80x128xf32, #tpu.memory_space<vmem>>) target(%dma_start3A_61 : memref<10000x128xf32, #tpu.memory_space<vmem_shared>>) offsets(%arg8 : memref<80xi32, #tpu.memory_space<vmem>>) semaphore(%run_scoped3A : memref<!tpu.dma_semaphore, #tpu.memory_space<semaphore_mem>>) {add = true}
        %dma_wait3A_62 = arith.constant 0 : i32
        %dma_wait3A_63 = arith.constant 0 : i32
        %dma_wait3A_64 = tpu.memref_slice %arg11[%dma_wait3A_62, %dma_wait3A_63] : memref<10000x128xf32, #tpu.memory_space<vmem_shared>> -> memref<10000x128xf32, #tpu.memory_space<vmem_shared>>
        tpu.wait_indirect_dma semaphore(%run_scoped3A : memref<!tpu.dma_semaphore, #tpu.memory_space<semaphore_mem>>) src(%arg9 : memref<80x128xf32, #tpu.memory_space<vmem>>) dst(%dma_wait3A_64 : memref<10000x128xf32, #tpu.memory_space<vmem_shared>>)
        tpu.yield
      }) : () -> ()
    }
    %scan3A_30 = arith.constant 125 : i32
    %barrier3A_31 = arith.constant 0 : index
    tpu.barrier barrier_id(%barrier3A_31)
    "tpu.region"() ({
      %run_scoped3A = tpu.sem_alloc : memref<!tpu.dma_semaphore, #tpu.memory_space<semaphore_mem>>
      %dma_start3A = arith.constant 0 : i32
      %dma_start3A_37 = tpu.memref_slice %arg6[%arg0, %mul3A_0, %dma_start3A] : memref<2x10000x128xf32, #tpu.memory_space<hbm>> -> memref<1x624x128xf32, #tpu.memory_space<hbm>>
      %dma_start3A_38 = tpu.memref_squeeze %dma_start3A_37 : memref<1x624x128xf32, #tpu.memory_space<hbm>> -> memref<624x128xf32, #tpu.memory_space<hbm>>
      %dma_start3A_39 = arith.constant 0 : i32
      %dma_start3A_40 = tpu.memref_slice %arg11[%mul3A_0, %dma_start3A_39] : memref<10000x128xf32, #tpu.memory_space<vmem_shared>> -> memref<624x128xf32, #tpu.memory_space<vmem_shared>>
      tpu.enqueue_dma source(%dma_start3A_40 : memref<624x128xf32, #tpu.memory_space<vmem_shared>>) target(%dma_start3A_38 : memref<624x128xf32, #tpu.memory_space<hbm>>) target_semaphore(%run_scoped3A : memref<!tpu.dma_semaphore, #tpu.memory_space<semaphore_mem>>)
      %dma_wait3A = arith.constant 0 : i32
      %dma_wait3A_41 = tpu.memref_slice %arg6[%arg0, %mul3A_0, %dma_wait3A] : memref<2x10000x128xf32, #tpu.memory_space<hbm>> -> memref<1x624x128xf32, #tpu.memory_space<hbm>>
      %dma_wait3A_42 = tpu.memref_squeeze %dma_wait3A_41 : memref<1x624x128xf32, #tpu.memory_space<hbm>> -> memref<624x128xf32, #tpu.memory_space<hbm>>
      %dma_wait3A_43 = arith.constant 0 : i32
      %dma_wait3A_44 = tpu.memref_slice %arg11[%mul3A_0, %dma_wait3A_43] : memref<10000x128xf32, #tpu.memory_space<vmem_shared>> -> memref<624x128xf32, #tpu.memory_space<vmem_shared>>
      tpu.wait_dma2 semaphore(%run_scoped3A : memref<!tpu.dma_semaphore, #tpu.memory_space<semaphore_mem>>) src(%dma_wait3A_44 : memref<624x128xf32, #tpu.memory_space<vmem_shared>>) dst(%dma_wait3A_42 : memref<624x128xf32, #tpu.memory_space<hbm>>)
      tpu.yield
    }) : () -> ()
    %eq3A_32 = arith.constant 15 : i32
    %eq3A_33 = arith.cmpi eq, %arg1, %eq3A_32 : i32
    %convert_element_type3A_34 = arith.extui %eq3A_33 : i1 to i32
    %cond3A_35 = arith.constant 0 : i32
    %cond3A_36 = arith.cmpi ne, %convert_element_type3A_34, %cond3A_35 : i32
    scf.if %cond3A_36 {
      "tpu.region"() ({
        %run_scoped3A = tpu.sem_alloc : memref<!tpu.dma_semaphore, #tpu.memory_space<semaphore_mem>>
        %dma_start3A = arith.constant 9984 : i32
        %dma_start3A_37 = arith.constant 0 : i32
        %dma_start3A_38 = tpu.memref_slice %arg6[%arg0, %dma_start3A, %dma_start3A_37] : memref<2x10000x128xf32, #tpu.memory_space<hbm>> -> memref<1x16x128xf32, #tpu.memory_space<hbm>>
        %dma_start3A_39 = tpu.memref_squeeze %dma_start3A_38 : memref<1x16x128xf32, #tpu.memory_space<hbm>> -> memref<16x128xf32, #tpu.memory_space<hbm>>
        %dma_start3A_40 = arith.constant 9984 : i32
        %dma_start3A_41 = arith.constant 0 : i32
        %dma_start3A_42 = tpu.memref_slice %arg11[%dma_start3A_40, %dma_start3A_41] : memref<10000x128xf32, #tpu.memory_space<vmem_shared>> -> memref<16x128xf32, #tpu.memory_space<vmem_shared>>
        tpu.enqueue_dma source(%dma_start3A_42 : memref<16x128xf32, #tpu.memory_space<vmem_shared>>) target(%dma_start3A_39 : memref<16x128xf32, #tpu.memory_space<hbm>>) target_semaphore(%run_scoped3A : memref<!tpu.dma_semaphore, #tpu.memory_space<semaphore_mem>>)
        %dma_wait3A = arith.constant 9984 : i32
        %dma_wait3A_43 = arith.constant 0 : i32
        %dma_wait3A_44 = tpu.memref_slice %arg6[%arg0, %dma_wait3A, %dma_wait3A_43] : memref<2x10000x128xf32, #tpu.memory_space<hbm>> -> memref<1x16x128xf32, #tpu.memory_space<hbm>>
        %dma_wait3A_45 = tpu.memref_squeeze %dma_wait3A_44 : memref<1x16x128xf32, #tpu.memory_space<hbm>> -> memref<16x128xf32, #tpu.memory_space<hbm>>
        %dma_wait3A_46 = arith.constant 9984 : i32
        %dma_wait3A_47 = arith.constant 0 : i32
        %dma_wait3A_48 = tpu.memref_slice %arg11[%dma_wait3A_46, %dma_wait3A_47] : memref<10000x128xf32, #tpu.memory_space<vmem_shared>> -> memref<16x128xf32, #tpu.memory_space<vmem_shared>>
        tpu.wait_dma2 semaphore(%run_scoped3A : memref<!tpu.dma_semaphore, #tpu.memory_space<semaphore_mem>>) src(%dma_wait3A_48 : memref<16x128xf32, #tpu.memory_space<vmem_shared>>) dst(%dma_wait3A_45 : memref<16x128xf32, #tpu.memory_space<hbm>>)
        tpu.yield
      }) : () -> ()
    } else {
    }
    return
  }
}

#map = affine_map<(d0, d1) -> (0, 0)>
#map1 = affine_map<(d0, d1) -> (0)>
#map2 = affine_map<(d0, d1) -> (0, 0, 0)>
module attributes {stable_mosaic.version = 14 : i64} {
  func.func @gcn(%arg0: i32, %arg1: i32, %arg2: memref<10000x128xf32, #tpu.memory_space<hbm>>, %arg3: memref<320000xi32, #tpu.memory_space<hbm>>, %arg4: memref<320000xi32, #tpu.memory_space<hbm>>, %arg5: memref<2x10000x128xf32, #tpu.memory_space<hbm>>, %arg6: memref<80xi32, #tpu.memory_space<vmem>>, %arg7: memref<80xi32, #tpu.memory_space<vmem>>, %arg8: memref<80x128xf32, #tpu.memory_space<vmem>>, %arg9: memref<10000x128xf32, #tpu.memory_space<vmem_shared>>, %arg10: memref<!tpu.dma_semaphore, #tpu.memory_space<semaphore_mem>>) attributes {dimension_semantics = [#tpu.dimension_semantics<core_parallel>, #tpu.dimension_semantics<subcore_parallel>], iteration_bounds = array<i64: 2, 16>, scalar_prefetch = 0 : i64, scratch_operands = 5 : i64, tpu.core_type = #tpu.core_type<sc_vector_subcore>, window_params = [{transform_indices = #map}, {transform_indices = #map1}, {transform_indices = #map1}, {transform_indices = #map2}]} {
    %mul3A = arith.constant 624 : i32
    %mul3A_0 = arith.muli %arg1, %mul3A : i32
    %broadcast_in_dim3A = arith.constant 0.000000e+00 : f32
    %broadcast_in_dim3A_1 = vector.broadcast %broadcast_in_dim3A : f32 to vector<16xf32>
    %scan3A = arith.constant 0 : i32
    %scan3A_2 = arith.constant 80 : i32
    %scan3A_3 = arith.addi %scan3A, %scan3A_2 : i32
    %scan3A_4 = arith.constant 1 : i32
    scf.for %scan3A_34 = %scan3A to %scan3A_3 step %scan3A_4  : i32 {
      %mul3A_35 = arith.constant 1 : i32
      %mul3A_36 = arith.muli %scan3A_34, %mul3A_35 : i32
      %add3A_37 = arith.constant 0 : i32
      %add3A_38 = arith.addi %add3A_37, %mul3A_36 : i32
      %swap3A = arith.index_cast %add3A_38 : i32 to index
      %swap3A_39 = arith.constant 0 : index
      %swap3A_40 = tpu.vector_load %arg8[%swap3A, %swap3A_39] {strides = array<i32>} : memref<80x128xf32, #tpu.memory_space<vmem>>, vector<1x16xf32>,
      %swap3A_41 = vector.shape_cast %swap3A_40 : vector<1x16xf32> to vector<16xf32>
      %swap3A_42 = vector.shape_cast %broadcast_in_dim3A_1 : vector<16xf32> to vector<1x16xf32>
      tpu.vector_store %arg8[%swap3A, %swap3A_39], %swap3A_42 {strides = array<i32>} : memref<80x128xf32, #tpu.memory_space<vmem>>, vector<1x16xf32>,
      %swap3A_43 = arith.index_cast %add3A_38 : i32 to index
      %swap3A_44 = arith.constant 16 : index
      %swap3A_45 = tpu.vector_load %arg8[%swap3A_43, %swap3A_44] {strides = array<i32>} : memref<80x128xf32, #tpu.memory_space<vmem>>, vector<1x16xf32>,
      %swap3A_46 = vector.shape_cast %swap3A_45 : vector<1x16xf32> to vector<16xf32>
      %swap3A_47 = vector.shape_cast %broadcast_in_dim3A_1 : vector<16xf32> to vector<1x16xf32>
      tpu.vector_store %arg8[%swap3A_43, %swap3A_44], %swap3A_47 {strides = array<i32>} : memref<80x128xf32, #tpu.memory_space<vmem>>, vector<1x16xf32>,
      %swap3A_48 = arith.index_cast %add3A_38 : i32 to index
      %swap3A_49 = arith.constant 32 : index
      %swap3A_50 = tpu.vector_load %arg8[%swap3A_48, %swap3A_49] {strides = array<i32>} : memref<80x128xf32, #tpu.memory_space<vmem>>, vector<1x16xf32>,
      %swap3A_51 = vector.shape_cast %swap3A_50 : vector<1x16xf32> to vector<16xf32>
      %swap3A_52 = vector.shape_cast %broadcast_in_dim3A_1 : vector<16xf32> to vector<1x16xf32>
      tpu.vector_store %arg8[%swap3A_48, %swap3A_49], %swap3A_52 {strides = array<i32>} : memref<80x128xf32, #tpu.memory_space<vmem>>, vector<1x16xf32>,
      %swap3A_53 = arith.index_cast %add3A_38 : i32 to index
      %swap3A_54 = arith.constant 48 : index
      %swap3A_55 = tpu.vector_load %arg8[%swap3A_53, %swap3A_54] {strides = array<i32>} : memref<80x128xf32, #tpu.memory_space<vmem>>, vector<1x16xf32>,
      %swap3A_56 = vector.shape_cast %swap3A_55 : vector<1x16xf32> to vector<16xf32>
      %swap3A_57 = vector.shape_cast %broadcast_in_dim3A_1 : vector<16xf32> to vector<1x16xf32>
      tpu.vector_store %arg8[%swap3A_53, %swap3A_54], %swap3A_57 {strides = array<i32>} : memref<80x128xf32, #tpu.memory_space<vmem>>, vector<1x16xf32>,
      %swap3A_58 = arith.index_cast %add3A_38 : i32 to index
      %swap3A_59 = arith.constant 64 : index
      %swap3A_60 = tpu.vector_load %arg8[%swap3A_58, %swap3A_59] {strides = array<i32>} : memref<80x128xf32, #tpu.memory_space<vmem>>, vector<1x16xf32>,
      %swap3A_61 = vector.shape_cast %swap3A_60 : vector<1x16xf32> to vector<16xf32>
      %swap3A_62 = vector.shape_cast %broadcast_in_dim3A_1 : vector<16xf32> to vector<1x16xf32>
      tpu.vector_store %arg8[%swap3A_58, %swap3A_59], %swap3A_62 {strides = array<i32>} : memref<80x128xf32, #tpu.memory_space<vmem>>, vector<1x16xf32>,
      %swap3A_63 = arith.index_cast %add3A_38 : i32 to index
      %swap3A_64 = arith.constant 80 : index
      %swap3A_65 = tpu.vector_load %arg8[%swap3A_63, %swap3A_64] {strides = array<i32>} : memref<80x128xf32, #tpu.memory_space<vmem>>, vector<1x16xf32>,
      %swap3A_66 = vector.shape_cast %swap3A_65 : vector<1x16xf32> to vector<16xf32>
      %swap3A_67 = vector.shape_cast %broadcast_in_dim3A_1 : vector<16xf32> to vector<1x16xf32>
      tpu.vector_store %arg8[%swap3A_63, %swap3A_64], %swap3A_67 {strides = array<i32>} : memref<80x128xf32, #tpu.memory_space<vmem>>, vector<1x16xf32>,
      %swap3A_68 = arith.index_cast %add3A_38 : i32 to index
      %swap3A_69 = arith.constant 96 : index
      %swap3A_70 = tpu.vector_load %arg8[%swap3A_68, %swap3A_69] {strides = array<i32>} : memref<80x128xf32, #tpu.memory_space<vmem>>, vector<1x16xf32>,
      %swap3A_71 = vector.shape_cast %swap3A_70 : vector<1x16xf32> to vector<16xf32>
      %swap3A_72 = vector.shape_cast %broadcast_in_dim3A_1 : vector<16xf32> to vector<1x16xf32>
      tpu.vector_store %arg8[%swap3A_68, %swap3A_69], %swap3A_72 {strides = array<i32>} : memref<80x128xf32, #tpu.memory_space<vmem>>, vector<1x16xf32>,
      %swap3A_73 = arith.index_cast %add3A_38 : i32 to index
      %swap3A_74 = arith.constant 112 : index
      %swap3A_75 = tpu.vector_load %arg8[%swap3A_73, %swap3A_74] {strides = array<i32>} : memref<80x128xf32, #tpu.memory_space<vmem>>, vector<1x16xf32>,
      %swap3A_76 = vector.shape_cast %swap3A_75 : vector<1x16xf32> to vector<16xf32>
      %swap3A_77 = vector.shape_cast %broadcast_in_dim3A_1 : vector<16xf32> to vector<1x16xf32>
      tpu.vector_store %arg8[%swap3A_73, %swap3A_74], %swap3A_77 {strides = array<i32>} : memref<80x128xf32, #tpu.memory_space<vmem>>, vector<1x16xf32>,
    }
    %scan3A_5 = arith.constant 80 : i32
    %add3A = arith.constant 0 : i32
    %add3A_6 = arith.addi %mul3A_0, %add3A : i32
    "tpu.region"() ({
      %run_scoped3A = tpu.sem_alloc : memref<!tpu.dma_semaphore, #tpu.memory_space<semaphore_mem>>
      %dma_start3A = arith.constant 0 : i32
      %dma_start3A_34 = tpu.memref_slice %arg9[%add3A_6, %dma_start3A] : memref<10000x128xf32, #tpu.memory_space<vmem_shared>> -> memref<80x128xf32, #tpu.memory_space<vmem_shared>>
      %dma_start3A_35 = arith.constant 0 : i32
      %dma_start3A_36 = tpu.memref_slice %arg9[%add3A_6, %dma_start3A_35] : memref<10000x128xf32, #tpu.memory_space<vmem_shared>> -> memref<80x128xf32, #tpu.memory_space<vmem_shared>>
      tpu.enqueue_dma source(%arg8 : memref<80x128xf32, #tpu.memory_space<vmem>>) target(%dma_start3A_36 : memref<80x128xf32, #tpu.memory_space<vmem_shared>>) target_semaphore(%run_scoped3A : memref<!tpu.dma_semaphore, #tpu.memory_space<semaphore_mem>>)
      %dma_wait3A = arith.constant 0 : i32
      %dma_wait3A_37 = tpu.memref_slice %arg9[%add3A_6, %dma_wait3A] : memref<10000x128xf32, #tpu.memory_space<vmem_shared>> -> memref<80x128xf32, #tpu.memory_space<vmem_shared>>
      %dma_wait3A_38 = arith.constant 0 : i32
      %dma_wait3A_39 = tpu.memref_slice %arg9[%add3A_6, %dma_wait3A_38] : memref<10000x128xf32, #tpu.memory_space<vmem_shared>> -> memref<80x128xf32, #tpu.memory_space<vmem_shared>>
      tpu.wait_dma2 semaphore(%run_scoped3A : memref<!tpu.dma_semaphore, #tpu.memory_space<semaphore_mem>>) src(%arg8 : memref<80x128xf32, #tpu.memory_space<vmem>>) dst(%dma_wait3A_39 : memref<80x128xf32, #tpu.memory_space<vmem_shared>>)
      tpu.yield
    }) : () -> ()
    %add3A_7 = arith.constant 80 : i32
    %add3A_8 = arith.addi %mul3A_0, %add3A_7 : i32
    "tpu.region"() ({
      %run_scoped3A = tpu.sem_alloc : memref<!tpu.dma_semaphore, #tpu.memory_space<semaphore_mem>>
      %dma_start3A = arith.constant 0 : i32
      %dma_start3A_34 = tpu.memref_slice %arg9[%add3A_8, %dma_start3A] : memref<10000x128xf32, #tpu.memory_space<vmem_shared>> -> memref<80x128xf32, #tpu.memory_space<vmem_shared>>
      %dma_start3A_35 = arith.constant 0 : i32
      %dma_start3A_36 = tpu.memref_slice %arg9[%add3A_8, %dma_start3A_35] : memref<10000x128xf32, #tpu.memory_space<vmem_shared>> -> memref<80x128xf32, #tpu.memory_space<vmem_shared>>
      tpu.enqueue_dma source(%arg8 : memref<80x128xf32, #tpu.memory_space<vmem>>) target(%dma_start3A_36 : memref<80x128xf32, #tpu.memory_space<vmem_shared>>) target_semaphore(%run_scoped3A : memref<!tpu.dma_semaphore, #tpu.memory_space<semaphore_mem>>)
      %dma_wait3A = arith.constant 0 : i32
      %dma_wait3A_37 = tpu.memref_slice %arg9[%add3A_8, %dma_wait3A] : memref<10000x128xf32, #tpu.memory_space<vmem_shared>> -> memref<80x128xf32, #tpu.memory_space<vmem_shared>>
      %dma_wait3A_38 = arith.constant 0 : i32
      %dma_wait3A_39 = tpu.memref_slice %arg9[%add3A_8, %dma_wait3A_38] : memref<10000x128xf32, #tpu.memory_space<vmem_shared>> -> memref<80x128xf32, #tpu.memory_space<vmem_shared>>
      tpu.wait_dma2 semaphore(%run_scoped3A : memref<!tpu.dma_semaphore, #tpu.memory_space<semaphore_mem>>) src(%arg8 : memref<80x128xf32, #tpu.memory_space<vmem>>) dst(%dma_wait3A_39 : memref<80x128xf32, #tpu.memory_space<vmem_shared>>)
      tpu.yield
    }) : () -> ()
    %add3A_9 = arith.constant 160 : i32
    %add3A_10 = arith.addi %mul3A_0, %add3A_9 : i32
    "tpu.region"() ({
      %run_scoped3A = tpu.sem_alloc : memref<!tpu.dma_semaphore, #tpu.memory_space<semaphore_mem>>
      %dma_start3A = arith.constant 0 : i32
      %dma_start3A_34 = tpu.memref_slice %arg9[%add3A_10, %dma_start3A] : memref<10000x128xf32, #tpu.memory_space<vmem_shared>> -> memref<80x128xf32, #tpu.memory_space<vmem_shared>>
      %dma_start3A_35 = arith.constant 0 : i32
      %dma_start3A_36 = tpu.memref_slice %arg9[%add3A_10, %dma_start3A_35] : memref<10000x128xf32, #tpu.memory_space<vmem_shared>> -> memref<80x128xf32, #tpu.memory_space<vmem_shared>>
      tpu.enqueue_dma source(%arg8 : memref<80x128xf32, #tpu.memory_space<vmem>>) target(%dma_start3A_36 : memref<80x128xf32, #tpu.memory_space<vmem_shared>>) target_semaphore(%run_scoped3A : memref<!tpu.dma_semaphore, #tpu.memory_space<semaphore_mem>>)
      %dma_wait3A = arith.constant 0 : i32
      %dma_wait3A_37 = tpu.memref_slice %arg9[%add3A_10, %dma_wait3A] : memref<10000x128xf32, #tpu.memory_space<vmem_shared>> -> memref<80x128xf32, #tpu.memory_space<vmem_shared>>
      %dma_wait3A_38 = arith.constant 0 : i32
      %dma_wait3A_39 = tpu.memref_slice %arg9[%add3A_10, %dma_wait3A_38] : memref<10000x128xf32, #tpu.memory_space<vmem_shared>> -> memref<80x128xf32, #tpu.memory_space<vmem_shared>>
      tpu.wait_dma2 semaphore(%run_scoped3A : memref<!tpu.dma_semaphore, #tpu.memory_space<semaphore_mem>>) src(%arg8 : memref<80x128xf32, #tpu.memory_space<vmem>>) dst(%dma_wait3A_39 : memref<80x128xf32, #tpu.memory_space<vmem_shared>>)
      tpu.yield
    }) : () -> ()
    %add3A_11 = arith.constant 240 : i32
    %add3A_12 = arith.addi %mul3A_0, %add3A_11 : i32
    "tpu.region"() ({
      %run_scoped3A = tpu.sem_alloc : memref<!tpu.dma_semaphore, #tpu.memory_space<semaphore_mem>>
      %dma_start3A = arith.constant 0 : i32
      %dma_start3A_34 = tpu.memref_slice %arg9[%add3A_12, %dma_start3A] : memref<10000x128xf32, #tpu.memory_space<vmem_shared>> -> memref<80x128xf32, #tpu.memory_space<vmem_shared>>
      %dma_start3A_35 = arith.constant 0 : i32
      %dma_start3A_36 = tpu.memref_slice %arg9[%add3A_12, %dma_start3A_35] : memref<10000x128xf32, #tpu.memory_space<vmem_shared>> -> memref<80x128xf32, #tpu.memory_space<vmem_shared>>
      tpu.enqueue_dma source(%arg8 : memref<80x128xf32, #tpu.memory_space<vmem>>) target(%dma_start3A_36 : memref<80x128xf32, #tpu.memory_space<vmem_shared>>) target_semaphore(%run_scoped3A : memref<!tpu.dma_semaphore, #tpu.memory_space<semaphore_mem>>)
      %dma_wait3A = arith.constant 0 : i32
      %dma_wait3A_37 = tpu.memref_slice %arg9[%add3A_12, %dma_wait3A] : memref<10000x128xf32, #tpu.memory_space<vmem_shared>> -> memref<80x128xf32, #tpu.memory_space<vmem_shared>>
      %dma_wait3A_38 = arith.constant 0 : i32
      %dma_wait3A_39 = tpu.memref_slice %arg9[%add3A_12, %dma_wait3A_38] : memref<10000x128xf32, #tpu.memory_space<vmem_shared>> -> memref<80x128xf32, #tpu.memory_space<vmem_shared>>
      tpu.wait_dma2 semaphore(%run_scoped3A : memref<!tpu.dma_semaphore, #tpu.memory_space<semaphore_mem>>) src(%arg8 : memref<80x128xf32, #tpu.memory_space<vmem>>) dst(%dma_wait3A_39 : memref<80x128xf32, #tpu.memory_space<vmem_shared>>)
      tpu.yield
    }) : () -> ()
    %add3A_13 = arith.constant 320 : i32
    %add3A_14 = arith.addi %mul3A_0, %add3A_13 : i32
    "tpu.region"() ({
      %run_scoped3A = tpu.sem_alloc : memref<!tpu.dma_semaphore, #tpu.memory_space<semaphore_mem>>
      %dma_start3A = arith.constant 0 : i32
      %dma_start3A_34 = tpu.memref_slice %arg9[%add3A_14, %dma_start3A] : memref<10000x128xf32, #tpu.memory_space<vmem_shared>> -> memref<80x128xf32, #tpu.memory_space<vmem_shared>>
      %dma_start3A_35 = arith.constant 0 : i32
      %dma_start3A_36 = tpu.memref_slice %arg9[%add3A_14, %dma_start3A_35] : memref<10000x128xf32, #tpu.memory_space<vmem_shared>> -> memref<80x128xf32, #tpu.memory_space<vmem_shared>>
      tpu.enqueue_dma source(%arg8 : memref<80x128xf32, #tpu.memory_space<vmem>>) target(%dma_start3A_36 : memref<80x128xf32, #tpu.memory_space<vmem_shared>>) target_semaphore(%run_scoped3A : memref<!tpu.dma_semaphore, #tpu.memory_space<semaphore_mem>>)
      %dma_wait3A = arith.constant 0 : i32
      %dma_wait3A_37 = tpu.memref_slice %arg9[%add3A_14, %dma_wait3A] : memref<10000x128xf32, #tpu.memory_space<vmem_shared>> -> memref<80x128xf32, #tpu.memory_space<vmem_shared>>
      %dma_wait3A_38 = arith.constant 0 : i32
      %dma_wait3A_39 = tpu.memref_slice %arg9[%add3A_14, %dma_wait3A_38] : memref<10000x128xf32, #tpu.memory_space<vmem_shared>> -> memref<80x128xf32, #tpu.memory_space<vmem_shared>>
      tpu.wait_dma2 semaphore(%run_scoped3A : memref<!tpu.dma_semaphore, #tpu.memory_space<semaphore_mem>>) src(%arg8 : memref<80x128xf32, #tpu.memory_space<vmem>>) dst(%dma_wait3A_39 : memref<80x128xf32, #tpu.memory_space<vmem_shared>>)
      tpu.yield
    }) : () -> ()
    %add3A_15 = arith.constant 400 : i32
    %add3A_16 = arith.addi %mul3A_0, %add3A_15 : i32
    "tpu.region"() ({
      %run_scoped3A = tpu.sem_alloc : memref<!tpu.dma_semaphore, #tpu.memory_space<semaphore_mem>>
      %dma_start3A = arith.constant 0 : i32
      %dma_start3A_34 = tpu.memref_slice %arg9[%add3A_16, %dma_start3A] : memref<10000x128xf32, #tpu.memory_space<vmem_shared>> -> memref<80x128xf32, #tpu.memory_space<vmem_shared>>
      %dma_start3A_35 = arith.constant 0 : i32
      %dma_start3A_36 = tpu.memref_slice %arg9[%add3A_16, %dma_start3A_35] : memref<10000x128xf32, #tpu.memory_space<vmem_shared>> -> memref<80x128xf32, #tpu.memory_space<vmem_shared>>
      tpu.enqueue_dma source(%arg8 : memref<80x128xf32, #tpu.memory_space<vmem>>) target(%dma_start3A_36 : memref<80x128xf32, #tpu.memory_space<vmem_shared>>) target_semaphore(%run_scoped3A : memref<!tpu.dma_semaphore, #tpu.memory_space<semaphore_mem>>)
      %dma_wait3A = arith.constant 0 : i32
      %dma_wait3A_37 = tpu.memref_slice %arg9[%add3A_16, %dma_wait3A] : memref<10000x128xf32, #tpu.memory_space<vmem_shared>> -> memref<80x128xf32, #tpu.memory_space<vmem_shared>>
      %dma_wait3A_38 = arith.constant 0 : i32
      %dma_wait3A_39 = tpu.memref_slice %arg9[%add3A_16, %dma_wait3A_38] : memref<10000x128xf32, #tpu.memory_space<vmem_shared>> -> memref<80x128xf32, #tpu.memory_space<vmem_shared>>
      tpu.wait_dma2 semaphore(%run_scoped3A : memref<!tpu.dma_semaphore, #tpu.memory_space<semaphore_mem>>) src(%arg8 : memref<80x128xf32, #tpu.memory_space<vmem>>) dst(%dma_wait3A_39 : memref<80x128xf32, #tpu.memory_space<vmem_shared>>)
      tpu.yield
    }) : () -> ()
    %add3A_17 = arith.constant 480 : i32
    %add3A_18 = arith.addi %mul3A_0, %add3A_17 : i32
    "tpu.region"() ({
      %run_scoped3A = tpu.sem_alloc : memref<!tpu.dma_semaphore, #tpu.memory_space<semaphore_mem>>
      %dma_start3A = arith.constant 0 : i32
      %dma_start3A_34 = tpu.memref_slice %arg9[%add3A_18, %dma_start3A] : memref<10000x128xf32, #tpu.memory_space<vmem_shared>> -> memref<80x128xf32, #tpu.memory_space<vmem_shared>>
      %dma_start3A_35 = arith.constant 0 : i32
      %dma_start3A_36 = tpu.memref_slice %arg9[%add3A_18, %dma_start3A_35] : memref<10000x128xf32, #tpu.memory_space<vmem_shared>> -> memref<80x128xf32, #tpu.memory_space<vmem_shared>>
      tpu.enqueue_dma source(%arg8 : memref<80x128xf32, #tpu.memory_space<vmem>>) target(%dma_start3A_36 : memref<80x128xf32, #tpu.memory_space<vmem_shared>>) target_semaphore(%run_scoped3A : memref<!tpu.dma_semaphore, #tpu.memory_space<semaphore_mem>>)
      %dma_wait3A = arith.constant 0 : i32
      %dma_wait3A_37 = tpu.memref_slice %arg9[%add3A_18, %dma_wait3A] : memref<10000x128xf32, #tpu.memory_space<vmem_shared>> -> memref<80x128xf32, #tpu.memory_space<vmem_shared>>
      %dma_wait3A_38 = arith.constant 0 : i32
      %dma_wait3A_39 = tpu.memref_slice %arg9[%add3A_18, %dma_wait3A_38] : memref<10000x128xf32, #tpu.memory_space<vmem_shared>> -> memref<80x128xf32, #tpu.memory_space<vmem_shared>>
      tpu.wait_dma2 semaphore(%run_scoped3A : memref<!tpu.dma_semaphore, #tpu.memory_space<semaphore_mem>>) src(%arg8 : memref<80x128xf32, #tpu.memory_space<vmem>>) dst(%dma_wait3A_39 : memref<80x128xf32, #tpu.memory_space<vmem_shared>>)
      tpu.yield
    }) : () -> ()
    %add3A_19 = arith.constant 560 : i32
    %add3A_20 = arith.addi %mul3A_0, %add3A_19 : i32
    "tpu.region"() ({
      %run_scoped3A = tpu.sem_alloc : memref<!tpu.dma_semaphore, #tpu.memory_space<semaphore_mem>>
      %dma_start3A = arith.constant 0 : i32
      %dma_start3A_34 = arith.constant 0 : i32
      %dma_start3A_35 = tpu.memref_slice %arg8[%dma_start3A, %dma_start3A_34] : memref<80x128xf32, #tpu.memory_space<vmem>> -> memref<64x128xf32, #tpu.memory_space<vmem>>
      %dma_start3A_36 = arith.constant 0 : i32
      %dma_start3A_37 = tpu.memref_slice %arg9[%add3A_20, %dma_start3A_36] : memref<10000x128xf32, #tpu.memory_space<vmem_shared>> -> memref<64x128xf32, #tpu.memory_space<vmem_shared>>
      %dma_start3A_38 = arith.constant 0 : i32
      %dma_start3A_39 = tpu.memref_slice %arg9[%add3A_20, %dma_start3A_38] : memref<10000x128xf32, #tpu.memory_space<vmem_shared>> -> memref<64x128xf32, #tpu.memory_space<vmem_shared>>
      %dma_start3A_40 = arith.constant 0 : i32
      %dma_start3A_41 = arith.constant 0 : i32
      %dma_start3A_42 = tpu.memref_slice %arg8[%dma_start3A_40, %dma_start3A_41] : memref<80x128xf32, #tpu.memory_space<vmem>> -> memref<64x128xf32, #tpu.memory_space<vmem>>
      tpu.enqueue_dma source(%dma_start3A_42 : memref<64x128xf32, #tpu.memory_space<vmem>>) target(%dma_start3A_39 : memref<64x128xf32, #tpu.memory_space<vmem_shared>>) target_semaphore(%run_scoped3A : memref<!tpu.dma_semaphore, #tpu.memory_space<semaphore_mem>>)
      %dma_wait3A = arith.constant 0 : i32
      %dma_wait3A_43 = arith.constant 0 : i32
      %dma_wait3A_44 = tpu.memref_slice %arg8[%dma_wait3A, %dma_wait3A_43] : memref<80x128xf32, #tpu.memory_space<vmem>> -> memref<64x128xf32, #tpu.memory_space<vmem>>
      %dma_wait3A_45 = arith.constant 0 : i32
      %dma_wait3A_46 = tpu.memref_slice %arg9[%add3A_20, %dma_wait3A_45] : memref<10000x128xf32, #tpu.memory_space<vmem_shared>> -> memref<64x128xf32, #tpu.memory_space<vmem_shared>>
      %dma_wait3A_47 = arith.constant 0 : i32
      %dma_wait3A_48 = tpu.memref_slice %arg9[%add3A_20, %dma_wait3A_47] : memref<10000x128xf32, #tpu.memory_space<vmem_shared>> -> memref<64x128xf32, #tpu.memory_space<vmem_shared>>
      %dma_wait3A_49 = arith.constant 0 : i32
      %dma_wait3A_50 = arith.constant 0 : i32
      %dma_wait3A_51 = tpu.memref_slice %arg8[%dma_wait3A_49, %dma_wait3A_50] : memref<80x128xf32, #tpu.memory_space<vmem>> -> memref<64x128xf32, #tpu.memory_space<vmem>>
      tpu.wait_dma2 semaphore(%run_scoped3A : memref<!tpu.dma_semaphore, #tpu.memory_space<semaphore_mem>>) src(%dma_wait3A_51 : memref<64x128xf32, #tpu.memory_space<vmem>>) dst(%dma_wait3A_48 : memref<64x128xf32, #tpu.memory_space<vmem_shared>>)
      tpu.yield
    }) : () -> ()
    %eq3A = arith.constant 15 : i32
    %eq3A_21 = arith.cmpi eq, %arg1, %eq3A : i32
    %convert_element_type3A = arith.extui %eq3A_21 : i1 to i32
    %cond3A = arith.constant 0 : i32
    %cond3A_22 = arith.cmpi ne, %convert_element_type3A, %cond3A : i32
    scf.if %cond3A_22 {
      "tpu.region"() ({
        %run_scoped3A = tpu.sem_alloc : memref<!tpu.dma_semaphore, #tpu.memory_space<semaphore_mem>>
        %dma_start3A = arith.constant 0 : i32
        %dma_start3A_34 = arith.constant 0 : i32
        %dma_start3A_35 = tpu.memref_slice %arg8[%dma_start3A, %dma_start3A_34] : memref<80x128xf32, #tpu.memory_space<vmem>> -> memref<16x128xf32, #tpu.memory_space<vmem>>
        %dma_start3A_36 = arith.constant 9984 : i32
        %dma_start3A_37 = arith.constant 0 : i32
        %dma_start3A_38 = tpu.memref_slice %arg9[%dma_start3A_36, %dma_start3A_37] : memref<10000x128xf32, #tpu.memory_space<vmem_shared>> -> memref<16x128xf32, #tpu.memory_space<vmem_shared>>
        %dma_start3A_39 = arith.constant 9984 : i32
        %dma_start3A_40 = arith.constant 0 : i32
        %dma_start3A_41 = tpu.memref_slice %arg9[%dma_start3A_39, %dma_start3A_40] : memref<10000x128xf32, #tpu.memory_space<vmem_shared>> -> memref<16x128xf32, #tpu.memory_space<vmem_shared>>
        %dma_start3A_42 = arith.constant 0 : i32
        %dma_start3A_43 = arith.constant 0 : i32
        %dma_start3A_44 = tpu.memref_slice %arg8[%dma_start3A_42, %dma_start3A_43] : memref<80x128xf32, #tpu.memory_space<vmem>> -> memref<16x128xf32, #tpu.memory_space<vmem>>
        tpu.enqueue_dma source(%dma_start3A_44 : memref<16x128xf32, #tpu.memory_space<vmem>>) target(%dma_start3A_41 : memref<16x128xf32, #tpu.memory_space<vmem_shared>>) target_semaphore(%run_scoped3A : memref<!tpu.dma_semaphore, #tpu.memory_space<semaphore_mem>>)
        %dma_wait3A = arith.constant 0 : i32
        %dma_wait3A_45 = arith.constant 0 : i32
        %dma_wait3A_46 = tpu.memref_slice %arg8[%dma_wait3A, %dma_wait3A_45] : memref<80x128xf32, #tpu.memory_space<vmem>> -> memref<16x128xf32, #tpu.memory_space<vmem>>
        %dma_wait3A_47 = arith.constant 9984 : i32
        %dma_wait3A_48 = arith.constant 0 : i32
        %dma_wait3A_49 = tpu.memref_slice %arg9[%dma_wait3A_47, %dma_wait3A_48] : memref<10000x128xf32, #tpu.memory_space<vmem_shared>> -> memref<16x128xf32, #tpu.memory_space<vmem_shared>>
        %dma_wait3A_50 = arith.constant 9984 : i32
        %dma_wait3A_51 = arith.constant 0 : i32
        %dma_wait3A_52 = tpu.memref_slice %arg9[%dma_wait3A_50, %dma_wait3A_51] : memref<10000x128xf32, #tpu.memory_space<vmem_shared>> -> memref<16x128xf32, #tpu.memory_space<vmem_shared>>
        %dma_wait3A_53 = arith.constant 0 : i32
        %dma_wait3A_54 = arith.constant 0 : i32
        %dma_wait3A_55 = tpu.memref_slice %arg8[%dma_wait3A_53, %dma_wait3A_54] : memref<80x128xf32, #tpu.memory_space<vmem>> -> memref<16x128xf32, #tpu.memory_space<vmem>>
        tpu.wait_dma2 semaphore(%run_scoped3A : memref<!tpu.dma_semaphore, #tpu.memory_space<semaphore_mem>>) src(%dma_wait3A_55 : memref<16x128xf32, #tpu.memory_space<vmem>>) dst(%dma_wait3A_52 : memref<16x128xf32, #tpu.memory_space<vmem_shared>>)
        tpu.yield
      }) : () -> ()
    } else {
    }
    %barrier3A = arith.constant 0 : index
    tpu.barrier barrier_id(%barrier3A)
    %scan3A_23 = arith.constant 0 : i32
    %scan3A_24 = arith.constant 125 : i32
    %scan3A_25 = arith.addi %scan3A_23, %scan3A_24 : i32
    %scan3A_26 = arith.constant 1 : i32
    scf.for %scan3A_34 = %scan3A_23 to %scan3A_25 step %scan3A_26  : i32 {
      %mul3A_35 = arith.constant 1 : i32
      %mul3A_36 = arith.muli %scan3A_34, %mul3A_35 : i32
      %add3A_37 = arith.constant 0 : i32
      %add3A_38 = arith.addi %add3A_37, %mul3A_36 : i32
      %mul3A_39 = arith.constant 160000 : i32
      %mul3A_40 = arith.muli %arg0, %mul3A_39 : i32
      %mul3A_41 = arith.constant 10000 : i32
      %mul3A_42 = arith.muli %arg1, %mul3A_41 : i32
      %add3A_43 = arith.addi %mul3A_40, %mul3A_42 : i32
      %mul3A_44 = arith.constant 80 : i32
      %mul3A_45 = arith.muli %add3A_38, %mul3A_44 : i32
      %add3A_46 = arith.addi %add3A_43, %mul3A_45 : i32
      "tpu.region"() ({
        %run_scoped3A = tpu.sem_alloc : memref<!tpu.dma_semaphore, #tpu.memory_space<semaphore_mem>>
        %dma_start3A_51 = tpu.memref_slice %arg3[%add3A_46] : memref<320000xi32, #tpu.memory_space<hbm>> -> memref<80xi32, #tpu.memory_space<hbm>>
        %dma_start3A_52 = tpu.memref_slice %arg3[%add3A_46] : memref<320000xi32, #tpu.memory_space<hbm>> -> memref<80xi32, #tpu.memory_space<hbm>>
        tpu.enqueue_dma source(%dma_start3A_52 : memref<80xi32, #tpu.memory_space<hbm>>) target(%arg6 : memref<80xi32, #tpu.memory_space<vmem>>) target_semaphore(%run_scoped3A : memref<!tpu.dma_semaphore, #tpu.memory_space<semaphore_mem>>)
        %dma_wait3A_53 = tpu.memref_slice %arg3[%add3A_46] : memref<320000xi32, #tpu.memory_space<hbm>> -> memref<80xi32, #tpu.memory_space<hbm>>
        %dma_wait3A_54 = tpu.memref_slice %arg3[%add3A_46] : memref<320000xi32, #tpu.memory_space<hbm>> -> memref<80xi32, #tpu.memory_space<hbm>>
        tpu.wait_dma2 semaphore(%run_scoped3A : memref<!tpu.dma_semaphore, #tpu.memory_space<semaphore_mem>>) src(%dma_wait3A_54 : memref<80xi32, #tpu.memory_space<hbm>>) dst(%arg6 : memref<80xi32, #tpu.memory_space<vmem>>)
        tpu.yield
      }) : () -> ()
      "tpu.region"() ({
        %run_scoped3A = tpu.sem_alloc : memref<!tpu.dma_semaphore, #tpu.memory_space<semaphore_mem>>
        %dma_start3A_51 = tpu.memref_slice %arg4[%add3A_46] : memref<320000xi32, #tpu.memory_space<hbm>> -> memref<80xi32, #tpu.memory_space<hbm>>
        %dma_start3A_52 = tpu.memref_slice %arg4[%add3A_46] : memref<320000xi32, #tpu.memory_space<hbm>> -> memref<80xi32, #tpu.memory_space<hbm>>
        tpu.enqueue_dma source(%dma_start3A_52 : memref<80xi32, #tpu.memory_space<hbm>>) target(%arg7 : memref<80xi32, #tpu.memory_space<vmem>>) target_semaphore(%run_scoped3A : memref<!tpu.dma_semaphore, #tpu.memory_space<semaphore_mem>>)
        %dma_wait3A_53 = tpu.memref_slice %arg4[%add3A_46] : memref<320000xi32, #tpu.memory_space<hbm>> -> memref<80xi32, #tpu.memory_space<hbm>>
        %dma_wait3A_54 = tpu.memref_slice %arg4[%add3A_46] : memref<320000xi32, #tpu.memory_space<hbm>> -> memref<80xi32, #tpu.memory_space<hbm>>
        tpu.wait_dma2 semaphore(%run_scoped3A : memref<!tpu.dma_semaphore, #tpu.memory_space<semaphore_mem>>) src(%dma_wait3A_54 : memref<80xi32, #tpu.memory_space<hbm>>) dst(%arg7 : memref<80xi32, #tpu.memory_space<vmem>>)
        tpu.yield
      }) : () -> ()
      %dma_start3A = arith.constant 0 : i32
      %dma_start3A_47 = arith.constant 0 : i32
      %dma_start3A_48 = tpu.memref_slice %arg2[%dma_start3A, %dma_start3A_47] : memref<10000x128xf32, #tpu.memory_space<hbm>> -> memref<10000x128xf32, #tpu.memory_space<hbm>>
      tpu.enqueue_indirect_dma source(%dma_start3A_48 : memref<10000x128xf32, #tpu.memory_space<hbm>>) target(%arg8 : memref<80x128xf32, #tpu.memory_space<vmem>>) offsets(%arg6 : memref<80xi32, #tpu.memory_space<vmem>>) semaphore(%arg10 : memref<!tpu.dma_semaphore, #tpu.memory_space<semaphore_mem>>)
      %dma_wait3A = arith.constant 0 : i32
      %dma_wait3A_49 = arith.constant 0 : i32
      %dma_wait3A_50 = tpu.memref_slice %arg2[%dma_wait3A, %dma_wait3A_49] : memref<10000x128xf32, #tpu.memory_space<hbm>> -> memref<10000x128xf32, #tpu.memory_space<hbm>>
      tpu.wait_indirect_dma semaphore(%arg10 : memref<!tpu.dma_semaphore, #tpu.memory_space<semaphore_mem>>) src(%dma_wait3A_50 : memref<10000x128xf32, #tpu.memory_space<hbm>>) dst(%arg8 : memref<80x128xf32, #tpu.memory_space<vmem>>)
      "tpu.region"() ({
        %run_scoped3A = tpu.sem_alloc : memref<!tpu.dma_semaphore, #tpu.memory_space<semaphore_mem>>
        %dma_start3A_51 = arith.constant 0 : i32
        %dma_start3A_52 = arith.constant 0 : i32
        %dma_start3A_53 = tpu.memref_slice %arg9[%dma_start3A_51, %dma_start3A_52] : memref<10000x128xf32, #tpu.memory_space<vmem_shared>> -> memref<10000x128xf32, #tpu.memory_space<vmem_shared>>
        tpu.enqueue_indirect_dma source(%arg8 : memref<80x128xf32, #tpu.memory_space<vmem>>) target(%dma_start3A_53 : memref<10000x128xf32, #tpu.memory_space<vmem_shared>>) offsets(%arg7 : memref<80xi32, #tpu.memory_space<vmem>>) semaphore(%run_scoped3A : memref<!tpu.dma_semaphore, #tpu.memory_space<semaphore_mem>>) {add = true}
        %dma_wait3A_54 = arith.constant 0 : i32
        %dma_wait3A_55 = arith.constant 0 : i32
        %dma_wait3A_56 = tpu.memref_slice %arg9[%dma_wait3A_54, %dma_wait3A_55] : memref<10000x128xf32, #tpu.memory_space<vmem_shared>> -> memref<10000x128xf32, #tpu.memory_space<vmem_shared>>
        tpu.wait_indirect_dma semaphore(%run_scoped3A : memref<!tpu.dma_semaphore, #tpu.memory_space<semaphore_mem>>) src(%arg8 : memref<80x128xf32, #tpu.memory_space<vmem>>) dst(%dma_wait3A_56 : memref<10000x128xf32, #tpu.memory_space<vmem_shared>>)
        tpu.yield
      }) : () -> ()
    }
    %scan3A_27 = arith.constant 125 : i32
    %barrier3A_28 = arith.constant 0 : index
    tpu.barrier barrier_id(%barrier3A_28)
    "tpu.region"() ({
      %run_scoped3A = tpu.sem_alloc : memref<!tpu.dma_semaphore, #tpu.memory_space<semaphore_mem>>
      %dma_start3A = arith.constant 0 : i32
      %dma_start3A_34 = tpu.memref_slice %arg5[%arg0, %mul3A_0, %dma_start3A] : memref<2x10000x128xf32, #tpu.memory_space<hbm>> -> memref<1x624x128xf32, #tpu.memory_space<hbm>>
      %dma_start3A_35 = tpu.memref_squeeze %dma_start3A_34 : memref<1x624x128xf32, #tpu.memory_space<hbm>> -> memref<624x128xf32, #tpu.memory_space<hbm>>
      %dma_start3A_36 = arith.constant 0 : i32
      %dma_start3A_37 = tpu.memref_slice %arg9[%mul3A_0, %dma_start3A_36] : memref<10000x128xf32, #tpu.memory_space<vmem_shared>> -> memref<624x128xf32, #tpu.memory_space<vmem_shared>>
      tpu.enqueue_dma source(%dma_start3A_37 : memref<624x128xf32, #tpu.memory_space<vmem_shared>>) target(%dma_start3A_35 : memref<624x128xf32, #tpu.memory_space<hbm>>) target_semaphore(%run_scoped3A : memref<!tpu.dma_semaphore, #tpu.memory_space<semaphore_mem>>)
      %dma_wait3A = arith.constant 0 : i32
      %dma_wait3A_38 = tpu.memref_slice %arg5[%arg0, %mul3A_0, %dma_wait3A] : memref<2x10000x128xf32, #tpu.memory_space<hbm>> -> memref<1x624x128xf32, #tpu.memory_space<hbm>>
      %dma_wait3A_39 = tpu.memref_squeeze %dma_wait3A_38 : memref<1x624x128xf32, #tpu.memory_space<hbm>> -> memref<624x128xf32, #tpu.memory_space<hbm>>
      %dma_wait3A_40 = arith.constant 0 : i32
      %dma_wait3A_41 = tpu.memref_slice %arg9[%mul3A_0, %dma_wait3A_40] : memref<10000x128xf32, #tpu.memory_space<vmem_shared>> -> memref<624x128xf32, #tpu.memory_space<vmem_shared>>
      tpu.wait_dma2 semaphore(%run_scoped3A : memref<!tpu.dma_semaphore, #tpu.memory_space<semaphore_mem>>) src(%dma_wait3A_41 : memref<624x128xf32, #tpu.memory_space<vmem_shared>>) dst(%dma_wait3A_39 : memref<624x128xf32, #tpu.memory_space<hbm>>)
      tpu.yield
    }) : () -> ()
    %eq3A_29 = arith.constant 15 : i32
    %eq3A_30 = arith.cmpi eq, %arg1, %eq3A_29 : i32
    %convert_element_type3A_31 = arith.extui %eq3A_30 : i1 to i32
    %cond3A_32 = arith.constant 0 : i32
    %cond3A_33 = arith.cmpi ne, %convert_element_type3A_31, %cond3A_32 : i32
    scf.if %cond3A_33 {
      "tpu.region"() ({
        %run_scoped3A = tpu.sem_alloc : memref<!tpu.dma_semaphore, #tpu.memory_space<semaphore_mem>>
        %dma_start3A = arith.constant 9984 : i32
        %dma_start3A_34 = arith.constant 0 : i32
        %dma_start3A_35 = tpu.memref_slice %arg5[%arg0, %dma_start3A, %dma_start3A_34] : memref<2x10000x128xf32, #tpu.memory_space<hbm>> -> memref<1x16x128xf32, #tpu.memory_space<hbm>>
        %dma_start3A_36 = tpu.memref_squeeze %dma_start3A_35 : memref<1x16x128xf32, #tpu.memory_space<hbm>> -> memref<16x128xf32, #tpu.memory_space<hbm>>
        %dma_start3A_37 = arith.constant 9984 : i32
        %dma_start3A_38 = arith.constant 0 : i32
        %dma_start3A_39 = tpu.memref_slice %arg9[%dma_start3A_37, %dma_start3A_38] : memref<10000x128xf32, #tpu.memory_space<vmem_shared>> -> memref<16x128xf32, #tpu.memory_space<vmem_shared>>
        tpu.enqueue_dma source(%dma_start3A_39 : memref<16x128xf32, #tpu.memory_space<vmem_shared>>) target(%dma_start3A_36 : memref<16x128xf32, #tpu.memory_space<hbm>>) target_semaphore(%run_scoped3A : memref<!tpu.dma_semaphore, #tpu.memory_space<semaphore_mem>>)
        %dma_wait3A = arith.constant 9984 : i32
        %dma_wait3A_40 = arith.constant 0 : i32
        %dma_wait3A_41 = tpu.memref_slice %arg5[%arg0, %dma_wait3A, %dma_wait3A_40] : memref<2x10000x128xf32, #tpu.memory_space<hbm>> -> memref<1x16x128xf32, #tpu.memory_space<hbm>>
        %dma_wait3A_42 = tpu.memref_squeeze %dma_wait3A_41 : memref<1x16x128xf32, #tpu.memory_space<hbm>> -> memref<16x128xf32, #tpu.memory_space<hbm>>
        %dma_wait3A_43 = arith.constant 9984 : i32
        %dma_wait3A_44 = arith.constant 0 : i32
        %dma_wait3A_45 = tpu.memref_slice %arg9[%dma_wait3A_43, %dma_wait3A_44] : memref<10000x128xf32, #tpu.memory_space<vmem_shared>> -> memref<16x128xf32, #tpu.memory_space<vmem_shared>>
        tpu.wait_dma2 semaphore(%run_scoped3A : memref<!tpu.dma_semaphore, #tpu.memory_space<semaphore_mem>>) src(%dma_wait3A_45 : memref<16x128xf32, #tpu.memory_space<vmem_shared>>) dst(%dma_wait3A_42 : memref<16x128xf32, #tpu.memory_space<hbm>>)
        tpu.yield
      }) : () -> ()
    } else {
    }
    return
  }
}

#map = affine_map<(d0, d1) -> (0, 0)>
#map1 = affine_map<(d0, d1) -> (0)>
#map2 = affine_map<(d0, d1) -> (0, 0, 0)>
module attributes {stable_mosaic.version = 14 : i64} {
  func.func @gcn(%arg0: i32, %arg1: i32, %arg2: memref<10000x128xf32, #tpu.memory_space<hbm>>, %arg3: memref<320000xi32, #tpu.memory_space<hbm>>, %arg4: memref<320000xi32, #tpu.memory_space<hbm>>, %arg5: memref<2x10000x128xf32, #tpu.memory_space<hbm>>, %arg6: memref<80xi32, #tpu.memory_space<vmem>>, %arg7: memref<80xi32, #tpu.memory_space<vmem>>, %arg8: memref<80x128xf32, #tpu.memory_space<vmem>>, %arg9: memref<10000x128xf32, #tpu.memory_space<vmem_shared>>, %arg10: memref<!tpu.dma_semaphore, #tpu.memory_space<semaphore_mem>>) attributes {dimension_semantics = [#tpu.dimension_semantics<core_parallel>, #tpu.dimension_semantics<subcore_parallel>], iteration_bounds = array<i64: 2, 16>, scalar_prefetch = 0 : i64, scratch_operands = 5 : i64, tpu.core_type = #tpu.core_type<sc_vector_subcore>, window_params = [{transform_indices = #map}, {transform_indices = #map1}, {transform_indices = #map1}, {transform_indices = #map2}]} {
    %mul3A = arith.constant 624 : i32
    %mul3A_0 = arith.muli %arg1, %mul3A : i32
    %broadcast_in_dim3A = arith.constant 0.000000e+00 : f32
    %broadcast_in_dim3A_1 = vector.broadcast %broadcast_in_dim3A : f32 to vector<16xf32>
    %scan3A = arith.constant 0 : i32
    %scan3A_2 = arith.constant 80 : i32
    %scan3A_3 = arith.addi %scan3A, %scan3A_2 : i32
    %scan3A_4 = arith.constant 1 : i32
    scf.for %scan3A_34 = %scan3A to %scan3A_3 step %scan3A_4  : i32 {
      %mul3A_35 = arith.constant 1 : i32
      %mul3A_36 = arith.muli %scan3A_34, %mul3A_35 : i32
      %add3A_37 = arith.constant 0 : i32
      %add3A_38 = arith.addi %add3A_37, %mul3A_36 : i32
      %swap3A = arith.index_cast %add3A_38 : i32 to index
      %swap3A_39 = arith.constant 0 : index
      %swap3A_40 = tpu.vector_load %arg8[%swap3A, %swap3A_39] {strides = array<i32>} : memref<80x128xf32, #tpu.memory_space<vmem>>, vector<1x16xf32>,
      %swap3A_41 = vector.shape_cast %swap3A_40 : vector<1x16xf32> to vector<16xf32>
      %swap3A_42 = vector.shape_cast %broadcast_in_dim3A_1 : vector<16xf32> to vector<1x16xf32>
      tpu.vector_store %arg8[%swap3A, %swap3A_39], %swap3A_42 {strides = array<i32>} : memref<80x128xf32, #tpu.memory_space<vmem>>, vector<1x16xf32>,
      %swap3A_43 = arith.index_cast %add3A_38 : i32 to index
      %swap3A_44 = arith.constant 16 : index
      %swap3A_45 = tpu.vector_load %arg8[%swap3A_43, %swap3A_44] {strides = array<i32>} : memref<80x128xf32, #tpu.memory_space<vmem>>, vector<1x16xf32>,
      %swap3A_46 = vector.shape_cast %swap3A_45 : vector<1x16xf32> to vector<16xf32>
      %swap3A_47 = vector.shape_cast %broadcast_in_dim3A_1 : vector<16xf32> to vector<1x16xf32>
      tpu.vector_store %arg8[%swap3A_43, %swap3A_44], %swap3A_47 {strides = array<i32>} : memref<80x128xf32, #tpu.memory_space<vmem>>, vector<1x16xf32>,
      %swap3A_48 = arith.index_cast %add3A_38 : i32 to index
      %swap3A_49 = arith.constant 32 : index
      %swap3A_50 = tpu.vector_load %arg8[%swap3A_48, %swap3A_49] {strides = array<i32>} : memref<80x128xf32, #tpu.memory_space<vmem>>, vector<1x16xf32>,
      %swap3A_51 = vector.shape_cast %swap3A_50 : vector<1x16xf32> to vector<16xf32>
      %swap3A_52 = vector.shape_cast %broadcast_in_dim3A_1 : vector<16xf32> to vector<1x16xf32>
      tpu.vector_store %arg8[%swap3A_48, %swap3A_49], %swap3A_52 {strides = array<i32>} : memref<80x128xf32, #tpu.memory_space<vmem>>, vector<1x16xf32>,
      %swap3A_53 = arith.index_cast %add3A_38 : i32 to index
      %swap3A_54 = arith.constant 48 : index
      %swap3A_55 = tpu.vector_load %arg8[%swap3A_53, %swap3A_54] {strides = array<i32>} : memref<80x128xf32, #tpu.memory_space<vmem>>, vector<1x16xf32>,
      %swap3A_56 = vector.shape_cast %swap3A_55 : vector<1x16xf32> to vector<16xf32>
      %swap3A_57 = vector.shape_cast %broadcast_in_dim3A_1 : vector<16xf32> to vector<1x16xf32>
      tpu.vector_store %arg8[%swap3A_53, %swap3A_54], %swap3A_57 {strides = array<i32>} : memref<80x128xf32, #tpu.memory_space<vmem>>, vector<1x16xf32>,
      %swap3A_58 = arith.index_cast %add3A_38 : i32 to index
      %swap3A_59 = arith.constant 64 : index
      %swap3A_60 = tpu.vector_load %arg8[%swap3A_58, %swap3A_59] {strides = array<i32>} : memref<80x128xf32, #tpu.memory_space<vmem>>, vector<1x16xf32>,
      %swap3A_61 = vector.shape_cast %swap3A_60 : vector<1x16xf32> to vector<16xf32>
      %swap3A_62 = vector.shape_cast %broadcast_in_dim3A_1 : vector<16xf32> to vector<1x16xf32>
      tpu.vector_store %arg8[%swap3A_58, %swap3A_59], %swap3A_62 {strides = array<i32>} : memref<80x128xf32, #tpu.memory_space<vmem>>, vector<1x16xf32>,
      %swap3A_63 = arith.index_cast %add3A_38 : i32 to index
      %swap3A_64 = arith.constant 80 : index
      %swap3A_65 = tpu.vector_load %arg8[%swap3A_63, %swap3A_64] {strides = array<i32>} : memref<80x128xf32, #tpu.memory_space<vmem>>, vector<1x16xf32>,
      %swap3A_66 = vector.shape_cast %swap3A_65 : vector<1x16xf32> to vector<16xf32>
      %swap3A_67 = vector.shape_cast %broadcast_in_dim3A_1 : vector<16xf32> to vector<1x16xf32>
      tpu.vector_store %arg8[%swap3A_63, %swap3A_64], %swap3A_67 {strides = array<i32>} : memref<80x128xf32, #tpu.memory_space<vmem>>, vector<1x16xf32>,
      %swap3A_68 = arith.index_cast %add3A_38 : i32 to index
      %swap3A_69 = arith.constant 96 : index
      %swap3A_70 = tpu.vector_load %arg8[%swap3A_68, %swap3A_69] {strides = array<i32>} : memref<80x128xf32, #tpu.memory_space<vmem>>, vector<1x16xf32>,
      %swap3A_71 = vector.shape_cast %swap3A_70 : vector<1x16xf32> to vector<16xf32>
      %swap3A_72 = vector.shape_cast %broadcast_in_dim3A_1 : vector<16xf32> to vector<1x16xf32>
      tpu.vector_store %arg8[%swap3A_68, %swap3A_69], %swap3A_72 {strides = array<i32>} : memref<80x128xf32, #tpu.memory_space<vmem>>, vector<1x16xf32>,
      %swap3A_73 = arith.index_cast %add3A_38 : i32 to index
      %swap3A_74 = arith.constant 112 : index
      %swap3A_75 = tpu.vector_load %arg8[%swap3A_73, %swap3A_74] {strides = array<i32>} : memref<80x128xf32, #tpu.memory_space<vmem>>, vector<1x16xf32>,
      %swap3A_76 = vector.shape_cast %swap3A_75 : vector<1x16xf32> to vector<16xf32>
      %swap3A_77 = vector.shape_cast %broadcast_in_dim3A_1 : vector<16xf32> to vector<1x16xf32>
      tpu.vector_store %arg8[%swap3A_73, %swap3A_74], %swap3A_77 {strides = array<i32>} : memref<80x128xf32, #tpu.memory_space<vmem>>, vector<1x16xf32>,
    }
    %scan3A_5 = arith.constant 80 : i32
    %add3A = arith.constant 0 : i32
    %add3A_6 = arith.addi %mul3A_0, %add3A : i32
    "tpu.region"() ({
      %run_scoped3A = tpu.sem_alloc : memref<!tpu.dma_semaphore, #tpu.memory_space<semaphore_mem>>
      %dma_start3A = arith.constant 0 : i32
      %dma_start3A_34 = tpu.memref_slice %arg9[%add3A_6, %dma_start3A] : memref<10000x128xf32, #tpu.memory_space<vmem_shared>> -> memref<80x128xf32, #tpu.memory_space<vmem_shared>>
      %dma_start3A_35 = arith.constant 0 : i32
      %dma_start3A_36 = tpu.memref_slice %arg9[%add3A_6, %dma_start3A_35] : memref<10000x128xf32, #tpu.memory_space<vmem_shared>> -> memref<80x128xf32, #tpu.memory_space<vmem_shared>>
      tpu.enqueue_dma source(%arg8 : memref<80x128xf32, #tpu.memory_space<vmem>>) target(%dma_start3A_36 : memref<80x128xf32, #tpu.memory_space<vmem_shared>>) target_semaphore(%run_scoped3A : memref<!tpu.dma_semaphore, #tpu.memory_space<semaphore_mem>>)
      %dma_wait3A = arith.constant 0 : i32
      %dma_wait3A_37 = tpu.memref_slice %arg9[%add3A_6, %dma_wait3A] : memref<10000x128xf32, #tpu.memory_space<vmem_shared>> -> memref<80x128xf32, #tpu.memory_space<vmem_shared>>
      %dma_wait3A_38 = arith.constant 0 : i32
      %dma_wait3A_39 = tpu.memref_slice %arg9[%add3A_6, %dma_wait3A_38] : memref<10000x128xf32, #tpu.memory_space<vmem_shared>> -> memref<80x128xf32, #tpu.memory_space<vmem_shared>>
      tpu.wait_dma2 semaphore(%run_scoped3A : memref<!tpu.dma_semaphore, #tpu.memory_space<semaphore_mem>>) src(%arg8 : memref<80x128xf32, #tpu.memory_space<vmem>>) dst(%dma_wait3A_39 : memref<80x128xf32, #tpu.memory_space<vmem_shared>>)
      tpu.yield
    }) : () -> ()
    %add3A_7 = arith.constant 80 : i32
    %add3A_8 = arith.addi %mul3A_0, %add3A_7 : i32
    "tpu.region"() ({
      %run_scoped3A = tpu.sem_alloc : memref<!tpu.dma_semaphore, #tpu.memory_space<semaphore_mem>>
      %dma_start3A = arith.constant 0 : i32
      %dma_start3A_34 = tpu.memref_slice %arg9[%add3A_8, %dma_start3A] : memref<10000x128xf32, #tpu.memory_space<vmem_shared>> -> memref<80x128xf32, #tpu.memory_space<vmem_shared>>
      %dma_start3A_35 = arith.constant 0 : i32
      %dma_start3A_36 = tpu.memref_slice %arg9[%add3A_8, %dma_start3A_35] : memref<10000x128xf32, #tpu.memory_space<vmem_shared>> -> memref<80x128xf32, #tpu.memory_space<vmem_shared>>
      tpu.enqueue_dma source(%arg8 : memref<80x128xf32, #tpu.memory_space<vmem>>) target(%dma_start3A_36 : memref<80x128xf32, #tpu.memory_space<vmem_shared>>) target_semaphore(%run_scoped3A : memref<!tpu.dma_semaphore, #tpu.memory_space<semaphore_mem>>)
      %dma_wait3A = arith.constant 0 : i32
      %dma_wait3A_37 = tpu.memref_slice %arg9[%add3A_8, %dma_wait3A] : memref<10000x128xf32, #tpu.memory_space<vmem_shared>> -> memref<80x128xf32, #tpu.memory_space<vmem_shared>>
      %dma_wait3A_38 = arith.constant 0 : i32
      %dma_wait3A_39 = tpu.memref_slice %arg9[%add3A_8, %dma_wait3A_38] : memref<10000x128xf32, #tpu.memory_space<vmem_shared>> -> memref<80x128xf32, #tpu.memory_space<vmem_shared>>
      tpu.wait_dma2 semaphore(%run_scoped3A : memref<!tpu.dma_semaphore, #tpu.memory_space<semaphore_mem>>) src(%arg8 : memref<80x128xf32, #tpu.memory_space<vmem>>) dst(%dma_wait3A_39 : memref<80x128xf32, #tpu.memory_space<vmem_shared>>)
      tpu.yield
    }) : () -> ()
    %add3A_9 = arith.constant 160 : i32
    %add3A_10 = arith.addi %mul3A_0, %add3A_9 : i32
    "tpu.region"() ({
      %run_scoped3A = tpu.sem_alloc : memref<!tpu.dma_semaphore, #tpu.memory_space<semaphore_mem>>
      %dma_start3A = arith.constant 0 : i32
      %dma_start3A_34 = tpu.memref_slice %arg9[%add3A_10, %dma_start3A] : memref<10000x128xf32, #tpu.memory_space<vmem_shared>> -> memref<80x128xf32, #tpu.memory_space<vmem_shared>>
      %dma_start3A_35 = arith.constant 0 : i32
      %dma_start3A_36 = tpu.memref_slice %arg9[%add3A_10, %dma_start3A_35] : memref<10000x128xf32, #tpu.memory_space<vmem_shared>> -> memref<80x128xf32, #tpu.memory_space<vmem_shared>>
      tpu.enqueue_dma source(%arg8 : memref<80x128xf32, #tpu.memory_space<vmem>>) target(%dma_start3A_36 : memref<80x128xf32, #tpu.memory_space<vmem_shared>>) target_semaphore(%run_scoped3A : memref<!tpu.dma_semaphore, #tpu.memory_space<semaphore_mem>>)
      %dma_wait3A = arith.constant 0 : i32
      %dma_wait3A_37 = tpu.memref_slice %arg9[%add3A_10, %dma_wait3A] : memref<10000x128xf32, #tpu.memory_space<vmem_shared>> -> memref<80x128xf32, #tpu.memory_space<vmem_shared>>
      %dma_wait3A_38 = arith.constant 0 : i32
      %dma_wait3A_39 = tpu.memref_slice %arg9[%add3A_10, %dma_wait3A_38] : memref<10000x128xf32, #tpu.memory_space<vmem_shared>> -> memref<80x128xf32, #tpu.memory_space<vmem_shared>>
      tpu.wait_dma2 semaphore(%run_scoped3A : memref<!tpu.dma_semaphore, #tpu.memory_space<semaphore_mem>>) src(%arg8 : memref<80x128xf32, #tpu.memory_space<vmem>>) dst(%dma_wait3A_39 : memref<80x128xf32, #tpu.memory_space<vmem_shared>>)
      tpu.yield
    }) : () -> ()
    %add3A_11 = arith.constant 240 : i32
    %add3A_12 = arith.addi %mul3A_0, %add3A_11 : i32
    "tpu.region"() ({
      %run_scoped3A = tpu.sem_alloc : memref<!tpu.dma_semaphore, #tpu.memory_space<semaphore_mem>>
      %dma_start3A = arith.constant 0 : i32
      %dma_start3A_34 = tpu.memref_slice %arg9[%add3A_12, %dma_start3A] : memref<10000x128xf32, #tpu.memory_space<vmem_shared>> -> memref<80x128xf32, #tpu.memory_space<vmem_shared>>
      %dma_start3A_35 = arith.constant 0 : i32
      %dma_start3A_36 = tpu.memref_slice %arg9[%add3A_12, %dma_start3A_35] : memref<10000x128xf32, #tpu.memory_space<vmem_shared>> -> memref<80x128xf32, #tpu.memory_space<vmem_shared>>
      tpu.enqueue_dma source(%arg8 : memref<80x128xf32, #tpu.memory_space<vmem>>) target(%dma_start3A_36 : memref<80x128xf32, #tpu.memory_space<vmem_shared>>) target_semaphore(%run_scoped3A : memref<!tpu.dma_semaphore, #tpu.memory_space<semaphore_mem>>)
      %dma_wait3A = arith.constant 0 : i32
      %dma_wait3A_37 = tpu.memref_slice %arg9[%add3A_12, %dma_wait3A] : memref<10000x128xf32, #tpu.memory_space<vmem_shared>> -> memref<80x128xf32, #tpu.memory_space<vmem_shared>>
      %dma_wait3A_38 = arith.constant 0 : i32
      %dma_wait3A_39 = tpu.memref_slice %arg9[%add3A_12, %dma_wait3A_38] : memref<10000x128xf32, #tpu.memory_space<vmem_shared>> -> memref<80x128xf32, #tpu.memory_space<vmem_shared>>
      tpu.wait_dma2 semaphore(%run_scoped3A : memref<!tpu.dma_semaphore, #tpu.memory_space<semaphore_mem>>) src(%arg8 : memref<80x128xf32, #tpu.memory_space<vmem>>) dst(%dma_wait3A_39 : memref<80x128xf32, #tpu.memory_space<vmem_shared>>)
      tpu.yield
    }) : () -> ()
    %add3A_13 = arith.constant 320 : i32
    %add3A_14 = arith.addi %mul3A_0, %add3A_13 : i32
    "tpu.region"() ({
      %run_scoped3A = tpu.sem_alloc : memref<!tpu.dma_semaphore, #tpu.memory_space<semaphore_mem>>
      %dma_start3A = arith.constant 0 : i32
      %dma_start3A_34 = tpu.memref_slice %arg9[%add3A_14, %dma_start3A] : memref<10000x128xf32, #tpu.memory_space<vmem_shared>> -> memref<80x128xf32, #tpu.memory_space<vmem_shared>>
      %dma_start3A_35 = arith.constant 0 : i32
      %dma_start3A_36 = tpu.memref_slice %arg9[%add3A_14, %dma_start3A_35] : memref<10000x128xf32, #tpu.memory_space<vmem_shared>> -> memref<80x128xf32, #tpu.memory_space<vmem_shared>>
      tpu.enqueue_dma source(%arg8 : memref<80x128xf32, #tpu.memory_space<vmem>>) target(%dma_start3A_36 : memref<80x128xf32, #tpu.memory_space<vmem_shared>>) target_semaphore(%run_scoped3A : memref<!tpu.dma_semaphore, #tpu.memory_space<semaphore_mem>>)
      %dma_wait3A = arith.constant 0 : i32
      %dma_wait3A_37 = tpu.memref_slice %arg9[%add3A_14, %dma_wait3A] : memref<10000x128xf32, #tpu.memory_space<vmem_shared>> -> memref<80x128xf32, #tpu.memory_space<vmem_shared>>
      %dma_wait3A_38 = arith.constant 0 : i32
      %dma_wait3A_39 = tpu.memref_slice %arg9[%add3A_14, %dma_wait3A_38] : memref<10000x128xf32, #tpu.memory_space<vmem_shared>> -> memref<80x128xf32, #tpu.memory_space<vmem_shared>>
      tpu.wait_dma2 semaphore(%run_scoped3A : memref<!tpu.dma_semaphore, #tpu.memory_space<semaphore_mem>>) src(%arg8 : memref<80x128xf32, #tpu.memory_space<vmem>>) dst(%dma_wait3A_39 : memref<80x128xf32, #tpu.memory_space<vmem_shared>>)
      tpu.yield
    }) : () -> ()
    %add3A_15 = arith.constant 400 : i32
    %add3A_16 = arith.addi %mul3A_0, %add3A_15 : i32
    "tpu.region"() ({
      %run_scoped3A = tpu.sem_alloc : memref<!tpu.dma_semaphore, #tpu.memory_space<semaphore_mem>>
      %dma_start3A = arith.constant 0 : i32
      %dma_start3A_34 = tpu.memref_slice %arg9[%add3A_16, %dma_start3A] : memref<10000x128xf32, #tpu.memory_space<vmem_shared>> -> memref<80x128xf32, #tpu.memory_space<vmem_shared>>
      %dma_start3A_35 = arith.constant 0 : i32
      %dma_start3A_36 = tpu.memref_slice %arg9[%add3A_16, %dma_start3A_35] : memref<10000x128xf32, #tpu.memory_space<vmem_shared>> -> memref<80x128xf32, #tpu.memory_space<vmem_shared>>
      tpu.enqueue_dma source(%arg8 : memref<80x128xf32, #tpu.memory_space<vmem>>) target(%dma_start3A_36 : memref<80x128xf32, #tpu.memory_space<vmem_shared>>) target_semaphore(%run_scoped3A : memref<!tpu.dma_semaphore, #tpu.memory_space<semaphore_mem>>)
      %dma_wait3A = arith.constant 0 : i32
      %dma_wait3A_37 = tpu.memref_slice %arg9[%add3A_16, %dma_wait3A] : memref<10000x128xf32, #tpu.memory_space<vmem_shared>> -> memref<80x128xf32, #tpu.memory_space<vmem_shared>>
      %dma_wait3A_38 = arith.constant 0 : i32
      %dma_wait3A_39 = tpu.memref_slice %arg9[%add3A_16, %dma_wait3A_38] : memref<10000x128xf32, #tpu.memory_space<vmem_shared>> -> memref<80x128xf32, #tpu.memory_space<vmem_shared>>
      tpu.wait_dma2 semaphore(%run_scoped3A : memref<!tpu.dma_semaphore, #tpu.memory_space<semaphore_mem>>) src(%arg8 : memref<80x128xf32, #tpu.memory_space<vmem>>) dst(%dma_wait3A_39 : memref<80x128xf32, #tpu.memory_space<vmem_shared>>)
      tpu.yield
    }) : () -> ()
    %add3A_17 = arith.constant 480 : i32
    %add3A_18 = arith.addi %mul3A_0, %add3A_17 : i32
    "tpu.region"() ({
      %run_scoped3A = tpu.sem_alloc : memref<!tpu.dma_semaphore, #tpu.memory_space<semaphore_mem>>
      %dma_start3A = arith.constant 0 : i32
      %dma_start3A_34 = tpu.memref_slice %arg9[%add3A_18, %dma_start3A] : memref<10000x128xf32, #tpu.memory_space<vmem_shared>> -> memref<80x128xf32, #tpu.memory_space<vmem_shared>>
      %dma_start3A_35 = arith.constant 0 : i32
      %dma_start3A_36 = tpu.memref_slice %arg9[%add3A_18, %dma_start3A_35] : memref<10000x128xf32, #tpu.memory_space<vmem_shared>> -> memref<80x128xf32, #tpu.memory_space<vmem_shared>>
      tpu.enqueue_dma source(%arg8 : memref<80x128xf32, #tpu.memory_space<vmem>>) target(%dma_start3A_36 : memref<80x128xf32, #tpu.memory_space<vmem_shared>>) target_semaphore(%run_scoped3A : memref<!tpu.dma_semaphore, #tpu.memory_space<semaphore_mem>>)
      %dma_wait3A = arith.constant 0 : i32
      %dma_wait3A_37 = tpu.memref_slice %arg9[%add3A_18, %dma_wait3A] : memref<10000x128xf32, #tpu.memory_space<vmem_shared>> -> memref<80x128xf32, #tpu.memory_space<vmem_shared>>
      %dma_wait3A_38 = arith.constant 0 : i32
      %dma_wait3A_39 = tpu.memref_slice %arg9[%add3A_18, %dma_wait3A_38] : memref<10000x128xf32, #tpu.memory_space<vmem_shared>> -> memref<80x128xf32, #tpu.memory_space<vmem_shared>>
      tpu.wait_dma2 semaphore(%run_scoped3A : memref<!tpu.dma_semaphore, #tpu.memory_space<semaphore_mem>>) src(%arg8 : memref<80x128xf32, #tpu.memory_space<vmem>>) dst(%dma_wait3A_39 : memref<80x128xf32, #tpu.memory_space<vmem_shared>>)
      tpu.yield
    }) : () -> ()
    %add3A_19 = arith.constant 560 : i32
    %add3A_20 = arith.addi %mul3A_0, %add3A_19 : i32
    "tpu.region"() ({
      %run_scoped3A = tpu.sem_alloc : memref<!tpu.dma_semaphore, #tpu.memory_space<semaphore_mem>>
      %dma_start3A = arith.constant 0 : i32
      %dma_start3A_34 = arith.constant 0 : i32
      %dma_start3A_35 = tpu.memref_slice %arg8[%dma_start3A, %dma_start3A_34] : memref<80x128xf32, #tpu.memory_space<vmem>> -> memref<64x128xf32, #tpu.memory_space<vmem>>
      %dma_start3A_36 = arith.constant 0 : i32
      %dma_start3A_37 = tpu.memref_slice %arg9[%add3A_20, %dma_start3A_36] : memref<10000x128xf32, #tpu.memory_space<vmem_shared>> -> memref<64x128xf32, #tpu.memory_space<vmem_shared>>
      %dma_start3A_38 = arith.constant 0 : i32
      %dma_start3A_39 = tpu.memref_slice %arg9[%add3A_20, %dma_start3A_38] : memref<10000x128xf32, #tpu.memory_space<vmem_shared>> -> memref<64x128xf32, #tpu.memory_space<vmem_shared>>
      %dma_start3A_40 = arith.constant 0 : i32
      %dma_start3A_41 = arith.constant 0 : i32
      %dma_start3A_42 = tpu.memref_slice %arg8[%dma_start3A_40, %dma_start3A_41] : memref<80x128xf32, #tpu.memory_space<vmem>> -> memref<64x128xf32, #tpu.memory_space<vmem>>
      tpu.enqueue_dma source(%dma_start3A_42 : memref<64x128xf32, #tpu.memory_space<vmem>>) target(%dma_start3A_39 : memref<64x128xf32, #tpu.memory_space<vmem_shared>>) target_semaphore(%run_scoped3A : memref<!tpu.dma_semaphore, #tpu.memory_space<semaphore_mem>>)
      %dma_wait3A = arith.constant 0 : i32
      %dma_wait3A_43 = arith.constant 0 : i32
      %dma_wait3A_44 = tpu.memref_slice %arg8[%dma_wait3A, %dma_wait3A_43] : memref<80x128xf32, #tpu.memory_space<vmem>> -> memref<64x128xf32, #tpu.memory_space<vmem>>
      %dma_wait3A_45 = arith.constant 0 : i32
      %dma_wait3A_46 = tpu.memref_slice %arg9[%add3A_20, %dma_wait3A_45] : memref<10000x128xf32, #tpu.memory_space<vmem_shared>> -> memref<64x128xf32, #tpu.memory_space<vmem_shared>>
      %dma_wait3A_47 = arith.constant 0 : i32
      %dma_wait3A_48 = tpu.memref_slice %arg9[%add3A_20, %dma_wait3A_47] : memref<10000x128xf32, #tpu.memory_space<vmem_shared>> -> memref<64x128xf32, #tpu.memory_space<vmem_shared>>
      %dma_wait3A_49 = arith.constant 0 : i32
      %dma_wait3A_50 = arith.constant 0 : i32
      %dma_wait3A_51 = tpu.memref_slice %arg8[%dma_wait3A_49, %dma_wait3A_50] : memref<80x128xf32, #tpu.memory_space<vmem>> -> memref<64x128xf32, #tpu.memory_space<vmem>>
      tpu.wait_dma2 semaphore(%run_scoped3A : memref<!tpu.dma_semaphore, #tpu.memory_space<semaphore_mem>>) src(%dma_wait3A_51 : memref<64x128xf32, #tpu.memory_space<vmem>>) dst(%dma_wait3A_48 : memref<64x128xf32, #tpu.memory_space<vmem_shared>>)
      tpu.yield
    }) : () -> ()
    %eq3A = arith.constant 15 : i32
    %eq3A_21 = arith.cmpi eq, %arg1, %eq3A : i32
    %convert_element_type3A = arith.extui %eq3A_21 : i1 to i32
    %cond3A = arith.constant 0 : i32
    %cond3A_22 = arith.cmpi ne, %convert_element_type3A, %cond3A : i32
    scf.if %cond3A_22 {
      "tpu.region"() ({
        %run_scoped3A = tpu.sem_alloc : memref<!tpu.dma_semaphore, #tpu.memory_space<semaphore_mem>>
        %dma_start3A = arith.constant 0 : i32
        %dma_start3A_34 = arith.constant 0 : i32
        %dma_start3A_35 = tpu.memref_slice %arg8[%dma_start3A, %dma_start3A_34] : memref<80x128xf32, #tpu.memory_space<vmem>> -> memref<16x128xf32, #tpu.memory_space<vmem>>
        %dma_start3A_36 = arith.constant 9984 : i32
        %dma_start3A_37 = arith.constant 0 : i32
        %dma_start3A_38 = tpu.memref_slice %arg9[%dma_start3A_36, %dma_start3A_37] : memref<10000x128xf32, #tpu.memory_space<vmem_shared>> -> memref<16x128xf32, #tpu.memory_space<vmem_shared>>
        %dma_start3A_39 = arith.constant 9984 : i32
        %dma_start3A_40 = arith.constant 0 : i32
        %dma_start3A_41 = tpu.memref_slice %arg9[%dma_start3A_39, %dma_start3A_40] : memref<10000x128xf32, #tpu.memory_space<vmem_shared>> -> memref<16x128xf32, #tpu.memory_space<vmem_shared>>
        %dma_start3A_42 = arith.constant 0 : i32
        %dma_start3A_43 = arith.constant 0 : i32
        %dma_start3A_44 = tpu.memref_slice %arg8[%dma_start3A_42, %dma_start3A_43] : memref<80x128xf32, #tpu.memory_space<vmem>> -> memref<16x128xf32, #tpu.memory_space<vmem>>
        tpu.enqueue_dma source(%dma_start3A_44 : memref<16x128xf32, #tpu.memory_space<vmem>>) target(%dma_start3A_41 : memref<16x128xf32, #tpu.memory_space<vmem_shared>>) target_semaphore(%run_scoped3A : memref<!tpu.dma_semaphore, #tpu.memory_space<semaphore_mem>>)
        %dma_wait3A = arith.constant 0 : i32
        %dma_wait3A_45 = arith.constant 0 : i32
        %dma_wait3A_46 = tpu.memref_slice %arg8[%dma_wait3A, %dma_wait3A_45] : memref<80x128xf32, #tpu.memory_space<vmem>> -> memref<16x128xf32, #tpu.memory_space<vmem>>
        %dma_wait3A_47 = arith.constant 9984 : i32
        %dma_wait3A_48 = arith.constant 0 : i32
        %dma_wait3A_49 = tpu.memref_slice %arg9[%dma_wait3A_47, %dma_wait3A_48] : memref<10000x128xf32, #tpu.memory_space<vmem_shared>> -> memref<16x128xf32, #tpu.memory_space<vmem_shared>>
        %dma_wait3A_50 = arith.constant 9984 : i32
        %dma_wait3A_51 = arith.constant 0 : i32
        %dma_wait3A_52 = tpu.memref_slice %arg9[%dma_wait3A_50, %dma_wait3A_51] : memref<10000x128xf32, #tpu.memory_space<vmem_shared>> -> memref<16x128xf32, #tpu.memory_space<vmem_shared>>
        %dma_wait3A_53 = arith.constant 0 : i32
        %dma_wait3A_54 = arith.constant 0 : i32
        %dma_wait3A_55 = tpu.memref_slice %arg8[%dma_wait3A_53, %dma_wait3A_54] : memref<80x128xf32, #tpu.memory_space<vmem>> -> memref<16x128xf32, #tpu.memory_space<vmem>>
        tpu.wait_dma2 semaphore(%run_scoped3A : memref<!tpu.dma_semaphore, #tpu.memory_space<semaphore_mem>>) src(%dma_wait3A_55 : memref<16x128xf32, #tpu.memory_space<vmem>>) dst(%dma_wait3A_52 : memref<16x128xf32, #tpu.memory_space<vmem_shared>>)
        tpu.yield
      }) : () -> ()
    } else {
    }
    %barrier3A = arith.constant 0 : index
    tpu.barrier barrier_id(%barrier3A)
    %scan3A_23 = arith.constant 0 : i32
    %scan3A_24 = arith.constant 125 : i32
    %scan3A_25 = arith.addi %scan3A_23, %scan3A_24 : i32
    %scan3A_26 = arith.constant 1 : i32
    scf.for %scan3A_34 = %scan3A_23 to %scan3A_25 step %scan3A_26  : i32 {
      %mul3A_35 = arith.constant 1 : i32
      %mul3A_36 = arith.muli %scan3A_34, %mul3A_35 : i32
      %add3A_37 = arith.constant 0 : i32
      %add3A_38 = arith.addi %add3A_37, %mul3A_36 : i32
      %mul3A_39 = arith.constant 160000 : i32
      %mul3A_40 = arith.muli %arg0, %mul3A_39 : i32
      %mul3A_41 = arith.constant 10000 : i32
      %mul3A_42 = arith.muli %arg1, %mul3A_41 : i32
      %add3A_43 = arith.addi %mul3A_40, %mul3A_42 : i32
      %mul3A_44 = arith.constant 80 : i32
      %mul3A_45 = arith.muli %add3A_38, %mul3A_44 : i32
      %add3A_46 = arith.addi %add3A_43, %mul3A_45 : i32
      "tpu.region"() ({
        %run_scoped3A = tpu.sem_alloc : memref<!tpu.dma_semaphore, #tpu.memory_space<semaphore_mem>>
        %dma_start3A_51 = tpu.memref_slice %arg3[%add3A_46] : memref<320000xi32, #tpu.memory_space<hbm>> -> memref<80xi32, #tpu.memory_space<hbm>>
        %dma_start3A_52 = tpu.memref_slice %arg3[%add3A_46] : memref<320000xi32, #tpu.memory_space<hbm>> -> memref<80xi32, #tpu.memory_space<hbm>>
        tpu.enqueue_dma source(%dma_start3A_52 : memref<80xi32, #tpu.memory_space<hbm>>) target(%arg6 : memref<80xi32, #tpu.memory_space<vmem>>) target_semaphore(%run_scoped3A : memref<!tpu.dma_semaphore, #tpu.memory_space<semaphore_mem>>)
        %dma_wait3A_53 = tpu.memref_slice %arg3[%add3A_46] : memref<320000xi32, #tpu.memory_space<hbm>> -> memref<80xi32, #tpu.memory_space<hbm>>
        %dma_wait3A_54 = tpu.memref_slice %arg3[%add3A_46] : memref<320000xi32, #tpu.memory_space<hbm>> -> memref<80xi32, #tpu.memory_space<hbm>>
        tpu.wait_dma2 semaphore(%run_scoped3A : memref<!tpu.dma_semaphore, #tpu.memory_space<semaphore_mem>>) src(%dma_wait3A_54 : memref<80xi32, #tpu.memory_space<hbm>>) dst(%arg6 : memref<80xi32, #tpu.memory_space<vmem>>)
        tpu.yield
      }) : () -> ()
      "tpu.region"() ({
        %run_scoped3A = tpu.sem_alloc : memref<!tpu.dma_semaphore, #tpu.memory_space<semaphore_mem>>
        %dma_start3A_51 = tpu.memref_slice %arg4[%add3A_46] : memref<320000xi32, #tpu.memory_space<hbm>> -> memref<80xi32, #tpu.memory_space<hbm>>
        %dma_start3A_52 = tpu.memref_slice %arg4[%add3A_46] : memref<320000xi32, #tpu.memory_space<hbm>> -> memref<80xi32, #tpu.memory_space<hbm>>
        tpu.enqueue_dma source(%dma_start3A_52 : memref<80xi32, #tpu.memory_space<hbm>>) target(%arg7 : memref<80xi32, #tpu.memory_space<vmem>>) target_semaphore(%run_scoped3A : memref<!tpu.dma_semaphore, #tpu.memory_space<semaphore_mem>>)
        %dma_wait3A_53 = tpu.memref_slice %arg4[%add3A_46] : memref<320000xi32, #tpu.memory_space<hbm>> -> memref<80xi32, #tpu.memory_space<hbm>>
        %dma_wait3A_54 = tpu.memref_slice %arg4[%add3A_46] : memref<320000xi32, #tpu.memory_space<hbm>> -> memref<80xi32, #tpu.memory_space<hbm>>
        tpu.wait_dma2 semaphore(%run_scoped3A : memref<!tpu.dma_semaphore, #tpu.memory_space<semaphore_mem>>) src(%dma_wait3A_54 : memref<80xi32, #tpu.memory_space<hbm>>) dst(%arg7 : memref<80xi32, #tpu.memory_space<vmem>>)
        tpu.yield
      }) : () -> ()
      %dma_start3A = arith.constant 0 : i32
      %dma_start3A_47 = arith.constant 0 : i32
      %dma_start3A_48 = tpu.memref_slice %arg2[%dma_start3A, %dma_start3A_47] : memref<10000x128xf32, #tpu.memory_space<hbm>> -> memref<10000x128xf32, #tpu.memory_space<hbm>>
      tpu.enqueue_indirect_dma source(%dma_start3A_48 : memref<10000x128xf32, #tpu.memory_space<hbm>>) target(%arg8 : memref<80x128xf32, #tpu.memory_space<vmem>>) offsets(%arg6 : memref<80xi32, #tpu.memory_space<vmem>>) semaphore(%arg10 : memref<!tpu.dma_semaphore, #tpu.memory_space<semaphore_mem>>)
      %dma_wait3A = arith.constant 0 : i32
      %dma_wait3A_49 = arith.constant 0 : i32
      %dma_wait3A_50 = tpu.memref_slice %arg2[%dma_wait3A, %dma_wait3A_49] : memref<10000x128xf32, #tpu.memory_space<hbm>> -> memref<10000x128xf32, #tpu.memory_space<hbm>>
      tpu.wait_indirect_dma semaphore(%arg10 : memref<!tpu.dma_semaphore, #tpu.memory_space<semaphore_mem>>) src(%dma_wait3A_50 : memref<10000x128xf32, #tpu.memory_space<hbm>>) dst(%arg8 : memref<80x128xf32, #tpu.memory_space<vmem>>)
      "tpu.region"() ({
        %run_scoped3A = tpu.sem_alloc : memref<!tpu.dma_semaphore, #tpu.memory_space<semaphore_mem>>
        %dma_start3A_51 = arith.constant 0 : i32
        %dma_start3A_52 = arith.constant 0 : i32
        %dma_start3A_53 = tpu.memref_slice %arg9[%dma_start3A_51, %dma_start3A_52] : memref<10000x128xf32, #tpu.memory_space<vmem_shared>> -> memref<10000x128xf32, #tpu.memory_space<vmem_shared>>
        tpu.enqueue_indirect_dma source(%arg8 : memref<80x128xf32, #tpu.memory_space<vmem>>) target(%dma_start3A_53 : memref<10000x128xf32, #tpu.memory_space<vmem_shared>>) offsets(%arg7 : memref<80xi32, #tpu.memory_space<vmem>>) semaphore(%run_scoped3A : memref<!tpu.dma_semaphore, #tpu.memory_space<semaphore_mem>>) {add = true}
        %dma_wait3A_54 = arith.constant 0 : i32
        %dma_wait3A_55 = arith.constant 0 : i32
        %dma_wait3A_56 = tpu.memref_slice %arg9[%dma_wait3A_54, %dma_wait3A_55] : memref<10000x128xf32, #tpu.memory_space<vmem_shared>> -> memref<10000x128xf32, #tpu.memory_space<vmem_shared>>
        tpu.wait_indirect_dma semaphore(%run_scoped3A : memref<!tpu.dma_semaphore, #tpu.memory_space<semaphore_mem>>) src(%arg8 : memref<80x128xf32, #tpu.memory_space<vmem>>) dst(%dma_wait3A_56 : memref<10000x128xf32, #tpu.memory_space<vmem_shared>>)
        tpu.yield
      }) : () -> ()
    }
    %scan3A_27 = arith.constant 125 : i32
    %barrier3A_28 = arith.constant 0 : index
    tpu.barrier barrier_id(%barrier3A_28)
    "tpu.region"() ({
      %run_scoped3A = tpu.sem_alloc : memref<!tpu.dma_semaphore, #tpu.memory_space<semaphore_mem>>
      %dma_start3A = arith.constant 0 : i32
      %dma_start3A_34 = tpu.memref_slice %arg5[%arg0, %mul3A_0, %dma_start3A] : memref<2x10000x128xf32, #tpu.memory_space<hbm>> -> memref<1x624x128xf32, #tpu.memory_space<hbm>>
      %dma_start3A_35 = tpu.memref_squeeze %dma_start3A_34 : memref<1x624x128xf32, #tpu.memory_space<hbm>> -> memref<624x128xf32, #tpu.memory_space<hbm>>
      %dma_start3A_36 = arith.constant 0 : i32
      %dma_start3A_37 = tpu.memref_slice %arg9[%mul3A_0, %dma_start3A_36] : memref<10000x128xf32, #tpu.memory_space<vmem_shared>> -> memref<624x128xf32, #tpu.memory_space<vmem_shared>>
      tpu.enqueue_dma source(%dma_start3A_37 : memref<624x128xf32, #tpu.memory_space<vmem_shared>>) target(%dma_start3A_35 : memref<624x128xf32, #tpu.memory_space<hbm>>) target_semaphore(%run_scoped3A : memref<!tpu.dma_semaphore, #tpu.memory_space<semaphore_mem>>)
      %dma_wait3A = arith.constant 0 : i32
      %dma_wait3A_38 = tpu.memref_slice %arg5[%arg0, %mul3A_0, %dma_wait3A] : memref<2x10000x128xf32, #tpu.memory_space<hbm>> -> memref<1x624x128xf32, #tpu.memory_space<hbm>>
      %dma_wait3A_39 = tpu.memref_squeeze %dma_wait3A_38 : memref<1x624x128xf32, #tpu.memory_space<hbm>> -> memref<624x128xf32, #tpu.memory_space<hbm>>
      %dma_wait3A_40 = arith.constant 0 : i32
      %dma_wait3A_41 = tpu.memref_slice %arg9[%mul3A_0, %dma_wait3A_40] : memref<10000x128xf32, #tpu.memory_space<vmem_shared>> -> memref<624x128xf32, #tpu.memory_space<vmem_shared>>
      tpu.wait_dma2 semaphore(%run_scoped3A : memref<!tpu.dma_semaphore, #tpu.memory_space<semaphore_mem>>) src(%dma_wait3A_41 : memref<624x128xf32, #tpu.memory_space<vmem_shared>>) dst(%dma_wait3A_39 : memref<624x128xf32, #tpu.memory_space<hbm>>)
      tpu.yield
    }) : () -> ()
    %eq3A_29 = arith.constant 15 : i32
    %eq3A_30 = arith.cmpi eq, %arg1, %eq3A_29 : i32
    %convert_element_type3A_31 = arith.extui %eq3A_30 : i1 to i32
    %cond3A_32 = arith.constant 0 : i32
    %cond3A_33 = arith.cmpi ne, %convert_element_type3A_31, %cond3A_32 : i32
    scf.if %cond3A_33 {
      "tpu.region"() ({
        %run_scoped3A = tpu.sem_alloc : memref<!tpu.dma_semaphore, #tpu.memory_space<semaphore_mem>>
        %dma_start3A = arith.constant 9984 : i32
        %dma_start3A_34 = arith.constant 0 : i32
        %dma_start3A_35 = tpu.memref_slice %arg5[%arg0, %dma_start3A, %dma_start3A_34] : memref<2x10000x128xf32, #tpu.memory_space<hbm>> -> memref<1x16x128xf32, #tpu.memory_space<hbm>>
        %dma_start3A_36 = tpu.memref_squeeze %dma_start3A_35 : memref<1x16x128xf32, #tpu.memory_space<hbm>> -> memref<16x128xf32, #tpu.memory_space<hbm>>
        %dma_start3A_37 = arith.constant 9984 : i32
        %dma_start3A_38 = arith.constant 0 : i32
        %dma_start3A_39 = tpu.memref_slice %arg9[%dma_start3A_37, %dma_start3A_38] : memref<10000x128xf32, #tpu.memory_space<vmem_shared>> -> memref<16x128xf32, #tpu.memory_space<vmem_shared>>
        tpu.enqueue_dma source(%dma_start3A_39 : memref<16x128xf32, #tpu.memory_space<vmem_shared>>) target(%dma_start3A_36 : memref<16x128xf32, #tpu.memory_space<hbm>>) target_semaphore(%run_scoped3A : memref<!tpu.dma_semaphore, #tpu.memory_space<semaphore_mem>>)
        %dma_wait3A = arith.constant 9984 : i32
        %dma_wait3A_40 = arith.constant 0 : i32
        %dma_wait3A_41 = tpu.memref_slice %arg5[%arg0, %dma_wait3A, %dma_wait3A_40] : memref<2x10000x128xf32, #tpu.memory_space<hbm>> -> memref<1x16x128xf32, #tpu.memory_space<hbm>>
        %dma_wait3A_42 = tpu.memref_squeeze %dma_wait3A_41 : memref<1x16x128xf32, #tpu.memory_space<hbm>> -> memref<16x128xf32, #tpu.memory_space<hbm>>
        %dma_wait3A_43 = arith.constant 9984 : i32
        %dma_wait3A_44 = arith.constant 0 : i32
        %dma_wait3A_45 = tpu.memref_slice %arg9[%dma_wait3A_43, %dma_wait3A_44] : memref<10000x128xf32, #tpu.memory_space<vmem_shared>> -> memref<16x128xf32, #tpu.memory_space<vmem_shared>>
        tpu.wait_dma2 semaphore(%run_scoped3A : memref<!tpu.dma_semaphore, #tpu.memory_space<semaphore_mem>>) src(%dma_wait3A_45 : memref<16x128xf32, #tpu.memory_space<vmem_shared>>) dst(%dma_wait3A_42 : memref<16x128xf32, #tpu.memory_space<hbm>>)
        tpu.yield
      }) : () -> ()
    } else {
    }
    return
  }
}

module attributes {stable_mosaic.version = 14 : i64} {
  func.func @body(%arg0: i32, %arg1: memref<2000x128xf32, #tpu.memory_space<vmem>>, %arg2: memref<2000x128xf32, #tpu.memory_space<vmem>>, %arg3: memref<128x128xf32, #tpu.memory_space<vmem>>, %arg4: memref<2000x128xf32, #tpu.memory_space<vmem>>) attributes {dimension_semantics = [#tpu.dimension_semantics<arbitrary>], iteration_bounds = array<i64: 5>, scalar_prefetch = 0 : i64, scratch_operands = 0 : i64, tpu.core_type = #tpu.core_type<tc>, window_params = [{transform_indices = @transform_0, window_bounds = array<i64: 2000, 128>}, {transform_indices = @transform_1, window_bounds = array<i64: 2000, 128>}, {pipeline_mode = #tpu.pipeline_mode<synchronous>, transform_indices = @transform_2, window_bounds = array<i64: 128, 128>}, {transform_indices = @transform_3, window_bounds = array<i64: 2000, 128>}]} {
    %get3A = arith.constant 0 : index
    %get3A_0 = arith.constant 0 : index
    %get3A_1 = vector.load %arg2[%get3A, %get3A_0] : memref<2000x128xf32, #tpu.memory_space<vmem>>, vector<2000x128xf32>
    %get3A_2 = arith.constant 0 : index
    %get3A_3 = arith.constant 0 : index
    %get3A_4 = vector.load %arg1[%get3A_2, %get3A_3] : memref<2000x128xf32, #tpu.memory_space<vmem>>, vector<2000x128xf32>
    %mul3A = arith.mulf %get3A_1, %get3A_4 : vector<2000x128xf32>
    %get3A_5 = arith.constant 0 : index
    %get3A_6 = arith.constant 0 : index
    %get3A_7 = vector.load %arg3[%get3A_5, %get3A_6] : memref<128x128xf32, #tpu.memory_space<vmem>>, vector<128x128xf32>
    %dot_general3A = arith.constant dense<0.000000e+00> : vector<2000x128xf32>
    %dot_general3A_8 = tpu.matmul %mul3A, %get3A_7, %dot_general3A {dimension_numbers = #tpu.dot_dimension_numbers<[1], [0], [0], [1], [0, 0, 1, 1], [], []>, transpose_lhs_hint = false} : vector<2000x128xf32>, vector<128x128xf32>, vector<2000x128xf32> -> vector<2000x128xf32>
    %swap3A = arith.constant 0 : index
    %swap3A_9 = arith.constant 0 : index
    %swap3A_10 = vector.load %arg4[%swap3A, %swap3A_9] : memref<2000x128xf32, #tpu.memory_space<vmem>>, vector<2000x128xf32>
    tpu.vector_store %arg4[%swap3A, %swap3A_9], %dot_general3A_8 {strides = array<i32>} : memref<2000x128xf32, #tpu.memory_space<vmem>>, vector<2000x128xf32>,
    return
  }
  func.func @transform_0(%arg0: i32) -> (i32, i32) {
    %c0_i32 = arith.constant 0 : i32
    %c0_i32_0 = arith.constant 0 : i32
    return %arg0, %c0_i32 : i32, i32
  }
  func.func @transform_1(%arg0: i32) -> (i32, i32) {
    %c0_i32 = arith.constant 0 : i32
    %c0_i32_0 = arith.constant 0 : i32
    return %arg0, %c0_i32 : i32, i32
  }
  func.func @transform_2(%arg0: i32) -> (i32, i32) {
    %c0_i32 = arith.constant 0 : i32
    %c0_i32_0 = arith.constant 0 : i32
    %c0_i32_1 = arith.constant 0 : i32
    return %c0_i32, %c0_i32_0 : i32, i32
  }
  func.func @transform_3(%arg0: i32) -> (i32, i32) {
    %c0_i32 = arith.constant 0 : i32
    %c0_i32_0 = arith.constant 0 : i32
    return %arg0, %c0_i32 : i32, i32
  }
}

module attributes {stable_mosaic.version = 14 : i64} {
  func.func @body(%arg0: i32, %arg1: memref<2000x128xf32, #tpu.memory_space<vmem>>, %arg2: memref<2000x128xf32, #tpu.memory_space<vmem>>, %arg3: memref<2000x128xf32, #tpu.memory_space<vmem>>, %arg4: memref<2000x128xf32, #tpu.memory_space<vmem>>, %arg5: memref<1x128xf32, #tpu.memory_space<vmem>>, %arg6: memref<128x128xf32, #tpu.memory_space<vmem>>, %arg7: memref<128x128xf32, #tpu.memory_space<vmem>>, %arg8: memref<2000x128xf32, #tpu.memory_space<vmem>>, %arg9: memref<2000x128xf32, #tpu.memory_space<vmem>>, %arg10: memref<8x128xf32, #tpu.memory_space<vmem>>) attributes {dimension_semantics = [#tpu.dimension_semantics<arbitrary>], iteration_bounds = array<i64: 5>, scalar_prefetch = 0 : i64, scratch_operands = 0 : i64, tpu.core_type = #tpu.core_type<tc>, window_params = [{transform_indices = @transform_0, window_bounds = array<i64: 2000, 128>}, {transform_indices = @transform_1, window_bounds = array<i64: 2000, 128>}, {transform_indices = @transform_2, window_bounds = array<i64: 2000, 128>}, {transform_indices = @transform_3, window_bounds = array<i64: 2000, 128>}, {pipeline_mode = #tpu.pipeline_mode<synchronous>, transform_indices = @transform_4, window_bounds = array<i64: 1, 128>}, {pipeline_mode = #tpu.pipeline_mode<synchronous>, transform_indices = @transform_5, window_bounds = array<i64: 128, 128>}, {pipeline_mode = #tpu.pipeline_mode<synchronous>, transform_indices = @transform_6, window_bounds = array<i64: 128, 128>}, {transform_indices = @transform_7, window_bounds = array<i64: 2000, 128>}, {transform_indices = @transform_8, window_bounds = array<i64: 2000, 128>}, {pipeline_mode = #tpu.pipeline_mode<synchronous>, transform_indices = @transform_9, window_bounds = array<i64: 8, 128>}]} {
    %get3A = arith.constant 0 : index
    %get3A_0 = arith.constant 0 : index
    %get3A_1 = vector.load %arg1[%get3A, %get3A_0] : memref<2000x128xf32, #tpu.memory_space<vmem>>, vector<2000x128xf32>
    %get3A_2 = arith.constant 0 : index
    %get3A_3 = arith.constant 0 : index
    %get3A_4 = vector.load %arg2[%get3A_2, %get3A_3] : memref<2000x128xf32, #tpu.memory_space<vmem>>, vector<2000x128xf32>
    %add3A = arith.addf %get3A_1, %get3A_4 : vector<2000x128xf32>
    %get3A_5 = arith.constant 0 : index
    %get3A_6 = arith.constant 0 : index
    %get3A_7 = vector.load %arg3[%get3A_5, %get3A_6] : memref<2000x128xf32, #tpu.memory_space<vmem>>, vector<2000x128xf32>
    %add3A_8 = arith.addf %add3A, %get3A_7 : vector<2000x128xf32>
    %get3A_9 = arith.constant 0 : index
    %get3A_10 = arith.constant 0 : index
    %get3A_11 = vector.load %arg4[%get3A_9, %get3A_10] : memref<2000x128xf32, #tpu.memory_space<vmem>>, vector<2000x128xf32>
    %mul3A = arith.mulf %get3A_11, %add3A_8 : vector<2000x128xf32>
    %get3A_12 = arith.constant 0 : index
    %get3A_13 = arith.constant 0 : index
    %get3A_14 = vector.load %arg5[%get3A_12, %get3A_13] : memref<1x128xf32, #tpu.memory_space<vmem>>, vector<1x128xf32>
    %add3A_15 = vector.broadcast %get3A_14 : vector<1x128xf32> to vector<2000x128xf32>
    %add3A_16 = arith.addf %mul3A, %add3A_15 : vector<2000x128xf32>
    %mul3A_17 = arith.constant 5.000000e-01 : f32
    %mul3A_18 = vector.broadcast %mul3A_17 : f32 to vector<2000x128xf32>
    %mul3A_19 = arith.mulf %mul3A_18, %add3A_16 : vector<2000x128xf32>
    %mul3A_20 = arith.constant 0.707106769 : f32
    %mul3A_21 = vector.broadcast %mul3A_20 : f32 to vector<2000x128xf32>
    %mul3A_22 = arith.mulf %add3A_16, %mul3A_21 : vector<2000x128xf32>
    %erf3A = math.erf %mul3A_22 : vector<2000x128xf32>
    %add3A_23 = arith.constant 1.000000e+00 : f32
    %add3A_24 = vector.broadcast %add3A_23 : f32 to vector<2000x128xf32>
    %add3A_25 = arith.addf %add3A_24, %erf3A : vector<2000x128xf32>
    %mul3A_26 = arith.mulf %mul3A_19, %add3A_25 : vector<2000x128xf32>
    %get3A_27 = arith.constant 0 : index
    %get3A_28 = arith.constant 0 : index
    %get3A_29 = vector.load %arg6[%get3A_27, %get3A_28] : memref<128x128xf32, #tpu.memory_space<vmem>>, vector<128x128xf32>
    %dot_general3A = arith.constant dense<0.000000e+00> : vector<2000x128xf32>
    %dot_general3A_30 = tpu.matmul %mul3A_26, %get3A_29, %dot_general3A {dimension_numbers = #tpu.dot_dimension_numbers<[1], [0], [0], [1], [0, 0, 1, 1], [], []>, transpose_lhs_hint = false} : vector<2000x128xf32>, vector<128x128xf32>, vector<2000x128xf32> -> vector<2000x128xf32>
    %swap3A = arith.constant 0 : index
    %swap3A_31 = arith.constant 0 : index
    %swap3A_32 = vector.load %arg8[%swap3A, %swap3A_31] : memref<2000x128xf32, #tpu.memory_space<vmem>>, vector<2000x128xf32>
    tpu.vector_store %arg8[%swap3A, %swap3A_31], %dot_general3A_30 {strides = array<i32>} : memref<2000x128xf32, #tpu.memory_space<vmem>>, vector<2000x128xf32>,
    %get3A_33 = arith.constant 0 : index
    %get3A_34 = arith.constant 0 : index
    %get3A_35 = vector.load %arg7[%get3A_33, %get3A_34] : memref<128x128xf32, #tpu.memory_space<vmem>>, vector<128x128xf32>
    %dot_general3A_36 = arith.constant dense<0.000000e+00> : vector<2000x128xf32>
    %dot_general3A_37 = tpu.matmul %dot_general3A_30, %get3A_35, %dot_general3A_36 {dimension_numbers = #tpu.dot_dimension_numbers<[1], [0], [0], [1], [0, 0, 1, 1], [], []>, transpose_lhs_hint = false} : vector<2000x128xf32>, vector<128x128xf32>, vector<2000x128xf32> -> vector<2000x128xf32>
    %swap3A_38 = arith.constant 0 : index
    %swap3A_39 = arith.constant 0 : index
    %swap3A_40 = vector.load %arg9[%swap3A_38, %swap3A_39] : memref<2000x128xf32, #tpu.memory_space<vmem>>, vector<2000x128xf32>
    tpu.vector_store %arg9[%swap3A_38, %swap3A_39], %dot_general3A_37 {strides = array<i32>} : memref<2000x128xf32, #tpu.memory_space<vmem>>, vector<2000x128xf32>,
    %reduce_max3A = arith.constant dense<0xFF800000> : vector<128xf32>
    %reduce_max3A_41 = vector.multi_reduction <maximumf>, %dot_general3A_37, %reduce_max3A [0] : vector<2000x128xf32> to vector<128xf32>
    %broadcast_in_dim3A = vector.shape_cast %reduce_max3A_41 : vector<128xf32> to vector<1x128xf32>
    %broadcast_in_dim3A_42 = vector.shape_cast %broadcast_in_dim3A : vector<1x128xf32> to vector<1x128xf32>
    %broadcast_in_dim3A_43 = vector.broadcast %broadcast_in_dim3A_42 : vector<1x128xf32> to vector<8x128xf32>
    %eq3A = arith.constant 0 : i32
    %eq3A_44 = arith.cmpi eq, %arg0, %eq3A : i32
    %convert_element_type3A = arith.extui %eq3A_44 : i1 to i32
    %cond3A = arith.constant 0 : i32
    %cond3A_45 = arith.cmpi ne, %convert_element_type3A, %cond3A : i32
    scf.if %cond3A_45 {
      %swap3A_50 = arith.constant 0 : index
      %swap3A_51 = arith.constant 0 : index
      %swap3A_52 = vector.load %arg10[%swap3A_50, %swap3A_51] : memref<8x128xf32, #tpu.memory_space<vmem>>, vector<8x128xf32>
      tpu.vector_store %arg10[%swap3A_50, %swap3A_51], %broadcast_in_dim3A_43 {strides = array<i32>} : memref<8x128xf32, #tpu.memory_space<vmem>>, vector<8x128xf32>,
    } else {
    }
    %gt3A = arith.constant 0 : i32
    %gt3A_46 = arith.cmpi sgt, %arg0, %gt3A : i32
    %convert_element_type3A_47 = arith.extui %gt3A_46 : i1 to i32
    %cond3A_48 = arith.constant 0 : i32
    %cond3A_49 = arith.cmpi ne, %convert_element_type3A_47, %cond3A_48 : i32
    scf.if %cond3A_49 {
      %get3A_50 = arith.constant 0 : index
      %get3A_51 = arith.constant 0 : index
      %get3A_52 = vector.load %arg10[%get3A_50, %get3A_51] : memref<8x128xf32, #tpu.memory_space<vmem>>, vector<8x128xf32>
      %max3A = arith.maximumf %get3A_52, %broadcast_in_dim3A_43 : vector<8x128xf32>
      %swap3A_53 = arith.constant 0 : index
      %swap3A_54 = arith.constant 0 : index
      %swap3A_55 = vector.load %arg10[%swap3A_53, %swap3A_54] : memref<8x128xf32, #tpu.memory_space<vmem>>, vector<8x128xf32>
      tpu.vector_store %arg10[%swap3A_53, %swap3A_54], %max3A {strides = array<i32>} : memref<8x128xf32, #tpu.memory_space<vmem>>, vector<8x128xf32>,
    } else {
    }
    return
  }
  func.func @transform_0(%arg0: i32) -> (i32, i32) {
    %c0_i32 = arith.constant 0 : i32
    %c0_i32_0 = arith.constant 0 : i32
    return %arg0, %c0_i32 : i32, i32
  }
  func.func @transform_1(%arg0: i32) -> (i32, i32) {
    %c0_i32 = arith.constant 0 : i32
    %c0_i32_0 = arith.constant 0 : i32
    return %arg0, %c0_i32 : i32, i32
  }
  func.func @transform_2(%arg0: i32) -> (i32, i32) {
    %c0_i32 = arith.constant 0 : i32
    %c0_i32_0 = arith.constant 0 : i32
    return %arg0, %c0_i32 : i32, i32
  }
  func.func @transform_3(%arg0: i32) -> (i32, i32) {
    %c0_i32 = arith.constant 0 : i32
    %c0_i32_0 = arith.constant 0 : i32
    return %arg0, %c0_i32 : i32, i32
  }
  func.func @transform_4(%arg0: i32) -> (i32, i32) {
    %c0_i32 = arith.constant 0 : i32
    %c0_i32_0 = arith.constant 0 : i32
    %c0_i32_1 = arith.constant 0 : i32
    return %c0_i32, %c0_i32_0 : i32, i32
  }
  func.func @transform_5(%arg0: i32) -> (i32, i32) {
    %c0_i32 = arith.constant 0 : i32
    %c0_i32_0 = arith.constant 0 : i32
    %c0_i32_1 = arith.constant 0 : i32
    return %c0_i32, %c0_i32_0 : i32, i32
  }
  func.func @transform_6(%arg0: i32) -> (i32, i32) {
    %c0_i32 = arith.constant 0 : i32
    %c0_i32_0 = arith.constant 0 : i32
    %c0_i32_1 = arith.constant 0 : i32
    return %c0_i32, %c0_i32_0 : i32, i32
  }
  func.func @transform_7(%arg0: i32) -> (i32, i32) {
    %c0_i32 = arith.constant 0 : i32
    %c0_i32_0 = arith.constant 0 : i32
    return %arg0, %c0_i32 : i32, i32
  }
  func.func @transform_8(%arg0: i32) -> (i32, i32) {
    %c0_i32 = arith.constant 0 : i32
    %c0_i32_0 = arith.constant 0 : i32
    return %arg0, %c0_i32 : i32, i32
  }
  func.func @transform_9(%arg0: i32) -> (i32, i32) {
    %c0_i32 = arith.constant 0 : i32
    %c0_i32_0 = arith.constant 0 : i32
    %c0_i32_1 = arith.constant 0 : i32
    return %c0_i32, %c0_i32_0 : i32, i32
  }
}

module attributes {stable_mosaic.version = 14 : i64} {
  func.func @body(%arg0: i32, %arg1: memref<2000x128xf32, #tpu.memory_space<vmem>>, %arg2: memref<2000x128xf32, #tpu.memory_space<vmem>>, %arg3: memref<2000x128xf32, #tpu.memory_space<vmem>>, %arg4: memref<2000x128xf32, #tpu.memory_space<vmem>>, %arg5: memref<2000x128xf32, #tpu.memory_space<vmem>>, %arg6: memref<1x128xf32, #tpu.memory_space<vmem>>, %arg7: memref<128x128xf32, #tpu.memory_space<vmem>>, %arg8: memref<2000x128xf32, #tpu.memory_space<vmem>>, %arg9: memref<2000x128xf32, #tpu.memory_space<vmem>>) attributes {dimension_semantics = [#tpu.dimension_semantics<arbitrary>], iteration_bounds = array<i64: 5>, scalar_prefetch = 0 : i64, scratch_operands = 0 : i64, tpu.core_type = #tpu.core_type<tc>, window_params = [{transform_indices = @transform_0, window_bounds = array<i64: 2000, 128>}, {transform_indices = @transform_1, window_bounds = array<i64: 2000, 128>}, {transform_indices = @transform_2, window_bounds = array<i64: 2000, 128>}, {transform_indices = @transform_3, window_bounds = array<i64: 2000, 128>}, {transform_indices = @transform_4, window_bounds = array<i64: 2000, 128>}, {pipeline_mode = #tpu.pipeline_mode<synchronous>, transform_indices = @transform_5, window_bounds = array<i64: 1, 128>}, {pipeline_mode = #tpu.pipeline_mode<synchronous>, transform_indices = @transform_6, window_bounds = array<i64: 128, 128>}, {transform_indices = @transform_7, window_bounds = array<i64: 2000, 128>}, {transform_indices = @transform_8, window_bounds = array<i64: 2000, 128>}]} {
    %get3A = arith.constant 0 : index
    %get3A_0 = arith.constant 0 : index
    %get3A_1 = vector.load %arg1[%get3A, %get3A_0] : memref<2000x128xf32, #tpu.memory_space<vmem>>, vector<2000x128xf32>
    %get3A_2 = arith.constant 0 : index
    %get3A_3 = arith.constant 0 : index
    %get3A_4 = vector.load %arg2[%get3A_2, %get3A_3] : memref<2000x128xf32, #tpu.memory_space<vmem>>, vector<2000x128xf32>
    %add3A = arith.addf %get3A_1, %get3A_4 : vector<2000x128xf32>
    %get3A_5 = arith.constant 0 : index
    %get3A_6 = arith.constant 0 : index
    %get3A_7 = vector.load %arg3[%get3A_5, %get3A_6] : memref<2000x128xf32, #tpu.memory_space<vmem>>, vector<2000x128xf32>
    %get3A_8 = arith.constant 0 : index
    %get3A_9 = arith.constant 0 : index
    %get3A_10 = vector.load %arg4[%get3A_8, %get3A_9] : memref<2000x128xf32, #tpu.memory_space<vmem>>, vector<2000x128xf32>
    %mul3A = arith.mulf %get3A_7, %get3A_10 : vector<2000x128xf32>
    %add3A_11 = arith.addf %add3A, %mul3A : vector<2000x128xf32>
    %get3A_12 = arith.constant 0 : index
    %get3A_13 = arith.constant 0 : index
    %get3A_14 = vector.load %arg5[%get3A_12, %get3A_13] : memref<2000x128xf32, #tpu.memory_space<vmem>>, vector<2000x128xf32>
    %div3A = arith.divf %add3A_11, %get3A_14 : vector<2000x128xf32>
    %get3A_15 = arith.constant 0 : index
    %get3A_16 = arith.constant 0 : index
    %get3A_17 = vector.load %arg6[%get3A_15, %get3A_16] : memref<1x128xf32, #tpu.memory_space<vmem>>, vector<1x128xf32>
    %add3A_18 = vector.broadcast %get3A_17 : vector<1x128xf32> to vector<2000x128xf32>
    %add3A_19 = arith.addf %div3A, %add3A_18 : vector<2000x128xf32>
    %max3A = arith.constant 0.000000e+00 : f32
    %max3A_20 = vector.broadcast %max3A : f32 to vector<2000x128xf32>
    %max3A_21 = arith.maximumf %add3A_19, %max3A_20 : vector<2000x128xf32>
    %get3A_22 = arith.constant 0 : index
    %get3A_23 = arith.constant 0 : index
    %get3A_24 = vector.load %arg7[%get3A_22, %get3A_23] : memref<128x128xf32, #tpu.memory_space<vmem>>, vector<128x128xf32>
    %dot_general3A = arith.constant dense<0.000000e+00> : vector<2000x128xf32>
    %dot_general3A_25 = tpu.matmul %max3A_21, %get3A_24, %dot_general3A {dimension_numbers = #tpu.dot_dimension_numbers<[1], [0], [0], [1], [0, 0, 1, 1], [], []>, transpose_lhs_hint = false} : vector<2000x128xf32>, vector<128x128xf32>, vector<2000x128xf32> -> vector<2000x128xf32>
    %get3A_26 = arith.constant 0 : index
    %get3A_27 = arith.constant 0 : index
    %get3A_28 = vector.load %arg8[%get3A_26, %get3A_27] : memref<2000x128xf32, #tpu.memory_space<vmem>>, vector<2000x128xf32>
    %mul3A_29 = arith.mulf %dot_general3A_25, %get3A_28 : vector<2000x128xf32>
    %swap3A = arith.constant 0 : index
    %swap3A_30 = arith.constant 0 : index
    %swap3A_31 = vector.load %arg9[%swap3A, %swap3A_30] : memref<2000x128xf32, #tpu.memory_space<vmem>>, vector<2000x128xf32>
    tpu.vector_store %arg9[%swap3A, %swap3A_30], %mul3A_29 {strides = array<i32>} : memref<2000x128xf32, #tpu.memory_space<vmem>>, vector<2000x128xf32>,
    return
  }
  func.func @transform_0(%arg0: i32) -> (i32, i32) {
    %c0_i32 = arith.constant 0 : i32
    %c0_i32_0 = arith.constant 0 : i32
    return %arg0, %c0_i32 : i32, i32
  }
  func.func @transform_1(%arg0: i32) -> (i32, i32) {
    %c0_i32 = arith.constant 0 : i32
    %c0_i32_0 = arith.constant 0 : i32
    return %arg0, %c0_i32 : i32, i32
  }
  func.func @transform_2(%arg0: i32) -> (i32, i32) {
    %c0_i32 = arith.constant 0 : i32
    %c0_i32_0 = arith.constant 0 : i32
    return %arg0, %c0_i32 : i32, i32
  }
  func.func @transform_3(%arg0: i32) -> (i32, i32) {
    %c0_i32 = arith.constant 0 : i32
    %c0_i32_0 = arith.constant 0 : i32
    return %arg0, %c0_i32 : i32, i32
  }
  func.func @transform_4(%arg0: i32) -> (i32, i32) {
    %c0_i32 = arith.constant 0 : i32
    %c0_i32_0 = arith.constant 0 : i32
    return %arg0, %c0_i32 : i32, i32
  }
  func.func @transform_5(%arg0: i32) -> (i32, i32) {
    %c0_i32 = arith.constant 0 : i32
    %c0_i32_0 = arith.constant 0 : i32
    %c0_i32_1 = arith.constant 0 : i32
    return %c0_i32, %c0_i32_0 : i32, i32
  }
  func.func @transform_6(%arg0: i32) -> (i32, i32) {
    %c0_i32 = arith.constant 0 : i32
    %c0_i32_0 = arith.constant 0 : i32
    %c0_i32_1 = arith.constant 0 : i32
    return %c0_i32, %c0_i32_0 : i32, i32
  }
  func.func @transform_7(%arg0: i32) -> (i32, i32) {
    %c0_i32 = arith.constant 0 : i32
    %c0_i32_0 = arith.constant 0 : i32
    return %arg0, %c0_i32 : i32, i32
  }
  func.func @transform_8(%arg0: i32) -> (i32, i32) {
    %c0_i32 = arith.constant 0 : i32
    %c0_i32_0 = arith.constant 0 : i32
    return %arg0, %c0_i32 : i32, i32
  }
}

module attributes {stable_mosaic.version = 14 : i64} {
  func.func @body(%arg0: i32, %arg1: memref<2000x128xf32, #tpu.memory_space<vmem>>, %arg2: memref<2000x128xf32, #tpu.memory_space<vmem>>, %arg3: memref<2000x128xf32, #tpu.memory_space<vmem>>, %arg4: memref<2000x128xf32, #tpu.memory_space<vmem>>, %arg5: memref<1x128xf32, #tpu.memory_space<vmem>>, %arg6: memref<2000x128xf32, #tpu.memory_space<vmem>>) attributes {dimension_semantics = [#tpu.dimension_semantics<arbitrary>], iteration_bounds = array<i64: 5>, scalar_prefetch = 0 : i64, scratch_operands = 0 : i64, tpu.core_type = #tpu.core_type<tc>, window_params = [{transform_indices = @transform_0, window_bounds = array<i64: 2000, 128>}, {transform_indices = @transform_1, window_bounds = array<i64: 2000, 128>}, {transform_indices = @transform_2, window_bounds = array<i64: 2000, 128>}, {transform_indices = @transform_3, window_bounds = array<i64: 2000, 128>}, {pipeline_mode = #tpu.pipeline_mode<synchronous>, transform_indices = @transform_4, window_bounds = array<i64: 1, 128>}, {transform_indices = @transform_5, window_bounds = array<i64: 2000, 128>}]} {
    %get3A = arith.constant 0 : index
    %get3A_0 = arith.constant 0 : index
    %get3A_1 = vector.load %arg4[%get3A, %get3A_0] : memref<2000x128xf32, #tpu.memory_space<vmem>>, vector<2000x128xf32>
    %get3A_2 = arith.constant 0 : index
    %get3A_3 = arith.constant 0 : index
    %get3A_4 = vector.load %arg1[%get3A_2, %get3A_3] : memref<2000x128xf32, #tpu.memory_space<vmem>>, vector<2000x128xf32>
    %get3A_5 = arith.constant 0 : index
    %get3A_6 = arith.constant 0 : index
    %get3A_7 = vector.load %arg2[%get3A_5, %get3A_6] : memref<2000x128xf32, #tpu.memory_space<vmem>>, vector<2000x128xf32>
    %add3A = arith.addf %get3A_4, %get3A_7 : vector<2000x128xf32>
    %get3A_8 = arith.constant 0 : index
    %get3A_9 = arith.constant 0 : index
    %get3A_10 = vector.load %arg3[%get3A_8, %get3A_9] : memref<2000x128xf32, #tpu.memory_space<vmem>>, vector<2000x128xf32>
    %add3A_11 = arith.addf %add3A, %get3A_10 : vector<2000x128xf32>
    %mul3A = arith.mulf %get3A_1, %add3A_11 : vector<2000x128xf32>
    %get3A_12 = arith.constant 0 : index
    %get3A_13 = arith.constant 0 : index
    %get3A_14 = vector.load %arg5[%get3A_12, %get3A_13] : memref<1x128xf32, #tpu.memory_space<vmem>>, vector<1x128xf32>
    %add3A_15 = vector.broadcast %get3A_14 : vector<1x128xf32> to vector<2000x128xf32>
    %add3A_16 = arith.addf %mul3A, %add3A_15 : vector<2000x128xf32>
    %swap3A = arith.constant 0 : index
    %swap3A_17 = arith.constant 0 : index
    %swap3A_18 = vector.load %arg6[%swap3A, %swap3A_17] : memref<2000x128xf32, #tpu.memory_space<vmem>>, vector<2000x128xf32>
    tpu.vector_store %arg6[%swap3A, %swap3A_17], %add3A_16 {strides = array<i32>} : memref<2000x128xf32, #tpu.memory_space<vmem>>, vector<2000x128xf32>,
    return
  }
  func.func @transform_0(%arg0: i32) -> (i32, i32) {
    %c0_i32 = arith.constant 0 : i32
    %c0_i32_0 = arith.constant 0 : i32
    return %arg0, %c0_i32 : i32, i32
  }
  func.func @transform_1(%arg0: i32) -> (i32, i32) {
    %c0_i32 = arith.constant 0 : i32
    %c0_i32_0 = arith.constant 0 : i32
    return %arg0, %c0_i32 : i32, i32
  }
  func.func @transform_2(%arg0: i32) -> (i32, i32) {
    %c0_i32 = arith.constant 0 : i32
    %c0_i32_0 = arith.constant 0 : i32
    return %arg0, %c0_i32 : i32, i32
  }
  func.func @transform_3(%arg0: i32) -> (i32, i32) {
    %c0_i32 = arith.constant 0 : i32
    %c0_i32_0 = arith.constant 0 : i32
    return %arg0, %c0_i32 : i32, i32
  }
  func.func @transform_4(%arg0: i32) -> (i32, i32) {
    %c0_i32 = arith.constant 0 : i32
    %c0_i32_0 = arith.constant 0 : i32
    %c0_i32_1 = arith.constant 0 : i32
    return %c0_i32, %c0_i32_0 : i32, i32
  }
  func.func @transform_5(%arg0: i32) -> (i32, i32) {
    %c0_i32 = arith.constant 0 : i32
    %c0_i32_0 = arith.constant 0 : i32
    return %arg0, %c0_i32 : i32, i32
  }
}

</mosaic_0001>

<sc_bundles>
// kernel: kernel.11.cloned.1.call-start
scs
__scs_entry_jumppad:
0x0: {  	(pc) =	sbr.rel $0x88, $3  }
0x1: {  	(tag) =	ssettag $0x0;
	lr =	simm.s32 $0x1  }
0x2: {  	[smem:$0x3F95] =	sst lr;
	_ =	strace $0xD0000000  }
0x3: {  	_ = 	snop  }
0x4: {  	_ = 	snop  }
0x5: {  	_ = 	snop  }
0x6: {  	_ = 	snop  }
0x7: {  	_ = 	snop  }
__scs_overlays_trampoline_lowered:
0x8: {  	[smem:$0x3FA4] =	sst s0  }
0x9: {  	[smem:$0x3FA5] =	sst s1  }
0xa: {  	[smem:$0x3FA6] =	sst s2  }
0xb: {  	[smem:$0x3FA7] =	sst s3  }
0xc: {  	[smem:$0x3FA8] =	sst s4  }
0xd: {  	[smem:$0x3FA9] =	sst s5  }
0xe: {  	[smem:$0x3FAA] =	sst s6  }
0xf: {  	[smem:$0x3FAB] =	sst s7  }
0x10: {  	[smem:$0x3FAC] =	sst s8  }
0x11: {  	[smem:$0x3FAD] =	sst s9;
	s0 =	simm.s32 @!p0 $0x0  }
0x12: {  	s1 =	sld [smem:$0x3F93];
	s0 =	simm.s32 @p0 $0x1  }
0x13: {  	[smem:$0x3FAE] =	sst s0;
	s0 =	simm.s32 @!p1 $0x0  }
0x14: {  	s2 =	sld [smem:$0x3F92];
	s0 =	simm.s32 @p1 $0x1  }
0x15: {  	[smem:$0x3FAF] =	sst s0;
	s0 =	simm.s32 @!p2 $0x0  }
0x16: {  	s3 =	sld [smem:$0x3FDB];
	s0 =	simm.s32 @p2 $0x1  }
0x17: {  	s4 =	simm.s32 $0x1BF5;
	[smem:$0x3FB1] =	sst s0  }
0x18: {  	s0 =	sld [smem:$0x3F94];
	_ =	swait.ge [sflag:s4], $0x0  }
0x19: {  	s7 =	sld [smem:$0x3F95]  }
0x1a: {  	s8 =	sadd.s32 $0xFFFFE003, lr  }
0x1b: {  	s9 =	sadd.s32 $0xFFFFFEF7, lr;
	s5 =	simm.s32 $0xFFFFFFFF;
	p2 =	slt.u32 s8, $0xFFFFF086  }
0x1c: {  	p1 =	slt.u32 s9, $0xF7A;
	s5 =	simm.s32 @!p2 $0x0  }
0x1d: {  	s5 =	simm.s32 @p1 $0x1;
	p0 =	seq.s32 s7, s2  }
0x1e: {  	s7 =	smul.u32 @!p0 $0xF7A, s2;
	p2 =	seq.s32 @!p0 s5, $0x0  }
0x1f: {  	s9 =	smul.u32 $0xF7A, s1;
	s8 =	simm.s32 @!p0 $0x1BF5;
	p2 =	por !p2, p0  }
0x20: {  	[sflag:s8] =	ssyncset.s32 @!p0 $0xFFFFF086;
	s6 =	sadd.s32 @!p0 s3, s7;
	s7 =	simm.s32 @!p0 $0x108  }
0x21: {  	s3 =	sadd.s32 s3, s9;
	s6 =	sadd.s32 @!p0 $0x88, s6;
	s7 =	simm.s32 @p2 $0x1082  }
0x22: {  	[simem:s7], [sflag:s8] =	dma.local @!p0 [hbm:s6], $0xF7A  }
0x23: {  	s9 =	sor.u32 $0xD0000000, s2;
	s6 =	simm.s32 $0x108;
	_ =	swait.ge @!p0 [sflag:s8], $0x0  }
0x24: {  	s3 =	sadd.s32 $0x88, s3;
	s6 =	simm.s32 @!p1 $0x1082;
	[sflag:s4] =	ssyncset.s32 $0xFFFFF086  }
0x25: {  	[simem:s6], [sflag:s4] =	dma.local [hbm:s3], $0xF7A  }
0x26: {  	[smem:$0x3F95] =	sst s1;
	(tag) =	ssettag s2;
	_ =	strace s9  }
0x27: {  	s1 =	sld [smem:$0x3FA5]  }
0x28: {  	s2 =	sld [smem:$0x3FA6]  }
0x29: {  	s4 =	sld [smem:$0x3FA8]  }
0x2a: {  	p0 =	seq.s32 s5, $0x0;
	s5 =	sld [smem:$0x3FA9]  }
0x2b: {  	s6 =	sld [smem:$0x3FAA]  }
0x2c: {  	s7 =	sld [smem:$0x3FAB]  }
0x2d: {  	s3 =	simm.s32 $0x108;
	s8 =	sld [smem:$0x3FAC]  }
0x2e: {  	s3 =	simm.s32 @!p0 $0x1082;
	s9 =	sld [smem:$0x3FAD]  }
0x2f: {  	lr =	sadd.s32 s0, s3;
	s0 =	sld [smem:$0x3FA4]  }
0x30: {  	s3 =	sld [smem:$0x3FA7]  }
0x31: {  	[smem:$0x3FB0] =	sst s10  }
0x32: {  	s10 =	sld [smem:$0x3FAE];
	_ =	sdelay $0x3  }
0x33: {  	p0 =	seq.s32 s10, $0x1;
	s10 =	sld [smem:$0x3FB0];
	_ =	sdelay $0x3  }
0x34: {  	[smem:$0x3FB0] =	sst s10  }
0x35: {  	s10 =	sld [smem:$0x3FAF];
	_ =	sdelay $0x3  }
0x36: {  	p1 =	seq.s32 s10, $0x1;
	s10 =	sld [smem:$0x3FB0];
	_ =	sdelay $0x3  }
0x37: {  	[smem:$0x3FB0] =	sst s10  }
0x38: {  	s10 =	sld [smem:$0x3FB1]  }
0x39: {  	_ = 	snop;
	(pc) =	sbr.ind lr, $3  }
0x3a: {  	_ = 	snop  }
0x3b: {  	_ = 	snop  }
0x3c: {  	p2 =	seq.s32 s10, $0x1;
	s10 =	sld [smem:$0x3FB0]  }
0x3d: {  	_ =	shalt  }
0x3e: {  	_ =	shalt  }
0x3f: {  	_ =	shalt  }
0x40: {  	_ =	shalt  }
0x41: {  	_ =	shalt  }
0x42: {  	_ =	shalt  }
0x43: {  	_ =	shalt  }
0x44: {  	_ =	shalt  }
0x45: {  	_ =	shalt  }
0x46: {  	_ =	shalt  }
0x47: {  	_ =	shalt  }
0x48: {  	_ =	shalt  }
0x49: {  	_ =	shalt  }
0x4a: {  	_ =	shalt  }
0x4b: {  	_ =	shalt  }
0x4c: {  	_ =	shalt  }
0x4d: {  	_ =	shalt  }
0x4e: {  	_ =	shalt  }
0x4f: {  	_ =	shalt  }
0x50: {  	_ =	shalt  }
0x51: {  	_ =	shalt  }
0x52: {  	_ =	shalt  }
0x53: {  	_ =	shalt  }
0x54: {  	_ =	shalt  }
0x55: {  	_ =	shalt  }
0x56: {  	_ =	shalt  }
0x57: {  	_ =	shalt  }
0x58: {  	_ =	shalt  }
0x59: {  	_ =	shalt  }
0x5a: {  	_ =	shalt  }
0x5b: {  	_ =	shalt  }
0x5c: {  	_ =	shalt  }
0x5d: {  	_ =	shalt  }
0x5e: {  	_ =	shalt  }
0x5f: {  	_ =	shalt  }
0x60: {  	_ =	shalt  }
0x61: {  	_ =	shalt  }
0x62: {  	_ =	shalt  }
0x63: {  	_ =	shalt  }
0x64: {  	_ =	shalt  }
0x65: {  	_ =	shalt  }
0x66: {  	_ =	shalt  }
0x67: {  	_ =	shalt  }
0x68: {  	_ =	shalt  }
0x69: {  	_ =	shalt  }
0x6a: {  	_ =	shalt  }
0x6b: {  	_ =	shalt  }
0x6c: {  	_ =	shalt  }
0x6d: {  	_ =	shalt  }
0x6e: {  	_ =	shalt  }
0x6f: {  	_ =	shalt  }
0x70: {  	_ =	shalt  }
0x71: {  	_ =	shalt  }
0x72: {  	_ =	shalt  }
0x73: {  	_ =	shalt  }
0x74: {  	_ =	shalt  }
0x75: {  	_ =	shalt  }
0x76: {  	_ =	shalt  }
0x77: {  	_ =	shalt  }
0x78: {  	_ =	shalt  }
0x79: {  	_ =	shalt  }
0x7a: {  	_ =	shalt  }
0x7b: {  	_ =	shalt  }
0x7c: {  	_ =	shalt  }
0x7d: {  	_ =	shalt  }
0x7e: {  	_ =	shalt  }
0x7f: {  	_ =	shalt  }
0x80: {  	_ =	shalt  }
0x81: {  	_ =	shalt  }
0x82: {  	_ =	shalt  }
0x83: {  	_ =	shalt  }
0x84: {  	_ =	shalt  }
0x85: {  	_ =	shalt  }
0x86: {  	_ =	shalt  }
0x87: {  	_ =	shalt  }
.Lfunc_end0:
.L_simem_size_0:
called_computation_lowered:
.L_overlay_start_0:
0x88: {  	s2 =	sld [smem:$0x3FD9]  }
0x89: {  	s3 =	sld [smem:$0x3FFE];
	_ =	sdelay $0x1  }
0x8a: {  	s1 =	srdreg.scid  }
0x8b: {  	s0 =	sand.u32 $0x1, s1  }
0x8c: {  	s14 =	sshll.u32 s0, $0xA;
	s2 =	sadd.s32 s3, s2  }
0x8d: {  	s2 =	sadd.s32 s2, s14  }
0x8e: {  	[smem:$0x3FBC] =	sst s2  }
0x8f: {  	_ = 	snop  }
0x90: {  	s2 =	sld [smem:$0x3FD0];
	_ =	sdelay $0x2  }
0x91: {  	s15 =	simm.s32 $0xA;
	s4 =	simm.s32 $0x10  }
0x92: {  	[smem:s4], [sflag:s15] =	dma.local [hbm:s2], $0x1  }
0x93: {  	_ =	swait.eq [sflag:s15], $0x1  }
0x94: {  	[sflag:s15] =	ssyncset.done $0x0  }
0x95: {  	[sflag:s15] =	ssyncadd.s32 $0xFFFFFFFF  }
0x96: {  	s16 =	sld [smem:$0x10];
	(tm) =	ssettm $0x1  }
0x97: {  	s17 =	sld [smem:$0x3FFB];
	_ =	sdelay $0x3  }
0x98: {  	_ =	strace s17  }
0x99: {  	s3 =	sld [smem:$0x3FFC];
	_ =	sdelay $0x3  }
0x9a: {  	_ =	strace s3  }
0x9b: {  	s3 =	sld [smem:$0x3FFD];
	_ =	sdelay $0x3  }
0x9c: {  	_ =	strace s3  }
0x9d: {  	_ =	strace $0x8FFFFFFF  }
0x9e: {  	s18 =	sld [smem:$0x3FDB];
	_ =	sdelay $0x1  }
0x9f: {  	s19 =	simm.s32 $_scs_section_size  }
0xa0: {  	s5 =	simm.s32 $_size__tile_overlayer_lowered;
	s6 =	simm.s32 $_tile_overlayer_lowered  }
0xa1: {  	s22 =	simm.s32 $0x1BFF;
	s21 =	sshll.u32 s6, $0x1;
	s3 =	sadd.s32 s19, s18  }
0xa2: {  	s7 =	simm.s32 $0x0;
	s20 =	sshll.u32 s5, $0x1;
	s5 =	sadd.s32 s21, s3  }
0xa3: {  	[timem:s7], [sflag:s22] =	dma.local [hbm:s5], s20  }
0xa4: {  	_ =	swait.ge [sflag:s22], s20  }
0xa5: {  	s4 =	ssub.s32 $0x0, s20;
	[sflag:s22] =	ssyncset.done $0x0  }
0xa6: {  	[sflag:s22] =	ssyncadd.s32 s4;
	_ =	sdelay $0x1  }
0xa7: {  	s23 =	simm.s32 $0x1B8B  }
0xa8: {  	_ =	swait.ge [sflag:s23], $0x1  }
0xa9: {  	[sflag:s23] =	ssyncset.done $0x0  }
0xaa: {  	s25 =	simm.s32 $0x1B8E;
	s24 =	sld [smem:$0x3FFE];
	[sflag:s23] =	ssyncadd.s32 $0xFFFFFFFF  }
0xab: {  	s26 =	simm.s32 $execute0_lowered;
	[smem:$0x3FD2] =	sst s25  }
0xac: {  	s5 =	sshll.u32 s26, $0x1;
	_ =	strace $0x80000046;
	[dreg:$0x1] =	wrdreg $0xFFFFFFFF  }
0xad: {  	s28 =	simm.s32 $_size_execute0_lowered;
	s3 =	sadd.s32 s3, s5;
	[dreg:$0x0] =	wrdreg $0x0  }
0xae: {  	s5 =	sshll.u32 s28, $0x1;
	[dreg:$0x2] =	wrdreg s3  }
0xaf: {  	[dreg:$0x3] =	wrdreg s5  }
0xb0: {  	[dreg:$0x4] =	wrdreg $0xC0  }
0xb1: {  	_ =	task [dreg:s7], $0x5FFFF  }
0xb2: {  	[dreg:$0x1] =	wrdreg $0xFFFFFFFF  }
0xb3: {  	[dreg:$0x0] =	wrdreg $0x60  }
0xb4: {  	[dreg:$0x2] =	wrdreg s16  }
0xb5: {  	[dreg:$0x3] =	wrdreg s24  }
0xb6: {  	[dreg:$0x4] =	wrdreg $0x28800  }
0xb7: {  	[dreg:$0x5] =	wrdreg $0x9  }
0xb8: {  	_ =	task.clear_ibuf [dreg:s7], $0x6FFFF;
	_ =	strace $0x90000046  }
0xb9: {  	s29 =	simm.s32 $0x9;
	_ =	strace $0x80000048  }
0xba: {  	_ =	swait.ge [sflag:s29], $0x1  }
0xbb: {  	[sflag:s29] =	ssyncadd.s32 $0xFFFFFFFF  }
0xbc: {  	_ =	strace $0x90000048  }
0xbd: {  	_ =	sfence  }
0xbe: {  	s30 =	sld [smem:$0x0];
	_ =	sdelay $0x2  }
0xbf: {  	s31 =	sshll.u32 s1, $0xD;
	s1 =	sshrl.u32 s1, $0x2  }
0xc0: {  	s3 =	sand.u32 $0x4000, s31;
	s1 =	sadd.s32 s1, s30  }
0xc1: {  	s0 =	sor.u32 s3, s0;
	s1 =	sshll.u32 s1, $0x11  }
0xc2: {  	s0 =	sor.u32 s1, s0  }
0xc3: {  	s0 =	sadd.s32 $0x8F2B, s0  }
0xc4: {  	[sflag:s0] =	ssyncadd.remote.s32 $0x1  }
0xc5: {  	_ =	sfence.sel $0xFFFF  }
0xc6: {  	[dreg:$0x0] =	wrdreg $0xFFFFFFFF;
	(pc) =	sbr.abs _section_cstart, $3  }
0xc7: {  	[dreg:$0x1] =	wrdreg $0xFFFFFFFF  }
0xc8: {  	_ =	task.clear_ibuf [dreg:s7], $0x2FFFF;
	_ =	strace $0x9FFFFFFF  }
0xc9: {  	(tm) =	ssettm $0x7FFFFFFF  }
tec
execute0_lowered:
.L_overlay_start_1:
0x0: {  	(tag) =	ssettag $0x1  }
0x1: {  	s16 =	rddreg [dreg:$0x0]  }
0x2: {  	s4 =	rddreg [dreg:$0x1]  }
0x3: {  	s2 =	rddreg [dreg:$0x2]  }
0x4: {  	s0 =	rddreg [dreg:$0x3];
	s3 =	simm.s32 $0x0;
	s1 =	stileid.u32  }
0x5: {  	s5 =	srdreg.scid;
	s23 =	simm.s32 $0x0;
	s29 =	smul.u32 $0x4E000, s1  }
0x6: {  	[smem:$0x7FF] =	sst s3;
	s7 =	sand.u32 $0x1, s5;
	s18 =	smul.u32 $0x13800, s1  }
0x7: {  	s14 =	sadd.s32 $0x4800, s4;
	s19 =	smul.u32 $0x2710, s1;
	s12 =	sadd.s32 $0x138000, s2  }
0x8: {  	p0 =	sne.s32 s1, $0xF;
	s20 =	sshll.u32 s1, $0x6;
	s13 =	smul.u32 $0x27100, s7  }
0x9: {  	_ =	strace $0x80000047;
	s6 =	ssub.s32 $0x2, s7;
	s17 =	smul.u32 $0x138800, s7  }
0xa: {  	s20 =	sor.u32 $0x1C01, s20;
	s30 =	sshrl.u32 s6, $0x1;
	s5 =	sshrl.u32 s29, $0x2  }
0xb: {  	s22 =	sshrl.u32 @!p0 s12, $0x3;
	s15 =	ssub.s32 s6, s30;
	s4 =	sadd.s32 s5, s2  }
0xc: {  	s18 =	sadd.s32 s18, s17;
	s17 =	sshrl.u32 s17, $0x3;
	s19 =	sadd.s32 s19, s13  }
0xd: {  	s5 =	sadd.s32 $0x2800, s4;
	s6 =	sadd.s32 $0x5000, s4;
	s7 =	sadd.s32 $0x7800, s4  }
0xe: {  	s8 =	sadd.s32 $0xA000, s4;
	s9 =	sadd.s32 $0xC800, s4;
	s10 =	sadd.s32 $0xF000, s4  }
0xf: {  	s11 =	sadd.s32 $0x11800, s4;
	s18 =	sshrl.u32 s18, $0x3;
	s31 =	sshrl.u32 s19, $0x3  }
0x10: {  	s15 =	smax.u32 s15, $0x1;
	s19 =	simm.s32 $0x50;
	s21 =	sshrl.u32 s4, $0x3  }
0x11: {  	v0 =	vimm.f32 $0.0e+00;
	vm0 =	vcmask $0x300;
	s13 =	sadd.s32 s14, s18;
	s14 =	sadd.s32 s14, s17;
	s16 =	sadd.s32 s31, s16  }
0x12: {  	v1 =	vsel vm0, $0x3F800000, v0;
	s17 =	simm.s32 $0x80;
	s18 =	simm.s32 $0x1;
	s14 =	sadd.s32 $0x27000, s14  }
.LBB2_1:
0x13: {  	s24 =	simm.s32 $0x200;
	s25 =	simm.s32 $0x0  }
.LBB2_2:
0x14: {  	p1 =	sne.s32 s24, $0x9E00;
	[tilespmem:s25+$0x80] =	vst v0;
	s25 =	smov.u32 s24;
	s24 =	sadd.s32 $0x200, s24  }
.Ltmp0:
0x15: {  	(pc) =	sbr.rel @p1 .LBB2_2-.Ltmp0, $2  }
0x16: {  	_ =	sdelay $0x2  }
0x17: {  	s25 =	sshra.s32 s25, $0x2  }
0x18: {  	[tilespmem:s25+$0x80] =	vst v0  }
0x19: {  	[spmem:s4] =	stream.linear.scatter [tilespmem:s17], [sflag:$0x1], $0x2800, $0x38;
	[tilespmem:$0x4F90] =	vst v63  }
0x1a: {  	_ =	swait.ge [sflag:s18], $0x2800  }
0x1b: {  	[sflag:s18] =	ssyncset.done $0x0  }
0x1c: {  	[sflag:s18] =	ssyncadd.s32 $0xFFFFD800  }
0x1d: {  	[spmem:s5] =	stream.linear.scatter [tilespmem:s17], [sflag:$0x1], $0x2800, $0x38;
	[tilespmem:$0x4F90] =	vst v63  }
0x1e: {  	_ =	swait.ge [sflag:s18], $0x2800  }
0x1f: {  	[sflag:s18] =	ssyncset.done $0x0  }
0x20: {  	[sflag:s18] =	ssyncadd.s32 $0xFFFFD800  }
0x21: {  	[spmem:s6] =	stream.linear.scatter [tilespmem:s17], [sflag:$0x1], $0x2800, $0x38;
	[tilespmem:$0x4F90] =	vst v63  }
0x22: {  	_ =	swait.ge [sflag:s18], $0x2800  }
0x23: {  	[sflag:s18] =	ssyncset.done $0x0  }
0x24: {  	[sflag:s18] =	ssyncadd.s32 $0xFFFFD800  }
0x25: {  	[spmem:s7] =	stream.linear.scatter [tilespmem:s17], [sflag:$0x1], $0x2800, $0x38;
	[tilespmem:$0x4F90] =	vst v63  }
0x26: {  	_ =	swait.ge [sflag:s18], $0x2800  }
0x27: {  	[sflag:s18] =	ssyncset.done $0x0  }
0x28: {  	[sflag:s18] =	ssyncadd.s32 $0xFFFFD800  }
0x29: {  	[spmem:s8] =	stream.linear.scatter [tilespmem:s17], [sflag:$0x1], $0x2800, $0x38;
	[tilespmem:$0x4F90] =	vst v63  }
0x2a: {  	_ =	swait.ge [sflag:s18], $0x2800  }
0x2b: {  	[sflag:s18] =	ssyncset.done $0x0  }
0x2c: {  	[sflag:s18] =	ssyncadd.s32 $0xFFFFD800  }
0x2d: {  	[spmem:s9] =	stream.linear.scatter [tilespmem:s17], [sflag:$0x1], $0x2800, $0x38;
	[tilespmem:$0x4F90] =	vst v63  }
0x2e: {  	_ =	swait.ge [sflag:s18], $0x2800  }
0x2f: {  	[sflag:s18] =	ssyncset.done $0x0  }
0x30: {  	[sflag:s18] =	ssyncadd.s32 $0xFFFFD800  }
0x31: {  	[spmem:s10] =	stream.linear.scatter [tilespmem:s17], [sflag:$0x1], $0x2800, $0x38;
	[tilespmem:$0x4F90] =	vst v63  }
0x32: {  	_ =	swait.ge [sflag:s18], $0x2800  }
0x33: {  	[sflag:s18] =	ssyncset.done $0x0  }
0x34: {  	[sflag:s18] =	ssyncadd.s32 $0xFFFFD800  }
0x35: {  	[spmem:s11] =	stream.linear.scatter [tilespmem:s17], [sflag:$0x1], $0x2000, $0x38;
	[tilespmem:$0x4F90] =	vst v63  }
0x36: {  	_ =	swait.ge [sflag:s18], $0x2000  }
0x37: {  	[sflag:s18] =	ssyncset.done $0x0  }
0x38: {  	s24 =	simm.s32 @!p0 $0x80;
	[sflag:s18] =	ssyncadd.s32 $0xFFFFE000  }
0x39: {  	[spmem:s12] =	stream.linear.scatter @!p0 [tilespmem:s24], [sflag:$0x1], $0x800, $0x38;
	[tilespmem:$0x4F90] =	vst v63  }
0x3a: {  	s24 =	simm.s32 @!p0 $0x1  }
0x3b: {  	_ =	swait.ge @!p0 [sflag:s24], $0x800  }
0x3c: {  	[sflag:s24] =	ssyncset.done @!p0 $0x0  }
0x3d: {  	s25 =	simm.s32 $0x0;
	[sflag:s24] =	ssyncadd.s32 @!p0 $0xFFFFF800;
	s24 =	simm.s32 $0x200  }
.LBB2_4:
0x3e: {  	p1 =	sne.s32 s24, $0x9E00;
	[tilespmem:s25+$0x80] =	vst v1;
	s25 =	smov.u32 s24;
	s24 =	sadd.s32 $0x200, s24  }
.Ltmp1:
0x3f: {  	(pc) =	sbr.rel @p1 .LBB2_4-.Ltmp1, $2  }
0x40: {  	_ =	sdelay $0x2  }
0x41: {  	s25 =	sshra.s32 s25, $0x2  }
0x42: {  	[tilespmem:s25+$0x80] =	vst v1  }
0x43: {  	s24 =	sadd.s32 $0x0, s16;
	[bflag:$0x0] =	sbarrier.arrive $0xFFFF  }
0x44: {  	[tilespmem:s3], [sflag:$0x1] =	stream.linear.gather [hbm4b:s24+s3], $0x50, $0x38;
	[tilespmem:$0x4F90] =	vst v63  }
0x45: {  	_ =	swait.ge [sflag:s18], $0x50  }
0x46: {  	[sflag:s18] =	ssyncset.done $0x0  }
0x47: {  	[sflag:s18] =	ssyncadd.s32 $0xFFFFFFB0  }
0x48: {  	[spmem:s2] =	stream.indirect.scatter.add.f32 [tilespmem:s17], [sflag:$0x1], $0x10, s3, s19, $0xb8;
	[tilespmem:$0x4F90] =	vst v63  }
0x49: {  	_ =	swait.ge [sflag:s18], $0x500  }
0x4a: {  	s25 =	simm.s32 $0x14;
	s24 =	simm.s32 $0xA;
	[sflag:s18] =	ssyncset.done $0x0  }
.LBB2_6:
0x4b: {  	s26 =	sadd.s32 s24, s16  }
0x4c: {  	[sflag:s18] =	ssyncadd.s32 $0xFFFFFB00;
	s24 =	smov.u32 s25;
	s28 =	sadd.s32 $0xA, s25  }
0x4d: {  	[tilespmem:s3], [sflag:$0x1] =	stream.linear.gather [hbm4b:s26+s3], $0x50, $0x38;
	[tilespmem:$0x4F90] =	vst v63  }
0x4e: {  	p1 =	sne.s32 s25, $0x4D8;
	_ =	swait.ge [sflag:s18], $0x50  }
.Ltmp2:
0x4f: {  	[sflag:s18] =	ssyncset.done $0x0;
	(pc) =	sbr.rel @p1 .LBB2_6-.Ltmp2, $4  }
0x50: {  	[sflag:s18] =	ssyncadd.s32 $0xFFFFFFB0  }
0x51: {  	[spmem:s2] =	stream.indirect.scatter.add.f32 [tilespmem:s17], [sflag:$0x1], $0x10, s3, s19, $0xb8;
	[tilespmem:$0x4F90] =	vst v63  }
0x52: {  	_ =	swait.ge [sflag:s18], $0x500  }
0x53: {  	s25 =	smov.u32 s28;
	[sflag:s18] =	ssyncset.done $0x0  }
0x54: {  	s24 =	sadd.s32 s24, s16;
	[sflag:s18] =	ssyncadd.s32 $0xFFFFFB00  }
0x55: {  	[tilespmem:s3], [sflag:$0x1] =	stream.linear.gather [hbm4b:s24+s3], $0x50, $0x38;
	[tilespmem:$0x4F90] =	vst v63  }
0x56: {  	_ =	swait.ge [sflag:s18], $0x50  }
0x57: {  	[sflag:s18] =	ssyncset.done $0x0  }
0x58: {  	[sflag:s18] =	ssyncadd.s32 $0xFFFFFFB0  }
0x59: {  	[spmem:s2] =	stream.indirect.scatter.add.f32 [tilespmem:s17], [sflag:$0x1], $0x10, s3, s19, $0xb8;
	[tilespmem:$0x4F90] =	vst v63  }
0x5a: {  	_ =	swait.ge [sflag:s18], $0x500  }
0x5b: {  	[sflag:s18] =	ssyncset.done $0x0  }
0x5c: {  	[sflag:s18] =	ssyncadd.s32 $0xFFFFFB00  }
0x5d: {  	[bflag:$0x0] =	sbarrier.arrive $0xFFFF  }
0x5e: {  	[hbm:s13], [sflag:s20] =	dma.local [spmem:s21], $0x2700  }
0x5f: {  	s23 =	sadd.s32 $0x1, s23;
	_ =	swait.ge [sflag:s18], $0x2700  }
0x60: {  	p1 =	sne.s32 s23, s15;
	[sflag:s18] =	ssyncset.done $0x0  }
.Ltmp3:
0x61: {  	s24 =	simm.s32 @!p0 $0x1;
	[sflag:s18] =	ssyncadd.s32 $0xFFFFD900;
	(pc) =	sbr.rel @p1 .LBB2_1-.Ltmp3, $4  }
0x62: {  	[hbm:s14], [sflag:s20] =	dma.local @!p0 [spmem:s22], $0x100  }
0x63: {  	_ =	swait.ge @!p0 [sflag:s24], $0x100  }
0x64: {  	[sflag:s24] =	ssyncset.done @!p0 $0x0  }
0x65: {  	[sflag:s24] =	ssyncadd.s32 @!p0 $0xFFFFFF00  }
0x66: {  	_ =	sfence.sel $0x180000  }
0x67: {  	[bflag:$0x0] =	sbarrier.arrive $0xFFFF  }
0x68: {  	p0 =	sne.s32 s1, $0x0;
	_ =	strace $0x90000047  }
0x69: {  	s0 =	sadd.s32 @!p0 $0x100000, s0;
	[bflag:$0x2] =	sbarrier.arrive $0xFFFF  }
0x6a: {  	[sflag:s0] =	ssyncadd.tile.s32 @!p0 $0x1;
	_ =	shalt  }
.Lfunc_end2:
_tile_overlayer_lowered:
.L_overlay_start_2:
0x6b: {  	(tag) =	ssettag $0x2  }
0x6c: {  	s0 =	rddreg [dreg:$0x0];
	s2 =	stileid.u32  }
0x6d: {  	s1 =	rddreg [dreg:$0x1];
	p0 =	sne.s32 s2, $0x0  }
0x6e: {  	s3 =	rddreg [dreg:$0x2];
	[bflag:$0x3] =	sbarrier.arrive $0xFFFF;
	s2 =	simm.s32 @!p0 $0x1C01  }
0x6f: {  	[timem:s3], [sflag:s2] =	dma.local @!p0 [hbm:s0], s1  }
0x70: {  	s0 =	simm.s32 @!p0 $0x1  }
0x71: {  	_ =	swait.ge @!p0 [sflag:s0], s1  }
0x72: {  	s1 =	ssub.s32 @!p0 $0x0, s1;
	[sflag:s0] =	ssyncset.done @!p0 $0x0  }
0x73: {  	[sflag:s0] =	ssyncadd.s32 @!p0 s1  }
0x74: {  	[bflag:$0x3] =	sbarrier.arrive $0xFFFF  }
0x75: {  	_ =	shalt  }

// kernel: kernel.14.cloned.1.call-start
scs
__scs_entry_jumppad:
0x0: {  	(pc) =	sbr.rel $0x88, $3  }
0x1: {  	(tag) =	ssettag $0x0;
	lr =	simm.s32 $0x1  }
0x2: {  	[smem:$0x3F95] =	sst lr;
	_ =	strace $0xD0000000  }
0x3: {  	_ = 	snop  }
0x4: {  	_ = 	snop  }
0x5: {  	_ = 	snop  }
0x6: {  	_ = 	snop  }
0x7: {  	_ = 	snop  }
__scs_overlays_trampoline_lowered:
0x8: {  	[smem:$0x3FA4] =	sst s0  }
0x9: {  	[smem:$0x3FA5] =	sst s1  }
0xa: {  	[smem:$0x3FA6] =	sst s2  }
0xb: {  	[smem:$0x3FA7] =	sst s3  }
0xc: {  	[smem:$0x3FA8] =	sst s4  }
0xd: {  	[smem:$0x3FA9] =	sst s5  }
0xe: {  	[smem:$0x3FAA] =	sst s6  }
0xf: {  	[smem:$0x3FAB] =	sst s7  }
0x10: {  	[smem:$0x3FAC] =	sst s8  }
0x11: {  	[smem:$0x3FAD] =	sst s9;
	s0 =	simm.s32 @!p0 $0x0  }
0x12: {  	s1 =	sld [smem:$0x3F93];
	s0 =	simm.s32 @p0 $0x1  }
0x13: {  	[smem:$0x3FAE] =	sst s0;
	s0 =	simm.s32 @!p1 $0x0  }
0x14: {  	s2 =	sld [smem:$0x3F92];
	s0 =	simm.s32 @p1 $0x1  }
0x15: {  	[smem:$0x3FAF] =	sst s0;
	s0 =	simm.s32 @!p2 $0x0  }
0x16: {  	s3 =	sld [smem:$0x3FDB];
	s0 =	simm.s32 @p2 $0x1  }
0x17: {  	s4 =	simm.s32 $0x1BF5;
	[smem:$0x3FB1] =	sst s0  }
0x18: {  	s0 =	sld [smem:$0x3F94];
	_ =	swait.ge [sflag:s4], $0x0  }
0x19: {  	s7 =	sld [smem:$0x3F95]  }
0x1a: {  	s8 =	sadd.s32 $0xFFFFE003, lr  }
0x1b: {  	s9 =	sadd.s32 $0xFFFFFEF7, lr;
	s5 =	simm.s32 $0xFFFFFFFF;
	p2 =	slt.u32 s8, $0xFFFFF086  }
0x1c: {  	p1 =	slt.u32 s9, $0xF7A;
	s5 =	simm.s32 @!p2 $0x0  }
0x1d: {  	s5 =	simm.s32 @p1 $0x1;
	p0 =	seq.s32 s7, s2  }
0x1e: {  	s7 =	smul.u32 @!p0 $0xF7A, s2;
	p2 =	seq.s32 @!p0 s5, $0x0  }
0x1f: {  	s9 =	smul.u32 $0xF7A, s1;
	s8 =	simm.s32 @!p0 $0x1BF5;
	p2 =	por !p2, p0  }
0x20: {  	[sflag:s8] =	ssyncset.s32 @!p0 $0xFFFFF086;
	s6 =	sadd.s32 @!p0 s3, s7;
	s7 =	simm.s32 @!p0 $0x108  }
0x21: {  	s3 =	sadd.s32 s3, s9;
	s6 =	sadd.s32 @!p0 $0x88, s6;
	s7 =	simm.s32 @p2 $0x1082  }
0x22: {  	[simem:s7], [sflag:s8] =	dma.local @!p0 [hbm:s6], $0xF7A  }
0x23: {  	s9 =	sor.u32 $0xD0000000, s2;
	s6 =	simm.s32 $0x108;
	_ =	swait.ge @!p0 [sflag:s8], $0x0  }
0x24: {  	s3 =	sadd.s32 $0x88, s3;
	s6 =	simm.s32 @!p1 $0x1082;
	[sflag:s4] =	ssyncset.s32 $0xFFFFF086  }
0x25: {  	[simem:s6], [sflag:s4] =	dma.local [hbm:s3], $0xF7A  }
0x26: {  	[smem:$0x3F95] =	sst s1;
	(tag) =	ssettag s2;
	_ =	strace s9  }
0x27: {  	s1 =	sld [smem:$0x3FA5]  }
0x28: {  	s2 =	sld [smem:$0x3FA6]  }
0x29: {  	s4 =	sld [smem:$0x3FA8]  }
0x2a: {  	p0 =	seq.s32 s5, $0x0;
	s5 =	sld [smem:$0x3FA9]  }
0x2b: {  	s6 =	sld [smem:$0x3FAA]  }
0x2c: {  	s7 =	sld [smem:$0x3FAB]  }
0x2d: {  	s3 =	simm.s32 $0x108;
	s8 =	sld [smem:$0x3FAC]  }
0x2e: {  	s3 =	simm.s32 @!p0 $0x1082;
	s9 =	sld [smem:$0x3FAD]  }
0x2f: {  	lr =	sadd.s32 s0, s3;
	s0 =	sld [smem:$0x3FA4]  }
0x30: {  	s3 =	sld [smem:$0x3FA7]  }
0x31: {  	[smem:$0x3FB0] =	sst s10  }
0x32: {  	s10 =	sld [smem:$0x3FAE];
	_ =	sdelay $0x3  }
0x33: {  	p0 =	seq.s32 s10, $0x1;
	s10 =	sld [smem:$0x3FB0];
	_ =	sdelay $0x3  }
0x34: {  	[smem:$0x3FB0] =	sst s10  }
0x35: {  	s10 =	sld [smem:$0x3FAF];
	_ =	sdelay $0x3  }
0x36: {  	p1 =	seq.s32 s10, $0x1;
	s10 =	sld [smem:$0x3FB0];
	_ =	sdelay $0x3  }
0x37: {  	[smem:$0x3FB0] =	sst s10  }
0x38: {  	s10 =	sld [smem:$0x3FB1]  }
0x39: {  	_ = 	snop;
	(pc) =	sbr.ind lr, $3  }
0x3a: {  	_ = 	snop  }
0x3b: {  	_ = 	snop  }
0x3c: {  	p2 =	seq.s32 s10, $0x1;
	s10 =	sld [smem:$0x3FB0]  }
0x3d: {  	_ =	shalt  }
0x3e: {  	_ =	shalt  }
0x3f: {  	_ =	shalt  }
0x40: {  	_ =	shalt  }
0x41: {  	_ =	shalt  }
0x42: {  	_ =	shalt  }
0x43: {  	_ =	shalt  }
0x44: {  	_ =	shalt  }
0x45: {  	_ =	shalt  }
0x46: {  	_ =	shalt  }
0x47: {  	_ =	shalt  }
0x48: {  	_ =	shalt  }
0x49: {  	_ =	shalt  }
0x4a: {  	_ =	shalt  }
0x4b: {  	_ =	shalt  }
0x4c: {  	_ =	shalt  }
0x4d: {  	_ =	shalt  }
0x4e: {  	_ =	shalt  }
0x4f: {  	_ =	shalt  }
0x50: {  	_ =	shalt  }
0x51: {  	_ =	shalt  }
0x52: {  	_ =	shalt  }
0x53: {  	_ =	shalt  }
0x54: {  	_ =	shalt  }
0x55: {  	_ =	shalt  }
0x56: {  	_ =	shalt  }
0x57: {  	_ =	shalt  }
0x58: {  	_ =	shalt  }
0x59: {  	_ =	shalt  }
0x5a: {  	_ =	shalt  }
0x5b: {  	_ =	shalt  }
0x5c: {  	_ =	shalt  }
0x5d: {  	_ =	shalt  }
0x5e: {  	_ =	shalt  }
0x5f: {  	_ =	shalt  }
0x60: {  	_ =	shalt  }
0x61: {  	_ =	shalt  }
0x62: {  	_ =	shalt  }
0x63: {  	_ =	shalt  }
0x64: {  	_ =	shalt  }
0x65: {  	_ =	shalt  }
0x66: {  	_ =	shalt  }
0x67: {  	_ =	shalt  }
0x68: {  	_ =	shalt  }
0x69: {  	_ =	shalt  }
0x6a: {  	_ =	shalt  }
0x6b: {  	_ =	shalt  }
0x6c: {  	_ =	shalt  }
0x6d: {  	_ =	shalt  }
0x6e: {  	_ =	shalt  }
0x6f: {  	_ =	shalt  }
0x70: {  	_ =	shalt  }
0x71: {  	_ =	shalt  }
0x72: {  	_ =	shalt  }
0x73: {  	_ =	shalt  }
0x74: {  	_ =	shalt  }
0x75: {  	_ =	shalt  }
0x76: {  	_ =	shalt  }
0x77: {  	_ =	shalt  }
0x78: {  	_ =	shalt  }
0x79: {  	_ =	shalt  }
0x7a: {  	_ =	shalt  }
0x7b: {  	_ =	shalt  }
0x7c: {  	_ =	shalt  }
0x7d: {  	_ =	shalt  }
0x7e: {  	_ =	shalt  }
0x7f: {  	_ =	shalt  }
0x80: {  	_ =	shalt  }
0x81: {  	_ =	shalt  }
0x82: {  	_ =	shalt  }
0x83: {  	_ =	shalt  }
0x84: {  	_ =	shalt  }
0x85: {  	_ =	shalt  }
0x86: {  	_ =	shalt  }
0x87: {  	_ =	shalt  }
.Lfunc_end0:
.L_simem_size_0:
called_computation.1_lowered:
.L_overlay_start_0:
0x88: {  	s2 =	sld [smem:$0x3FD9]  }
0x89: {  	s3 =	sld [smem:$0x3FFE];
	_ =	sdelay $0x1  }
0x8a: {  	s1 =	srdreg.scid  }
0x8b: {  	s0 =	sand.u32 $0x1, s1  }
0x8c: {  	s14 =	sshll.u32 s0, $0xA;
	s2 =	sadd.s32 s3, s2  }
0x8d: {  	s2 =	sadd.s32 s2, s14  }
0x8e: {  	[smem:$0x3FBC] =	sst s2  }
0x8f: {  	_ = 	snop  }
0x90: {  	s2 =	sld [smem:$0x3FD0];
	_ =	sdelay $0x2  }
0x91: {  	s15 =	simm.s32 $0xA;
	s4 =	simm.s32 $0x10  }
0x92: {  	[smem:s4], [sflag:s15] =	dma.local [hbm:s2], $0x1  }
0x93: {  	_ =	swait.eq [sflag:s15], $0x1  }
0x94: {  	[sflag:s15] =	ssyncset.done $0x0  }
0x95: {  	s16 =	sld [smem:$0x10];
	[sflag:s15] =	ssyncadd.s32 $0xFFFFFFFF  }
0x96: {  	s17 =	sld [smem:$0x11];
	(tm) =	ssettm $0x1  }
0x97: {  	s18 =	sld [smem:$0x3FFB];
	_ =	sdelay $0x3  }
0x98: {  	_ =	strace s18  }
0x99: {  	s4 =	sld [smem:$0x3FFC];
	_ =	sdelay $0x3  }
0x9a: {  	_ =	strace s4  }
0x9b: {  	s4 =	sld [smem:$0x3FFD];
	_ =	sdelay $0x3  }
0x9c: {  	_ =	strace s4  }
0x9d: {  	_ =	strace $0x8FFFFFFF  }
0x9e: {  	s19 =	sld [smem:$0x3FDB];
	_ =	sdelay $0x1  }
0x9f: {  	s5 =	simm.s32 $_scs_section_size  }
0xa0: {  	s6 =	simm.s32 $_size__tile_overlayer_lowered;
	s7 =	simm.s32 $_tile_overlayer_lowered  }
0xa1: {  	s22 =	simm.s32 $0x1BFF;
	s21 =	sshll.u32 s7, $0x1;
	s4 =	sadd.s32 s5, s19  }
0xa2: {  	s8 =	simm.s32 $0x0;
	s20 =	sshll.u32 s6, $0x1;
	s6 =	sadd.s32 s21, s4  }
0xa3: {  	[timem:s8], [sflag:s22] =	dma.local [hbm:s6], s20  }
0xa4: {  	_ =	swait.ge [sflag:s22], s20  }
0xa5: {  	s5 =	ssub.s32 $0x0, s20;
	[sflag:s22] =	ssyncset.done $0x0  }
0xa6: {  	[sflag:s22] =	ssyncadd.s32 s5;
	_ =	sdelay $0x1  }
0xa7: {  	s23 =	simm.s32 $0x1B8B  }
0xa8: {  	_ =	swait.ge [sflag:s23], $0x1  }
0xa9: {  	[sflag:s23] =	ssyncset.done $0x0  }
0xaa: {  	s25 =	simm.s32 $0x1B8E;
	s24 =	sld [smem:$0x3FFE];
	[sflag:s23] =	ssyncadd.s32 $0xFFFFFFFF  }
0xab: {  	s26 =	simm.s32 $execute0_lowered;
	[smem:$0x3FD2] =	sst s25  }
0xac: {  	s6 =	sshll.u32 s26, $0x1;
	_ =	strace $0x80000049;
	[dreg:$0x1] =	wrdreg $0xFFFFFFFF  }
0xad: {  	s28 =	simm.s32 $_size_execute0_lowered;
	s4 =	sadd.s32 s4, s6;
	[dreg:$0x0] =	wrdreg $0x0  }
0xae: {  	s6 =	sshll.u32 s28, $0x1;
	[dreg:$0x2] =	wrdreg s4  }
0xaf: {  	[dreg:$0x3] =	wrdreg s6  }
0xb0: {  	[dreg:$0x4] =	wrdreg $0xC0  }
0xb1: {  	_ =	task [dreg:s8], $0x5FFFF  }
0xb2: {  	[dreg:$0x1] =	wrdreg $0xFFFFFFFF  }
0xb3: {  	[dreg:$0x0] =	wrdreg $0x60  }
0xb4: {  	[dreg:$0x2] =	wrdreg s24  }
0xb5: {  	[dreg:$0x3] =	wrdreg s17  }
0xb6: {  	[dreg:$0x4] =	wrdreg s16  }
0xb7: {  	[dreg:$0x5] =	wrdreg $0x29000  }
0xb8: {  	[dreg:$0x6] =	wrdreg $0x9  }
0xb9: {  	_ =	task.clear_ibuf [dreg:s8], $0x7FFFF;
	_ =	strace $0x90000049  }
0xba: {  	s29 =	simm.s32 $0x9;
	_ =	strace $0x8000004B  }
0xbb: {  	_ =	swait.ge [sflag:s29], $0x1  }
0xbc: {  	[sflag:s29] =	ssyncadd.s32 $0xFFFFFFFF  }
0xbd: {  	_ =	strace $0x9000004B  }
0xbe: {  	_ =	sfence  }
0xbf: {  	s30 =	sld [smem:$0x0];
	_ =	sdelay $0x2  }
0xc0: {  	s31 =	sshll.u32 s1, $0xD;
	s1 =	sshrl.u32 s1, $0x2  }
0xc1: {  	s3 =	sand.u32 $0x4000, s31;
	s1 =	sadd.s32 s1, s30  }
0xc2: {  	s0 =	sor.u32 s3, s0;
	s1 =	sshll.u32 s1, $0x11  }
0xc3: {  	s0 =	sor.u32 s1, s0  }
0xc4: {  	s0 =	sadd.s32 $0x8F2B, s0  }
0xc5: {  	[sflag:s0] =	ssyncadd.remote.s32 $0x1  }
0xc6: {  	_ =	sfence.sel $0xFFFF  }
0xc7: {  	[dreg:$0x0] =	wrdreg $0xFFFFFFFF;
	(pc) =	sbr.abs _section_cstart, $3  }
0xc8: {  	[dreg:$0x1] =	wrdreg $0xFFFFFFFF  }
0xc9: {  	_ =	task.clear_ibuf [dreg:s8], $0x2FFFF;
	_ =	strace $0x9FFFFFFF  }
0xca: {  	(tm) =	ssettm $0x7FFFFFFF  }
0xcb: {  	_ =	shalt  }
tec
execute0_lowered:
.L_overlay_start_1:
0x0: {  	(tag) =	ssettag $0x1  }
0x1: {  	s5 =	rddreg [dreg:$0x0]  }
0x2: {  	s18 =	rddreg [dreg:$0x1]  }
0x3: {  	s17 =	rddreg [dreg:$0x2]  }
0x4: {  	s2 =	rddreg [dreg:$0x3]  }
0x5: {  	s0 =	rddreg [dreg:$0x4];
	s3 =	simm.s32 $0x0;
	s4 =	srdreg.scid  }
0x6: {  	s1 =	stileid.u32;
	s23 =	simm.s32 $0x1;
	s24 =	simm.s32 $0x0  }
0x7: {  	[smem:$0x7FF] =	sst s3;
	s12 =	sand.u32 $0x1, s4;
	s6 =	smul.u32 $0x4E000, s1  }
0x8: {  	s4 =	sadd.s32 $0x2BA00, s5;
	s15 =	sadd.s32 $0x52C00, s5;
	s13 =	smul.u32 $0x13800, s1  }
0x9: {  	s20 =	smul.u32 $0x2710, s1;
	p0 =	sne.s32 s1, $0xF;
	s7 =	ssub.s32 $0x2, s12  }
0xa: {  	_ =	strace $0x8000004A;
	s14 =	smul.u32 $0x138800, s12;
	s8 =	sshrl.u32 s7, $0x1  }
0xb: {  	s19 =	smul.u32 $0x27100, s12;
	s6 =	sshrl.u32 s6, $0x2;
	s16 =	ssub.s32 s7, s8  }
0xc: {  	s5 =	sadd.s32 s6, s2;
	s21 =	sadd.s32 s13, s14;
	s13 =	sadd.s32 $0x138000, s2  }
0xd: {  	s22 =	sshrl.u32 s14, $0x3;
	s19 =	sadd.s32 s20, s19;
	s20 =	simm.s32 $0x2  }
0xe: {  	s6 =	sadd.s32 $0x2800, s5;
	s7 =	sadd.s32 $0x5000, s5;
	s8 =	sadd.s32 $0x7800, s5  }
0xf: {  	s9 =	sadd.s32 $0xA000, s5;
	s10 =	sadd.s32 $0xC800, s5;
	s11 =	sadd.s32 $0xF000, s5  }
0x10: {  	s12 =	sadd.s32 $0x11800, s5;
	s21 =	sshrl.u32 s21, $0x3;
	s16 =	smax.u32 s16, $0x1  }
0x11: {  	s19 =	sshrl.u32 s19, $0x3;
	s14 =	sadd.s32 s15, s21;
	s15 =	sadd.s32 s15, s22  }
0x12: {  	s17 =	sadd.s32 s19, s17;
	s18 =	sadd.s32 s19, s18;
	s19 =	simm.s32 $0x100  }
0x13: {  	v0 =	vimm.f32 $0.0e+00;
	s21 =	simm.s32 $0x80;
	s22 =	simm.s32 $0x50;
	s15 =	sadd.s32 $0x27000, s15  }
.LBB2_1:
0x14: {  	s25 =	simm.s32 $0x0;
	s26 =	simm.s32 $0x200  }
.LBB2_2:
0x15: {  	p1 =	sne.s32 s26, $0x9E00;
	[tilespmem:s25+$0x170] =	vst v0  }
0x16: {  	[tilespmem:s25+$0x100] =	vst v0  }
0x17: {  	[tilespmem:s25+$0x110] =	vst v0  }
.Ltmp0:
0x18: {  	[tilespmem:s25+$0x120] =	vst v0;
	(pc) =	sbr.rel @p1 .LBB2_2-.Ltmp0, $4  }
0x19: {  	[tilespmem:s25+$0x130] =	vst v0  }
0x1a: {  	[tilespmem:s25+$0x140] =	vst v0  }
0x1b: {  	[tilespmem:s25+$0x150] =	vst v0  }
0x1c: {  	[tilespmem:s25+$0x160] =	vst v0;
	s25 =	sshra.s32 s26, $0x2;
	s26 =	sadd.s32 $0x200, s26  }
0x1d: {  	[tilespmem:s25+$0x170] =	vst v0  }
0x1e: {  	[tilespmem:s25+$0x100] =	vst v0  }
0x1f: {  	[tilespmem:s25+$0x110] =	vst v0  }
0x20: {  	[tilespmem:s25+$0x120] =	vst v0  }
0x21: {  	[tilespmem:s25+$0x130] =	vst v0  }
0x22: {  	[tilespmem:s25+$0x140] =	vst v0  }
0x23: {  	[tilespmem:s25+$0x150] =	vst v0  }
0x24: {  	[tilespmem:s25+$0x160] =	vst v0  }
0x25: {  	[spmem:s5] =	stream.linear.scatter [tilespmem:s19], [sflag:$0x2], $0x2800, $0x38;
	[tilespmem:$0x16180] =	vst v63  }
0x26: {  	_ =	swait.ge [sflag:s20], $0x2800  }
0x27: {  	[sflag:s20] =	ssyncset.done $0x0  }
0x28: {  	[sflag:s20] =	ssyncadd.s32 $0xFFFFD800  }
0x29: {  	[spmem:s6] =	stream.linear.scatter [tilespmem:s19], [sflag:$0x2], $0x2800, $0x38;
	[tilespmem:$0x16180] =	vst v63  }
0x2a: {  	_ =	swait.ge [sflag:s20], $0x2800  }
0x2b: {  	[sflag:s20] =	ssyncset.done $0x0  }
0x2c: {  	[sflag:s20] =	ssyncadd.s32 $0xFFFFD800  }
0x2d: {  	[spmem:s7] =	stream.linear.scatter [tilespmem:s19], [sflag:$0x2], $0x2800, $0x38;
	[tilespmem:$0x16180] =	vst v63  }
0x2e: {  	_ =	swait.ge [sflag:s20], $0x2800  }
0x2f: {  	[sflag:s20] =	ssyncset.done $0x0  }
0x30: {  	[sflag:s20] =	ssyncadd.s32 $0xFFFFD800  }
0x31: {  	[spmem:s8] =	stream.linear.scatter [tilespmem:s19], [sflag:$0x2], $0x2800, $0x38;
	[tilespmem:$0x16180] =	vst v63  }
0x32: {  	_ =	swait.ge [sflag:s20], $0x2800  }
0x33: {  	[sflag:s20] =	ssyncset.done $0x0  }
0x34: {  	[sflag:s20] =	ssyncadd.s32 $0xFFFFD800  }
0x35: {  	[spmem:s9] =	stream.linear.scatter [tilespmem:s19], [sflag:$0x2], $0x2800, $0x38;
	[tilespmem:$0x16180] =	vst v63  }
0x36: {  	_ =	swait.ge [sflag:s20], $0x2800  }
0x37: {  	[sflag:s20] =	ssyncset.done $0x0  }
0x38: {  	[sflag:s20] =	ssyncadd.s32 $0xFFFFD800  }
0x39: {  	[spmem:s10] =	stream.linear.scatter [tilespmem:s19], [sflag:$0x2], $0x2800, $0x38;
	[tilespmem:$0x16180] =	vst v63  }
0x3a: {  	_ =	swait.ge [sflag:s20], $0x2800  }
0x3b: {  	[sflag:s20] =	ssyncset.done $0x0  }
0x3c: {  	[sflag:s20] =	ssyncadd.s32 $0xFFFFD800  }
0x3d: {  	[spmem:s11] =	stream.linear.scatter [tilespmem:s19], [sflag:$0x2], $0x2800, $0x38;
	[tilespmem:$0x16180] =	vst v63  }
0x3e: {  	_ =	swait.ge [sflag:s20], $0x2800  }
0x3f: {  	[sflag:s20] =	ssyncset.done $0x0  }
0x40: {  	[sflag:s20] =	ssyncadd.s32 $0xFFFFD800  }
0x41: {  	[spmem:s12] =	stream.linear.scatter [tilespmem:s19], [sflag:$0x2], $0x2000, $0x38;
	[tilespmem:$0x16180] =	vst v63  }
0x42: {  	_ =	swait.ge [sflag:s20], $0x2000  }
0x43: {  	[sflag:s20] =	ssyncset.done $0x0  }
0x44: {  	s25 =	simm.s32 @!p0 $0x100;
	[sflag:s20] =	ssyncadd.s32 $0xFFFFE000  }
0x45: {  	[spmem:s13] =	stream.linear.scatter @!p0 [tilespmem:s25], [sflag:$0x2], $0x800, $0x38;
	[tilespmem:$0x16180] =	vst v63  }
0x46: {  	s25 =	simm.s32 @!p0 $0x2  }
0x47: {  	_ =	swait.ge @!p0 [sflag:s25], $0x800  }
0x48: {  	[sflag:s25] =	ssyncset.done @!p0 $0x0  }
0x49: {  	[sflag:s25] =	ssyncadd.s32 @!p0 $0xFFFFF800  }
0x4a: {  	s30 =	sadd.s32 $0x0, s18;
	[bflag:$0x0] =	sbarrier.arrive $0xFFFF  }
0x4b: {  	[tilespmem:s3], [sflag:$0x2] =	stream.linear.gather [hbm4b:s30+s3], $0x50, $0x38;
	[tilespmem:$0x16180] =	vst v63  }
0x4c: {  	_ =	swait.ge [sflag:s20], $0x50  }
0x4d: {  	[sflag:s20] =	ssyncset.done $0x0  }
0x4e: {  	s31 =	sadd.s32 $0x0, s17;
	[sflag:s20] =	ssyncadd.s32 $0xFFFFFFB0  }
0x4f: {  	[tilespmem:s21], [sflag:$0x2] =	stream.linear.gather [hbm4b:s31+s3], $0x50, $0x38;
	[tilespmem:$0x16180] =	vst v63  }
0x50: {  	_ =	swait.ge [sflag:s20], $0x50  }
0x51: {  	[sflag:s20] =	ssyncset.done $0x0  }
0x52: {  	[sflag:s20] =	ssyncadd.s32 $0xFFFFFFB0  }
0x53: {  	[tilespmem:s19], [sflag:$0x1] =	stream.indirect.gather [hbm4b:s4+s22], $0x80, s3, s22, $0xb8;
	[tilespmem:$0x16180] =	vst v63  }
0x54: {  	_ =	swait.ge [sflag:s23], $0x2800  }
0x55: {  	[sflag:s23] =	ssyncset.done $0x0  }
0x56: {  	[sflag:s23] =	ssyncadd.s32 $0xFFFFD800  }
0x57: {  	[spmem:s2] =	stream.indirect.scatter.add.f32 [tilespmem:s19], [sflag:$0x2], $0x80, s21, s22, $0xb8;
	[tilespmem:$0x16180] =	vst v63  }
0x58: {  	_ =	swait.ge [sflag:s20], $0x2800  }
0x59: {  	s26 =	simm.s32 $0x14;
	s25 =	simm.s32 $0xA;
	[sflag:s20] =	ssyncset.done $0x0  }
.LBB2_4:
0x5a: {  	s28 =	sadd.s32 s25, s18  }
0x5b: {  	[sflag:s20] =	ssyncadd.s32 $0xFFFFD800;
	s29 =	smov.u32 s26;
	s30 =	sadd.s32 $0xA, s26  }
0x5c: {  	[tilespmem:s3], [sflag:$0x2] =	stream.linear.gather [hbm4b:s28+s3], $0x50, $0x38;
	[tilespmem:$0x16180] =	vst v63  }
0x5d: {  	p1 =	sne.s32 s26, $0x4D8;
	_ =	swait.ge [sflag:s20], $0x50  }
0x5e: {  	[sflag:s20] =	ssyncset.done $0x0  }
0x5f: {  	s26 =	sadd.s32 s25, s17;
	s25 =	smov.u32 s29;
	[sflag:s20] =	ssyncadd.s32 $0xFFFFFFB0  }
0x60: {  	[tilespmem:s21], [sflag:$0x2] =	stream.linear.gather [hbm4b:s26+s3], $0x50, $0x38;
	[tilespmem:$0x16180] =	vst v63  }
0x61: {  	_ =	swait.ge [sflag:s20], $0x50  }
0x62: {  	[sflag:s20] =	ssyncset.done $0x0  }
0x63: {  	[sflag:s20] =	ssyncadd.s32 $0xFFFFFFB0  }
0x64: {  	[tilespmem:s19], [sflag:$0x1] =	stream.indirect.gather [hbm4b:s4+s22], $0x80, s3, s22, $0xb8;
	[tilespmem:$0x16180] =	vst v63  }
0x65: {  	_ =	swait.ge [sflag:s23], $0x2800  }
.Ltmp1:
0x66: {  	[sflag:s23] =	ssyncset.done $0x0;
	(pc) =	sbr.rel @p1 .LBB2_4-.Ltmp1, $4  }
0x67: {  	[sflag:s23] =	ssyncadd.s32 $0xFFFFD800  }
0x68: {  	[spmem:s2] =	stream.indirect.scatter.add.f32 [tilespmem:s19], [sflag:$0x2], $0x80, s21, s22, $0xb8;
	[tilespmem:$0x16180] =	vst v63  }
0x69: {  	_ =	swait.ge [sflag:s20], $0x2800  }
0x6a: {  	s26 =	smov.u32 s30;
	[sflag:s20] =	ssyncset.done $0x0  }
0x6b: {  	s26 =	sadd.s32 s25, s18;
	[sflag:s20] =	ssyncadd.s32 $0xFFFFD800  }
0x6c: {  	[tilespmem:s3], [sflag:$0x2] =	stream.linear.gather [hbm4b:s26+s3], $0x50, $0x38;
	[tilespmem:$0x16180] =	vst v63  }
0x6d: {  	_ =	swait.ge [sflag:s20], $0x50  }
0x6e: {  	[sflag:s20] =	ssyncset.done $0x0  }
0x6f: {  	s29 =	sadd.s32 s25, s17;
	[sflag:s20] =	ssyncadd.s32 $0xFFFFFFB0  }
0x70: {  	[tilespmem:s21], [sflag:$0x2] =	stream.linear.gather [hbm4b:s29+s3], $0x50, $0x38;
	[tilespmem:$0x16180] =	vst v63  }
0x71: {  	_ =	swait.ge [sflag:s20], $0x50  }
0x72: {  	[sflag:s20] =	ssyncset.done $0x0  }
0x73: {  	[sflag:s20] =	ssyncadd.s32 $0xFFFFFFB0  }
0x74: {  	[tilespmem:s19], [sflag:$0x1] =	stream.indirect.gather [hbm4b:s4+s22], $0x80, s3, s22, $0xb8;
	[tilespmem:$0x16180] =	vst v63  }
0x75: {  	_ =	swait.ge [sflag:s23], $0x2800  }
0x76: {  	[sflag:s23] =	ssyncset.done $0x0  }
0x77: {  	[sflag:s23] =	ssyncadd.s32 $0xFFFFD800  }
0x78: {  	[spmem:s2] =	stream.indirect.scatter.add.f32 [tilespmem:s19], [sflag:$0x2], $0x80, s21, s22, $0xb8;
	[tilespmem:$0x16180] =	vst v63  }
0x79: {  	_ =	swait.ge [sflag:s20], $0x2800  }
0x7a: {  	[sflag:s20] =	ssyncset.done $0x0  }
0x7b: {  	s30 =	sshll.u32 s1, $0x6;
	[sflag:s20] =	ssyncadd.s32 $0xFFFFD800  }
0x7c: {  	s31 =	sshrl.u32 s5, $0x3;
	s25 =	sor.u32 $0x1C02, s30;
	[bflag:$0x0] =	sbarrier.arrive $0xFFFF  }
0x7d: {  	[hbm:s14], [sflag:s25] =	dma.local [spmem:s31], $0x2700  }
0x7e: {  	_ =	swait.ge [sflag:s20], $0x2700  }
0x7f: {  	s24 =	sadd.s32 $0x1, s24;
	[sflag:s20] =	ssyncset.done $0x0  }
0x80: {  	s26 =	sshrl.u32 @!p0 s13, $0x3;
	p1 =	sne.s32 s24, s16;
	[sflag:s20] =	ssyncadd.s32 $0xFFFFD900  }
0x81: {  	[hbm:s15], [sflag:s25] =	dma.local @!p0 [spmem:s26], $0x100  }
.Ltmp2:
0x82: {  	_ = 	snop;
	(pc) =	sbr.rel @p1 .LBB2_1-.Ltmp2, $4  }
0x83: {  	s25 =	simm.s32 @!p0 $0x2  }
0x84: {  	_ =	swait.ge @!p0 [sflag:s25], $0x100  }
0x85: {  	[sflag:s25] =	ssyncset.done @!p0 $0x0  }
0x86: {  	[sflag:s25] =	ssyncadd.s32 @!p0 $0xFFFFFF00  }
0x87: {  	_ =	sfence.sel $0x180000  }
0x88: {  	[bflag:$0x0] =	sbarrier.arrive $0xFFFF  }
0x89: {  	p0 =	sne.s32 s1, $0x0;
	_ =	strace $0x9000004A  }
0x8a: {  	s0 =	sadd.s32 @!p0 $0x100000, s0;
	[bflag:$0x2] =	sbarrier.arrive $0xFFFF  }
0x8b: {  	[sflag:s0] =	ssyncadd.tile.s32 @!p0 $0x1;
	_ =	shalt  }
.Lfunc_end2:
_tile_overlayer_lowered:
.L_overlay_start_2:
0x8c: {  	(tag) =	ssettag $0x2  }
0x8d: {  	s0 =	rddreg [dreg:$0x0];
	s2 =	stileid.u32  }
0x8e: {  	s1 =	rddreg [dreg:$0x1];
	p0 =	sne.s32 s2, $0x0  }
0x8f: {  	s3 =	rddreg [dreg:$0x2];
	[bflag:$0x3] =	sbarrier.arrive $0xFFFF;
	s2 =	simm.s32 @!p0 $0x1C02  }
0x90: {  	[timem:s3], [sflag:s2] =	dma.local @!p0 [hbm:s0], s1  }
0x91: {  	s0 =	simm.s32 @!p0 $0x2  }
0x92: {  	_ =	swait.ge @!p0 [sflag:s0], s1  }
0x93: {  	s1 =	ssub.s32 @!p0 $0x0, s1;
	[sflag:s0] =	ssyncset.done @!p0 $0x0  }
0x94: {  	[sflag:s0] =	ssyncadd.s32 @!p0 s1  }
0x95: {  	[bflag:$0x3] =	sbarrier.arrive $0xFFFF  }
0x96: {  	_ =	shalt  }

// kernel: kernel.17.cloned.1.call-start
scs
__scs_entry_jumppad:
0x0: {  	(pc) =	sbr.rel $0x88, $3  }
0x1: {  	(tag) =	ssettag $0x0;
	lr =	simm.s32 $0x1  }
0x2: {  	[smem:$0x3F95] =	sst lr;
	_ =	strace $0xD0000000  }
0x3: {  	_ = 	snop  }
0x4: {  	_ = 	snop  }
0x5: {  	_ = 	snop  }
0x6: {  	_ = 	snop  }
0x7: {  	_ = 	snop  }
__scs_overlays_trampoline_lowered:
0x8: {  	[smem:$0x3FA4] =	sst s0  }
0x9: {  	[smem:$0x3FA5] =	sst s1  }
0xa: {  	[smem:$0x3FA6] =	sst s2  }
0xb: {  	[smem:$0x3FA7] =	sst s3  }
0xc: {  	[smem:$0x3FA8] =	sst s4  }
0xd: {  	[smem:$0x3FA9] =	sst s5  }
0xe: {  	[smem:$0x3FAA] =	sst s6  }
0xf: {  	[smem:$0x3FAB] =	sst s7  }
0x10: {  	[smem:$0x3FAC] =	sst s8  }
0x11: {  	[smem:$0x3FAD] =	sst s9;
	s0 =	simm.s32 @!p0 $0x0  }
0x12: {  	s1 =	sld [smem:$0x3F93];
	s0 =	simm.s32 @p0 $0x1  }
0x13: {  	[smem:$0x3FAE] =	sst s0;
	s0 =	simm.s32 @!p1 $0x0  }
0x14: {  	s2 =	sld [smem:$0x3F92];
	s0 =	simm.s32 @p1 $0x1  }
0x15: {  	[smem:$0x3FAF] =	sst s0;
	s0 =	simm.s32 @!p2 $0x0  }
0x16: {  	s3 =	sld [smem:$0x3FDB];
	s0 =	simm.s32 @p2 $0x1  }
0x17: {  	s4 =	simm.s32 $0x1BF5;
	[smem:$0x3FB1] =	sst s0  }
0x18: {  	s0 =	sld [smem:$0x3F94];
	_ =	swait.ge [sflag:s4], $0x0  }
0x19: {  	s7 =	sld [smem:$0x3F95]  }
0x1a: {  	s8 =	sadd.s32 $0xFFFFE003, lr  }
0x1b: {  	s9 =	sadd.s32 $0xFFFFFEF7, lr;
	s5 =	simm.s32 $0xFFFFFFFF;
	p2 =	slt.u32 s8, $0xFFFFF086  }
0x1c: {  	p1 =	slt.u32 s9, $0xF7A;
	s5 =	simm.s32 @!p2 $0x0  }
0x1d: {  	s5 =	simm.s32 @p1 $0x1;
	p0 =	seq.s32 s7, s2  }
0x1e: {  	s7 =	smul.u32 @!p0 $0xF7A, s2;
	p2 =	seq.s32 @!p0 s5, $0x0  }
0x1f: {  	s9 =	smul.u32 $0xF7A, s1;
	s8 =	simm.s32 @!p0 $0x1BF5;
	p2 =	por !p2, p0  }
0x20: {  	[sflag:s8] =	ssyncset.s32 @!p0 $0xFFFFF086;
	s6 =	sadd.s32 @!p0 s3, s7;
	s7 =	simm.s32 @!p0 $0x108  }
0x21: {  	s3 =	sadd.s32 s3, s9;
	s6 =	sadd.s32 @!p0 $0x88, s6;
	s7 =	simm.s32 @p2 $0x1082  }
0x22: {  	[simem:s7], [sflag:s8] =	dma.local @!p0 [hbm:s6], $0xF7A  }
0x23: {  	s9 =	sor.u32 $0xD0000000, s2;
	s6 =	simm.s32 $0x108;
	_ =	swait.ge @!p0 [sflag:s8], $0x0  }
0x24: {  	s3 =	sadd.s32 $0x88, s3;
	s6 =	simm.s32 @!p1 $0x1082;
	[sflag:s4] =	ssyncset.s32 $0xFFFFF086  }
0x25: {  	[simem:s6], [sflag:s4] =	dma.local [hbm:s3], $0xF7A  }
0x26: {  	[smem:$0x3F95] =	sst s1;
	(tag) =	ssettag s2;
	_ =	strace s9  }
0x27: {  	s1 =	sld [smem:$0x3FA5]  }
0x28: {  	s2 =	sld [smem:$0x3FA6]  }
0x29: {  	s4 =	sld [smem:$0x3FA8]  }
0x2a: {  	p0 =	seq.s32 s5, $0x0;
	s5 =	sld [smem:$0x3FA9]  }
0x2b: {  	s6 =	sld [smem:$0x3FAA]  }
0x2c: {  	s7 =	sld [smem:$0x3FAB]  }
0x2d: {  	s3 =	simm.s32 $0x108;
	s8 =	sld [smem:$0x3FAC]  }
0x2e: {  	s3 =	simm.s32 @!p0 $0x1082;
	s9 =	sld [smem:$0x3FAD]  }
0x2f: {  	lr =	sadd.s32 s0, s3;
	s0 =	sld [smem:$0x3FA4]  }
0x30: {  	s3 =	sld [smem:$0x3FA7]  }
0x31: {  	[smem:$0x3FB0] =	sst s10  }
0x32: {  	s10 =	sld [smem:$0x3FAE];
	_ =	sdelay $0x3  }
0x33: {  	p0 =	seq.s32 s10, $0x1;
	s10 =	sld [smem:$0x3FB0];
	_ =	sdelay $0x3  }
0x34: {  	[smem:$0x3FB0] =	sst s10  }
0x35: {  	s10 =	sld [smem:$0x3FAF];
	_ =	sdelay $0x3  }
0x36: {  	p1 =	seq.s32 s10, $0x1;
	s10 =	sld [smem:$0x3FB0];
	_ =	sdelay $0x3  }
0x37: {  	[smem:$0x3FB0] =	sst s10  }
0x38: {  	s10 =	sld [smem:$0x3FB1]  }
0x39: {  	_ = 	snop;
	(pc) =	sbr.ind lr, $3  }
0x3a: {  	_ = 	snop  }
0x3b: {  	_ = 	snop  }
0x3c: {  	p2 =	seq.s32 s10, $0x1;
	s10 =	sld [smem:$0x3FB0]  }
0x3d: {  	_ =	shalt  }
0x3e: {  	_ =	shalt  }
0x3f: {  	_ =	shalt  }
0x40: {  	_ =	shalt  }
0x41: {  	_ =	shalt  }
0x42: {  	_ =	shalt  }
0x43: {  	_ =	shalt  }
0x44: {  	_ =	shalt  }
0x45: {  	_ =	shalt  }
0x46: {  	_ =	shalt  }
0x47: {  	_ =	shalt  }
0x48: {  	_ =	shalt  }
0x49: {  	_ =	shalt  }
0x4a: {  	_ =	shalt  }
0x4b: {  	_ =	shalt  }
0x4c: {  	_ =	shalt  }
0x4d: {  	_ =	shalt  }
0x4e: {  	_ =	shalt  }
0x4f: {  	_ =	shalt  }
0x50: {  	_ =	shalt  }
0x51: {  	_ =	shalt  }
0x52: {  	_ =	shalt  }
0x53: {  	_ =	shalt  }
0x54: {  	_ =	shalt  }
0x55: {  	_ =	shalt  }
0x56: {  	_ =	shalt  }
0x57: {  	_ =	shalt  }
0x58: {  	_ =	shalt  }
0x59: {  	_ =	shalt  }
0x5a: {  	_ =	shalt  }
0x5b: {  	_ =	shalt  }
0x5c: {  	_ =	shalt  }
0x5d: {  	_ =	shalt  }
0x5e: {  	_ =	shalt  }
0x5f: {  	_ =	shalt  }
0x60: {  	_ =	shalt  }
0x61: {  	_ =	shalt  }
0x62: {  	_ =	shalt  }
0x63: {  	_ =	shalt  }
0x64: {  	_ =	shalt  }
0x65: {  	_ =	shalt  }
0x66: {  	_ =	shalt  }
0x67: {  	_ =	shalt  }
0x68: {  	_ =	shalt  }
0x69: {  	_ =	shalt  }
0x6a: {  	_ =	shalt  }
0x6b: {  	_ =	shalt  }
0x6c: {  	_ =	shalt  }
0x6d: {  	_ =	shalt  }
0x6e: {  	_ =	shalt  }
0x6f: {  	_ =	shalt  }
0x70: {  	_ =	shalt  }
0x71: {  	_ =	shalt  }
0x72: {  	_ =	shalt  }
0x73: {  	_ =	shalt  }
0x74: {  	_ =	shalt  }
0x75: {  	_ =	shalt  }
0x76: {  	_ =	shalt  }
0x77: {  	_ =	shalt  }
0x78: {  	_ =	shalt  }
0x79: {  	_ =	shalt  }
0x7a: {  	_ =	shalt  }
0x7b: {  	_ =	shalt  }
0x7c: {  	_ =	shalt  }
0x7d: {  	_ =	shalt  }
0x7e: {  	_ =	shalt  }
0x7f: {  	_ =	shalt  }
0x80: {  	_ =	shalt  }
0x81: {  	_ =	shalt  }
0x82: {  	_ =	shalt  }
0x83: {  	_ =	shalt  }
0x84: {  	_ =	shalt  }
0x85: {  	_ =	shalt  }
0x86: {  	_ =	shalt  }
0x87: {  	_ =	shalt  }
.Lfunc_end0:
.L_simem_size_0:
called_computation.2_lowered:
.L_overlay_start_0:
0x88: {  	s2 =	sld [smem:$0x3FD9]  }
0x89: {  	s3 =	sld [smem:$0x3FFE];
	_ =	sdelay $0x1  }
0x8a: {  	s1 =	srdreg.scid  }
0x8b: {  	s0 =	sand.u32 $0x1, s1  }
0x8c: {  	s14 =	sshll.u32 s0, $0xA;
	s2 =	sadd.s32 s3, s2  }
0x8d: {  	s2 =	sadd.s32 s2, s14  }
0x8e: {  	[smem:$0x3FBC] =	sst s2  }
0x8f: {  	_ = 	snop  }
0x90: {  	s2 =	sld [smem:$0x3FD0];
	_ =	sdelay $0x2  }
0x91: {  	s15 =	simm.s32 $0xA;
	s4 =	simm.s32 $0x10  }
0x92: {  	[smem:s4], [sflag:s15] =	dma.local [hbm:s2], $0x1  }
0x93: {  	_ =	swait.eq [sflag:s15], $0x1  }
0x94: {  	[sflag:s15] =	ssyncset.done $0x0  }
0x95: {  	s16 =	sld [smem:$0x10];
	[sflag:s15] =	ssyncadd.s32 $0xFFFFFFFF  }
0x96: {  	s17 =	sld [smem:$0x11];
	(tm) =	ssettm $0x1  }
0x97: {  	s18 =	sld [smem:$0x3FFB];
	_ =	sdelay $0x3  }
0x98: {  	_ =	strace s18  }
0x99: {  	s4 =	sld [smem:$0x3FFC];
	_ =	sdelay $0x3  }
0x9a: {  	_ =	strace s4  }
0x9b: {  	s4 =	sld [smem:$0x3FFD];
	_ =	sdelay $0x3  }
0x9c: {  	_ =	strace s4  }
0x9d: {  	_ =	strace $0x8FFFFFFF  }
0x9e: {  	s19 =	sld [smem:$0x3FDB];
	_ =	sdelay $0x1  }
0x9f: {  	s5 =	simm.s32 $_scs_section_size  }
0xa0: {  	s6 =	simm.s32 $_size__tile_overlayer_lowered;
	s7 =	simm.s32 $_tile_overlayer_lowered  }
0xa1: {  	s22 =	simm.s32 $0x1BFF;
	s21 =	sshll.u32 s7, $0x1;
	s4 =	sadd.s32 s5, s19  }
0xa2: {  	s8 =	simm.s32 $0x0;
	s20 =	sshll.u32 s6, $0x1;
	s6 =	sadd.s32 s21, s4  }
0xa3: {  	[timem:s8], [sflag:s22] =	dma.local [hbm:s6], s20  }
0xa4: {  	_ =	swait.ge [sflag:s22], s20  }
0xa5: {  	s5 =	ssub.s32 $0x0, s20;
	[sflag:s22] =	ssyncset.done $0x0  }
0xa6: {  	[sflag:s22] =	ssyncadd.s32 s5;
	_ =	sdelay $0x1  }
0xa7: {  	s23 =	simm.s32 $0x1B8B  }
0xa8: {  	_ =	swait.ge [sflag:s23], $0x1  }
0xa9: {  	[sflag:s23] =	ssyncset.done $0x0  }
0xaa: {  	s25 =	simm.s32 $0x1B8E;
	s24 =	sld [smem:$0x3FFE];
	[sflag:s23] =	ssyncadd.s32 $0xFFFFFFFF  }
0xab: {  	s26 =	simm.s32 $execute0_lowered;
	[smem:$0x3FD2] =	sst s25  }
0xac: {  	s6 =	sshll.u32 s26, $0x1;
	_ =	strace $0x8000004C;
	[dreg:$0x1] =	wrdreg $0xFFFFFFFF  }
0xad: {  	s28 =	simm.s32 $_size_execute0_lowered;
	s4 =	sadd.s32 s4, s6;
	[dreg:$0x0] =	wrdreg $0x0  }
0xae: {  	s6 =	sshll.u32 s28, $0x1;
	[dreg:$0x2] =	wrdreg s4  }
0xaf: {  	[dreg:$0x3] =	wrdreg s6  }
0xb0: {  	[dreg:$0x4] =	wrdreg $0xC0  }
0xb1: {  	_ =	task [dreg:s8], $0x5FFFF  }
0xb2: {  	[dreg:$0x1] =	wrdreg $0xFFFFFFFF  }
0xb3: {  	[dreg:$0x0] =	wrdreg $0x60  }
0xb4: {  	[dreg:$0x2] =	wrdreg s24  }
0xb5: {  	[dreg:$0x3] =	wrdreg s17  }
0xb6: {  	[dreg:$0x4] =	wrdreg s16  }
0xb7: {  	[dreg:$0x5] =	wrdreg $0x79800  }
0xb8: {  	[dreg:$0x6] =	wrdreg $0x9  }
0xb9: {  	_ =	task.clear_ibuf [dreg:s8], $0x7FFFF;
	_ =	strace $0x9000004C  }
0xba: {  	s29 =	simm.s32 $0x9;
	_ =	strace $0x8000004E  }
0xbb: {  	_ =	swait.ge [sflag:s29], $0x1  }
0xbc: {  	[sflag:s29] =	ssyncadd.s32 $0xFFFFFFFF  }
0xbd: {  	_ =	strace $0x9000004E  }
0xbe: {  	_ =	sfence  }
0xbf: {  	s30 =	sld [smem:$0x0];
	_ =	sdelay $0x2  }
0xc0: {  	s31 =	sshll.u32 s1, $0xD;
	s1 =	sshrl.u32 s1, $0x2  }
0xc1: {  	s3 =	sand.u32 $0x4000, s31;
	s1 =	sadd.s32 s1, s30  }
0xc2: {  	s0 =	sor.u32 s3, s0;
	s1 =	sshll.u32 s1, $0x11  }
0xc3: {  	s0 =	sor.u32 s1, s0  }
0xc4: {  	s0 =	sadd.s32 $0x8F2B, s0  }
0xc5: {  	[sflag:s0] =	ssyncadd.remote.s32 $0x1  }
0xc6: {  	_ =	sfence.sel $0xFFFF  }
0xc7: {  	[dreg:$0x0] =	wrdreg $0xFFFFFFFF;
	(pc) =	sbr.abs _section_cstart, $3  }
0xc8: {  	[dreg:$0x1] =	wrdreg $0xFFFFFFFF  }
0xc9: {  	_ =	task.clear_ibuf [dreg:s8], $0x2FFFF;
	_ =	strace $0x9FFFFFFF  }
0xca: {  	(tm) =	ssettm $0x7FFFFFFF  }
0xcb: {  	_ =	shalt  }
tec
execute0_lowered:
.L_overlay_start_1:
0x0: {  	(tag) =	ssettag $0x1  }
0x1: {  	s0 =	rddreg [dreg:$0x0]  }
0x2: {  	s1 =	rddreg [dreg:$0x1]  }
0x3: {  	s2 =	rddreg [dreg:$0x2]  }
0x4: {  	s3 =	rddreg [dreg:$0x3]  }
0x5: {  	s5 =	simm.s32 $0x0;
	s4 =	srdreg.scid;
	s13 =	stileid.u32  }
0x6: {  	s28 =	simm.s32 $0x100;
	s29 =	simm.s32 $0x2900;
	s30 =	simm.s32 $0x1  }
0x7: {  	s31 =	simm.s32 $0x0;
	[smem:$0x7FF] =	sst s5;
	s7 =	smul.u32 $0x4E000, s13  }
0x8: {  	s4 =	sand.u32 $0x1, s4;
	s6 =	sadd.s32 $0x2BA00, s0;
	s24 =	smul.u32 $0x13800, s13  }
0x9: {  	s8 =	sadd.s32 $0x7A000, s0;
	s10 =	sadd.s32 $0x7A200, s0;
	s25 =	smul.u32 $0x2710, s13  }
0xa: {  	s17 =	sadd.s32 $0x138000, s3;
	p0 =	sne.s32 s13, $0xF;
	_ =	strace $0x8000004D  }
0xb: {  	[dreg:$0x5] =	wrdreg s8;
	s9 =	ssub.s32 $0x2, s4;
	s21 =	smul.u32 $0x138800, s4  }
0xc: {  	s4 =	smul.u32 $0x27100, s4;
	s11 =	sshrl.u32 s9, $0x1;
	s7 =	sshrl.u32 s7, $0x2  }
0xd: {  	s8 =	sadd.s32 $0xC8400, s0;
	s14 =	ssub.s32 s9, s11;
	s9 =	sadd.s32 s7, s3  }
0xe: {  	s11 =	sadd.s32 s24, s21;
	s18 =	sadd.s32 s25, s4;
	s7 =	sadd.s32 $0x2800, s9  }
0xf: {  	s25 =	simm.s32 $0x80;
	s20 =	sadd.s32 $0x5000, s9;
	[dreg:$0x6] =	wrdreg s7  }
0x10: {  	s22 =	sadd.s32 $0x7800, s9;
	s23 =	sadd.s32 $0xA000, s9;
	[dreg:$0x7] =	wrdreg s20  }
0x11: {  	s12 =	sadd.s32 $0xC800, s9;
	s15 =	sadd.s32 $0xF000, s9;
	[dreg:$0x8] =	wrdreg s22  }
0x12: {  	v0 =	vimm.s32 $0x7060504;
	s16 =	sadd.s32 $0x11800, s9;
	s11 =	sshrl.u32 s11, $0x3;
	[dreg:$0x9] =	wrdreg s23  }
0x13: {  	v1 =	vunpack.c.0.s8.s32 v0;
	[dreg:$0xa] =	wrdreg s12;
	s7 =	sshrl.u32 s21, $0x3;
	s19 =	sadd.s32 s10, s11  }
0x14: {  	vm0 =	vcmask $0xF00;
	s21 =	smax.u32 s14, $0x1;
	s22 =	simm.s32 $0x5100;
	s26 =	sadd.s32 s10, s7  }
0x15: {  	v0 =	vimm.f32 $0.0e+00;
	v1 =	vnsel vm0, $0x8, v1;
	s23 =	simm.s32 $0x2;
	s20 =	sadd.s32 $0x27000, s26;
	s26 =	simm.s32 $0x50  }
.LBB2_1:
0x16: {  	s0 =	simm.s32 $0x200;
	s4 =	simm.s32 $0x0  }
.LBB2_2:
0x17: {  	p1 =	sne.s32 s0, $0x9E00;
	[tilespmem:s4+$0x5100] =	vst v0;
	s4 =	smov.u32 s0;
	s0 =	sadd.s32 $0x200, s0  }
.Ltmp0:
0x18: {  	(pc) =	sbr.rel @p1 .LBB2_2-.Ltmp0, $2  }
0x19: {  	_ =	sdelay $0x2  }
0x1a: {  	s4 =	sshra.s32 s4, $0x2  }
0x1b: {  	[tilespmem:s4+$0x5100] =	vst v0  }
0x1c: {  	[spmem:s9] =	stream.linear.scatter [tilespmem:s22], [sflag:$0x2], $0x2800, $0x38;
	[tilespmem:$0xA090] =	vst v63  }
0x1d: {  	_ =	swait.ge [sflag:s23], $0x2800  }
0x1e: {  	[sflag:s23] =	ssyncset.done $0x0  }
0x1f: {  	s0 =	rddreg [dreg:$0x6];
	[sflag:s23] =	ssyncadd.s32 $0xFFFFD800  }
0x20: {  	[spmem:s0] =	stream.linear.scatter [tilespmem:s22], [sflag:$0x2], $0x2800, $0x38;
	[tilespmem:$0xA090] =	vst v63  }
0x21: {  	_ =	swait.ge [sflag:s23], $0x2800  }
0x22: {  	[sflag:s23] =	ssyncset.done $0x0  }
0x23: {  	s11 =	rddreg [dreg:$0x7];
	[sflag:s23] =	ssyncadd.s32 $0xFFFFD800  }
0x24: {  	[spmem:s11] =	stream.linear.scatter [tilespmem:s22], [sflag:$0x2], $0x2800, $0x38;
	[tilespmem:$0xA090] =	vst v63  }
0x25: {  	_ =	swait.ge [sflag:s23], $0x2800  }
0x26: {  	[sflag:s23] =	ssyncset.done $0x0  }
0x27: {  	s12 =	rddreg [dreg:$0x8];
	[sflag:s23] =	ssyncadd.s32 $0xFFFFD800  }
0x28: {  	[spmem:s12] =	stream.linear.scatter [tilespmem:s22], [sflag:$0x2], $0x2800, $0x38;
	[tilespmem:$0xA090] =	vst v63  }
0x29: {  	_ =	swait.ge [sflag:s23], $0x2800  }
0x2a: {  	[sflag:s23] =	ssyncset.done $0x0  }
0x2b: {  	s13 =	rddreg [dreg:$0x9];
	[sflag:s23] =	ssyncadd.s32 $0xFFFFD800  }
0x2c: {  	[spmem:s13] =	stream.linear.scatter [tilespmem:s22], [sflag:$0x2], $0x2800, $0x38;
	[tilespmem:$0xA090] =	vst v63  }
0x2d: {  	_ =	swait.ge [sflag:s23], $0x2800  }
0x2e: {  	[sflag:s23] =	ssyncset.done $0x0  }
0x2f: {  	s14 =	rddreg [dreg:$0xa];
	[sflag:s23] =	ssyncadd.s32 $0xFFFFD800  }
0x30: {  	[spmem:s14] =	stream.linear.scatter [tilespmem:s22], [sflag:$0x2], $0x2800, $0x38;
	[tilespmem:$0xA090] =	vst v63  }
0x31: {  	_ =	swait.ge [sflag:s23], $0x2800  }
0x32: {  	[sflag:s23] =	ssyncset.done $0x0  }
0x33: {  	[sflag:s23] =	ssyncadd.s32 $0xFFFFD800  }
0x34: {  	[spmem:s15] =	stream.linear.scatter [tilespmem:s22], [sflag:$0x2], $0x2800, $0x38;
	[tilespmem:$0xA090] =	vst v63  }
0x35: {  	_ =	swait.ge [sflag:s23], $0x2800  }
0x36: {  	[sflag:s23] =	ssyncset.done $0x0  }
0x37: {  	[sflag:s23] =	ssyncadd.s32 $0xFFFFD800  }
0x38: {  	[spmem:s16] =	stream.linear.scatter [tilespmem:s22], [sflag:$0x2], $0x2000, $0x38;
	[tilespmem:$0xA090] =	vst v63  }
0x39: {  	_ =	swait.ge [sflag:s23], $0x2000  }
0x3a: {  	[sflag:s23] =	ssyncset.done $0x0  }
0x3b: {  	s0 =	simm.s32 @!p0 $0x5100;
	[sflag:s23] =	ssyncadd.s32 $0xFFFFE000  }
0x3c: {  	[spmem:s17] =	stream.linear.scatter @!p0 [tilespmem:s0], [sflag:$0x2], $0x800, $0x38;
	[tilespmem:$0xA090] =	vst v63  }
0x3d: {  	s0 =	simm.s32 @!p0 $0x2  }
0x3e: {  	_ =	swait.ge @!p0 [sflag:s0], $0x800  }
0x3f: {  	s7 =	simm.s32 $0x7900;
	[sflag:s0] =	ssyncset.done @!p0 $0x0  }
0x40: {  	s24 =	rddreg [dreg:$0x5];
	[sflag:s0] =	ssyncadd.s32 @!p0 $0xFFFFF800;
	s0 =	simm.s32 $0x0  }
0x41: {  	[tilespmem:s7], [sflag:$0x2] =	stream.linear.gather [hbm4b:s24+s0], $0x80, $0x38;
	[tilespmem:$0xA090] =	vst v63  }
0x42: {  	_ =	swait.ge [sflag:s23], $0x80  }
0x43: {  	[sflag:s23] =	ssyncset.done $0x0  }
0x44: {  	[sflag:s23] =	ssyncadd.s32 $0xFFFFFF80  }
0x45: {  	[bflag:$0x0] =	sbarrier.arrive $0xFFFF  }
0x46: {  	v2 =	vld [tilespmem:$0x7900];
	_ =	sdelay $0x2  }
0x47: {  	s4 =	simm.s32 $0x0  }
.LBB2_4:
0x48: {  	s7 =	smul.u32 $0x50, s4;
	_ =	sdelay $0x1  }
0x49: {  	s24 =	sadd.s32 s7, s18  }
0x4a: {  	s7 =	sshrl.u32 s24, $0x3  }
0x4b: {  	s10 =	sadd.s32 s1, s7  }
0x4c: {  	[tilespmem:s0], [sflag:$0x2] =	stream.linear.gather [hbm4b:s10+s0], $0x50, $0x38;
	[tilespmem:$0xA090] =	vst v63  }
0x4d: {  	_ =	swait.ge [sflag:s23], $0x50  }
0x4e: {  	[sflag:s23] =	ssyncset.done $0x0  }
0x4f: {  	s7 =	sadd.s32 s2, s7;
	[sflag:s23] =	ssyncadd.s32 $0xFFFFFFB0  }
0x50: {  	[tilespmem:s25], [sflag:$0x2] =	stream.linear.gather [hbm4b:s7+s0], $0x50, $0x38;
	[tilespmem:$0xA090] =	vst v63  }
0x51: {  	_ =	swait.ge [sflag:s23], $0x50  }
0x52: {  	[sflag:s23] =	ssyncset.done $0x0  }
0x53: {  	[sflag:s23] =	ssyncadd.s32 $0xFFFFFFB0  }
0x54: {  	[tilespmem:s28], [sflag:$0x1] =	stream.indirect.gather [hbm4b:s6+s26], $0x80, s0, s26, $0xb8;
	[tilespmem:$0xA090] =	vst v63  }
0x55: {  	_ = 	snop  }
0x56: {  	[tilespmem:s29], [sflag:$0x1] =	stream.indirect.gather [hbm4b:s6+s26], $0x80, s25, s26, $0xb8;
	[tilespmem:$0xA090] =	vst v63  }
0x57: {  	_ =	swait.ge [sflag:s30], $0x2800  }
0x58: {  	[sflag:s30] =	ssyncset.done $0x0  }
0x59: {  	[sflag:s30] =	ssyncadd.s32 $0xFFFFD800  }
0x5a: {  	_ =	swait.ge [sflag:s30], $0x2800  }
0x5b: {  	[sflag:s30] =	ssyncset.done $0x0  }
0x5c: {  	s7 =	simm.s32 $0x0;
	[sflag:s30] =	ssyncadd.s32 $0xFFFFD800  }
0x5d: {  	s10 =	simm.s32 $0x80;
	v3 =	vld [tilespmem:s7+$0x2900]  }
0x5e: {  	v4 =	vld [tilespmem:s10+$0x2900]  }
0x5f: {  	v5 =	vld [tilespmem:s7+$0x100];
	_ =	sdelay $0x1  }
0x60: {  	v6 =	vld [tilespmem:s10+$0x100]  }
0x61: {  	v3 =	vperm.xlane v3, v1;
	_ =	sdelay $0x1  }
0x62: {  	v4 =	vperm.xlane v4, v1;
	v3 =	vadd.f32 v3, v5;
	_ =	sdelay $0x1  }
0x63: {  	s11 =	simm.s32 $0x100;
	v4 =	vadd.f32 v4, v6;
	v6 =	vmul.f32 $2.000000030e-01, v3  }
0x64: {  	v5 =	vld [tilespmem:s11+$0x2900]  }
0x65: {  	v3 =	vmax.f32 v3, v6  }
0x66: {  	v7 =	vld [tilespmem:s11+$0x100];
	v8 =	vmul.f32 $2.000000030e-01, v4;
	v3 =	vsub.f32 v3, v2;
	_ =	sdelay $0x1  }
0x67: {  	v4 =	vmax.f32 v4, v8;
	v6 =	vmul.f32 $1.442695020e+00, v3  }
0x68: {  	v5 =	vperm.xlane v5, v1;
	v4 =	vsub.f32 v4, v2  }
0x69: {  	(erf) = vpow2.f32 v6  }
0x6a: {  	s12 =	simm.s32 $0x180;
	v3 =	vadd.f32 v5, v7;
	v7 =	vmul.f32 $1.442695020e+00, v4  }
0x6b: {  	v4 =	vld [tilespmem:s12+$0x2900]  }
0x6c: {  	(erf) = vpow2.f32 v7  }
0x6d: {  	v5 =	vld [tilespmem:s12+$0x100]  }
0x6e: {  	v6 =	vmul.f32 $2.000000030e-01, v3  }
0x6f: {  	s13 =	simm.s32 $0x800  }
.LBB2_5:
0x70: {  	s14 =	sshra.s32 s13, $0x2;
	p1 =	sne.s32 s13, $0x9E00;
	s13 =	sadd.s32 $0x200, s13;
	v8 =	vperm.xlane v4, v1;
	v3 =	vmax.f32 v3, v6  }
.Ltmp1:
0x71: {  	v4 =	vld [tilespmem:s14+$0x2900];
	v6 =	vsub.f32 v3, v2;
	(pc) =	sbr.rel @p1 .LBB2_5-.Ltmp1, $4  }
0x72: {  	v3 =	vadd.f32 v8, v5;
	v7 =	vpop (erf)  }
0x73: {  	v5 =	vld [tilespmem:s14+$0x100];
	v8 =	vmul.f32 $1.442695020e+00, v6;
	[tilespmem:s7+$0x5100] =	vst v7;
	s7 =	smov.u32 s10;
	s10 =	smov.u32 s11;
	s11 =	smov.u32 s12  }
0x74: {  	s12 =	smov.u32 s14;
	v6 =	vmul.f32 $2.000000030e-01, v3  }
0x75: {  	(erf) = vpow2.f32 v8  }
0x76: {  	v4 =	vperm.xlane v4, v1;
	_ =	sdelay $0x1  }
0x77: {  	v4 =	vadd.f32 v4, v5;
	_ =	sdelay $0x1  }
0x78: {  	v5 =	vmul.f32 $2.000000030e-01, v4  }
0x79: {  	v3 =	vmax.f32 v3, v6  }
0x7a: {  	v3 =	vsub.f32 v3, v2;
	v4 =	vmax.f32 v4, v5  }
0x7b: {  	v4 =	vsub.f32 v4, v2  }
0x7c: {  	v3 =	vmul.f32 $1.442695020e+00, v3  }
0x7d: {  	v4 =	vmul.f32 $1.442695020e+00, v4  }
0x7e: {  	(erf) = vpow2.f32 v3  }
0x7f: {  	(erf) = vpow2.f32 v4;
	_ =	sdelay $0x5  }
0x80: {  	v3 =	vpop (erf)  }
0x81: {  	v63 =	vpop (erf);
	[tilespmem:s7+$0x5100] =	vst v3  }
0x82: {  	[tilespmem:s10+$0x5100] =	vst v63;
	v3 =	vpop (erf)  }
0x83: {  	[tilespmem:s11+$0x5100] =	vst v3;
	v3 =	vpop (erf)  }
0x84: {  	[tilespmem:s12+$0x5100] =	vst v3  }
0x85: {  	[spmem:s3] =	stream.indirect.scatter.add.f32 [tilespmem:s22], [sflag:$0x2], $0x10, s25, s26, $0xb8;
	[tilespmem:$0xA090] =	vst v63  }
0x86: {  	s4 =	sadd.s32 $0x1, s4;
	_ =	swait.ge [sflag:s23], $0x500  }
0x87: {  	s24 =	sshll.u32 s24, $0x4;
	p1 =	sne.s32 s4, $0x7D;
	[sflag:s23] =	ssyncset.done $0x0  }
.Ltmp2:
0x88: {  	s7 =	sadd.s32 s8, s24;
	[sflag:s23] =	ssyncadd.s32 $0xFFFFFB00;
	(pc) =	sbr.rel @p1 .LBB2_4-.Ltmp2, $4  }
0x89: {  	[hbm4b:s7+s5] =	stream.linear.scatter [tilespmem:s22], [sflag:$0x2], $0x2800, $0x38;
	[tilespmem:$0xA090] =	vst v63  }
0x8a: {  	_ =	swait.ge [sflag:s23], $0x2800  }
0x8b: {  	[sflag:s23] =	ssyncset.done $0x0  }
0x8c: {  	[sflag:s23] =	ssyncadd.s32 $0xFFFFD800  }
0x8d: {  	s0 =	stileid.u32  }
0x8e: {  	s0 =	sshll.u32 s0, $0x6  }
0x8f: {  	[bflag:$0x0] =	sbarrier.arrive $0xFFFF;
	s4 =	sshrl.u32 s9, $0x3;
	s0 =	sor.u32 $0x1C02, s0  }
0x90: {  	[hbm:s19], [sflag:s0] =	dma.local [spmem:s4], $0x2700  }
0x91: {  	_ =	swait.ge [sflag:s23], $0x2700  }
0x92: {  	s31 =	sadd.s32 $0x1, s31;
	[sflag:s23] =	ssyncset.done $0x0  }
0x93: {  	p1 =	sne.s32 s31, s21;
	s4 =	sshrl.u32 @!p0 s17, $0x3;
	[sflag:s23] =	ssyncadd.s32 $0xFFFFD900  }
0x94: {  	[hbm:s20], [sflag:s0] =	dma.local @!p0 [spmem:s4], $0x100  }
.Ltmp3:
0x95: {  	_ = 	snop;
	(pc) =	sbr.rel @p1 .LBB2_1-.Ltmp3, $4  }
0x96: {  	s0 =	simm.s32 @!p0 $0x2  }
0x97: {  	_ =	swait.ge @!p0 [sflag:s0], $0x100  }
0x98: {  	[sflag:s0] =	ssyncset.done @!p0 $0x0  }
0x99: {  	[sflag:s0] =	ssyncadd.s32 @!p0 $0xFFFFFF00  }
0x9a: {  	_ =	sfence.sel $0x180000  }
0x9b: {  	[bflag:$0x0] =	sbarrier.arrive $0xFFFF  }
0x9c: {  	_ =	strace $0x9000004D  }
0x9d: {  	s0 =	stileid.u32;
	[bflag:$0x2] =	sbarrier.arrive $0xFFFF  }
0x9e: {  	p0 =	sne.s32 s0, $0x0;
	s0 =	rddreg [dreg:$0x4]  }
0x9f: {  	s0 =	sadd.s32 @!p0 $0x100000, s0  }
0xa0: {  	[sflag:s0] =	ssyncadd.tile.s32 @!p0 $0x1;
	_ =	shalt  }
.Lfunc_end2:
_tile_overlayer_lowered:
.L_overlay_start_2:
0xa1: {  	(tag) =	ssettag $0x2  }
0xa2: {  	s0 =	rddreg [dreg:$0x0];
	s2 =	stileid.u32  }
0xa3: {  	s1 =	rddreg [dreg:$0x1];
	p0 =	sne.s32 s2, $0x0  }
0xa4: {  	s3 =	rddreg [dreg:$0x2];
	[bflag:$0x3] =	sbarrier.arrive $0xFFFF;
	s2 =	simm.s32 @!p0 $0x1C02  }
0xa5: {  	[timem:s3], [sflag:s2] =	dma.local @!p0 [hbm:s0], s1  }
0xa6: {  	s0 =	simm.s32 @!p0 $0x2  }
0xa7: {  	_ =	swait.ge @!p0 [sflag:s0], s1  }
0xa8: {  	s1 =	ssub.s32 @!p0 $0x0, s1;
	[sflag:s0] =	ssyncset.done @!p0 $0x0  }
0xa9: {  	[sflag:s0] =	ssyncadd.s32 @!p0 s1  }
0xaa: {  	[bflag:$0x3] =	sbarrier.arrive $0xFFFF  }
0xab: {  	_ =	shalt  }

// kernel: kernel.20.cloned.1.call-start
scs
__scs_entry_jumppad:
0x0: {  	(pc) =	sbr.rel $0x88, $3  }
0x1: {  	(tag) =	ssettag $0x0;
	lr =	simm.s32 $0x1  }
0x2: {  	[smem:$0x3F95] =	sst lr;
	_ =	strace $0xD0000000  }
0x3: {  	_ = 	snop  }
0x4: {  	_ = 	snop  }
0x5: {  	_ = 	snop  }
0x6: {  	_ = 	snop  }
0x7: {  	_ = 	snop  }
__scs_overlays_trampoline_lowered:
0x8: {  	[smem:$0x3FA4] =	sst s0  }
0x9: {  	[smem:$0x3FA5] =	sst s1  }
0xa: {  	[smem:$0x3FA6] =	sst s2  }
0xb: {  	[smem:$0x3FA7] =	sst s3  }
0xc: {  	[smem:$0x3FA8] =	sst s4  }
0xd: {  	[smem:$0x3FA9] =	sst s5  }
0xe: {  	[smem:$0x3FAA] =	sst s6  }
0xf: {  	[smem:$0x3FAB] =	sst s7  }
0x10: {  	[smem:$0x3FAC] =	sst s8  }
0x11: {  	[smem:$0x3FAD] =	sst s9;
	s0 =	simm.s32 @!p0 $0x0  }
0x12: {  	s1 =	sld [smem:$0x3F93];
	s0 =	simm.s32 @p0 $0x1  }
0x13: {  	[smem:$0x3FAE] =	sst s0;
	s0 =	simm.s32 @!p1 $0x0  }
0x14: {  	s2 =	sld [smem:$0x3F92];
	s0 =	simm.s32 @p1 $0x1  }
0x15: {  	[smem:$0x3FAF] =	sst s0;
	s0 =	simm.s32 @!p2 $0x0  }
0x16: {  	s3 =	sld [smem:$0x3FDB];
	s0 =	simm.s32 @p2 $0x1  }
0x17: {  	s4 =	simm.s32 $0x1BF5;
	[smem:$0x3FB1] =	sst s0  }
0x18: {  	s0 =	sld [smem:$0x3F94];
	_ =	swait.ge [sflag:s4], $0x0  }
0x19: {  	s7 =	sld [smem:$0x3F95]  }
0x1a: {  	s8 =	sadd.s32 $0xFFFFE003, lr  }
0x1b: {  	s9 =	sadd.s32 $0xFFFFFEF7, lr;
	s5 =	simm.s32 $0xFFFFFFFF;
	p2 =	slt.u32 s8, $0xFFFFF086  }
0x1c: {  	p1 =	slt.u32 s9, $0xF7A;
	s5 =	simm.s32 @!p2 $0x0  }
0x1d: {  	s5 =	simm.s32 @p1 $0x1;
	p0 =	seq.s32 s7, s2  }
0x1e: {  	s7 =	smul.u32 @!p0 $0xF7A, s2;
	p2 =	seq.s32 @!p0 s5, $0x0  }
0x1f: {  	s9 =	smul.u32 $0xF7A, s1;
	s8 =	simm.s32 @!p0 $0x1BF5;
	p2 =	por !p2, p0  }
0x20: {  	[sflag:s8] =	ssyncset.s32 @!p0 $0xFFFFF086;
	s6 =	sadd.s32 @!p0 s3, s7;
	s7 =	simm.s32 @!p0 $0x108  }
0x21: {  	s3 =	sadd.s32 s3, s9;
	s6 =	sadd.s32 @!p0 $0x88, s6;
	s7 =	simm.s32 @p2 $0x1082  }
0x22: {  	[simem:s7], [sflag:s8] =	dma.local @!p0 [hbm:s6], $0xF7A  }
0x23: {  	s9 =	sor.u32 $0xD0000000, s2;
	s6 =	simm.s32 $0x108;
	_ =	swait.ge @!p0 [sflag:s8], $0x0  }
0x24: {  	s3 =	sadd.s32 $0x88, s3;
	s6 =	simm.s32 @!p1 $0x1082;
	[sflag:s4] =	ssyncset.s32 $0xFFFFF086  }
0x25: {  	[simem:s6], [sflag:s4] =	dma.local [hbm:s3], $0xF7A  }
0x26: {  	[smem:$0x3F95] =	sst s1;
	(tag) =	ssettag s2;
	_ =	strace s9  }
0x27: {  	s1 =	sld [smem:$0x3FA5]  }
0x28: {  	s2 =	sld [smem:$0x3FA6]  }
0x29: {  	s4 =	sld [smem:$0x3FA8]  }
0x2a: {  	p0 =	seq.s32 s5, $0x0;
	s5 =	sld [smem:$0x3FA9]  }
0x2b: {  	s6 =	sld [smem:$0x3FAA]  }
0x2c: {  	s7 =	sld [smem:$0x3FAB]  }
0x2d: {  	s3 =	simm.s32 $0x108;
	s8 =	sld [smem:$0x3FAC]  }
0x2e: {  	s3 =	simm.s32 @!p0 $0x1082;
	s9 =	sld [smem:$0x3FAD]  }
0x2f: {  	lr =	sadd.s32 s0, s3;
	s0 =	sld [smem:$0x3FA4]  }
0x30: {  	s3 =	sld [smem:$0x3FA7]  }
0x31: {  	[smem:$0x3FB0] =	sst s10  }
0x32: {  	s10 =	sld [smem:$0x3FAE];
	_ =	sdelay $0x3  }
0x33: {  	p0 =	seq.s32 s10, $0x1;
	s10 =	sld [smem:$0x3FB0];
	_ =	sdelay $0x3  }
0x34: {  	[smem:$0x3FB0] =	sst s10  }
0x35: {  	s10 =	sld [smem:$0x3FAF];
	_ =	sdelay $0x3  }
0x36: {  	p1 =	seq.s32 s10, $0x1;
	s10 =	sld [smem:$0x3FB0];
	_ =	sdelay $0x3  }
0x37: {  	[smem:$0x3FB0] =	sst s10  }
0x38: {  	s10 =	sld [smem:$0x3FB1]  }
0x39: {  	_ = 	snop;
	(pc) =	sbr.ind lr, $3  }
0x3a: {  	_ = 	snop  }
0x3b: {  	_ = 	snop  }
0x3c: {  	p2 =	seq.s32 s10, $0x1;
	s10 =	sld [smem:$0x3FB0]  }
0x3d: {  	_ =	shalt  }
0x3e: {  	_ =	shalt  }
0x3f: {  	_ =	shalt  }
0x40: {  	_ =	shalt  }
0x41: {  	_ =	shalt  }
0x42: {  	_ =	shalt  }
0x43: {  	_ =	shalt  }
0x44: {  	_ =	shalt  }
0x45: {  	_ =	shalt  }
0x46: {  	_ =	shalt  }
0x47: {  	_ =	shalt  }
0x48: {  	_ =	shalt  }
0x49: {  	_ =	shalt  }
0x4a: {  	_ =	shalt  }
0x4b: {  	_ =	shalt  }
0x4c: {  	_ =	shalt  }
0x4d: {  	_ =	shalt  }
0x4e: {  	_ =	shalt  }
0x4f: {  	_ =	shalt  }
0x50: {  	_ =	shalt  }
0x51: {  	_ =	shalt  }
0x52: {  	_ =	shalt  }
0x53: {  	_ =	shalt  }
0x54: {  	_ =	shalt  }
0x55: {  	_ =	shalt  }
0x56: {  	_ =	shalt  }
0x57: {  	_ =	shalt  }
0x58: {  	_ =	shalt  }
0x59: {  	_ =	shalt  }
0x5a: {  	_ =	shalt  }
0x5b: {  	_ =	shalt  }
0x5c: {  	_ =	shalt  }
0x5d: {  	_ =	shalt  }
0x5e: {  	_ =	shalt  }
0x5f: {  	_ =	shalt  }
0x60: {  	_ =	shalt  }
0x61: {  	_ =	shalt  }
0x62: {  	_ =	shalt  }
0x63: {  	_ =	shalt  }
0x64: {  	_ =	shalt  }
0x65: {  	_ =	shalt  }
0x66: {  	_ =	shalt  }
0x67: {  	_ =	shalt  }
0x68: {  	_ =	shalt  }
0x69: {  	_ =	shalt  }
0x6a: {  	_ =	shalt  }
0x6b: {  	_ =	shalt  }
0x6c: {  	_ =	shalt  }
0x6d: {  	_ =	shalt  }
0x6e: {  	_ =	shalt  }
0x6f: {  	_ =	shalt  }
0x70: {  	_ =	shalt  }
0x71: {  	_ =	shalt  }
0x72: {  	_ =	shalt  }
0x73: {  	_ =	shalt  }
0x74: {  	_ =	shalt  }
0x75: {  	_ =	shalt  }
0x76: {  	_ =	shalt  }
0x77: {  	_ =	shalt  }
0x78: {  	_ =	shalt  }
0x79: {  	_ =	shalt  }
0x7a: {  	_ =	shalt  }
0x7b: {  	_ =	shalt  }
0x7c: {  	_ =	shalt  }
0x7d: {  	_ =	shalt  }
0x7e: {  	_ =	shalt  }
0x7f: {  	_ =	shalt  }
0x80: {  	_ =	shalt  }
0x81: {  	_ =	shalt  }
0x82: {  	_ =	shalt  }
0x83: {  	_ =	shalt  }
0x84: {  	_ =	shalt  }
0x85: {  	_ =	shalt  }
0x86: {  	_ =	shalt  }
0x87: {  	_ =	shalt  }
.Lfunc_end0:
.L_simem_size_0:
called_computation.3_lowered:
.L_overlay_start_0:
0x88: {  	s2 =	sld [smem:$0x3FD9]  }
0x89: {  	s3 =	sld [smem:$0x3FFE];
	_ =	sdelay $0x1  }
0x8a: {  	s1 =	srdreg.scid  }
0x8b: {  	s0 =	sand.u32 $0x1, s1  }
0x8c: {  	s14 =	sshll.u32 s0, $0xA;
	s2 =	sadd.s32 s3, s2  }
0x8d: {  	s2 =	sadd.s32 s2, s14  }
0x8e: {  	[smem:$0x3FBC] =	sst s2  }
0x8f: {  	_ = 	snop  }
0x90: {  	s2 =	sld [smem:$0x3FD0];
	_ =	sdelay $0x2  }
0x91: {  	s15 =	simm.s32 $0xA;
	s4 =	simm.s32 $0x10  }
0x92: {  	[smem:s4], [sflag:s15] =	dma.local [hbm:s2], $0x1  }
0x93: {  	_ =	swait.eq [sflag:s15], $0x1  }
0x94: {  	[sflag:s15] =	ssyncset.done $0x0  }
0x95: {  	s16 =	sld [smem:$0x10];
	[sflag:s15] =	ssyncadd.s32 $0xFFFFFFFF  }
0x96: {  	s17 =	sld [smem:$0x11];
	(tm) =	ssettm $0x1  }
0x97: {  	s18 =	sld [smem:$0x3FFB];
	_ =	sdelay $0x3  }
0x98: {  	_ =	strace s18  }
0x99: {  	s4 =	sld [smem:$0x3FFC];
	_ =	sdelay $0x3  }
0x9a: {  	_ =	strace s4  }
0x9b: {  	s4 =	sld [smem:$0x3FFD];
	_ =	sdelay $0x3  }
0x9c: {  	_ =	strace s4  }
0x9d: {  	_ =	strace $0x8FFFFFFF  }
0x9e: {  	s19 =	sld [smem:$0x3FDB];
	_ =	sdelay $0x1  }
0x9f: {  	s5 =	simm.s32 $_scs_section_size  }
0xa0: {  	s6 =	simm.s32 $_size__tile_overlayer_lowered;
	s7 =	simm.s32 $_tile_overlayer_lowered  }
0xa1: {  	s22 =	simm.s32 $0x1BFF;
	s21 =	sshll.u32 s7, $0x1;
	s4 =	sadd.s32 s5, s19  }
0xa2: {  	s8 =	simm.s32 $0x0;
	s20 =	sshll.u32 s6, $0x1;
	s6 =	sadd.s32 s21, s4  }
0xa3: {  	[timem:s8], [sflag:s22] =	dma.local [hbm:s6], s20  }
0xa4: {  	_ =	swait.ge [sflag:s22], s20  }
0xa5: {  	s5 =	ssub.s32 $0x0, s20;
	[sflag:s22] =	ssyncset.done $0x0  }
0xa6: {  	[sflag:s22] =	ssyncadd.s32 s5;
	_ =	sdelay $0x1  }
0xa7: {  	s23 =	simm.s32 $0x1B8B  }
0xa8: {  	_ =	swait.ge [sflag:s23], $0x1  }
0xa9: {  	[sflag:s23] =	ssyncset.done $0x0  }
0xaa: {  	s25 =	simm.s32 $0x1B8E;
	s24 =	sld [smem:$0x3FFE];
	[sflag:s23] =	ssyncadd.s32 $0xFFFFFFFF  }
0xab: {  	s26 =	simm.s32 $execute0_lowered;
	[smem:$0x3FD2] =	sst s25  }
0xac: {  	s6 =	sshll.u32 s26, $0x1;
	_ =	strace $0x8000004F;
	[dreg:$0x1] =	wrdreg $0xFFFFFFFF  }
0xad: {  	s28 =	simm.s32 $_size_execute0_lowered;
	s4 =	sadd.s32 s4, s6;
	[dreg:$0x0] =	wrdreg $0x0  }
0xae: {  	s6 =	sshll.u32 s28, $0x1;
	[dreg:$0x2] =	wrdreg s4  }
0xaf: {  	[dreg:$0x3] =	wrdreg s6  }
0xb0: {  	[dreg:$0x4] =	wrdreg $0xC0  }
0xb1: {  	_ =	task [dreg:s8], $0x5FFFF  }
0xb2: {  	[dreg:$0x1] =	wrdreg $0xFFFFFFFF  }
0xb3: {  	[dreg:$0x0] =	wrdreg $0x60  }
0xb4: {  	[dreg:$0x2] =	wrdreg s24  }
0xb5: {  	[dreg:$0x3] =	wrdreg s17  }
0xb6: {  	[dreg:$0x4] =	wrdreg s16  }
0xb7: {  	[dreg:$0x5] =	wrdreg $0x51000  }
0xb8: {  	[dreg:$0x6] =	wrdreg $0x9  }
0xb9: {  	_ =	task.clear_ibuf [dreg:s8], $0x7FFFF;
	_ =	strace $0x9000004F  }
0xba: {  	s29 =	simm.s32 $0x9;
	_ =	strace $0x80000051  }
0xbb: {  	_ =	swait.ge [sflag:s29], $0x1  }
0xbc: {  	[sflag:s29] =	ssyncadd.s32 $0xFFFFFFFF  }
0xbd: {  	_ =	strace $0x90000051  }
0xbe: {  	_ =	sfence  }
0xbf: {  	s30 =	sld [smem:$0x0];
	_ =	sdelay $0x2  }
0xc0: {  	s31 =	sshll.u32 s1, $0xD;
	s1 =	sshrl.u32 s1, $0x2  }
0xc1: {  	s3 =	sand.u32 $0x4000, s31;
	s1 =	sadd.s32 s1, s30  }
0xc2: {  	s0 =	sor.u32 s3, s0;
	s1 =	sshll.u32 s1, $0x11  }
0xc3: {  	s0 =	sor.u32 s1, s0  }
0xc4: {  	s0 =	sadd.s32 $0x8F2B, s0  }
0xc5: {  	[sflag:s0] =	ssyncadd.remote.s32 $0x1  }
0xc6: {  	_ =	sfence.sel $0xFFFF  }
0xc7: {  	[dreg:$0x0] =	wrdreg $0xFFFFFFFF;
	(pc) =	sbr.abs _section_cstart, $3  }
0xc8: {  	[dreg:$0x1] =	wrdreg $0xFFFFFFFF  }
0xc9: {  	_ =	task.clear_ibuf [dreg:s8], $0x2FFFF;
	_ =	strace $0x9FFFFFFF  }
0xca: {  	(tm) =	ssettm $0x7FFFFFFF  }
0xcb: {  	_ =	shalt  }
tec
execute0_lowered:
.L_overlay_start_1:
0x0: {  	(tag) =	ssettag $0x1  }
0x1: {  	s8 =	rddreg [dreg:$0x0]  }
0x2: {  	s1 =	rddreg [dreg:$0x1]  }
0x3: {  	s2 =	rddreg [dreg:$0x2]  }
0x4: {  	s4 =	rddreg [dreg:$0x3]  }
0x5: {  	s5 =	simm.s32 $0x0;
	s6 =	srdreg.scid;
	s3 =	stileid.u32  }
0x6: {  	s24 =	simm.s32 $0x50;
	s25 =	simm.s32 $0x2900;
	s26 =	simm.s32 $0x1  }
0x7: {  	[smem:$0x7FF] =	sst s5;
	s15 =	sand.u32 $0x1, s6;
	s9 =	smul.u32 $0x4E000, s3  }
0x8: {  	s6 =	sadd.s32 $0x52C00, s8;
	s7 =	sadd.s32 $0xC8400, s8;
	s16 =	smul.u32 $0x13800, s3  }
0x9: {  	s19 =	sadd.s32 $0x5AA400, s8;
	s21 =	smul.u32 $0x2710, s3;
	p0 =	sne.s32 s3, $0xF  }
0xa: {  	_ =	strace $0x80000050;
	s10 =	ssub.s32 $0x2, s15;
	s17 =	smul.u32 $0x138800, s15  }
0xb: {  	s18 =	smul.u32 $0x27100, s15;
	s11 =	sshrl.u32 s10, $0x1;
	s9 =	sshrl.u32 s9, $0x2  }
0xc: {  	s20 =	ssub.s32 s10, s11;
	s8 =	sadd.s32 s9, s4;
	s22 =	sadd.s32 s16, s17  }
0xd: {  	s16 =	sadd.s32 $0x138000, s4;
	s23 =	sshrl.u32 s17, $0x3;
	s17 =	sadd.s32 s21, s18  }
0xe: {  	s21 =	simm.s32 $0x100;
	s9 =	sadd.s32 $0x2800, s8;
	s10 =	sadd.s32 $0x5000, s8  }
0xf: {  	s11 =	sadd.s32 $0x7800, s8;
	s12 =	sadd.s32 $0xA000, s8;
	s13 =	sadd.s32 $0xC800, s8  }
0x10: {  	s14 =	sadd.s32 $0xF000, s8;
	s15 =	sadd.s32 $0x11800, s8;
	s22 =	sshrl.u32 s22, $0x3  }
0x11: {  	v0 =	vimm.f32 $0.0e+00;
	v1 =	vimm.s32 $0x0;
	s20 =	smax.u32 s20, $0x1;
	s18 =	sadd.s32 s19, s22;
	s19 =	sadd.s32 s19, s23  }
0x12: {  	v2 =	vimm.s32 $0x1;
	v3 =	vimm.s32 $0x2;
	v4 =	vimm.s32 $0x3;
	s22 =	simm.s32 $0x2;
	s23 =	simm.s32 $0x80;
	s19 =	sadd.s32 $0x27000, s19  }
.LBB2_1:
0x13: {  	s28 =	simm.s32 $0x0;
	s29 =	simm.s32 $0x200  }
.LBB2_2:
0x14: {  	p1 =	sne.s32 s29, $0x9E00;
	[tilespmem:s28+$0x170] =	vst v0  }
0x15: {  	[tilespmem:s28+$0x100] =	vst v0  }
0x16: {  	[tilespmem:s28+$0x110] =	vst v0  }
.Ltmp0:
0x17: {  	[tilespmem:s28+$0x120] =	vst v0;
	(pc) =	sbr.rel @p1 .LBB2_2-.Ltmp0, $4  }
0x18: {  	[tilespmem:s28+$0x130] =	vst v0  }
0x19: {  	[tilespmem:s28+$0x140] =	vst v0  }
0x1a: {  	[tilespmem:s28+$0x150] =	vst v0  }
0x1b: {  	[tilespmem:s28+$0x160] =	vst v0;
	s28 =	sshra.s32 s29, $0x2;
	s29 =	sadd.s32 $0x200, s29  }
0x1c: {  	[tilespmem:s28+$0x170] =	vst v0  }
0x1d: {  	[tilespmem:s28+$0x100] =	vst v0  }
0x1e: {  	[tilespmem:s28+$0x110] =	vst v0  }
0x1f: {  	[tilespmem:s28+$0x120] =	vst v0  }
0x20: {  	[tilespmem:s28+$0x130] =	vst v0  }
0x21: {  	[tilespmem:s28+$0x140] =	vst v0  }
0x22: {  	[tilespmem:s28+$0x150] =	vst v0  }
0x23: {  	[tilespmem:s28+$0x160] =	vst v0  }
0x24: {  	[spmem:s8] =	stream.linear.scatter [tilespmem:s21], [sflag:$0x2], $0x2800, $0x38;
	[tilespmem:$0x18980] =	vst v63  }
0x25: {  	_ =	swait.ge [sflag:s22], $0x2800  }
0x26: {  	[sflag:s22] =	ssyncset.done $0x0  }
0x27: {  	[sflag:s22] =	ssyncadd.s32 $0xFFFFD800  }
0x28: {  	[spmem:s9] =	stream.linear.scatter [tilespmem:s21], [sflag:$0x2], $0x2800, $0x38;
	[tilespmem:$0x18980] =	vst v63  }
0x29: {  	_ =	swait.ge [sflag:s22], $0x2800  }
0x2a: {  	[sflag:s22] =	ssyncset.done $0x0  }
0x2b: {  	[sflag:s22] =	ssyncadd.s32 $0xFFFFD800  }
0x2c: {  	[spmem:s10] =	stream.linear.scatter [tilespmem:s21], [sflag:$0x2], $0x2800, $0x38;
	[tilespmem:$0x18980] =	vst v63  }
0x2d: {  	_ =	swait.ge [sflag:s22], $0x2800  }
0x2e: {  	[sflag:s22] =	ssyncset.done $0x0  }
0x2f: {  	[sflag:s22] =	ssyncadd.s32 $0xFFFFD800  }
0x30: {  	[spmem:s11] =	stream.linear.scatter [tilespmem:s21], [sflag:$0x2], $0x2800, $0x38;
	[tilespmem:$0x18980] =	vst v63  }
0x31: {  	_ =	swait.ge [sflag:s22], $0x2800  }
0x32: {  	[sflag:s22] =	ssyncset.done $0x0  }
0x33: {  	[sflag:s22] =	ssyncadd.s32 $0xFFFFD800  }
0x34: {  	[spmem:s12] =	stream.linear.scatter [tilespmem:s21], [sflag:$0x2], $0x2800, $0x38;
	[tilespmem:$0x18980] =	vst v63  }
0x35: {  	_ =	swait.ge [sflag:s22], $0x2800  }
0x36: {  	[sflag:s22] =	ssyncset.done $0x0  }
0x37: {  	[sflag:s22] =	ssyncadd.s32 $0xFFFFD800  }
0x38: {  	[spmem:s13] =	stream.linear.scatter [tilespmem:s21], [sflag:$0x2], $0x2800, $0x38;
	[tilespmem:$0x18980] =	vst v63  }
0x39: {  	_ =	swait.ge [sflag:s22], $0x2800  }
0x3a: {  	[sflag:s22] =	ssyncset.done $0x0  }
0x3b: {  	[sflag:s22] =	ssyncadd.s32 $0xFFFFD800  }
0x3c: {  	[spmem:s14] =	stream.linear.scatter [tilespmem:s21], [sflag:$0x2], $0x2800, $0x38;
	[tilespmem:$0x18980] =	vst v63  }
0x3d: {  	_ =	swait.ge [sflag:s22], $0x2800  }
0x3e: {  	[sflag:s22] =	ssyncset.done $0x0  }
0x3f: {  	[sflag:s22] =	ssyncadd.s32 $0xFFFFD800  }
0x40: {  	[spmem:s15] =	stream.linear.scatter [tilespmem:s21], [sflag:$0x2], $0x2000, $0x38;
	[tilespmem:$0x18980] =	vst v63  }
0x41: {  	_ =	swait.ge [sflag:s22], $0x2000  }
0x42: {  	[sflag:s22] =	ssyncset.done $0x0  }
0x43: {  	s28 =	simm.s32 @!p0 $0x100;
	[sflag:s22] =	ssyncadd.s32 $0xFFFFE000  }
0x44: {  	[spmem:s16] =	stream.linear.scatter @!p0 [tilespmem:s28], [sflag:$0x2], $0x800, $0x38;
	[tilespmem:$0x18980] =	vst v63  }
0x45: {  	s28 =	simm.s32 @!p0 $0x2  }
0x46: {  	_ =	swait.ge @!p0 [sflag:s28], $0x800  }
0x47: {  	[sflag:s28] =	ssyncset.done @!p0 $0x0  }
0x48: {  	[sflag:s28] =	ssyncadd.s32 @!p0 $0xFFFFF800  }
0x49: {  	s29 =	simm.s32 $0x0;
	s28 =	simm.s32 $0x0;
	[bflag:$0x0] =	sbarrier.arrive $0xFFFF  }
.LBB2_4:
0x4a: {  	s30 =	smul.u32 $0x50, s29;
	_ =	sdelay $0x1  }
0x4b: {  	s30 =	sadd.s32 s30, s17  }
0x4c: {  	s31 =	sshrl.u32 s30, $0x3  }
0x4d: {  	s0 =	sadd.s32 s1, s31  }
0x4e: {  	[tilespmem:s28], [sflag:$0x2] =	stream.linear.gather [hbm4b:s0+s28], $0x50, $0x38;
	[tilespmem:$0x18980] =	vst v63  }
0x4f: {  	_ =	swait.ge [sflag:s22], $0x50  }
0x50: {  	[sflag:s22] =	ssyncset.done $0x0  }
0x51: {  	s0 =	sadd.s32 s2, s31;
	[sflag:s22] =	ssyncadd.s32 $0xFFFFFFB0  }
0x52: {  	[tilespmem:s23], [sflag:$0x2] =	stream.linear.gather [hbm4b:s0+s28], $0x50, $0x38;
	[tilespmem:$0x18980] =	vst v63  }
0x53: {  	_ =	swait.ge [sflag:s22], $0x50  }
0x54: {  	[sflag:s22] =	ssyncset.done $0x0  }
0x55: {  	s0 =	sshll.u32 s30, $0x4;
	[sflag:s22] =	ssyncadd.s32 $0xFFFFFFB0  }
0x56: {  	[tilespmem:s21], [sflag:$0x1] =	stream.indirect.gather [hbm4b:s6+s24], $0x80, s28, s24, $0xb8;
	[tilespmem:$0x18980] =	vst v63  }
0x57: {  	s0 =	sadd.s32 s7, s0  }
0x58: {  	[tilespmem:s25], [sflag:$0x2] =	stream.linear.gather [hbm4b:s0+s28], $0x2800, $0x38;
	[tilespmem:$0x18980] =	vst v63  }
0x59: {  	_ =	swait.ge [sflag:s22], $0x2800  }
0x5a: {  	[sflag:s22] =	ssyncset.done $0x0  }
0x5b: {  	[sflag:s22] =	ssyncadd.s32 $0xFFFFD800  }
0x5c: {  	_ =	swait.ge [sflag:s26], $0x2800  }
0x5d: {  	[sflag:s26] =	ssyncset.done $0x0  }
0x5e: {  	s30 =	simm.s32 $0x0;
	[sflag:s26] =	ssyncadd.s32 $0xFFFFD800  }
0x5f: {  	v5 =	vld [tilespmem:s30+$0x2900]  }
0x60: {  	v9 =	vld [tilespmem:s30+$0x100]  }
0x61: {  	v13 =	vld [tilespmem:s30+$0x110]  }
0x62: {  	v7 =	vld [tilespmem:s30+$0x120]  }
0x63: {  	v8 =	vld [tilespmem:s30+$0x130]  }
0x64: {  	v10 =	vld [tilespmem:s30+$0x140];
	v15 =	vperm.xlane v5, v1  }
0x65: {  	v11 =	vld [tilespmem:s30+$0x150];
	v6 =	vperm.xlane v5, v3;
	v12 =	vperm.xlane v5, v2  }
0x66: {  	s31 =	simm.s32 $0x200;
	v14 =	vmul.f32 v9, v15;
	v13 =	vmul.f32 v13, v15;
	v9 =	vld [tilespmem:s30+$0x160]  }
.LBB2_5:
0x67: {  	s0 =	sshra.s32 s31, $0x2;
	p1 =	sne.s32 s31, $0x9E00;
	s31 =	sadd.s32 $0x200, s31;
	v15 =	vld [tilespmem:s30+$0x170]  }
0x68: {  	v7 =	vmul.f32 v7, v12;
	v16 =	vld [tilespmem:s0+$0x2900];
	[tilespmem:s30+$0x100] =	vst v14;
	v8 =	vmul.f32 v8, v12  }
0x69: {  	v14 =	vld [tilespmem:s0+$0x100];
	[tilespmem:s30+$0x110] =	vst v13;
	v10 =	vmul.f32 v10, v6  }
0x6a: {  	v12 =	vperm.xlane v5, v4;
	v13 =	vld [tilespmem:s0+$0x110];
	[tilespmem:s30+$0x120] =	vst v7;
	v11 =	vmul.f32 v11, v6  }
.Ltmp1:
0x6b: {  	v7 =	vld [tilespmem:s0+$0x120];
	[tilespmem:s30+$0x130] =	vst v8;
	(pc) =	sbr.rel @p1 .LBB2_5-.Ltmp1, $4  }
0x6c: {  	v9 =	vmul.f32 v9, v12;
	v8 =	vld [tilespmem:s0+$0x130];
	[tilespmem:s30+$0x140] =	vst v10;
	v15 =	vmul.f32 v15, v12  }
0x6d: {  	v17 =	vperm.xlane v16, v1;
	v6 =	vperm.xlane v16, v3;
	v10 =	vld [tilespmem:s0+$0x140];
	[tilespmem:s30+$0x150] =	vst v11;
	v5 =	vmov v16  }
0x6e: {  	v12 =	vperm.xlane v5, v2;
	v11 =	vld [tilespmem:s0+$0x150];
	[tilespmem:s30+$0x160] =	vst v9  }
0x6f: {  	v14 =	vmul.f32 v14, v17;
	v13 =	vmul.f32 v13, v17;
	v9 =	vld [tilespmem:s0+$0x160];
	[tilespmem:s30+$0x170] =	vst v15;
	s30 =	smov.u32 s0  }
0x70: {  	_ = 	snop  }
0x71: {  	v15 =	vld [tilespmem:s30+$0x170];
	v7 =	vmul.f32 v7, v12;
	[tilespmem:s30+$0x100] =	vst v14  }
0x72: {  	v8 =	vmul.f32 v8, v12;
	[tilespmem:s30+$0x110] =	vst v13  }
0x73: {  	v5 =	vperm.xlane v5, v4;
	v10 =	vmul.f32 v10, v6;
	[tilespmem:s30+$0x120] =	vst v7  }
0x74: {  	v6 =	vmul.f32 v11, v6;
	[tilespmem:s30+$0x130] =	vst v8  }
0x75: {  	[tilespmem:s30+$0x140] =	vst v10;
	v7 =	vmul.f32 v9, v5  }
0x76: {  	s29 =	sadd.s32 $0x1, s29;
	v5 =	vmul.f32 v15, v5;
	[tilespmem:s30+$0x150] =	vst v6  }
0x77: {  	p1 =	sne.s32 s29, $0x7D;
	[tilespmem:s30+$0x160] =	vst v7  }
.Ltmp2:
0x78: {  	[tilespmem:s30+$0x170] =	vst v5;
	(pc) =	sbr.rel @p1 .LBB2_4-.Ltmp2, $4  }
0x79: {  	[spmem:s4] =	stream.indirect.scatter.add.f32 [tilespmem:s21], [sflag:$0x2], $0x80, s23, s24, $0xb8;
	[tilespmem:$0x18980] =	vst v63  }
0x7a: {  	_ =	swait.ge [sflag:s22], $0x2800  }
0x7b: {  	[sflag:s22] =	ssyncset.done $0x0  }
0x7c: {  	[sflag:s22] =	ssyncadd.s32 $0xFFFFD800  }
0x7d: {  	s0 =	sshll.u32 s3, $0x6  }
0x7e: {  	[bflag:$0x0] =	sbarrier.arrive $0xFFFF;
	s28 =	sshrl.u32 s8, $0x3;
	s0 =	sor.u32 $0x1C02, s0  }
0x7f: {  	[hbm:s18], [sflag:s0] =	dma.local [spmem:s28], $0x2700  }
0x80: {  	_ =	swait.ge [sflag:s22], $0x2700  }
0x81: {  	s5 =	sadd.s32 $0x1, s5;
	[sflag:s22] =	ssyncset.done $0x0  }
0x82: {  	p1 =	sne.s32 s5, s20;
	s28 =	sshrl.u32 @!p0 s16, $0x3;
	[sflag:s22] =	ssyncadd.s32 $0xFFFFD900  }
0x83: {  	[hbm:s19], [sflag:s0] =	dma.local @!p0 [spmem:s28], $0x100  }
.Ltmp3:
0x84: {  	_ = 	snop;
	(pc) =	sbr.rel @p1 .LBB2_1-.Ltmp3, $4  }
0x85: {  	s0 =	simm.s32 @!p0 $0x2  }
0x86: {  	_ =	swait.ge @!p0 [sflag:s0], $0x100  }
0x87: {  	[sflag:s0] =	ssyncset.done @!p0 $0x0  }
0x88: {  	[sflag:s0] =	ssyncadd.s32 @!p0 $0xFFFFFF00  }
0x89: {  	_ =	sfence.sel $0x180000  }
0x8a: {  	[bflag:$0x0] =	sbarrier.arrive $0xFFFF  }
0x8b: {  	_ =	strace $0x90000050  }
0x8c: {  	[bflag:$0x2] =	sbarrier.arrive $0xFFFF  }
0x8d: {  	p0 =	sne.s32 s3, $0x0;
	s0 =	rddreg [dreg:$0x4]  }
0x8e: {  	s0 =	sadd.s32 @!p0 $0x100000, s0  }
0x8f: {  	[sflag:s0] =	ssyncadd.tile.s32 @!p0 $0x1;
	_ =	shalt  }
.Lfunc_end2:
_tile_overlayer_lowered:
.L_overlay_start_2:
0x90: {  	(tag) =	ssettag $0x2  }
0x91: {  	s0 =	rddreg [dreg:$0x0];
	s2 =	stileid.u32  }
0x92: {  	s1 =	rddreg [dreg:$0x1];
	p0 =	sne.s32 s2, $0x0  }
0x93: {  	s3 =	rddreg [dreg:$0x2];
	[bflag:$0x3] =	sbarrier.arrive $0xFFFF;
	s2 =	simm.s32 @!p0 $0x1C02  }
0x94: {  	[timem:s3], [sflag:s2] =	dma.local @!p0 [hbm:s0], s1  }
0x95: {  	s0 =	simm.s32 @!p0 $0x2  }
0x96: {  	_ =	swait.ge @!p0 [sflag:s0], s1  }
0x97: {  	s1 =	ssub.s32 @!p0 $0x0, s1;
	[sflag:s0] =	ssyncset.done @!p0 $0x0  }
0x98: {  	[sflag:s0] =	ssyncadd.s32 @!p0 s1  }
0x99: {  	[bflag:$0x3] =	sbarrier.arrive $0xFFFF  }
0x9a: {  	_ =	shalt  }

// kernel: kernel.23.cloned.1.call-start
scs
__scs_entry_jumppad:
0x0: {  	(pc) =	sbr.rel $0x88, $3  }
0x1: {  	(tag) =	ssettag $0x0;
	lr =	simm.s32 $0x1  }
0x2: {  	[smem:$0x3F95] =	sst lr;
	_ =	strace $0xD0000000  }
0x3: {  	_ = 	snop  }
0x4: {  	_ = 	snop  }
0x5: {  	_ = 	snop  }
0x6: {  	_ = 	snop  }
0x7: {  	_ = 	snop  }
__scs_overlays_trampoline_lowered:
0x8: {  	[smem:$0x3FA4] =	sst s0  }
0x9: {  	[smem:$0x3FA5] =	sst s1  }
0xa: {  	[smem:$0x3FA6] =	sst s2  }
0xb: {  	[smem:$0x3FA7] =	sst s3  }
0xc: {  	[smem:$0x3FA8] =	sst s4  }
0xd: {  	[smem:$0x3FA9] =	sst s5  }
0xe: {  	[smem:$0x3FAA] =	sst s6  }
0xf: {  	[smem:$0x3FAB] =	sst s7  }
0x10: {  	[smem:$0x3FAC] =	sst s8  }
0x11: {  	[smem:$0x3FAD] =	sst s9;
	s0 =	simm.s32 @!p0 $0x0  }
0x12: {  	s1 =	sld [smem:$0x3F93];
	s0 =	simm.s32 @p0 $0x1  }
0x13: {  	[smem:$0x3FAE] =	sst s0;
	s0 =	simm.s32 @!p1 $0x0  }
0x14: {  	s2 =	sld [smem:$0x3F92];
	s0 =	simm.s32 @p1 $0x1  }
0x15: {  	[smem:$0x3FAF] =	sst s0;
	s0 =	simm.s32 @!p2 $0x0  }
0x16: {  	s3 =	sld [smem:$0x3FDB];
	s0 =	simm.s32 @p2 $0x1  }
0x17: {  	s4 =	simm.s32 $0x1BF5;
	[smem:$0x3FB1] =	sst s0  }
0x18: {  	s0 =	sld [smem:$0x3F94];
	_ =	swait.ge [sflag:s4], $0x0  }
0x19: {  	s7 =	sld [smem:$0x3F95]  }
0x1a: {  	s8 =	sadd.s32 $0xFFFFE003, lr  }
0x1b: {  	s9 =	sadd.s32 $0xFFFFFEF7, lr;
	s5 =	simm.s32 $0xFFFFFFFF;
	p2 =	slt.u32 s8, $0xFFFFF086  }
0x1c: {  	p1 =	slt.u32 s9, $0xF7A;
	s5 =	simm.s32 @!p2 $0x0  }
0x1d: {  	s5 =	simm.s32 @p1 $0x1;
	p0 =	seq.s32 s7, s2  }
0x1e: {  	s7 =	smul.u32 @!p0 $0xF7A, s2;
	p2 =	seq.s32 @!p0 s5, $0x0  }
0x1f: {  	s9 =	smul.u32 $0xF7A, s1;
	s8 =	simm.s32 @!p0 $0x1BF5;
	p2 =	por !p2, p0  }
0x20: {  	[sflag:s8] =	ssyncset.s32 @!p0 $0xFFFFF086;
	s6 =	sadd.s32 @!p0 s3, s7;
	s7 =	simm.s32 @!p0 $0x108  }
0x21: {  	s3 =	sadd.s32 s3, s9;
	s6 =	sadd.s32 @!p0 $0x88, s6;
	s7 =	simm.s32 @p2 $0x1082  }
0x22: {  	[simem:s7], [sflag:s8] =	dma.local @!p0 [hbm:s6], $0xF7A  }
0x23: {  	s9 =	sor.u32 $0xD0000000, s2;
	s6 =	simm.s32 $0x108;
	_ =	swait.ge @!p0 [sflag:s8], $0x0  }
0x24: {  	s3 =	sadd.s32 $0x88, s3;
	s6 =	simm.s32 @!p1 $0x1082;
	[sflag:s4] =	ssyncset.s32 $0xFFFFF086  }
0x25: {  	[simem:s6], [sflag:s4] =	dma.local [hbm:s3], $0xF7A  }
0x26: {  	[smem:$0x3F95] =	sst s1;
	(tag) =	ssettag s2;
	_ =	strace s9  }
0x27: {  	s1 =	sld [smem:$0x3FA5]  }
0x28: {  	s2 =	sld [smem:$0x3FA6]  }
0x29: {  	s4 =	sld [smem:$0x3FA8]  }
0x2a: {  	p0 =	seq.s32 s5, $0x0;
	s5 =	sld [smem:$0x3FA9]  }
0x2b: {  	s6 =	sld [smem:$0x3FAA]  }
0x2c: {  	s7 =	sld [smem:$0x3FAB]  }
0x2d: {  	s3 =	simm.s32 $0x108;
	s8 =	sld [smem:$0x3FAC]  }
0x2e: {  	s3 =	simm.s32 @!p0 $0x1082;
	s9 =	sld [smem:$0x3FAD]  }
0x2f: {  	lr =	sadd.s32 s0, s3;
	s0 =	sld [smem:$0x3FA4]  }
0x30: {  	s3 =	sld [smem:$0x3FA7]  }
0x31: {  	[smem:$0x3FB0] =	sst s10  }
0x32: {  	s10 =	sld [smem:$0x3FAE];
	_ =	sdelay $0x3  }
0x33: {  	p0 =	seq.s32 s10, $0x1;
	s10 =	sld [smem:$0x3FB0];
	_ =	sdelay $0x3  }
0x34: {  	[smem:$0x3FB0] =	sst s10  }
0x35: {  	s10 =	sld [smem:$0x3FAF];
	_ =	sdelay $0x3  }
0x36: {  	p1 =	seq.s32 s10, $0x1;
	s10 =	sld [smem:$0x3FB0];
	_ =	sdelay $0x3  }
0x37: {  	[smem:$0x3FB0] =	sst s10  }
0x38: {  	s10 =	sld [smem:$0x3FB1]  }
0x39: {  	_ = 	snop;
	(pc) =	sbr.ind lr, $3  }
0x3a: {  	_ = 	snop  }
0x3b: {  	_ = 	snop  }
0x3c: {  	p2 =	seq.s32 s10, $0x1;
	s10 =	sld [smem:$0x3FB0]  }
0x3d: {  	_ =	shalt  }
0x3e: {  	_ =	shalt  }
0x3f: {  	_ =	shalt  }
0x40: {  	_ =	shalt  }
0x41: {  	_ =	shalt  }
0x42: {  	_ =	shalt  }
0x43: {  	_ =	shalt  }
0x44: {  	_ =	shalt  }
0x45: {  	_ =	shalt  }
0x46: {  	_ =	shalt  }
0x47: {  	_ =	shalt  }
0x48: {  	_ =	shalt  }
0x49: {  	_ =	shalt  }
0x4a: {  	_ =	shalt  }
0x4b: {  	_ =	shalt  }
0x4c: {  	_ =	shalt  }
0x4d: {  	_ =	shalt  }
0x4e: {  	_ =	shalt  }
0x4f: {  	_ =	shalt  }
0x50: {  	_ =	shalt  }
0x51: {  	_ =	shalt  }
0x52: {  	_ =	shalt  }
0x53: {  	_ =	shalt  }
0x54: {  	_ =	shalt  }
0x55: {  	_ =	shalt  }
0x56: {  	_ =	shalt  }
0x57: {  	_ =	shalt  }
0x58: {  	_ =	shalt  }
0x59: {  	_ =	shalt  }
0x5a: {  	_ =	shalt  }
0x5b: {  	_ =	shalt  }
0x5c: {  	_ =	shalt  }
0x5d: {  	_ =	shalt  }
0x5e: {  	_ =	shalt  }
0x5f: {  	_ =	shalt  }
0x60: {  	_ =	shalt  }
0x61: {  	_ =	shalt  }
0x62: {  	_ =	shalt  }
0x63: {  	_ =	shalt  }
0x64: {  	_ =	shalt  }
0x65: {  	_ =	shalt  }
0x66: {  	_ =	shalt  }
0x67: {  	_ =	shalt  }
0x68: {  	_ =	shalt  }
0x69: {  	_ =	shalt  }
0x6a: {  	_ =	shalt  }
0x6b: {  	_ =	shalt  }
0x6c: {  	_ =	shalt  }
0x6d: {  	_ =	shalt  }
0x6e: {  	_ =	shalt  }
0x6f: {  	_ =	shalt  }
0x70: {  	_ =	shalt  }
0x71: {  	_ =	shalt  }
0x72: {  	_ =	shalt  }
0x73: {  	_ =	shalt  }
0x74: {  	_ =	shalt  }
0x75: {  	_ =	shalt  }
0x76: {  	_ =	shalt  }
0x77: {  	_ =	shalt  }
0x78: {  	_ =	shalt  }
0x79: {  	_ =	shalt  }
0x7a: {  	_ =	shalt  }
0x7b: {  	_ =	shalt  }
0x7c: {  	_ =	shalt  }
0x7d: {  	_ =	shalt  }
0x7e: {  	_ =	shalt  }
0x7f: {  	_ =	shalt  }
0x80: {  	_ =	shalt  }
0x81: {  	_ =	shalt  }
0x82: {  	_ =	shalt  }
0x83: {  	_ =	shalt  }
0x84: {  	_ =	shalt  }
0x85: {  	_ =	shalt  }
0x86: {  	_ =	shalt  }
0x87: {  	_ =	shalt  }
.Lfunc_end0:
.L_simem_size_0:
called_computation.4_lowered:
.L_overlay_start_0:
0x88: {  	s2 =	sld [smem:$0x3FD9]  }
0x89: {  	s3 =	sld [smem:$0x3FFE];
	_ =	sdelay $0x1  }
0x8a: {  	s1 =	srdreg.scid  }
0x8b: {  	s0 =	sand.u32 $0x1, s1  }
0x8c: {  	s14 =	sshll.u32 s0, $0xA;
	s2 =	sadd.s32 s3, s2  }
0x8d: {  	s2 =	sadd.s32 s2, s14  }
0x8e: {  	[smem:$0x3FBC] =	sst s2  }
0x8f: {  	_ = 	snop  }
0x90: {  	s2 =	sld [smem:$0x3FD0];
	_ =	sdelay $0x2  }
0x91: {  	s15 =	simm.s32 $0xA;
	s4 =	simm.s32 $0x10  }
0x92: {  	[smem:s4], [sflag:s15] =	dma.local [hbm:s2], $0x1  }
0x93: {  	_ =	swait.eq [sflag:s15], $0x1  }
0x94: {  	[sflag:s15] =	ssyncset.done $0x0  }
0x95: {  	s16 =	sld [smem:$0x10];
	[sflag:s15] =	ssyncadd.s32 $0xFFFFFFFF  }
0x96: {  	s17 =	sld [smem:$0x11];
	(tm) =	ssettm $0x1  }
0x97: {  	s18 =	sld [smem:$0x3FFB];
	_ =	sdelay $0x3  }
0x98: {  	_ =	strace s18  }
0x99: {  	s4 =	sld [smem:$0x3FFC];
	_ =	sdelay $0x3  }
0x9a: {  	_ =	strace s4  }
0x9b: {  	s4 =	sld [smem:$0x3FFD];
	_ =	sdelay $0x3  }
0x9c: {  	_ =	strace s4  }
0x9d: {  	_ =	strace $0x8FFFFFFF  }
0x9e: {  	s19 =	sld [smem:$0x3FDB];
	_ =	sdelay $0x1  }
0x9f: {  	s5 =	simm.s32 $_scs_section_size  }
0xa0: {  	s6 =	simm.s32 $_size__tile_overlayer_lowered;
	s7 =	simm.s32 $_tile_overlayer_lowered  }
0xa1: {  	s22 =	simm.s32 $0x1BFF;
	s21 =	sshll.u32 s7, $0x1;
	s4 =	sadd.s32 s5, s19  }
0xa2: {  	s8 =	simm.s32 $0x0;
	s20 =	sshll.u32 s6, $0x1;
	s6 =	sadd.s32 s21, s4  }
0xa3: {  	[timem:s8], [sflag:s22] =	dma.local [hbm:s6], s20  }
0xa4: {  	_ =	swait.ge [sflag:s22], s20  }
0xa5: {  	s5 =	ssub.s32 $0x0, s20;
	[sflag:s22] =	ssyncset.done $0x0  }
0xa6: {  	[sflag:s22] =	ssyncadd.s32 s5;
	_ =	sdelay $0x1  }
0xa7: {  	s23 =	simm.s32 $0x1B8B  }
0xa8: {  	_ =	swait.ge [sflag:s23], $0x1  }
0xa9: {  	[sflag:s23] =	ssyncset.done $0x0  }
0xaa: {  	s25 =	simm.s32 $0x1B8E;
	s24 =	sld [smem:$0x3FFE];
	[sflag:s23] =	ssyncadd.s32 $0xFFFFFFFF  }
0xab: {  	s26 =	simm.s32 $execute0_lowered;
	[smem:$0x3FD2] =	sst s25  }
0xac: {  	s6 =	sshll.u32 s26, $0x1;
	_ =	strace $0x80000052;
	[dreg:$0x1] =	wrdreg $0xFFFFFFFF  }
0xad: {  	s28 =	simm.s32 $_size_execute0_lowered;
	s4 =	sadd.s32 s4, s6;
	[dreg:$0x0] =	wrdreg $0x0  }
0xae: {  	s6 =	sshll.u32 s28, $0x1;
	[dreg:$0x2] =	wrdreg s4  }
0xaf: {  	[dreg:$0x3] =	wrdreg s6  }
0xb0: {  	[dreg:$0x4] =	wrdreg $0xC0  }
0xb1: {  	_ =	task [dreg:s8], $0x5FFFF  }
0xb2: {  	[dreg:$0x1] =	wrdreg $0xFFFFFFFF  }
0xb3: {  	[dreg:$0x0] =	wrdreg $0x60  }
0xb4: {  	[dreg:$0x2] =	wrdreg s24  }
0xb5: {  	[dreg:$0x3] =	wrdreg s17  }
0xb6: {  	[dreg:$0x4] =	wrdreg s16  }
0xb7: {  	[dreg:$0x5] =	wrdreg $0x29000  }
0xb8: {  	[dreg:$0x6] =	wrdreg $0x9  }
0xb9: {  	_ =	task.clear_ibuf [dreg:s8], $0x7FFFF;
	_ =	strace $0x90000052  }
0xba: {  	s29 =	simm.s32 $0x9;
	_ =	strace $0x80000054  }
0xbb: {  	_ =	swait.ge [sflag:s29], $0x1  }
0xbc: {  	[sflag:s29] =	ssyncadd.s32 $0xFFFFFFFF  }
0xbd: {  	_ =	strace $0x90000054  }
0xbe: {  	_ =	sfence  }
0xbf: {  	s30 =	sld [smem:$0x0];
	_ =	sdelay $0x2  }
0xc0: {  	s31 =	sshll.u32 s1, $0xD;
	s1 =	sshrl.u32 s1, $0x2  }
0xc1: {  	s3 =	sand.u32 $0x4000, s31;
	s1 =	sadd.s32 s1, s30  }
0xc2: {  	s0 =	sor.u32 s3, s0;
	s1 =	sshll.u32 s1, $0x11  }
0xc3: {  	s0 =	sor.u32 s1, s0  }
0xc4: {  	s0 =	sadd.s32 $0x8F2B, s0  }
0xc5: {  	[sflag:s0] =	ssyncadd.remote.s32 $0x1  }
0xc6: {  	_ =	sfence.sel $0xFFFF  }
0xc7: {  	[dreg:$0x0] =	wrdreg $0xFFFFFFFF;
	(pc) =	sbr.abs _section_cstart, $3  }
0xc8: {  	[dreg:$0x1] =	wrdreg $0xFFFFFFFF  }
0xc9: {  	_ =	task.clear_ibuf [dreg:s8], $0x2FFFF;
	_ =	strace $0x9FFFFFFF  }
0xca: {  	(tm) =	ssettm $0x7FFFFFFF  }
0xcb: {  	_ =	shalt  }
tec
execute0_lowered:
.L_overlay_start_1:
0x0: {  	(tag) =	ssettag $0x1  }
0x1: {  	s5 =	rddreg [dreg:$0x0]  }
0x2: {  	s18 =	rddreg [dreg:$0x1]  }
0x3: {  	s17 =	rddreg [dreg:$0x2]  }
0x4: {  	s2 =	rddreg [dreg:$0x3]  }
0x5: {  	s0 =	rddreg [dreg:$0x4];
	s3 =	simm.s32 $0x0;
	s4 =	srdreg.scid  }
0x6: {  	s1 =	stileid.u32;
	s23 =	simm.s32 $0x1;
	s24 =	simm.s32 $0x0  }
0x7: {  	[smem:$0x7FF] =	sst s3;
	s12 =	sand.u32 $0x1, s4;
	s6 =	smul.u32 $0x4E000, s1  }
0x8: {  	s4 =	sadd.s32 $0x2BA00, s5;
	s15 =	sadd.s32 $0x52C00, s5;
	s13 =	smul.u32 $0x13800, s1  }
0x9: {  	s20 =	smul.u32 $0x2710, s1;
	p0 =	sne.s32 s1, $0xF;
	s7 =	ssub.s32 $0x2, s12  }
0xa: {  	_ =	strace $0x80000053;
	s14 =	smul.u32 $0x138800, s12;
	s8 =	sshrl.u32 s7, $0x1  }
0xb: {  	s19 =	smul.u32 $0x27100, s12;
	s6 =	sshrl.u32 s6, $0x2;
	s16 =	ssub.s32 s7, s8  }
0xc: {  	s5 =	sadd.s32 s6, s2;
	s21 =	sadd.s32 s13, s14;
	s13 =	sadd.s32 $0x138000, s2  }
0xd: {  	s22 =	sshrl.u32 s14, $0x3;
	s19 =	sadd.s32 s20, s19;
	s20 =	simm.s32 $0x2  }
0xe: {  	s6 =	sadd.s32 $0x2800, s5;
	s7 =	sadd.s32 $0x5000, s5;
	s8 =	sadd.s32 $0x7800, s5  }
0xf: {  	s9 =	sadd.s32 $0xA000, s5;
	s10 =	sadd.s32 $0xC800, s5;
	s11 =	sadd.s32 $0xF000, s5  }
0x10: {  	s12 =	sadd.s32 $0x11800, s5;
	s21 =	sshrl.u32 s21, $0x3;
	s16 =	smax.u32 s16, $0x1  }
0x11: {  	s19 =	sshrl.u32 s19, $0x3;
	s14 =	sadd.s32 s15, s21;
	s15 =	sadd.s32 s15, s22  }
0x12: {  	s17 =	sadd.s32 s19, s17;
	s18 =	sadd.s32 s19, s18;
	s19 =	simm.s32 $0x100  }
0x13: {  	v0 =	vimm.f32 $0.0e+00;
	s21 =	simm.s32 $0x80;
	s22 =	simm.s32 $0x50;
	s15 =	sadd.s32 $0x27000, s15  }
.LBB2_1:
0x14: {  	s25 =	simm.s32 $0x0;
	s26 =	simm.s32 $0x200  }
.LBB2_2:
0x15: {  	p1 =	sne.s32 s26, $0x9E00;
	[tilespmem:s25+$0x170] =	vst v0  }
0x16: {  	[tilespmem:s25+$0x100] =	vst v0  }
0x17: {  	[tilespmem:s25+$0x110] =	vst v0  }
.Ltmp0:
0x18: {  	[tilespmem:s25+$0x120] =	vst v0;
	(pc) =	sbr.rel @p1 .LBB2_2-.Ltmp0, $4  }
0x19: {  	[tilespmem:s25+$0x130] =	vst v0  }
0x1a: {  	[tilespmem:s25+$0x140] =	vst v0  }
0x1b: {  	[tilespmem:s25+$0x150] =	vst v0  }
0x1c: {  	[tilespmem:s25+$0x160] =	vst v0;
	s25 =	sshra.s32 s26, $0x2;
	s26 =	sadd.s32 $0x200, s26  }
0x1d: {  	[tilespmem:s25+$0x170] =	vst v0  }
0x1e: {  	[tilespmem:s25+$0x100] =	vst v0  }
0x1f: {  	[tilespmem:s25+$0x110] =	vst v0  }
0x20: {  	[tilespmem:s25+$0x120] =	vst v0  }
0x21: {  	[tilespmem:s25+$0x130] =	vst v0  }
0x22: {  	[tilespmem:s25+$0x140] =	vst v0  }
0x23: {  	[tilespmem:s25+$0x150] =	vst v0  }
0x24: {  	[tilespmem:s25+$0x160] =	vst v0  }
0x25: {  	[spmem:s5] =	stream.linear.scatter [tilespmem:s19], [sflag:$0x2], $0x2800, $0x38;
	[tilespmem:$0x16180] =	vst v63  }
0x26: {  	_ =	swait.ge [sflag:s20], $0x2800  }
0x27: {  	[sflag:s20] =	ssyncset.done $0x0  }
0x28: {  	[sflag:s20] =	ssyncadd.s32 $0xFFFFD800  }
0x29: {  	[spmem:s6] =	stream.linear.scatter [tilespmem:s19], [sflag:$0x2], $0x2800, $0x38;
	[tilespmem:$0x16180] =	vst v63  }
0x2a: {  	_ =	swait.ge [sflag:s20], $0x2800  }
0x2b: {  	[sflag:s20] =	ssyncset.done $0x0  }
0x2c: {  	[sflag:s20] =	ssyncadd.s32 $0xFFFFD800  }
0x2d: {  	[spmem:s7] =	stream.linear.scatter [tilespmem:s19], [sflag:$0x2], $0x2800, $0x38;
	[tilespmem:$0x16180] =	vst v63  }
0x2e: {  	_ =	swait.ge [sflag:s20], $0x2800  }
0x2f: {  	[sflag:s20] =	ssyncset.done $0x0  }
0x30: {  	[sflag:s20] =	ssyncadd.s32 $0xFFFFD800  }
0x31: {  	[spmem:s8] =	stream.linear.scatter [tilespmem:s19], [sflag:$0x2], $0x2800, $0x38;
	[tilespmem:$0x16180] =	vst v63  }
0x32: {  	_ =	swait.ge [sflag:s20], $0x2800  }
0x33: {  	[sflag:s20] =	ssyncset.done $0x0  }
0x34: {  	[sflag:s20] =	ssyncadd.s32 $0xFFFFD800  }
0x35: {  	[spmem:s9] =	stream.linear.scatter [tilespmem:s19], [sflag:$0x2], $0x2800, $0x38;
	[tilespmem:$0x16180] =	vst v63  }
0x36: {  	_ =	swait.ge [sflag:s20], $0x2800  }
0x37: {  	[sflag:s20] =	ssyncset.done $0x0  }
0x38: {  	[sflag:s20] =	ssyncadd.s32 $0xFFFFD800  }
0x39: {  	[spmem:s10] =	stream.linear.scatter [tilespmem:s19], [sflag:$0x2], $0x2800, $0x38;
	[tilespmem:$0x16180] =	vst v63  }
0x3a: {  	_ =	swait.ge [sflag:s20], $0x2800  }
0x3b: {  	[sflag:s20] =	ssyncset.done $0x0  }
0x3c: {  	[sflag:s20] =	ssyncadd.s32 $0xFFFFD800  }
0x3d: {  	[spmem:s11] =	stream.linear.scatter [tilespmem:s19], [sflag:$0x2], $0x2800, $0x38;
	[tilespmem:$0x16180] =	vst v63  }
0x3e: {  	_ =	swait.ge [sflag:s20], $0x2800  }
0x3f: {  	[sflag:s20] =	ssyncset.done $0x0  }
0x40: {  	[sflag:s20] =	ssyncadd.s32 $0xFFFFD800  }
0x41: {  	[spmem:s12] =	stream.linear.scatter [tilespmem:s19], [sflag:$0x2], $0x2000, $0x38;
	[tilespmem:$0x16180] =	vst v63  }
0x42: {  	_ =	swait.ge [sflag:s20], $0x2000  }
0x43: {  	[sflag:s20] =	ssyncset.done $0x0  }
0x44: {  	s25 =	simm.s32 @!p0 $0x100;
	[sflag:s20] =	ssyncadd.s32 $0xFFFFE000  }
0x45: {  	[spmem:s13] =	stream.linear.scatter @!p0 [tilespmem:s25], [sflag:$0x2], $0x800, $0x38;
	[tilespmem:$0x16180] =	vst v63  }
0x46: {  	s25 =	simm.s32 @!p0 $0x2  }
0x47: {  	_ =	swait.ge @!p0 [sflag:s25], $0x800  }
0x48: {  	[sflag:s25] =	ssyncset.done @!p0 $0x0  }
0x49: {  	[sflag:s25] =	ssyncadd.s32 @!p0 $0xFFFFF800  }
0x4a: {  	s30 =	sadd.s32 $0x0, s18;
	[bflag:$0x0] =	sbarrier.arrive $0xFFFF  }
0x4b: {  	[tilespmem:s3], [sflag:$0x2] =	stream.linear.gather [hbm4b:s30+s3], $0x50, $0x38;
	[tilespmem:$0x16180] =	vst v63  }
0x4c: {  	_ =	swait.ge [sflag:s20], $0x50  }
0x4d: {  	[sflag:s20] =	ssyncset.done $0x0  }
0x4e: {  	s31 =	sadd.s32 $0x0, s17;
	[sflag:s20] =	ssyncadd.s32 $0xFFFFFFB0  }
0x4f: {  	[tilespmem:s21], [sflag:$0x2] =	stream.linear.gather [hbm4b:s31+s3], $0x50, $0x38;
	[tilespmem:$0x16180] =	vst v63  }
0x50: {  	_ =	swait.ge [sflag:s20], $0x50  }
0x51: {  	[sflag:s20] =	ssyncset.done $0x0  }
0x52: {  	[sflag:s20] =	ssyncadd.s32 $0xFFFFFFB0  }
0x53: {  	[tilespmem:s19], [sflag:$0x1] =	stream.indirect.gather [hbm4b:s4+s22], $0x80, s3, s22, $0xb8;
	[tilespmem:$0x16180] =	vst v63  }
0x54: {  	_ =	swait.ge [sflag:s23], $0x2800  }
0x55: {  	[sflag:s23] =	ssyncset.done $0x0  }
0x56: {  	[sflag:s23] =	ssyncadd.s32 $0xFFFFD800  }
0x57: {  	[spmem:s2] =	stream.indirect.scatter.add.f32 [tilespmem:s19], [sflag:$0x2], $0x80, s21, s22, $0xb8;
	[tilespmem:$0x16180] =	vst v63  }
0x58: {  	_ =	swait.ge [sflag:s20], $0x2800  }
0x59: {  	s26 =	simm.s32 $0x14;
	s25 =	simm.s32 $0xA;
	[sflag:s20] =	ssyncset.done $0x0  }
.LBB2_4:
0x5a: {  	s28 =	sadd.s32 s25, s18  }
0x5b: {  	[sflag:s20] =	ssyncadd.s32 $0xFFFFD800;
	s29 =	smov.u32 s26;
	s30 =	sadd.s32 $0xA, s26  }
0x5c: {  	[tilespmem:s3], [sflag:$0x2] =	stream.linear.gather [hbm4b:s28+s3], $0x50, $0x38;
	[tilespmem:$0x16180] =	vst v63  }
0x5d: {  	p1 =	sne.s32 s26, $0x4D8;
	_ =	swait.ge [sflag:s20], $0x50  }
0x5e: {  	[sflag:s20] =	ssyncset.done $0x0  }
0x5f: {  	s26 =	sadd.s32 s25, s17;
	s25 =	smov.u32 s29;
	[sflag:s20] =	ssyncadd.s32 $0xFFFFFFB0  }
0x60: {  	[tilespmem:s21], [sflag:$0x2] =	stream.linear.gather [hbm4b:s26+s3], $0x50, $0x38;
	[tilespmem:$0x16180] =	vst v63  }
0x61: {  	_ =	swait.ge [sflag:s20], $0x50  }
0x62: {  	[sflag:s20] =	ssyncset.done $0x0  }
0x63: {  	[sflag:s20] =	ssyncadd.s32 $0xFFFFFFB0  }
0x64: {  	[tilespmem:s19], [sflag:$0x1] =	stream.indirect.gather [hbm4b:s4+s22], $0x80, s3, s22, $0xb8;
	[tilespmem:$0x16180] =	vst v63  }
0x65: {  	_ =	swait.ge [sflag:s23], $0x2800  }
.Ltmp1:
0x66: {  	[sflag:s23] =	ssyncset.done $0x0;
	(pc) =	sbr.rel @p1 .LBB2_4-.Ltmp1, $4  }
0x67: {  	[sflag:s23] =	ssyncadd.s32 $0xFFFFD800  }
0x68: {  	[spmem:s2] =	stream.indirect.scatter.add.f32 [tilespmem:s19], [sflag:$0x2], $0x80, s21, s22, $0xb8;
	[tilespmem:$0x16180] =	vst v63  }
0x69: {  	_ =	swait.ge [sflag:s20], $0x2800  }
0x6a: {  	s26 =	smov.u32 s30;
	[sflag:s20] =	ssyncset.done $0x0  }
0x6b: {  	s26 =	sadd.s32 s25, s18;
	[sflag:s20] =	ssyncadd.s32 $0xFFFFD800  }
0x6c: {  	[tilespmem:s3], [sflag:$0x2] =	stream.linear.gather [hbm4b:s26+s3], $0x50, $0x38;
	[tilespmem:$0x16180] =	vst v63  }
0x6d: {  	_ =	swait.ge [sflag:s20], $0x50  }
0x6e: {  	[sflag:s20] =	ssyncset.done $0x0  }
0x6f: {  	s29 =	sadd.s32 s25, s17;
	[sflag:s20] =	ssyncadd.s32 $0xFFFFFFB0  }
0x70: {  	[tilespmem:s21], [sflag:$0x2] =	stream.linear.gather [hbm4b:s29+s3], $0x50, $0x38;
	[tilespmem:$0x16180] =	vst v63  }
0x71: {  	_ =	swait.ge [sflag:s20], $0x50  }
0x72: {  	[sflag:s20] =	ssyncset.done $0x0  }
0x73: {  	[sflag:s20] =	ssyncadd.s32 $0xFFFFFFB0  }
0x74: {  	[tilespmem:s19], [sflag:$0x1] =	stream.indirect.gather [hbm4b:s4+s22], $0x80, s3, s22, $0xb8;
	[tilespmem:$0x16180] =	vst v63  }
0x75: {  	_ =	swait.ge [sflag:s23], $0x2800  }
0x76: {  	[sflag:s23] =	ssyncset.done $0x0  }
0x77: {  	[sflag:s23] =	ssyncadd.s32 $0xFFFFD800  }
0x78: {  	[spmem:s2] =	stream.indirect.scatter.add.f32 [tilespmem:s19], [sflag:$0x2], $0x80, s21, s22, $0xb8;
	[tilespmem:$0x16180] =	vst v63  }
0x79: {  	_ =	swait.ge [sflag:s20], $0x2800  }
0x7a: {  	[sflag:s20] =	ssyncset.done $0x0  }
0x7b: {  	s30 =	sshll.u32 s1, $0x6;
	[sflag:s20] =	ssyncadd.s32 $0xFFFFD800  }
0x7c: {  	s31 =	sshrl.u32 s5, $0x3;
	s25 =	sor.u32 $0x1C02, s30;
	[bflag:$0x0] =	sbarrier.arrive $0xFFFF  }
0x7d: {  	[hbm:s14], [sflag:s25] =	dma.local [spmem:s31], $0x2700  }
0x7e: {  	_ =	swait.ge [sflag:s20], $0x2700  }
0x7f: {  	s24 =	sadd.s32 $0x1, s24;
	[sflag:s20] =	ssyncset.done $0x0  }
0x80: {  	s26 =	sshrl.u32 @!p0 s13, $0x3;
	p1 =	sne.s32 s24, s16;
	[sflag:s20] =	ssyncadd.s32 $0xFFFFD900  }
0x81: {  	[hbm:s15], [sflag:s25] =	dma.local @!p0 [spmem:s26], $0x100  }
.Ltmp2:
0x82: {  	_ = 	snop;
	(pc) =	sbr.rel @p1 .LBB2_1-.Ltmp2, $4  }
0x83: {  	s25 =	simm.s32 @!p0 $0x2  }
0x84: {  	_ =	swait.ge @!p0 [sflag:s25], $0x100  }
0x85: {  	[sflag:s25] =	ssyncset.done @!p0 $0x0  }
0x86: {  	[sflag:s25] =	ssyncadd.s32 @!p0 $0xFFFFFF00  }
0x87: {  	_ =	sfence.sel $0x180000  }
0x88: {  	[bflag:$0x0] =	sbarrier.arrive $0xFFFF  }
0x89: {  	p0 =	sne.s32 s1, $0x0;
	_ =	strace $0x90000053  }
0x8a: {  	s0 =	sadd.s32 @!p0 $0x100000, s0;
	[bflag:$0x2] =	sbarrier.arrive $0xFFFF  }
0x8b: {  	[sflag:s0] =	ssyncadd.tile.s32 @!p0 $0x1;
	_ =	shalt  }
.Lfunc_end2:
_tile_overlayer_lowered:
.L_overlay_start_2:
0x8c: {  	(tag) =	ssettag $0x2  }
0x8d: {  	s0 =	rddreg [dreg:$0x0];
	s2 =	stileid.u32  }
0x8e: {  	s1 =	rddreg [dreg:$0x1];
	p0 =	sne.s32 s2, $0x0  }
0x8f: {  	s3 =	rddreg [dreg:$0x2];
	[bflag:$0x3] =	sbarrier.arrive $0xFFFF;
	s2 =	simm.s32 @!p0 $0x1C02  }
0x90: {  	[timem:s3], [sflag:s2] =	dma.local @!p0 [hbm:s0], s1  }
0x91: {  	s0 =	simm.s32 @!p0 $0x2  }
0x92: {  	_ =	swait.ge @!p0 [sflag:s0], s1  }
0x93: {  	s1 =	ssub.s32 @!p0 $0x0, s1;
	[sflag:s0] =	ssyncset.done @!p0 $0x0  }
0x94: {  	[sflag:s0] =	ssyncadd.s32 @!p0 s1  }
0x95: {  	[bflag:$0x3] =	sbarrier.arrive $0xFFFF  }
0x96: {  	_ =	shalt  }

</sc_bundles>
